<compile_context>
chip_gen: v7x
topology: tpu7x:2x2x1
jax: 0.10.2.dev20260603
libtpu: 0.0.44.dev20260713+nightly
codegen_flags: <defaults>
</compile_context>

<pallas_src>
import functools

import jax
import jax.numpy as jnp
from jax import lax
from jax.experimental import pallas as pl
from jax.experimental.pallas import tpu as pltpu
from jax.experimental.pallas import tpu_sc as plsc

N = 10000
E = 320000
H = 128
NORM = 100.0
NC, NS = 2, 16
NW = NC * NS
C = 128
KW = 80
CG = 64
KG = 160
EP = NW * KW * C
NP = 10112
NPS = NP // NS
WTAB = 256
NADD = 9
DC = 128
BN = 2000
BE = 2048
f32 = jnp.float32



def _silu(v):
    return v * jax.nn.sigmoid(v)


def _dot(a, b):
    return jnp.dot(a, b, preferred_element_type=f32)



def _emb_body(h_ref, xp_ref, wemb_ref, bemb_ref, wa_ref, wb_ref, ba_ref,
              h1_ref, ta_ref, tb_ref):
    h1 = _dot(h_ref[:], wemb_ref[:]) + bemb_ref[:]
    h1_ref[:] = h1
    ha = _dot(h1, wa_ref[:]) + ba_ref[:]
    hb = _dot(h1, wb_ref[:])
    xp = xp_ref[:]
    z = jnp.zeros((xp.shape[0], WTAB - H - 8), f32)
    ta_ref[:] = jnp.concatenate([ha, xp, z], axis=1)
    tb_ref[:] = jnp.concatenate([hb, -xp, z], axis=1)


def _edge_mlp_w_body(s_ref, w2_ref, b2_ref, wr_ref, m_ref, sx_ref):
    sb = s_ref[:]
    d = sb[:, H:H + 3]
    radial = jnp.sum(d * d, axis=1, keepdims=True)
    sx_ref[:] = jnp.concatenate(
        [d, radial, jnp.zeros((d.shape[0], 4), f32)], axis=1)
    pre = sb[:, :H] + radial * wr_ref[:]
    m = _silu(_dot(_silu(pre), w2_ref[:]) + b2_ref[:])
    rows = lax.broadcasted_iota(jnp.int32, (m.shape[0], 1), 0) \
        + pl.program_id(0) * BE
    m_ref[:] = jnp.where(rows < E, m, 0.0)


def _edge_mlp_n_body(s_ref, sx_ref, w2_ref, b2_ref, wr_ref, m_ref):
    radial = sx_ref[:, 3:4]
    pre = s_ref[:] + radial * wr_ref[:]
    m = _silu(_dot(_silu(pre), w2_ref[:]) + b2_ref[:])
    rows = lax.broadcasted_iota(jnp.int32, (m.shape[0], 1), 0) \
        + pl.program_id(0) * BE
    m_ref[:] = jnp.where(rows < E, m, 0.0)


def _node_body(h_ref, p0_ref, p1_ref, wn1a_ref, wn1b_ref, bn1_ref,
               wn2_ref, bn2_ref, wxa_ref, wxb_ref, bxa_ref,
               h2_ref, ta_ref, tb_ref):
    agg = p0_ref[:] + p1_ref[:]
    u = _silu(_dot(h_ref[:], wn1a_ref[:]) + _dot(agg, wn1b_ref[:]) + bn1_ref[:])
    h2 = h_ref[:] + _dot(u, wn2_ref[:]) + bn2_ref[:]
    h2_ref[:] = h2
    ta_ref[:] = _dot(h2, wxa_ref[:]) + bxa_ref[:]
    tb_ref[:] = _dot(h2, wxb_ref[:])


def _node_last_body(h_ref, p0_ref, p1_ref, wn1a_ref, wn1b_ref,
                    bn1_ref, wn2_ref, bn2_ref, wxa_ref, wxb_ref, bxa_ref,
                    wout_ref, bout_ref, ta_ref, tb_ref, hout_ref):
    agg = p0_ref[:] + p1_ref[:]
    u = _silu(_dot(h_ref[:], wn1a_ref[:]) + _dot(agg, wn1b_ref[:]) + bn1_ref[:])
    h2 = h_ref[:] + _dot(u, wn2_ref[:]) + bn2_ref[:]
    ta_ref[:] = _dot(h2, wxa_ref[:]) + bxa_ref[:]
    tb_ref[:] = _dot(h2, wxb_ref[:])
    hout_ref[:] = _dot(h2, wout_ref[:]) + bout_ref[:]


def _coord_body(s_ref, sx_ref, w2_ref, b2_ref, wr_ref, w3_ref, tr_ref):
    d = sx_ref[:, 0:3]
    radial = sx_ref[:, 3:4]
    pre = s_ref[:] + radial * wr_ref[:]
    t2 = _silu(_dot(_silu(pre), w2_ref[:]) + b2_ref[:])
    e = jnp.sum(t2 * w3_ref[:], axis=1, keepdims=True)
    cd = d / (jnp.sqrt(radial + 1e-8) + 1.0)
    tr = cd * e
    rows = lax.broadcasted_iota(jnp.int32, (tr.shape[0], 1), 0) \
        + pl.program_id(0) * BE
    tr = jnp.where(rows < E, tr, 0.0)
    tr_ref[:] = jnp.concatenate(
        [tr, jnp.zeros((tr.shape[0], DC - 3), f32)], axis=1)


def _xupd_body(xp_ref, q0_ref, q1_ref, xo_ref):
    xo_ref[:] = xp_ref[:] + (q0_ref[:] + q1_ref[:]) * (1.0 / NORM)



def _sc_gather_body(ta_hbm, tb_hbm, row_hbm, col_hbm, s_hbm,
                    rowi, coli, abuf0, bbuf0, abuf1, bbuf1,
                    sa0, sb0, sa1, sb1, so0, so1, *, cg, kg, nadd):
    c = lax.axis_index("c")
    s = lax.axis_index("s")
    wid = c * NS + s
    pltpu.sync_copy(row_hbm.at[pl.ds(wid * kg, kg)], rowi)
    pltpu.sync_copy(col_hbm.at[pl.ds(wid * kg, kg)], coli)

    bufs = ((abuf0, bbuf0, sa0, sb0, so0), (abuf1, bbuf1, sa1, sb1, so1))

    def out_slice(j):
        return s_hbm.at[pl.ds((wid * kg + j) * cg, cg)]

    def issue(j, q):
        a, b, sa, sb, _ = bufs[q]
        pltpu.async_copy(ta_hbm.at[rowi.at[j]], a, sa)
        pltpu.async_copy(tb_hbm.at[coli.at[j]], b, sb)

    def process(j, q):
        a, b, sa, sb, so = bufs[q]
        p = 1 - q
        ap, _, _, _, sop = bufs[p]
        pltpu.make_async_copy(ta_hbm.at[rowi.at[j]], a, sa).wait()
        pltpu.make_async_copy(tb_hbm.at[coli.at[j]], b, sb).wait()

        @pl.when((j + 1 < kg) & (j >= 1))
        def _():
            pltpu.make_async_copy(ap, out_slice(j - 1), sop).wait()

        @pl.when(j + 1 < kg)
        def _():
            issue(j + 1, p)

        def addrow(r, carry2):
            for k in range(nadd):
                sl = pl.ds(k * 16, 16)
                a[r, sl] = a[r, sl] + b[r, sl]
            return carry2

        lax.fori_loop(0, cg, addrow, 0)
        pltpu.async_copy(a, out_slice(j), so)

    issue(0, 0)

    def pair(base, carry):
        process(2 * base, 0)
        process(2 * base + 1, 1)
        return carry

    lax.fori_loop(0, kg // 2, pair, 0)
    pltpu.make_async_copy(abuf0, out_slice(kg - 2), so0).wait()
    pltpu.make_async_copy(abuf1, out_slice(kg - 1), so1).wait()


def _sc_scatter_body(m_hbm, row_hbm, out0, out1, idxv, mbuf, mbuf1, acc,
                     smi0, smi1, *, width):
    c = lax.axis_index("c")
    s = lax.axis_index("s")
    wid = c * NS + s

    def zrow(r, carry):
        for k in range(width // 16):
            mbuf[r, pl.ds(k * 16, 16)] = jnp.zeros((16,), f32)
        return carry

    lax.fori_loop(0, C, zrow, 0)
    base = s * NPS
    for t in range(4):
        pltpu.sync_copy(mbuf, acc.at[pl.ds(base + t * C, C)])
    pltpu.sync_copy(mbuf.at[pl.ds(0, NPS - 4 * C)],
                    acc.at[pl.ds(base + 4 * C, NPS - 4 * C)])
    pltpu.sync_copy(row_hbm.at[pl.ds(wid * KW, KW)], idxv)
    plsc.subcore_barrier()

    bufs = ((mbuf, smi0), (mbuf1, smi1))

    def mslice(j):
        return m_hbm.at[pl.ds((wid * KW + j) * C, C)]

    def process(j, q):
        buf, smi = bufs[q]
        pltpu.make_async_copy(mslice(j), buf, smi).wait()

        @pl.when(j + 1 < KW)
        def _():
            nbuf, nsmi = bufs[1 - q]
            pltpu.async_copy(mslice(j + 1), nbuf, nsmi)

        pltpu.sync_copy(buf, acc.at[idxv.at[j]], add=True)

    pltpu.async_copy(mslice(0), mbuf, smi0)

    def pair(bb, carry):
        process(2 * bb, 0)
        process(2 * bb + 1, 1)
        return carry

    lax.fori_loop(0, KW // 2, pair, 0)
    plsc.subcore_barrier()

    @pl.when(c == 0)
    def _():
        pltpu.sync_copy(acc.at[pl.ds(base, NPS)], out0.at[pl.ds(base, NPS)])

    @pl.when(c == 1)
    def _():
        pltpu.sync_copy(acc.at[pl.ds(base, NPS)], out1.at[pl.ds(base, NPS)])



def _tc_call(body, grid, in_specs, out_specs, out_shape):
    return pl.pallas_call(body, grid=grid, in_specs=in_specs,
                          out_specs=out_specs, out_shape=out_shape)


def _full(shape):
    return pl.BlockSpec(shape, lambda i: (0, 0))


@functools.lru_cache(maxsize=None)
def _sc_kernels():
    mesh = plsc.VectorSubcoreMesh(core_axis_name="c", subcore_axis_name="s",
                                  num_cores=NC, num_subcores=NS)
    gather_w = pl.kernel(
        functools.partial(_sc_gather_body, cg=CG, kg=KG, nadd=NADD),
        out_type=jax.ShapeDtypeStruct((EP, WTAB), f32),
        mesh=mesh,
        scratch_types=[
            pltpu.VMEM((KG, CG), jnp.int32),
            pltpu.VMEM((KG, CG), jnp.int32),
            pltpu.VMEM((CG, WTAB), f32),
            pltpu.VMEM((CG, WTAB), f32),
            pltpu.VMEM((CG, WTAB), f32),
            pltpu.VMEM((CG, WTAB), f32),
        ] + [pltpu.SemaphoreType.DMA] * 6,
    )
    gather_n = pl.kernel(
        functools.partial(_sc_gather_body, cg=C, kg=KW, nadd=H // 16),
        out_type=jax.ShapeDtypeStruct((EP, H), f32),
        mesh=mesh,
        scratch_types=[
            pltpu.VMEM((KW, C), jnp.int32),
            pltpu.VMEM((KW, C), jnp.int32),
            pltpu.VMEM((C, H), f32),
            pltpu.VMEM((C, H), f32),
            pltpu.VMEM((C, H), f32),
            pltpu.VMEM((C, H), f32),
        ] + [pltpu.SemaphoreType.DMA] * 6,
    )
    scatter_h = pl.kernel(
        functools.partial(_sc_scatter_body, width=H),
        out_type=(jax.ShapeDtypeStruct((NP, H), f32),
                  jax.ShapeDtypeStruct((NP, H), f32)),
        mesh=mesh,
        scratch_types=[
            pltpu.VMEM((KW, C), jnp.int32),
            pltpu.VMEM((C, H), f32),
            pltpu.VMEM((C, H), f32),
            pltpu.VMEM_SHARED((NP, H), f32),
            pltpu.SemaphoreType.DMA,
            pltpu.SemaphoreType.DMA,
        ],
    )
    return gather_w, gather_n, scatter_h


def kernel(h, x, edge_index, node_mask, edge_mask, W_emb, b_emb, W_out, b_out,
           We1_0, be1_0, We2_0, be2_0, Wn1_0, bn1_0, Wn2_0, bn2_0,
           We1_1, be1_1, We2_1, be2_1, Wn1_1, bn1_1, Wn2_1, bn2_1,
           Wc1, bc1, Wc2, bc2, Wc3):
    _sc_gather_w, _sc_gather_n, _sc_scatter_h = _sc_kernels()
    row = edge_index[0]
    col = edge_index[1]
    zpad = jnp.zeros((EP - E,), jnp.int32)
    rowp = jnp.concatenate([row, zpad])
    colp = jnp.concatenate([col, zpad])
    row2d = rowp.reshape(NW * KW, C)
    row2g = rowp.reshape(NW * KG, CG)
    col2g = colp.reshape(NW * KG, CG)
    xp8 = jnp.concatenate([x, jnp.zeros((N, 5), f32)], axis=1)

    def esplit(We, be):
        return (We[:H], We[H:2 * H], (We[2 * H] + We[2 * H + 1])[None, :],
                be[None, :])

    We1_0a, We1_0b, wR0, be1_0r = esplit(We1_0, be1_0)
    We1_1a, We1_1b, wR1, be1_1r = esplit(We1_1, be1_1)
    Wc1a, Wc1b, wRc, bc1r = esplit(Wc1, bc1)
    Wn1_0a, Wn1_0bs = Wn1_0[:H], Wn1_0[H:] * (1.0 / NORM)
    Wn1_1a, Wn1_1bs = Wn1_1[:H], Wn1_1[H:] * (1.0 / NORM)
    bemb = b_emb[None, :]
    bout = b_out[None, :]
    be2_0r, bn1_0r, bn2_0r = be2_0[None, :], bn1_0[None, :], bn2_0[None, :]
    be2_1r, bn1_1r, bn2_1r = be2_1[None, :], bn1_1[None, :], bn2_1[None, :]
    bc2r = bc2[None, :]
    wc3 = Wc3[:, 0][None, :]

    nb = pl.BlockSpec((BN, H), lambda i: (i, 0))
    nb8 = pl.BlockSpec((BN, 8), lambda i: (i, 0))
    ntab = pl.BlockSpec((BN, WTAB), lambda i: (i, 0))
    eb = pl.BlockSpec((BE, WTAB), lambda i: (i, 0))
    ebh = pl.BlockSpec((BE, H), lambda i: (i, 0))
    ebc = pl.BlockSpec((BE, DC), lambda i: (i, 0))
    wsq = _full((H, H))
    brow = _full((1, H))

    col2d = colp.reshape(NW * KW, C)
    ebx = pl.BlockSpec((BE, 8), lambda i: (i, 0))

    h1, ta0, tb0 = _tc_call(
        _emb_body, (N // BN,),
        [nb, nb8, wsq, brow, wsq, wsq, brow],
        [nb, ntab, ntab],
        [jax.ShapeDtypeStruct((N, H), f32),
         jax.ShapeDtypeStruct((N, WTAB), f32),
         jax.ShapeDtypeStruct((N, WTAB), f32)],
    )(h, xp8, W_emb, bemb, We1_0a, We1_0b, be1_0r)

    s0 = _sc_gather_w(ta0, tb0, row2g, col2g)
    mij0, sx = _tc_call(
        _edge_mlp_w_body, (EP // BE,),
        [eb, wsq, brow, brow], [ebh, ebx],
        [jax.ShapeDtypeStruct((EP, H), f32),
         jax.ShapeDtypeStruct((EP, 8), f32)],
    )(s0, We2_0, be2_0r, wR0)
    p0f, p1f = _sc_scatter_h(mij0, row2d)
    h2, ta1, tb1 = _tc_call(
        _node_body, (N // BN,),
        [nb, nb, nb, wsq, wsq, brow, wsq, brow, wsq, wsq, brow],
        [nb, nb, nb],
        [jax.ShapeDtypeStruct((N, H), f32),
         jax.ShapeDtypeStruct((N, H), f32),
         jax.ShapeDtypeStruct((N, H), f32)],
    )(h1, p0f[:N], p1f[:N], Wn1_0a, Wn1_0bs, bn1_0r, Wn2_0, bn2_0r,
      We1_1a, We1_1b, be1_1r)

    s1 = _sc_gather_n(ta1, tb1, row2d, col2d)
    mij1 = _tc_call(
        _edge_mlp_n_body, (EP // BE,),
        [ebh, ebx, wsq, brow, brow], ebh,
        jax.ShapeDtypeStruct((EP, H), f32),
    )(s1, sx, We2_1, be2_1r, wR1)
    p0g, p1g = _sc_scatter_h(mij1, row2d)
    tac, tbc, h_out = _tc_call(
        _node_last_body, (N // BN,),
        [nb, nb, nb, wsq, wsq, brow, wsq, brow, wsq, wsq, brow, wsq, brow],
        [nb, nb, nb],
        [jax.ShapeDtypeStruct((N, H), f32),
         jax.ShapeDtypeStruct((N, H), f32),
         jax.ShapeDtypeStruct((N, H), f32)],
    )(h2, p0g[:N], p1g[:N], Wn1_1a, Wn1_1bs, bn1_1r, Wn2_1, bn2_1r,
      Wc1a, Wc1b, bc1r, W_out, bout)

    sc = _sc_gather_n(tac, tbc, row2d, col2d)
    trans = _tc_call(
        _coord_body, (EP // BE,),
        [ebh, ebx, wsq, brow, brow, brow], ebc,
        jax.ShapeDtypeStruct((EP, DC), f32),
    )(sc, sx, Wc2, bc2r, wRc, wc3)
    q0f, q1f = _sc_scatter_h(trans, row2d)
    q0, q1 = q0f[:N], q1f[:N]
    xp16 = jnp.concatenate([x, jnp.zeros((N, DC - 3), f32)], axis=1)
    xo = _tc_call(
        _xupd_body, (1,),
        [_full((N, DC)), _full((N, DC)), _full((N, DC))], _full((N, DC)),
        jax.ShapeDtypeStruct((N, DC), f32),
    )(xp16, q0, q1)
    return h_out, xo[:, :3]

# --- scband reference (transcript-rebuilt; emitter-appended) ---
"""Pipeline reference for scband-egnn-30494267801867 (READ-ONLY COPY).

The authoritative reference and input builder live on the scoring server;
editing this copy changes nothing except your own understanding.
"""

import jax, jax.numpy as jnp
import numpy as np

N = 10000
E = 320000
H = 128
NORM_FACTOR = 100.0

def silu(v):
    return v * jax.nn.sigmoid(v)

def coord2diff(x, row, col, norm_constant=1):
    coord_diff = x[row] - x[col]
    radial = jnp.sum(coord_diff ** 2, axis=1, keepdims=True)
    norm = jnp.sqrt(radial + 1e-08)
    coord_diff = coord_diff / (norm + norm_constant)
    return radial, coord_diff

def seg_sum(data, seg, n):
    return jax.ops.segment_sum(data, seg, num_segments=n) / NORM_FACTOR

def setup_inputs(seed: int = 0):
    key = jax.random.key(seed)
    ks = jax.random.split(key, 40)
    def lin(k, i, o, scale=0.05):
        return jax.random.normal(k, (i, o), dtype=jnp.float32) * scale
    d = {}
    d['h'] = jax.random.normal(ks[0], (N, H), dtype=jnp.float32)
    d['x'] = jax.random.normal(ks[1], (N, 3), dtype=jnp.float32)
    d['edge_index'] = jax.random.randint(ks[2], (2, E), 0, N, dtype=jnp.int32)
    d['node_mask'] = jnp.ones((N, 1), dtype=jnp.float32)
    d['edge_mask'] = jnp.ones((E, 1), dtype=jnp.float32)
    d['W_emb'] = lin(ks[3], H, H); d['b_emb'] = jnp.zeros((H,), jnp.float32)
    d['W_out'] = lin(ks[4], H, H); d['b_out'] = jnp.zeros((H,), jnp.float32)
    ki = 5
    for i in range(2):
        d['We1_%d' % i] = lin(ks[ki], 2 * H + 2, H); ki += 1
        d['be1_%d' % i] = jnp.zeros((H,), jnp.float32)
        d['We2_%d' % i] = lin(ks[ki], H, H); ki += 1
        d['be2_%d' % i] = jnp.zeros((H,), jnp.float32)
        d['Wn1_%d' % i] = lin(ks[ki], 2 * H, H); ki += 1
        d['bn1_%d' % i] = jnp.zeros((H,), jnp.float32)
        d['Wn2_%d' % i] = lin(ks[ki], H, H); ki += 1
        d['bn2_%d' % i] = jnp.zeros((H,), jnp.float32)
    d['Wc1'] = lin(ks[ki], 2 * H + 2, H); ki += 1
    d['bc1'] = jnp.zeros((H,), jnp.float32)
    d['Wc2'] = lin(ks[ki], H, H); ki += 1
    d['bc2'] = jnp.zeros((H,), jnp.float32)
    d['Wc3'] = lin(ks[ki], H, 1, scale=0.001)
    return d

def _egnn(h, x, edge_index, node_mask, edge_mask, W_emb, b_emb, W_out, b_out, We1_0, be1_0, We2_0, be2_0, Wn1_0, bn1_0, Wn2_0, bn2_0, We1_1, be1_1, We2_1, be2_1, Wn1_1, bn1_1, Wn2_1, bn2_1, Wc1, bc1, Wc2, bc2, Wc3):
    row, col = edge_index[0], edge_index[1]
    distances, _ = coord2diff(x, row, col)
    h = h @ W_emb + b_emb
    # EquivariantBlock
    d_b, coord_diff = coord2diff(x, row, col, norm_constant=1)
    edge_attr = jnp.concatenate([d_b, distances], axis=1)
    gcls = ((We1_0, be1_0, We2_0, be2_0, Wn1_0, bn1_0, Wn2_0, bn2_0),
            (We1_1, be1_1, We2_1, be2_1, Wn1_1, bn1_1, Wn2_1, bn2_1))
    for (We1, be1, We2, be2, Wn1, bn1, Wn2, bn2) in gcls:
        inp = jnp.concatenate([h[row], h[col], edge_attr], axis=1)
        mij = silu(silu(inp @ We1 + be1) @ We2 + be2)
        efeat = mij * edge_mask
        agg = seg_sum(efeat, row, h.shape[0])
        nin = jnp.concatenate([h, agg], axis=1)
        h = h + (silu(nin @ Wn1 + bn1) @ Wn2 + bn2)
        h = h * node_mask
    # EquivariantUpdate
    inp = jnp.concatenate([h[row], h[col], edge_attr], axis=1)
    trans = coord_diff * (silu(silu(inp @ Wc1 + bc1) @ Wc2 + bc2) @ Wc3)
    trans = trans * edge_mask
    x = x + seg_sum(trans, row, x.shape[0])
    x = x * node_mask
    h = h * node_mask
    # embedding_out
    h = h @ W_out + b_out
    h = h * node_mask
    return h, x

def reference(h, x, edge_index, node_mask, edge_mask, W_emb, b_emb, W_out, b_out, We1_0, be1_0, We2_0, be2_0, Wn1_0, bn1_0, Wn2_0, bn2_0, We1_1, be1_1, We2_1, be2_1, Wn1_1, bn1_1, Wn2_1, bn2_1, Wc1, bc1, Wc2, bc2, Wc3):
    return _egnn(h, x, edge_index, node_mask, edge_mask, W_emb, b_emb, W_out, b_out, We1_0, be1_0, We2_0, be2_0, Wn1_0, bn1_0, Wn2_0, bn2_0, We1_1, be1_1, We2_1, be2_1, Wn1_1, bn1_1, Wn2_1, bn2_1, Wc1, bc1, Wc2, bc2, Wc3)

if __name__ == "__main__":
    import jax
    _d = setup_inputs()
    print(jax.jit(kernel)(*tuple(_d.values())))

</pallas_src>

<mosaic_0001>
#map = affine_map<(d0, d1) -> (0, 0)>
module attributes {stable_mosaic.version = 14 : i64} {
  func.func @_sc_gather_body(%arg0: i32, %arg1: i32, %arg2: memref<10000x128xf32, #tpu.memory_space<hbm>>, %arg3: memref<10000x128xf32, #tpu.memory_space<hbm>>, %arg4: memref<2560x128xi32, #tpu.memory_space<hbm>>, %arg5: memref<2560x128xi32, #tpu.memory_space<hbm>>, %arg6: memref<327680x128xf32, #tpu.memory_space<hbm>>, %arg7: memref<80x128xi32, #tpu.memory_space<vmem>>, %arg8: memref<80x128xi32, #tpu.memory_space<vmem>>, %arg9: memref<128x128xf32, #tpu.memory_space<vmem>>, %arg10: memref<128x128xf32, #tpu.memory_space<vmem>>, %arg11: memref<128x128xf32, #tpu.memory_space<vmem>>, %arg12: memref<128x128xf32, #tpu.memory_space<vmem>>, %arg13: memref<!tpu.dma_semaphore, #tpu.memory_space<semaphore_mem>>, %arg14: memref<!tpu.dma_semaphore, #tpu.memory_space<semaphore_mem>>, %arg15: memref<!tpu.dma_semaphore, #tpu.memory_space<semaphore_mem>>, %arg16: memref<!tpu.dma_semaphore, #tpu.memory_space<semaphore_mem>>, %arg17: memref<!tpu.dma_semaphore, #tpu.memory_space<semaphore_mem>>, %arg18: memref<!tpu.dma_semaphore, #tpu.memory_space<semaphore_mem>>) attributes {dimension_semantics = [#tpu.dimension_semantics<core_parallel>, #tpu.dimension_semantics<subcore_parallel>], iteration_bounds = array<i64: 2, 16>, scalar_prefetch = 0 : i64, scratch_operands = 12 : i64, tpu.core_type = #tpu.core_type<sc_vector_subcore>, window_params = [{transform_indices = #map}, {transform_indices = #map}, {transform_indices = #map}, {transform_indices = #map}, {transform_indices = #map}]} {
    %mul3A = arith.constant 16 : i32
    %mul3A_0 = arith.muli %arg0, %mul3A : i32
    %add3A = arith.addi %mul3A_0, %arg1 : i32
    %mul3A_1 = arith.constant 80 : i32
    %mul3A_2 = arith.muli %add3A, %mul3A_1 : i32
    "tpu.region"() ({
      %run_scoped3A = tpu.sem_alloc : memref<!tpu.dma_semaphore, #tpu.memory_space<semaphore_mem>>
      %dma_start3A_42 = arith.constant 0 : i32
      %dma_start3A_43 = tpu.memref_slice %arg4[%mul3A_2, %dma_start3A_42] : memref<2560x128xi32, #tpu.memory_space<hbm>> -> memref<80x128xi32, #tpu.memory_space<hbm>>
      %dma_start3A_44 = arith.constant 0 : i32
      %dma_start3A_45 = tpu.memref_slice %arg4[%mul3A_2, %dma_start3A_44] : memref<2560x128xi32, #tpu.memory_space<hbm>> -> memref<80x128xi32, #tpu.memory_space<hbm>>
      tpu.enqueue_dma source(%dma_start3A_45 : memref<80x128xi32, #tpu.memory_space<hbm>>) target(%arg7 : memref<80x128xi32, #tpu.memory_space<vmem>>) target_semaphore(%run_scoped3A : memref<!tpu.dma_semaphore, #tpu.memory_space<semaphore_mem>>)
      %dma_wait3A_46 = arith.constant 0 : i32
      %dma_wait3A_47 = tpu.memref_slice %arg4[%mul3A_2, %dma_wait3A_46] : memref<2560x128xi32, #tpu.memory_space<hbm>> -> memref<80x128xi32, #tpu.memory_space<hbm>>
      %dma_wait3A_48 = arith.constant 0 : i32
      %dma_wait3A_49 = tpu.memref_slice %arg4[%mul3A_2, %dma_wait3A_48] : memref<2560x128xi32, #tpu.memory_space<hbm>> -> memref<80x128xi32, #tpu.memory_space<hbm>>
      tpu.wait_dma2 semaphore(%run_scoped3A : memref<!tpu.dma_semaphore, #tpu.memory_space<semaphore_mem>>) src(%dma_wait3A_49 : memref<80x128xi32, #tpu.memory_space<hbm>>) dst(%arg7 : memref<80x128xi32, #tpu.memory_space<vmem>>)
      tpu.yield
    }) : () -> ()
    %mul3A_3 = arith.constant 80 : i32
    %mul3A_4 = arith.muli %add3A, %mul3A_3 : i32
    "tpu.region"() ({
      %run_scoped3A = tpu.sem_alloc : memref<!tpu.dma_semaphore, #tpu.memory_space<semaphore_mem>>
      %dma_start3A_42 = arith.constant 0 : i32
      %dma_start3A_43 = tpu.memref_slice %arg5[%mul3A_4, %dma_start3A_42] : memref<2560x128xi32, #tpu.memory_space<hbm>> -> memref<80x128xi32, #tpu.memory_space<hbm>>
      %dma_start3A_44 = arith.constant 0 : i32
      %dma_start3A_45 = tpu.memref_slice %arg5[%mul3A_4, %dma_start3A_44] : memref<2560x128xi32, #tpu.memory_space<hbm>> -> memref<80x128xi32, #tpu.memory_space<hbm>>
      tpu.enqueue_dma source(%dma_start3A_45 : memref<80x128xi32, #tpu.memory_space<hbm>>) target(%arg8 : memref<80x128xi32, #tpu.memory_space<vmem>>) target_semaphore(%run_scoped3A : memref<!tpu.dma_semaphore, #tpu.memory_space<semaphore_mem>>)
      %dma_wait3A_46 = arith.constant 0 : i32
      %dma_wait3A_47 = tpu.memref_slice %arg5[%mul3A_4, %dma_wait3A_46] : memref<2560x128xi32, #tpu.memory_space<hbm>> -> memref<80x128xi32, #tpu.memory_space<hbm>>
      %dma_wait3A_48 = arith.constant 0 : i32
      %dma_wait3A_49 = tpu.memref_slice %arg5[%mul3A_4, %dma_wait3A_48] : memref<2560x128xi32, #tpu.memory_space<hbm>> -> memref<80x128xi32, #tpu.memory_space<hbm>>
      tpu.wait_dma2 semaphore(%run_scoped3A : memref<!tpu.dma_semaphore, #tpu.memory_space<semaphore_mem>>) src(%dma_wait3A_49 : memref<80x128xi32, #tpu.memory_space<hbm>>) dst(%arg8 : memref<80x128xi32, #tpu.memory_space<vmem>>)
      tpu.yield
    }) : () -> ()
    %dma_start3A = arith.constant 0 : i32
    %dma_start3A_5 = arith.constant 0 : i32
    %dma_start3A_6 = tpu.memref_slice %arg7[%dma_start3A, %dma_start3A_5] : memref<80x128xi32, #tpu.memory_space<vmem>> -> memref<1x128xi32, #tpu.memory_space<vmem>>
    %dma_start3A_7 = tpu.memref_squeeze %dma_start3A_6 : memref<1x128xi32, #tpu.memory_space<vmem>> -> memref<128xi32, #tpu.memory_space<vmem>>
    %dma_start3A_8 = arith.constant 0 : i32
    %dma_start3A_9 = arith.constant 0 : i32
    %dma_start3A_10 = tpu.memref_slice %arg2[%dma_start3A_8, %dma_start3A_9] : memref<10000x128xf32, #tpu.memory_space<hbm>> -> memref<10000x128xf32, #tpu.memory_space<hbm>>
    tpu.enqueue_indirect_dma source(%dma_start3A_10 : memref<10000x128xf32, #tpu.memory_space<hbm>>) target(%arg9 : memref<128x128xf32, #tpu.memory_space<vmem>>) offsets(%dma_start3A_7 : memref<128xi32, #tpu.memory_space<vmem>>) semaphore(%arg13 : memref<!tpu.dma_semaphore, #tpu.memory_space<semaphore_mem>>)
    %dma_start3A_11 = arith.constant 0 : i32
    %dma_start3A_12 = arith.constant 0 : i32
    %dma_start3A_13 = tpu.memref_slice %arg8[%dma_start3A_11, %dma_start3A_12] : memref<80x128xi32, #tpu.memory_space<vmem>> -> memref<1x128xi32, #tpu.memory_space<vmem>>
    %dma_start3A_14 = tpu.memref_squeeze %dma_start3A_13 : memref<1x128xi32, #tpu.memory_space<vmem>> -> memref<128xi32, #tpu.memory_space<vmem>>
    %dma_start3A_15 = arith.constant 0 : i32
    %dma_start3A_16 = arith.constant 0 : i32
    %dma_start3A_17 = tpu.memref_slice %arg3[%dma_start3A_15, %dma_start3A_16] : memref<10000x128xf32, #tpu.memory_space<hbm>> -> memref<10000x128xf32, #tpu.memory_space<hbm>>
    tpu.enqueue_indirect_dma source(%dma_start3A_17 : memref<10000x128xf32, #tpu.memory_space<hbm>>) target(%arg10 : memref<128x128xf32, #tpu.memory_space<vmem>>) offsets(%dma_start3A_14 : memref<128xi32, #tpu.memory_space<vmem>>) semaphore(%arg14 : memref<!tpu.dma_semaphore, #tpu.memory_space<semaphore_mem>>)
    %scan3A = arith.constant 0 : i32
    %scan3A_18 = arith.constant 0 : i32
    %scan3A_19 = arith.constant 40 : i32
    %scan3A_20 = arith.addi %scan3A_18, %scan3A_19 : i32
    %scan3A_21 = arith.constant 1 : i32
    scf.for %scan3A_42 = %scan3A_18 to %scan3A_20 step %scan3A_21  : i32 {
      %mul3A_43 = arith.constant 2 : i32
      %mul3A_44 = arith.muli %mul3A_43, %scan3A_42 : i32
      %dma_wait3A_45 = arith.constant 0 : i32
      %dma_wait3A_46 = tpu.memref_slice %arg7[%mul3A_44, %dma_wait3A_45] : memref<80x128xi32, #tpu.memory_space<vmem>> -> memref<1x128xi32, #tpu.memory_space<vmem>>
      %dma_wait3A_47 = tpu.memref_squeeze %dma_wait3A_46 : memref<1x128xi32, #tpu.memory_space<vmem>> -> memref<128xi32, #tpu.memory_space<vmem>>
      %dma_wait3A_48 = arith.constant 0 : i32
      %dma_wait3A_49 = arith.constant 0 : i32
      %dma_wait3A_50 = tpu.memref_slice %arg2[%dma_wait3A_48, %dma_wait3A_49] : memref<10000x128xf32, #tpu.memory_space<hbm>> -> memref<10000x128xf32, #tpu.memory_space<hbm>>
      tpu.wait_indirect_dma semaphore(%arg13 : memref<!tpu.dma_semaphore, #tpu.memory_space<semaphore_mem>>) src(%dma_wait3A_50 : memref<10000x128xf32, #tpu.memory_space<hbm>>) dst(%arg9 : memref<128x128xf32, #tpu.memory_space<vmem>>)
      %dma_wait3A_51 = arith.constant 0 : i32
      %dma_wait3A_52 = tpu.memref_slice %arg8[%mul3A_44, %dma_wait3A_51] : memref<80x128xi32, #tpu.memory_space<vmem>> -> memref<1x128xi32, #tpu.memory_space<vmem>>
      %dma_wait3A_53 = tpu.memref_squeeze %dma_wait3A_52 : memref<1x128xi32, #tpu.memory_space<vmem>> -> memref<128xi32, #tpu.memory_space<vmem>>
      %dma_wait3A_54 = arith.constant 0 : i32
      %dma_wait3A_55 = arith.constant 0 : i32
      %dma_wait3A_56 = tpu.memref_slice %arg3[%dma_wait3A_54, %dma_wait3A_55] : memref<10000x128xf32, #tpu.memory_space<hbm>> -> memref<10000x128xf32, #tpu.memory_space<hbm>>
      tpu.wait_indirect_dma semaphore(%arg14 : memref<!tpu.dma_semaphore, #tpu.memory_space<semaphore_mem>>) src(%dma_wait3A_56 : memref<10000x128xf32, #tpu.memory_space<hbm>>) dst(%arg10 : memref<128x128xf32, #tpu.memory_space<vmem>>)
      %add3A_57 = arith.constant 1 : i32
      %add3A_58 = arith.addi %mul3A_44, %add3A_57 : i32
      %lt3A = arith.constant 80 : i32
      %lt3A_59 = arith.cmpi slt, %add3A_58, %lt3A : i32
      %ge3A = arith.constant 1 : i32
      %ge3A_60 = arith.cmpi sge, %mul3A_44, %ge3A : i32
      %and3A = arith.andi %lt3A_59, %ge3A_60 : i1
      %convert_element_type3A = arith.extui %and3A : i1 to i32
      %cond3A = arith.constant 0 : i32
      %cond3A_61 = arith.cmpi ne, %convert_element_type3A, %cond3A : i32
      scf.if %cond3A_61 {
        %sub3A = arith.constant 1 : i32
        %sub3A_132 = arith.subi %mul3A_44, %sub3A : i32
        %mul3A_133 = arith.constant 80 : i32
        %mul3A_134 = arith.muli %add3A, %mul3A_133 : i32
        %add3A_135 = arith.addi %mul3A_134, %sub3A_132 : i32
        %mul3A_136 = arith.constant 128 : i32
        %mul3A_137 = arith.muli %add3A_135, %mul3A_136 : i32
        %dma_wait3A_138 = arith.constant 0 : i32
        %dma_wait3A_139 = tpu.memref_slice %arg6[%mul3A_137, %dma_wait3A_138] : memref<327680x128xf32, #tpu.memory_space<hbm>> -> memref<128x128xf32, #tpu.memory_space<hbm>>
        %dma_wait3A_140 = arith.constant 0 : i32
        %dma_wait3A_141 = tpu.memref_slice %arg6[%mul3A_137, %dma_wait3A_140] : memref<327680x128xf32, #tpu.memory_space<hbm>> -> memref<128x128xf32, #tpu.memory_space<hbm>>
        tpu.wait_dma2 semaphore(%arg18 : memref<!tpu.dma_semaphore, #tpu.memory_space<semaphore_mem>>) src(%arg11 : memref<128x128xf32, #tpu.memory_space<vmem>>) dst(%dma_wait3A_141 : memref<128x128xf32, #tpu.memory_space<hbm>>)
      } else {
      }
      %add3A_62 = arith.constant 1 : i32
      %add3A_63 = arith.addi %mul3A_44, %add3A_62 : i32
      %lt3A_64 = arith.constant 80 : i32
      %lt3A_65 = arith.cmpi slt, %add3A_63, %lt3A_64 : i32
      %convert_element_type3A_66 = arith.extui %lt3A_65 : i1 to i32
      %cond3A_67 = arith.constant 0 : i32
      %cond3A_68 = arith.cmpi ne, %convert_element_type3A_66, %cond3A_67 : i32
      scf.if %cond3A_68 {
        %add3A_132 = arith.constant 1 : i32
        %add3A_133 = arith.addi %mul3A_44, %add3A_132 : i32
        %dma_start3A_134 = arith.constant 0 : i32
        %dma_start3A_135 = tpu.memref_slice %arg7[%add3A_133, %dma_start3A_134] : memref<80x128xi32, #tpu.memory_space<vmem>> -> memref<1x128xi32, #tpu.memory_space<vmem>>
        %dma_start3A_136 = tpu.memref_squeeze %dma_start3A_135 : memref<1x128xi32, #tpu.memory_space<vmem>> -> memref<128xi32, #tpu.memory_space<vmem>>
        %dma_start3A_137 = arith.constant 0 : i32
        %dma_start3A_138 = arith.constant 0 : i32
        %dma_start3A_139 = tpu.memref_slice %arg2[%dma_start3A_137, %dma_start3A_138] : memref<10000x128xf32, #tpu.memory_space<hbm>> -> memref<10000x128xf32, #tpu.memory_space<hbm>>
        tpu.enqueue_indirect_dma source(%dma_start3A_139 : memref<10000x128xf32, #tpu.memory_space<hbm>>) target(%arg11 : memref<128x128xf32, #tpu.memory_space<vmem>>) offsets(%dma_start3A_136 : memref<128xi32, #tpu.memory_space<vmem>>) semaphore(%arg15 : memref<!tpu.dma_semaphore, #tpu.memory_space<semaphore_mem>>)
        %dma_start3A_140 = arith.constant 0 : i32
        %dma_start3A_141 = tpu.memref_slice %arg8[%add3A_133, %dma_start3A_140] : memref<80x128xi32, #tpu.memory_space<vmem>> -> memref<1x128xi32, #tpu.memory_space<vmem>>
        %dma_start3A_142 = tpu.memref_squeeze %dma_start3A_141 : memref<1x128xi32, #tpu.memory_space<vmem>> -> memref<128xi32, #tpu.memory_space<vmem>>
        %dma_start3A_143 = arith.constant 0 : i32
        %dma_start3A_144 = arith.constant 0 : i32
        %dma_start3A_145 = tpu.memref_slice %arg3[%dma_start3A_143, %dma_start3A_144] : memref<10000x128xf32, #tpu.memory_space<hbm>> -> memref<10000x128xf32, #tpu.memory_space<hbm>>
        tpu.enqueue_indirect_dma source(%dma_start3A_145 : memref<10000x128xf32, #tpu.memory_space<hbm>>) target(%arg12 : memref<128x128xf32, #tpu.memory_space<vmem>>) offsets(%dma_start3A_142 : memref<128xi32, #tpu.memory_space<vmem>>) semaphore(%arg16 : memref<!tpu.dma_semaphore, #tpu.memory_space<semaphore_mem>>)
      } else {
      }
      %scan3A_69 = arith.constant 0 : i32
      %scan3A_70 = arith.constant 0 : i32
      %scan3A_71 = arith.constant 128 : i32
      %scan3A_72 = arith.addi %scan3A_70, %scan3A_71 : i32
      %scan3A_73 = arith.constant 1 : i32
      scf.for %scan3A_132 = %scan3A_70 to %scan3A_72 step %scan3A_73  : i32 {
        %get3A = arith.index_cast %scan3A_132 : i32 to index
        %get3A_133 = arith.constant 0 : index
        %get3A_134 = tpu.vector_load %arg9[%get3A, %get3A_133] {strides = array<i32>} : memref<128x128xf32, #tpu.memory_space<vmem>>, vector<1x16xf32>,
        %get3A_135 = vector.shape_cast %get3A_134 : vector<1x16xf32> to vector<16xf32>
        %get3A_136 = arith.index_cast %scan3A_132 : i32 to index
        %get3A_137 = arith.constant 0 : index
        %get3A_138 = tpu.vector_load %arg10[%get3A_136, %get3A_137] {strides = array<i32>} : memref<128x128xf32, #tpu.memory_space<vmem>>, vector<1x16xf32>,
        %get3A_139 = vector.shape_cast %get3A_138 : vector<1x16xf32> to vector<16xf32>
        %add3A_140 = arith.addf %get3A_135, %get3A_139 : vector<16xf32>
        %swap3A = arith.index_cast %scan3A_132 : i32 to index
        %swap3A_141 = arith.constant 0 : index
        %swap3A_142 = tpu.vector_load %arg9[%swap3A, %swap3A_141] {strides = array<i32>} : memref<128x128xf32, #tpu.memory_space<vmem>>, vector<1x16xf32>,
        %swap3A_143 = vector.shape_cast %swap3A_142 : vector<1x16xf32> to vector<16xf32>
        %swap3A_144 = vector.shape_cast %add3A_140 : vector<16xf32> to vector<1x16xf32>
        tpu.vector_store %arg9[%swap3A, %swap3A_141], %swap3A_144 {strides = array<i32>} : memref<128x128xf32, #tpu.memory_space<vmem>>, vector<1x16xf32>,
        %get3A_145 = arith.index_cast %scan3A_132 : i32 to index
        %get3A_146 = arith.constant 16 : index
        %get3A_147 = tpu.vector_load %arg9[%get3A_145, %get3A_146] {strides = array<i32>} : memref<128x128xf32, #tpu.memory_space<vmem>>, vector<1x16xf32>,
        %get3A_148 = vector.shape_cast %get3A_147 : vector<1x16xf32> to vector<16xf32>
        %get3A_149 = arith.index_cast %scan3A_132 : i32 to index
        %get3A_150 = arith.constant 16 : index
        %get3A_151 = tpu.vector_load %arg10[%get3A_149, %get3A_150] {strides = array<i32>} : memref<128x128xf32, #tpu.memory_space<vmem>>, vector<1x16xf32>,
        %get3A_152 = vector.shape_cast %get3A_151 : vector<1x16xf32> to vector<16xf32>
        %add3A_153 = arith.addf %get3A_148, %get3A_152 : vector<16xf32>
        %swap3A_154 = arith.index_cast %scan3A_132 : i32 to index
        %swap3A_155 = arith.constant 16 : index
        %swap3A_156 = tpu.vector_load %arg9[%swap3A_154, %swap3A_155] {strides = array<i32>} : memref<128x128xf32, #tpu.memory_space<vmem>>, vector<1x16xf32>,
        %swap3A_157 = vector.shape_cast %swap3A_156 : vector<1x16xf32> to vector<16xf32>
        %swap3A_158 = vector.shape_cast %add3A_153 : vector<16xf32> to vector<1x16xf32>
        tpu.vector_store %arg9[%swap3A_154, %swap3A_155], %swap3A_158 {strides = array<i32>} : memref<128x128xf32, #tpu.memory_space<vmem>>, vector<1x16xf32>,
        %get3A_159 = arith.index_cast %scan3A_132 : i32 to index
        %get3A_160 = arith.constant 32 : index
        %get3A_161 = tpu.vector_load %arg9[%get3A_159, %get3A_160] {strides = array<i32>} : memref<128x128xf32, #tpu.memory_space<vmem>>, vector<1x16xf32>,
        %get3A_162 = vector.shape_cast %get3A_161 : vector<1x16xf32> to vector<16xf32>
        %get3A_163 = arith.index_cast %scan3A_132 : i32 to index
        %get3A_164 = arith.constant 32 : index
        %get3A_165 = tpu.vector_load %arg10[%get3A_163, %get3A_164] {strides = array<i32>} : memref<128x128xf32, #tpu.memory_space<vmem>>, vector<1x16xf32>,
        %get3A_166 = vector.shape_cast %get3A_165 : vector<1x16xf32> to vector<16xf32>
        %add3A_167 = arith.addf %get3A_162, %get3A_166 : vector<16xf32>
        %swap3A_168 = arith.index_cast %scan3A_132 : i32 to index
        %swap3A_169 = arith.constant 32 : index
        %swap3A_170 = tpu.vector_load %arg9[%swap3A_168, %swap3A_169] {strides = array<i32>} : memref<128x128xf32, #tpu.memory_space<vmem>>, vector<1x16xf32>,
        %swap3A_171 = vector.shape_cast %swap3A_170 : vector<1x16xf32> to vector<16xf32>
        %swap3A_172 = vector.shape_cast %add3A_167 : vector<16xf32> to vector<1x16xf32>
        tpu.vector_store %arg9[%swap3A_168, %swap3A_169], %swap3A_172 {strides = array<i32>} : memref<128x128xf32, #tpu.memory_space<vmem>>, vector<1x16xf32>,
        %get3A_173 = arith.index_cast %scan3A_132 : i32 to index
        %get3A_174 = arith.constant 48 : index
        %get3A_175 = tpu.vector_load %arg9[%get3A_173, %get3A_174] {strides = array<i32>} : memref<128x128xf32, #tpu.memory_space<vmem>>, vector<1x16xf32>,
        %get3A_176 = vector.shape_cast %get3A_175 : vector<1x16xf32> to vector<16xf32>
        %get3A_177 = arith.index_cast %scan3A_132 : i32 to index
        %get3A_178 = arith.constant 48 : index
        %get3A_179 = tpu.vector_load %arg10[%get3A_177, %get3A_178] {strides = array<i32>} : memref<128x128xf32, #tpu.memory_space<vmem>>, vector<1x16xf32>,
        %get3A_180 = vector.shape_cast %get3A_179 : vector<1x16xf32> to vector<16xf32>
        %add3A_181 = arith.addf %get3A_176, %get3A_180 : vector<16xf32>
        %swap3A_182 = arith.index_cast %scan3A_132 : i32 to index
        %swap3A_183 = arith.constant 48 : index
        %swap3A_184 = tpu.vector_load %arg9[%swap3A_182, %swap3A_183] {strides = array<i32>} : memref<128x128xf32, #tpu.memory_space<vmem>>, vector<1x16xf32>,
        %swap3A_185 = vector.shape_cast %swap3A_184 : vector<1x16xf32> to vector<16xf32>
        %swap3A_186 = vector.shape_cast %add3A_181 : vector<16xf32> to vector<1x16xf32>
        tpu.vector_store %arg9[%swap3A_182, %swap3A_183], %swap3A_186 {strides = array<i32>} : memref<128x128xf32, #tpu.memory_space<vmem>>, vector<1x16xf32>,
        %get3A_187 = arith.index_cast %scan3A_132 : i32 to index
        %get3A_188 = arith.constant 64 : index
        %get3A_189 = tpu.vector_load %arg9[%get3A_187, %get3A_188] {strides = array<i32>} : memref<128x128xf32, #tpu.memory_space<vmem>>, vector<1x16xf32>,
        %get3A_190 = vector.shape_cast %get3A_189 : vector<1x16xf32> to vector<16xf32>
        %get3A_191 = arith.index_cast %scan3A_132 : i32 to index
        %get3A_192 = arith.constant 64 : index
        %get3A_193 = tpu.vector_load %arg10[%get3A_191, %get3A_192] {strides = array<i32>} : memref<128x128xf32, #tpu.memory_space<vmem>>, vector<1x16xf32>,
        %get3A_194 = vector.shape_cast %get3A_193 : vector<1x16xf32> to vector<16xf32>
        %add3A_195 = arith.addf %get3A_190, %get3A_194 : vector<16xf32>
        %swap3A_196 = arith.index_cast %scan3A_132 : i32 to index
        %swap3A_197 = arith.constant 64 : index
        %swap3A_198 = tpu.vector_load %arg9[%swap3A_196, %swap3A_197] {strides = array<i32>} : memref<128x128xf32, #tpu.memory_space<vmem>>, vector<1x16xf32>,
        %swap3A_199 = vector.shape_cast %swap3A_198 : vector<1x16xf32> to vector<16xf32>
        %swap3A_200 = vector.shape_cast %add3A_195 : vector<16xf32> to vector<1x16xf32>
        tpu.vector_store %arg9[%swap3A_196, %swap3A_197], %swap3A_200 {strides = array<i32>} : memref<128x128xf32, #tpu.memory_space<vmem>>, vector<1x16xf32>,
        %get3A_201 = arith.index_cast %scan3A_132 : i32 to index
        %get3A_202 = arith.constant 80 : index
        %get3A_203 = tpu.vector_load %arg9[%get3A_201, %get3A_202] {strides = array<i32>} : memref<128x128xf32, #tpu.memory_space<vmem>>, vector<1x16xf32>,
        %get3A_204 = vector.shape_cast %get3A_203 : vector<1x16xf32> to vector<16xf32>
        %get3A_205 = arith.index_cast %scan3A_132 : i32 to index
        %get3A_206 = arith.constant 80 : index
        %get3A_207 = tpu.vector_load %arg10[%get3A_205, %get3A_206] {strides = array<i32>} : memref<128x128xf32, #tpu.memory_space<vmem>>, vector<1x16xf32>,
        %get3A_208 = vector.shape_cast %get3A_207 : vector<1x16xf32> to vector<16xf32>
        %add3A_209 = arith.addf %get3A_204, %get3A_208 : vector<16xf32>
        %swap3A_210 = arith.index_cast %scan3A_132 : i32 to index
        %swap3A_211 = arith.constant 80 : index
        %swap3A_212 = tpu.vector_load %arg9[%swap3A_210, %swap3A_211] {strides = array<i32>} : memref<128x128xf32, #tpu.memory_space<vmem>>, vector<1x16xf32>,
        %swap3A_213 = vector.shape_cast %swap3A_212 : vector<1x16xf32> to vector<16xf32>
        %swap3A_214 = vector.shape_cast %add3A_209 : vector<16xf32> to vector<1x16xf32>
        tpu.vector_store %arg9[%swap3A_210, %swap3A_211], %swap3A_214 {strides = array<i32>} : memref<128x128xf32, #tpu.memory_space<vmem>>, vector<1x16xf32>,
        %get3A_215 = arith.index_cast %scan3A_132 : i32 to index
        %get3A_216 = arith.constant 96 : index
        %get3A_217 = tpu.vector_load %arg9[%get3A_215, %get3A_216] {strides = array<i32>} : memref<128x128xf32, #tpu.memory_space<vmem>>, vector<1x16xf32>,
        %get3A_218 = vector.shape_cast %get3A_217 : vector<1x16xf32> to vector<16xf32>
        %get3A_219 = arith.index_cast %scan3A_132 : i32 to index
        %get3A_220 = arith.constant 96 : index
        %get3A_221 = tpu.vector_load %arg10[%get3A_219, %get3A_220] {strides = array<i32>} : memref<128x128xf32, #tpu.memory_space<vmem>>, vector<1x16xf32>,
        %get3A_222 = vector.shape_cast %get3A_221 : vector<1x16xf32> to vector<16xf32>
        %add3A_223 = arith.addf %get3A_218, %get3A_222 : vector<16xf32>
        %swap3A_224 = arith.index_cast %scan3A_132 : i32 to index
        %swap3A_225 = arith.constant 96 : index
        %swap3A_226 = tpu.vector_load %arg9[%swap3A_224, %swap3A_225] {strides = array<i32>} : memref<128x128xf32, #tpu.memory_space<vmem>>, vector<1x16xf32>,
        %swap3A_227 = vector.shape_cast %swap3A_226 : vector<1x16xf32> to vector<16xf32>
        %swap3A_228 = vector.shape_cast %add3A_223 : vector<16xf32> to vector<1x16xf32>
        tpu.vector_store %arg9[%swap3A_224, %swap3A_225], %swap3A_228 {strides = array<i32>} : memref<128x128xf32, #tpu.memory_space<vmem>>, vector<1x16xf32>,
        %get3A_229 = arith.index_cast %scan3A_132 : i32 to index
        %get3A_230 = arith.constant 112 : index
        %get3A_231 = tpu.vector_load %arg9[%get3A_229, %get3A_230] {strides = array<i32>} : memref<128x128xf32, #tpu.memory_space<vmem>>, vector<1x16xf32>,
        %get3A_232 = vector.shape_cast %get3A_231 : vector<1x16xf32> to vector<16xf32>
        %get3A_233 = arith.index_cast %scan3A_132 : i32 to index
        %get3A_234 = arith.constant 112 : index
        %get3A_235 = tpu.vector_load %arg10[%get3A_233, %get3A_234] {strides = array<i32>} : memref<128x128xf32, #tpu.memory_space<vmem>>, vector<1x16xf32>,
        %get3A_236 = vector.shape_cast %get3A_235 : vector<1x16xf32> to vector<16xf32>
        %add3A_237 = arith.addf %get3A_232, %get3A_236 : vector<16xf32>
        %swap3A_238 = arith.index_cast %scan3A_132 : i32 to index
        %swap3A_239 = arith.constant 112 : index
        %swap3A_240 = tpu.vector_load %arg9[%swap3A_238, %swap3A_239] {strides = array<i32>} : memref<128x128xf32, #tpu.memory_space<vmem>>, vector<1x16xf32>,
        %swap3A_241 = vector.shape_cast %swap3A_240 : vector<1x16xf32> to vector<16xf32>
        %swap3A_242 = vector.shape_cast %add3A_237 : vector<16xf32> to vector<1x16xf32>
        tpu.vector_store %arg9[%swap3A_238, %swap3A_239], %swap3A_242 {strides = array<i32>} : memref<128x128xf32, #tpu.memory_space<vmem>>, vector<1x16xf32>,
      }
      %scan3A_74 = arith.constant 128 : i32
      %mul3A_75 = arith.constant 80 : i32
      %mul3A_76 = arith.muli %add3A, %mul3A_75 : i32
      %add3A_77 = arith.addi %mul3A_76, %mul3A_44 : i32
      %mul3A_78 = arith.constant 128 : i32
      %mul3A_79 = arith.muli %add3A_77, %mul3A_78 : i32
      %dma_start3A_80 = arith.constant 0 : i32
      %dma_start3A_81 = tpu.memref_slice %arg6[%mul3A_79, %dma_start3A_80] : memref<327680x128xf32, #tpu.memory_space<hbm>> -> memref<128x128xf32, #tpu.memory_space<hbm>>
      %dma_start3A_82 = arith.constant 0 : i32
      %dma_start3A_83 = tpu.memref_slice %arg6[%mul3A_79, %dma_start3A_82] : memref<327680x128xf32, #tpu.memory_space<hbm>> -> memref<128x128xf32, #tpu.memory_space<hbm>>
      tpu.enqueue_dma source(%arg9 : memref<128x128xf32, #tpu.memory_space<vmem>>) target(%dma_start3A_83 : memref<128x128xf32, #tpu.memory_space<hbm>>) target_semaphore(%arg17 : memref<!tpu.dma_semaphore, #tpu.memory_space<semaphore_mem>>)
      %mul3A_84 = arith.constant 2 : i32
      %mul3A_85 = arith.muli %mul3A_84, %scan3A_42 : i32
      %add3A_86 = arith.constant 1 : i32
      %add3A_87 = arith.addi %mul3A_85, %add3A_86 : i32
      %dma_wait3A_88 = arith.constant 0 : i32
      %dma_wait3A_89 = tpu.memref_slice %arg7[%add3A_87, %dma_wait3A_88] : memref<80x128xi32, #tpu.memory_space<vmem>> -> memref<1x128xi32, #tpu.memory_space<vmem>>
      %dma_wait3A_90 = tpu.memref_squeeze %dma_wait3A_89 : memref<1x128xi32, #tpu.memory_space<vmem>> -> memref<128xi32, #tpu.memory_space<vmem>>
      %dma_wait3A_91 = arith.constant 0 : i32
      %dma_wait3A_92 = arith.constant 0 : i32
      %dma_wait3A_93 = tpu.memref_slice %arg2[%dma_wait3A_91, %dma_wait3A_92] : memref<10000x128xf32, #tpu.memory_space<hbm>> -> memref<10000x128xf32, #tpu.memory_space<hbm>>
      tpu.wait_indirect_dma semaphore(%arg15 : memref<!tpu.dma_semaphore, #tpu.memory_space<semaphore_mem>>) src(%dma_wait3A_93 : memref<10000x128xf32, #tpu.memory_space<hbm>>) dst(%arg11 : memref<128x128xf32, #tpu.memory_space<vmem>>)
      %dma_wait3A_94 = arith.constant 0 : i32
      %dma_wait3A_95 = tpu.memref_slice %arg8[%add3A_87, %dma_wait3A_94] : memref<80x128xi32, #tpu.memory_space<vmem>> -> memref<1x128xi32, #tpu.memory_space<vmem>>
      %dma_wait3A_96 = tpu.memref_squeeze %dma_wait3A_95 : memref<1x128xi32, #tpu.memory_space<vmem>> -> memref<128xi32, #tpu.memory_space<vmem>>
      %dma_wait3A_97 = arith.constant 0 : i32
      %dma_wait3A_98 = arith.constant 0 : i32
      %dma_wait3A_99 = tpu.memref_slice %arg3[%dma_wait3A_97, %dma_wait3A_98] : memref<10000x128xf32, #tpu.memory_space<hbm>> -> memref<10000x128xf32, #tpu.memory_space<hbm>>
      tpu.wait_indirect_dma semaphore(%arg16 : memref<!tpu.dma_semaphore, #tpu.memory_space<semaphore_mem>>) src(%dma_wait3A_99 : memref<10000x128xf32, #tpu.memory_space<hbm>>) dst(%arg12 : memref<128x128xf32, #tpu.memory_space<vmem>>)
      %add3A_100 = arith.constant 1 : i32
      %add3A_101 = arith.addi %add3A_87, %add3A_100 : i32
      %lt3A_102 = arith.constant 80 : i32
      %lt3A_103 = arith.cmpi slt, %add3A_101, %lt3A_102 : i32
      %ge3A_104 = arith.constant 1 : i32
      %ge3A_105 = arith.cmpi sge, %add3A_87, %ge3A_104 : i32
      %and3A_106 = arith.andi %lt3A_103, %ge3A_105 : i1
      %convert_element_type3A_107 = arith.extui %and3A_106 : i1 to i32
      %cond3A_108 = arith.constant 0 : i32
      %cond3A_109 = arith.cmpi ne, %convert_element_type3A_107, %cond3A_108 : i32
      scf.if %cond3A_109 {
        %sub3A = arith.constant 1 : i32
        %sub3A_132 = arith.subi %add3A_87, %sub3A : i32
        %mul3A_133 = arith.constant 80 : i32
        %mul3A_134 = arith.muli %add3A, %mul3A_133 : i32
        %add3A_135 = arith.addi %mul3A_134, %sub3A_132 : i32
        %mul3A_136 = arith.constant 128 : i32
        %mul3A_137 = arith.muli %add3A_135, %mul3A_136 : i32
        %dma_wait3A_138 = arith.constant 0 : i32
        %dma_wait3A_139 = tpu.memref_slice %arg6[%mul3A_137, %dma_wait3A_138] : memref<327680x128xf32, #tpu.memory_space<hbm>> -> memref<128x128xf32, #tpu.memory_space<hbm>>
        %dma_wait3A_140 = arith.constant 0 : i32
        %dma_wait3A_141 = tpu.memref_slice %arg6[%mul3A_137, %dma_wait3A_140] : memref<327680x128xf32, #tpu.memory_space<hbm>> -> memref<128x128xf32, #tpu.memory_space<hbm>>
        tpu.wait_dma2 semaphore(%arg17 : memref<!tpu.dma_semaphore, #tpu.memory_space<semaphore_mem>>) src(%arg9 : memref<128x128xf32, #tpu.memory_space<vmem>>) dst(%dma_wait3A_141 : memref<128x128xf32, #tpu.memory_space<hbm>>)
      } else {
      }
      %add3A_110 = arith.constant 1 : i32
      %add3A_111 = arith.addi %add3A_87, %add3A_110 : i32
      %lt3A_112 = arith.constant 80 : i32
      %lt3A_113 = arith.cmpi slt, %add3A_111, %lt3A_112 : i32
      %convert_element_type3A_114 = arith.extui %lt3A_113 : i1 to i32
      %cond3A_115 = arith.constant 0 : i32
      %cond3A_116 = arith.cmpi ne, %convert_element_type3A_114, %cond3A_115 : i32
      scf.if %cond3A_116 {
        %add3A_132 = arith.constant 1 : i32
        %add3A_133 = arith.addi %add3A_87, %add3A_132 : i32
        %dma_start3A_134 = arith.constant 0 : i32
        %dma_start3A_135 = tpu.memref_slice %arg7[%add3A_133, %dma_start3A_134] : memref<80x128xi32, #tpu.memory_space<vmem>> -> memref<1x128xi32, #tpu.memory_space<vmem>>
        %dma_start3A_136 = tpu.memref_squeeze %dma_start3A_135 : memref<1x128xi32, #tpu.memory_space<vmem>> -> memref<128xi32, #tpu.memory_space<vmem>>
        %dma_start3A_137 = arith.constant 0 : i32
        %dma_start3A_138 = arith.constant 0 : i32
        %dma_start3A_139 = tpu.memref_slice %arg2[%dma_start3A_137, %dma_start3A_138] : memref<10000x128xf32, #tpu.memory_space<hbm>> -> memref<10000x128xf32, #tpu.memory_space<hbm>>
        tpu.enqueue_indirect_dma source(%dma_start3A_139 : memref<10000x128xf32, #tpu.memory_space<hbm>>) target(%arg9 : memref<128x128xf32, #tpu.memory_space<vmem>>) offsets(%dma_start3A_136 : memref<128xi32, #tpu.memory_space<vmem>>) semaphore(%arg13 : memref<!tpu.dma_semaphore, #tpu.memory_space<semaphore_mem>>)
        %dma_start3A_140 = arith.constant 0 : i32
        %dma_start3A_141 = tpu.memref_slice %arg8[%add3A_133, %dma_start3A_140] : memref<80x128xi32, #tpu.memory_space<vmem>> -> memref<1x128xi32, #tpu.memory_space<vmem>>
        %dma_start3A_142 = tpu.memref_squeeze %dma_start3A_141 : memref<1x128xi32, #tpu.memory_space<vmem>> -> memref<128xi32, #tpu.memory_space<vmem>>
        %dma_start3A_143 = arith.constant 0 : i32
        %dma_start3A_144 = arith.constant 0 : i32
        %dma_start3A_145 = tpu.memref_slice %arg3[%dma_start3A_143, %dma_start3A_144] : memref<10000x128xf32, #tpu.memory_space<hbm>> -> memref<10000x128xf32, #tpu.memory_space<hbm>>
        tpu.enqueue_indirect_dma source(%dma_start3A_145 : memref<10000x128xf32, #tpu.memory_space<hbm>>) target(%arg10 : memref<128x128xf32, #tpu.memory_space<vmem>>) offsets(%dma_start3A_142 : memref<128xi32, #tpu.memory_space<vmem>>) semaphore(%arg14 : memref<!tpu.dma_semaphore, #tpu.memory_space<semaphore_mem>>)
      } else {
      }
      %scan3A_117 = arith.constant 0 : i32
      %scan3A_118 = arith.constant 0 : i32
      %scan3A_119 = arith.constant 128 : i32
      %scan3A_120 = arith.addi %scan3A_118, %scan3A_119 : i32
      %scan3A_121 = arith.constant 1 : i32
      scf.for %scan3A_132 = %scan3A_118 to %scan3A_120 step %scan3A_121  : i32 {
        %get3A = arith.index_cast %scan3A_132 : i32 to index
        %get3A_133 = arith.constant 0 : index
        %get3A_134 = tpu.vector_load %arg11[%get3A, %get3A_133] {strides = array<i32>} : memref<128x128xf32, #tpu.memory_space<vmem>>, vector<1x16xf32>,
        %get3A_135 = vector.shape_cast %get3A_134 : vector<1x16xf32> to vector<16xf32>
        %get3A_136 = arith.index_cast %scan3A_132 : i32 to index
        %get3A_137 = arith.constant 0 : index
        %get3A_138 = tpu.vector_load %arg12[%get3A_136, %get3A_137] {strides = array<i32>} : memref<128x128xf32, #tpu.memory_space<vmem>>, vector<1x16xf32>,
        %get3A_139 = vector.shape_cast %get3A_138 : vector<1x16xf32> to vector<16xf32>
        %add3A_140 = arith.addf %get3A_135, %get3A_139 : vector<16xf32>
        %swap3A = arith.index_cast %scan3A_132 : i32 to index
        %swap3A_141 = arith.constant 0 : index
        %swap3A_142 = tpu.vector_load %arg11[%swap3A, %swap3A_141] {strides = array<i32>} : memref<128x128xf32, #tpu.memory_space<vmem>>, vector<1x16xf32>,
        %swap3A_143 = vector.shape_cast %swap3A_142 : vector<1x16xf32> to vector<16xf32>
        %swap3A_144 = vector.shape_cast %add3A_140 : vector<16xf32> to vector<1x16xf32>
        tpu.vector_store %arg11[%swap3A, %swap3A_141], %swap3A_144 {strides = array<i32>} : memref<128x128xf32, #tpu.memory_space<vmem>>, vector<1x16xf32>,
        %get3A_145 = arith.index_cast %scan3A_132 : i32 to index
        %get3A_146 = arith.constant 16 : index
        %get3A_147 = tpu.vector_load %arg11[%get3A_145, %get3A_146] {strides = array<i32>} : memref<128x128xf32, #tpu.memory_space<vmem>>, vector<1x16xf32>,
        %get3A_148 = vector.shape_cast %get3A_147 : vector<1x16xf32> to vector<16xf32>
        %get3A_149 = arith.index_cast %scan3A_132 : i32 to index
        %get3A_150 = arith.constant 16 : index
        %get3A_151 = tpu.vector_load %arg12[%get3A_149, %get3A_150] {strides = array<i32>} : memref<128x128xf32, #tpu.memory_space<vmem>>, vector<1x16xf32>,
        %get3A_152 = vector.shape_cast %get3A_151 : vector<1x16xf32> to vector<16xf32>
        %add3A_153 = arith.addf %get3A_148, %get3A_152 : vector<16xf32>
        %swap3A_154 = arith.index_cast %scan3A_132 : i32 to index
        %swap3A_155 = arith.constant 16 : index
        %swap3A_156 = tpu.vector_load %arg11[%swap3A_154, %swap3A_155] {strides = array<i32>} : memref<128x128xf32, #tpu.memory_space<vmem>>, vector<1x16xf32>,
        %swap3A_157 = vector.shape_cast %swap3A_156 : vector<1x16xf32> to vector<16xf32>
        %swap3A_158 = vector.shape_cast %add3A_153 : vector<16xf32> to vector<1x16xf32>
        tpu.vector_store %arg11[%swap3A_154, %swap3A_155], %swap3A_158 {strides = array<i32>} : memref<128x128xf32, #tpu.memory_space<vmem>>, vector<1x16xf32>,
        %get3A_159 = arith.index_cast %scan3A_132 : i32 to index
        %get3A_160 = arith.constant 32 : index
        %get3A_161 = tpu.vector_load %arg11[%get3A_159, %get3A_160] {strides = array<i32>} : memref<128x128xf32, #tpu.memory_space<vmem>>, vector<1x16xf32>,
        %get3A_162 = vector.shape_cast %get3A_161 : vector<1x16xf32> to vector<16xf32>
        %get3A_163 = arith.index_cast %scan3A_132 : i32 to index
        %get3A_164 = arith.constant 32 : index
        %get3A_165 = tpu.vector_load %arg12[%get3A_163, %get3A_164] {strides = array<i32>} : memref<128x128xf32, #tpu.memory_space<vmem>>, vector<1x16xf32>,
        %get3A_166 = vector.shape_cast %get3A_165 : vector<1x16xf32> to vector<16xf32>
        %add3A_167 = arith.addf %get3A_162, %get3A_166 : vector<16xf32>
        %swap3A_168 = arith.index_cast %scan3A_132 : i32 to index
        %swap3A_169 = arith.constant 32 : index
        %swap3A_170 = tpu.vector_load %arg11[%swap3A_168, %swap3A_169] {strides = array<i32>} : memref<128x128xf32, #tpu.memory_space<vmem>>, vector<1x16xf32>,
        %swap3A_171 = vector.shape_cast %swap3A_170 : vector<1x16xf32> to vector<16xf32>
        %swap3A_172 = vector.shape_cast %add3A_167 : vector<16xf32> to vector<1x16xf32>
        tpu.vector_store %arg11[%swap3A_168, %swap3A_169], %swap3A_172 {strides = array<i32>} : memref<128x128xf32, #tpu.memory_space<vmem>>, vector<1x16xf32>,
        %get3A_173 = arith.index_cast %scan3A_132 : i32 to index
        %get3A_174 = arith.constant 48 : index
        %get3A_175 = tpu.vector_load %arg11[%get3A_173, %get3A_174] {strides = array<i32>} : memref<128x128xf32, #tpu.memory_space<vmem>>, vector<1x16xf32>,
        %get3A_176 = vector.shape_cast %get3A_175 : vector<1x16xf32> to vector<16xf32>
        %get3A_177 = arith.index_cast %scan3A_132 : i32 to index
        %get3A_178 = arith.constant 48 : index
        %get3A_179 = tpu.vector_load %arg12[%get3A_177, %get3A_178] {strides = array<i32>} : memref<128x128xf32, #tpu.memory_space<vmem>>, vector<1x16xf32>,
        %get3A_180 = vector.shape_cast %get3A_179 : vector<1x16xf32> to vector<16xf32>
        %add3A_181 = arith.addf %get3A_176, %get3A_180 : vector<16xf32>
        %swap3A_182 = arith.index_cast %scan3A_132 : i32 to index
        %swap3A_183 = arith.constant 48 : index
        %swap3A_184 = tpu.vector_load %arg11[%swap3A_182, %swap3A_183] {strides = array<i32>} : memref<128x128xf32, #tpu.memory_space<vmem>>, vector<1x16xf32>,
        %swap3A_185 = vector.shape_cast %swap3A_184 : vector<1x16xf32> to vector<16xf32>
        %swap3A_186 = vector.shape_cast %add3A_181 : vector<16xf32> to vector<1x16xf32>
        tpu.vector_store %arg11[%swap3A_182, %swap3A_183], %swap3A_186 {strides = array<i32>} : memref<128x128xf32, #tpu.memory_space<vmem>>, vector<1x16xf32>,
        %get3A_187 = arith.index_cast %scan3A_132 : i32 to index
        %get3A_188 = arith.constant 64 : index
        %get3A_189 = tpu.vector_load %arg11[%get3A_187, %get3A_188] {strides = array<i32>} : memref<128x128xf32, #tpu.memory_space<vmem>>, vector<1x16xf32>,
        %get3A_190 = vector.shape_cast %get3A_189 : vector<1x16xf32> to vector<16xf32>
        %get3A_191 = arith.index_cast %scan3A_132 : i32 to index
        %get3A_192 = arith.constant 64 : index
        %get3A_193 = tpu.vector_load %arg12[%get3A_191, %get3A_192] {strides = array<i32>} : memref<128x128xf32, #tpu.memory_space<vmem>>, vector<1x16xf32>,
        %get3A_194 = vector.shape_cast %get3A_193 : vector<1x16xf32> to vector<16xf32>
        %add3A_195 = arith.addf %get3A_190, %get3A_194 : vector<16xf32>
        %swap3A_196 = arith.index_cast %scan3A_132 : i32 to index
        %swap3A_197 = arith.constant 64 : index
        %swap3A_198 = tpu.vector_load %arg11[%swap3A_196, %swap3A_197] {strides = array<i32>} : memref<128x128xf32, #tpu.memory_space<vmem>>, vector<1x16xf32>,
        %swap3A_199 = vector.shape_cast %swap3A_198 : vector<1x16xf32> to vector<16xf32>
        %swap3A_200 = vector.shape_cast %add3A_195 : vector<16xf32> to vector<1x16xf32>
        tpu.vector_store %arg11[%swap3A_196, %swap3A_197], %swap3A_200 {strides = array<i32>} : memref<128x128xf32, #tpu.memory_space<vmem>>, vector<1x16xf32>,
        %get3A_201 = arith.index_cast %scan3A_132 : i32 to index
        %get3A_202 = arith.constant 80 : index
        %get3A_203 = tpu.vector_load %arg11[%get3A_201, %get3A_202] {strides = array<i32>} : memref<128x128xf32, #tpu.memory_space<vmem>>, vector<1x16xf32>,
        %get3A_204 = vector.shape_cast %get3A_203 : vector<1x16xf32> to vector<16xf32>
        %get3A_205 = arith.index_cast %scan3A_132 : i32 to index
        %get3A_206 = arith.constant 80 : index
        %get3A_207 = tpu.vector_load %arg12[%get3A_205, %get3A_206] {strides = array<i32>} : memref<128x128xf32, #tpu.memory_space<vmem>>, vector<1x16xf32>,
        %get3A_208 = vector.shape_cast %get3A_207 : vector<1x16xf32> to vector<16xf32>
        %add3A_209 = arith.addf %get3A_204, %get3A_208 : vector<16xf32>
        %swap3A_210 = arith.index_cast %scan3A_132 : i32 to index
        %swap3A_211 = arith.constant 80 : index
        %swap3A_212 = tpu.vector_load %arg11[%swap3A_210, %swap3A_211] {strides = array<i32>} : memref<128x128xf32, #tpu.memory_space<vmem>>, vector<1x16xf32>,
        %swap3A_213 = vector.shape_cast %swap3A_212 : vector<1x16xf32> to vector<16xf32>
        %swap3A_214 = vector.shape_cast %add3A_209 : vector<16xf32> to vector<1x16xf32>
        tpu.vector_store %arg11[%swap3A_210, %swap3A_211], %swap3A_214 {strides = array<i32>} : memref<128x128xf32, #tpu.memory_space<vmem>>, vector<1x16xf32>,
        %get3A_215 = arith.index_cast %scan3A_132 : i32 to index
        %get3A_216 = arith.constant 96 : index
        %get3A_217 = tpu.vector_load %arg11[%get3A_215, %get3A_216] {strides = array<i32>} : memref<128x128xf32, #tpu.memory_space<vmem>>, vector<1x16xf32>,
        %get3A_218 = vector.shape_cast %get3A_217 : vector<1x16xf32> to vector<16xf32>
        %get3A_219 = arith.index_cast %scan3A_132 : i32 to index
        %get3A_220 = arith.constant 96 : index
        %get3A_221 = tpu.vector_load %arg12[%get3A_219, %get3A_220] {strides = array<i32>} : memref<128x128xf32, #tpu.memory_space<vmem>>, vector<1x16xf32>,
        %get3A_222 = vector.shape_cast %get3A_221 : vector<1x16xf32> to vector<16xf32>
        %add3A_223 = arith.addf %get3A_218, %get3A_222 : vector<16xf32>
        %swap3A_224 = arith.index_cast %scan3A_132 : i32 to index
        %swap3A_225 = arith.constant 96 : index
        %swap3A_226 = tpu.vector_load %arg11[%swap3A_224, %swap3A_225] {strides = array<i32>} : memref<128x128xf32, #tpu.memory_space<vmem>>, vector<1x16xf32>,
        %swap3A_227 = vector.shape_cast %swap3A_226 : vector<1x16xf32> to vector<16xf32>
        %swap3A_228 = vector.shape_cast %add3A_223 : vector<16xf32> to vector<1x16xf32>
        tpu.vector_store %arg11[%swap3A_224, %swap3A_225], %swap3A_228 {strides = array<i32>} : memref<128x128xf32, #tpu.memory_space<vmem>>, vector<1x16xf32>,
        %get3A_229 = arith.index_cast %scan3A_132 : i32 to index
        %get3A_230 = arith.constant 112 : index
        %get3A_231 = tpu.vector_load %arg11[%get3A_229, %get3A_230] {strides = array<i32>} : memref<128x128xf32, #tpu.memory_space<vmem>>, vector<1x16xf32>,
        %get3A_232 = vector.shape_cast %get3A_231 : vector<1x16xf32> to vector<16xf32>
        %get3A_233 = arith.index_cast %scan3A_132 : i32 to index
        %get3A_234 = arith.constant 112 : index
        %get3A_235 = tpu.vector_load %arg12[%get3A_233, %get3A_234] {strides = array<i32>} : memref<128x128xf32, #tpu.memory_space<vmem>>, vector<1x16xf32>,
        %get3A_236 = vector.shape_cast %get3A_235 : vector<1x16xf32> to vector<16xf32>
        %add3A_237 = arith.addf %get3A_232, %get3A_236 : vector<16xf32>
        %swap3A_238 = arith.index_cast %scan3A_132 : i32 to index
        %swap3A_239 = arith.constant 112 : index
        %swap3A_240 = tpu.vector_load %arg11[%swap3A_238, %swap3A_239] {strides = array<i32>} : memref<128x128xf32, #tpu.memory_space<vmem>>, vector<1x16xf32>,
        %swap3A_241 = vector.shape_cast %swap3A_240 : vector<1x16xf32> to vector<16xf32>
        %swap3A_242 = vector.shape_cast %add3A_237 : vector<16xf32> to vector<1x16xf32>
        tpu.vector_store %arg11[%swap3A_238, %swap3A_239], %swap3A_242 {strides = array<i32>} : memref<128x128xf32, #tpu.memory_space<vmem>>, vector<1x16xf32>,
      }
      %scan3A_122 = arith.constant 128 : i32
      %mul3A_123 = arith.constant 80 : i32
      %mul3A_124 = arith.muli %add3A, %mul3A_123 : i32
      %add3A_125 = arith.addi %mul3A_124, %add3A_87 : i32
      %mul3A_126 = arith.constant 128 : i32
      %mul3A_127 = arith.muli %add3A_125, %mul3A_126 : i32
      %dma_start3A_128 = arith.constant 0 : i32
      %dma_start3A_129 = tpu.memref_slice %arg6[%mul3A_127, %dma_start3A_128] : memref<327680x128xf32, #tpu.memory_space<hbm>> -> memref<128x128xf32, #tpu.memory_space<hbm>>
      %dma_start3A_130 = arith.constant 0 : i32
      %dma_start3A_131 = tpu.memref_slice %arg6[%mul3A_127, %dma_start3A_130] : memref<327680x128xf32, #tpu.memory_space<hbm>> -> memref<128x128xf32, #tpu.memory_space<hbm>>
      tpu.enqueue_dma source(%arg11 : memref<128x128xf32, #tpu.memory_space<vmem>>) target(%dma_start3A_131 : memref<128x128xf32, #tpu.memory_space<hbm>>) target_semaphore(%arg18 : memref<!tpu.dma_semaphore, #tpu.memory_space<semaphore_mem>>)
    }
    %scan3A_22 = arith.constant 40 : i32
    %mul3A_23 = arith.constant 80 : i32
    %mul3A_24 = arith.muli %add3A, %mul3A_23 : i32
    %add3A_25 = arith.constant 78 : i32
    %add3A_26 = arith.addi %mul3A_24, %add3A_25 : i32
    %mul3A_27 = arith.constant 128 : i32
    %mul3A_28 = arith.muli %add3A_26, %mul3A_27 : i32
    %dma_wait3A = arith.constant 0 : i32
    %dma_wait3A_29 = tpu.memref_slice %arg6[%mul3A_28, %dma_wait3A] : memref<327680x128xf32, #tpu.memory_space<hbm>> -> memref<128x128xf32, #tpu.memory_space<hbm>>
    %dma_wait3A_30 = arith.constant 0 : i32
    %dma_wait3A_31 = tpu.memref_slice %arg6[%mul3A_28, %dma_wait3A_30] : memref<327680x128xf32, #tpu.memory_space<hbm>> -> memref<128x128xf32, #tpu.memory_space<hbm>>
    tpu.wait_dma2 semaphore(%arg17 : memref<!tpu.dma_semaphore, #tpu.memory_space<semaphore_mem>>) src(%arg9 : memref<128x128xf32, #tpu.memory_space<vmem>>) dst(%dma_wait3A_31 : memref<128x128xf32, #tpu.memory_space<hbm>>)
    %mul3A_32 = arith.constant 80 : i32
    %mul3A_33 = arith.muli %add3A, %mul3A_32 : i32
    %add3A_34 = arith.constant 79 : i32
    %add3A_35 = arith.addi %mul3A_33, %add3A_34 : i32
    %mul3A_36 = arith.constant 128 : i32
    %mul3A_37 = arith.muli %add3A_35, %mul3A_36 : i32
    %dma_wait3A_38 = arith.constant 0 : i32
    %dma_wait3A_39 = tpu.memref_slice %arg6[%mul3A_37, %dma_wait3A_38] : memref<327680x128xf32, #tpu.memory_space<hbm>> -> memref<128x128xf32, #tpu.memory_space<hbm>>
    %dma_wait3A_40 = arith.constant 0 : i32
    %dma_wait3A_41 = tpu.memref_slice %arg6[%mul3A_37, %dma_wait3A_40] : memref<327680x128xf32, #tpu.memory_space<hbm>> -> memref<128x128xf32, #tpu.memory_space<hbm>>
    tpu.wait_dma2 semaphore(%arg18 : memref<!tpu.dma_semaphore, #tpu.memory_space<semaphore_mem>>) src(%arg11 : memref<128x128xf32, #tpu.memory_space<vmem>>) dst(%dma_wait3A_41 : memref<128x128xf32, #tpu.memory_space<hbm>>)
    return
  }
}

#map = affine_map<(d0, d1) -> (0, 0)>
module attributes {stable_mosaic.version = 14 : i64} {
  func.func @_sc_gather_body(%arg0: i32, %arg1: i32, %arg2: memref<10000x256xf32, #tpu.memory_space<hbm>>, %arg3: memref<10000x256xf32, #tpu.memory_space<hbm>>, %arg4: memref<5120x64xi32, #tpu.memory_space<hbm>>, %arg5: memref<5120x64xi32, #tpu.memory_space<hbm>>, %arg6: memref<327680x256xf32, #tpu.memory_space<hbm>>, %arg7: memref<160x64xi32, #tpu.memory_space<vmem>>, %arg8: memref<160x64xi32, #tpu.memory_space<vmem>>, %arg9: memref<64x256xf32, #tpu.memory_space<vmem>>, %arg10: memref<64x256xf32, #tpu.memory_space<vmem>>, %arg11: memref<64x256xf32, #tpu.memory_space<vmem>>, %arg12: memref<64x256xf32, #tpu.memory_space<vmem>>, %arg13: memref<!tpu.dma_semaphore, #tpu.memory_space<semaphore_mem>>, %arg14: memref<!tpu.dma_semaphore, #tpu.memory_space<semaphore_mem>>, %arg15: memref<!tpu.dma_semaphore, #tpu.memory_space<semaphore_mem>>, %arg16: memref<!tpu.dma_semaphore, #tpu.memory_space<semaphore_mem>>, %arg17: memref<!tpu.dma_semaphore, #tpu.memory_space<semaphore_mem>>, %arg18: memref<!tpu.dma_semaphore, #tpu.memory_space<semaphore_mem>>) attributes {dimension_semantics = [#tpu.dimension_semantics<core_parallel>, #tpu.dimension_semantics<subcore_parallel>], iteration_bounds = array<i64: 2, 16>, scalar_prefetch = 0 : i64, scratch_operands = 12 : i64, tpu.core_type = #tpu.core_type<sc_vector_subcore>, window_params = [{transform_indices = #map}, {transform_indices = #map}, {transform_indices = #map}, {transform_indices = #map}, {transform_indices = #map}]} {
    %mul3A = arith.constant 16 : i32
    %mul3A_0 = arith.muli %arg0, %mul3A : i32
    %add3A = arith.addi %mul3A_0, %arg1 : i32
    %mul3A_1 = arith.constant 160 : i32
    %mul3A_2 = arith.muli %add3A, %mul3A_1 : i32
    "tpu.region"() ({
      %run_scoped3A = tpu.sem_alloc : memref<!tpu.dma_semaphore, #tpu.memory_space<semaphore_mem>>
      %dma_start3A_42 = arith.constant 0 : i32
      %dma_start3A_43 = tpu.memref_slice %arg4[%mul3A_2, %dma_start3A_42] : memref<5120x64xi32, #tpu.memory_space<hbm>> -> memref<160x64xi32, #tpu.memory_space<hbm>>
      %dma_start3A_44 = arith.constant 0 : i32
      %dma_start3A_45 = tpu.memref_slice %arg4[%mul3A_2, %dma_start3A_44] : memref<5120x64xi32, #tpu.memory_space<hbm>> -> memref<160x64xi32, #tpu.memory_space<hbm>>
      tpu.enqueue_dma source(%dma_start3A_45 : memref<160x64xi32, #tpu.memory_space<hbm>>) target(%arg7 : memref<160x64xi32, #tpu.memory_space<vmem>>) target_semaphore(%run_scoped3A : memref<!tpu.dma_semaphore, #tpu.memory_space<semaphore_mem>>)
      %dma_wait3A_46 = arith.constant 0 : i32
      %dma_wait3A_47 = tpu.memref_slice %arg4[%mul3A_2, %dma_wait3A_46] : memref<5120x64xi32, #tpu.memory_space<hbm>> -> memref<160x64xi32, #tpu.memory_space<hbm>>
      %dma_wait3A_48 = arith.constant 0 : i32
      %dma_wait3A_49 = tpu.memref_slice %arg4[%mul3A_2, %dma_wait3A_48] : memref<5120x64xi32, #tpu.memory_space<hbm>> -> memref<160x64xi32, #tpu.memory_space<hbm>>
      tpu.wait_dma2 semaphore(%run_scoped3A : memref<!tpu.dma_semaphore, #tpu.memory_space<semaphore_mem>>) src(%dma_wait3A_49 : memref<160x64xi32, #tpu.memory_space<hbm>>) dst(%arg7 : memref<160x64xi32, #tpu.memory_space<vmem>>)
      tpu.yield
    }) : () -> ()
    %mul3A_3 = arith.constant 160 : i32
    %mul3A_4 = arith.muli %add3A, %mul3A_3 : i32
    "tpu.region"() ({
      %run_scoped3A = tpu.sem_alloc : memref<!tpu.dma_semaphore, #tpu.memory_space<semaphore_mem>>
      %dma_start3A_42 = arith.constant 0 : i32
      %dma_start3A_43 = tpu.memref_slice %arg5[%mul3A_4, %dma_start3A_42] : memref<5120x64xi32, #tpu.memory_space<hbm>> -> memref<160x64xi32, #tpu.memory_space<hbm>>
      %dma_start3A_44 = arith.constant 0 : i32
      %dma_start3A_45 = tpu.memref_slice %arg5[%mul3A_4, %dma_start3A_44] : memref<5120x64xi32, #tpu.memory_space<hbm>> -> memref<160x64xi32, #tpu.memory_space<hbm>>
      tpu.enqueue_dma source(%dma_start3A_45 : memref<160x64xi32, #tpu.memory_space<hbm>>) target(%arg8 : memref<160x64xi32, #tpu.memory_space<vmem>>) target_semaphore(%run_scoped3A : memref<!tpu.dma_semaphore, #tpu.memory_space<semaphore_mem>>)
      %dma_wait3A_46 = arith.constant 0 : i32
      %dma_wait3A_47 = tpu.memref_slice %arg5[%mul3A_4, %dma_wait3A_46] : memref<5120x64xi32, #tpu.memory_space<hbm>> -> memref<160x64xi32, #tpu.memory_space<hbm>>
      %dma_wait3A_48 = arith.constant 0 : i32
      %dma_wait3A_49 = tpu.memref_slice %arg5[%mul3A_4, %dma_wait3A_48] : memref<5120x64xi32, #tpu.memory_space<hbm>> -> memref<160x64xi32, #tpu.memory_space<hbm>>
      tpu.wait_dma2 semaphore(%run_scoped3A : memref<!tpu.dma_semaphore, #tpu.memory_space<semaphore_mem>>) src(%dma_wait3A_49 : memref<160x64xi32, #tpu.memory_space<hbm>>) dst(%arg8 : memref<160x64xi32, #tpu.memory_space<vmem>>)
      tpu.yield
    }) : () -> ()
    %dma_start3A = arith.constant 0 : i32
    %dma_start3A_5 = arith.constant 0 : i32
    %dma_start3A_6 = tpu.memref_slice %arg7[%dma_start3A, %dma_start3A_5] : memref<160x64xi32, #tpu.memory_space<vmem>> -> memref<1x64xi32, #tpu.memory_space<vmem>>
    %dma_start3A_7 = tpu.memref_squeeze %dma_start3A_6 : memref<1x64xi32, #tpu.memory_space<vmem>> -> memref<64xi32, #tpu.memory_space<vmem>>
    %dma_start3A_8 = arith.constant 0 : i32
    %dma_start3A_9 = arith.constant 0 : i32
    %dma_start3A_10 = tpu.memref_slice %arg2[%dma_start3A_8, %dma_start3A_9] : memref<10000x256xf32, #tpu.memory_space<hbm>> -> memref<10000x256xf32, #tpu.memory_space<hbm>>
    tpu.enqueue_indirect_dma source(%dma_start3A_10 : memref<10000x256xf32, #tpu.memory_space<hbm>>) target(%arg9 : memref<64x256xf32, #tpu.memory_space<vmem>>) offsets(%dma_start3A_7 : memref<64xi32, #tpu.memory_space<vmem>>) semaphore(%arg13 : memref<!tpu.dma_semaphore, #tpu.memory_space<semaphore_mem>>)
    %dma_start3A_11 = arith.constant 0 : i32
    %dma_start3A_12 = arith.constant 0 : i32
    %dma_start3A_13 = tpu.memref_slice %arg8[%dma_start3A_11, %dma_start3A_12] : memref<160x64xi32, #tpu.memory_space<vmem>> -> memref<1x64xi32, #tpu.memory_space<vmem>>
    %dma_start3A_14 = tpu.memref_squeeze %dma_start3A_13 : memref<1x64xi32, #tpu.memory_space<vmem>> -> memref<64xi32, #tpu.memory_space<vmem>>
    %dma_start3A_15 = arith.constant 0 : i32
    %dma_start3A_16 = arith.constant 0 : i32
    %dma_start3A_17 = tpu.memref_slice %arg3[%dma_start3A_15, %dma_start3A_16] : memref<10000x256xf32, #tpu.memory_space<hbm>> -> memref<10000x256xf32, #tpu.memory_space<hbm>>
    tpu.enqueue_indirect_dma source(%dma_start3A_17 : memref<10000x256xf32, #tpu.memory_space<hbm>>) target(%arg10 : memref<64x256xf32, #tpu.memory_space<vmem>>) offsets(%dma_start3A_14 : memref<64xi32, #tpu.memory_space<vmem>>) semaphore(%arg14 : memref<!tpu.dma_semaphore, #tpu.memory_space<semaphore_mem>>)
    %scan3A = arith.constant 0 : i32
    %scan3A_18 = arith.constant 0 : i32
    %scan3A_19 = arith.constant 80 : i32
    %scan3A_20 = arith.addi %scan3A_18, %scan3A_19 : i32
    %scan3A_21 = arith.constant 1 : i32
    scf.for %scan3A_42 = %scan3A_18 to %scan3A_20 step %scan3A_21  : i32 {
      %mul3A_43 = arith.constant 2 : i32
      %mul3A_44 = arith.muli %mul3A_43, %scan3A_42 : i32
      %dma_wait3A_45 = arith.constant 0 : i32
      %dma_wait3A_46 = tpu.memref_slice %arg7[%mul3A_44, %dma_wait3A_45] : memref<160x64xi32, #tpu.memory_space<vmem>> -> memref<1x64xi32, #tpu.memory_space<vmem>>
      %dma_wait3A_47 = tpu.memref_squeeze %dma_wait3A_46 : memref<1x64xi32, #tpu.memory_space<vmem>> -> memref<64xi32, #tpu.memory_space<vmem>>
      %dma_wait3A_48 = arith.constant 0 : i32
      %dma_wait3A_49 = arith.constant 0 : i32
      %dma_wait3A_50 = tpu.memref_slice %arg2[%dma_wait3A_48, %dma_wait3A_49] : memref<10000x256xf32, #tpu.memory_space<hbm>> -> memref<10000x256xf32, #tpu.memory_space<hbm>>
      tpu.wait_indirect_dma semaphore(%arg13 : memref<!tpu.dma_semaphore, #tpu.memory_space<semaphore_mem>>) src(%dma_wait3A_50 : memref<10000x256xf32, #tpu.memory_space<hbm>>) dst(%arg9 : memref<64x256xf32, #tpu.memory_space<vmem>>)
      %dma_wait3A_51 = arith.constant 0 : i32
      %dma_wait3A_52 = tpu.memref_slice %arg8[%mul3A_44, %dma_wait3A_51] : memref<160x64xi32, #tpu.memory_space<vmem>> -> memref<1x64xi32, #tpu.memory_space<vmem>>
      %dma_wait3A_53 = tpu.memref_squeeze %dma_wait3A_52 : memref<1x64xi32, #tpu.memory_space<vmem>> -> memref<64xi32, #tpu.memory_space<vmem>>
      %dma_wait3A_54 = arith.constant 0 : i32
      %dma_wait3A_55 = arith.constant 0 : i32
      %dma_wait3A_56 = tpu.memref_slice %arg3[%dma_wait3A_54, %dma_wait3A_55] : memref<10000x256xf32, #tpu.memory_space<hbm>> -> memref<10000x256xf32, #tpu.memory_space<hbm>>
      tpu.wait_indirect_dma semaphore(%arg14 : memref<!tpu.dma_semaphore, #tpu.memory_space<semaphore_mem>>) src(%dma_wait3A_56 : memref<10000x256xf32, #tpu.memory_space<hbm>>) dst(%arg10 : memref<64x256xf32, #tpu.memory_space<vmem>>)
      %add3A_57 = arith.constant 1 : i32
      %add3A_58 = arith.addi %mul3A_44, %add3A_57 : i32
      %lt3A = arith.constant 160 : i32
      %lt3A_59 = arith.cmpi slt, %add3A_58, %lt3A : i32
      %ge3A = arith.constant 1 : i32
      %ge3A_60 = arith.cmpi sge, %mul3A_44, %ge3A : i32
      %and3A = arith.andi %lt3A_59, %ge3A_60 : i1
      %convert_element_type3A = arith.extui %and3A : i1 to i32
      %cond3A = arith.constant 0 : i32
      %cond3A_61 = arith.cmpi ne, %convert_element_type3A, %cond3A : i32
      scf.if %cond3A_61 {
        %sub3A = arith.constant 1 : i32
        %sub3A_132 = arith.subi %mul3A_44, %sub3A : i32
        %mul3A_133 = arith.constant 160 : i32
        %mul3A_134 = arith.muli %add3A, %mul3A_133 : i32
        %add3A_135 = arith.addi %mul3A_134, %sub3A_132 : i32
        %mul3A_136 = arith.constant 64 : i32
        %mul3A_137 = arith.muli %add3A_135, %mul3A_136 : i32
        %dma_wait3A_138 = arith.constant 0 : i32
        %dma_wait3A_139 = tpu.memref_slice %arg6[%mul3A_137, %dma_wait3A_138] : memref<327680x256xf32, #tpu.memory_space<hbm>> -> memref<64x256xf32, #tpu.memory_space<hbm>>
        %dma_wait3A_140 = arith.constant 0 : i32
        %dma_wait3A_141 = tpu.memref_slice %arg6[%mul3A_137, %dma_wait3A_140] : memref<327680x256xf32, #tpu.memory_space<hbm>> -> memref<64x256xf32, #tpu.memory_space<hbm>>
        tpu.wait_dma2 semaphore(%arg18 : memref<!tpu.dma_semaphore, #tpu.memory_space<semaphore_mem>>) src(%arg11 : memref<64x256xf32, #tpu.memory_space<vmem>>) dst(%dma_wait3A_141 : memref<64x256xf32, #tpu.memory_space<hbm>>)
      } else {
      }
      %add3A_62 = arith.constant 1 : i32
      %add3A_63 = arith.addi %mul3A_44, %add3A_62 : i32
      %lt3A_64 = arith.constant 160 : i32
      %lt3A_65 = arith.cmpi slt, %add3A_63, %lt3A_64 : i32
      %convert_element_type3A_66 = arith.extui %lt3A_65 : i1 to i32
      %cond3A_67 = arith.constant 0 : i32
      %cond3A_68 = arith.cmpi ne, %convert_element_type3A_66, %cond3A_67 : i32
      scf.if %cond3A_68 {
        %add3A_132 = arith.constant 1 : i32
        %add3A_133 = arith.addi %mul3A_44, %add3A_132 : i32
        %dma_start3A_134 = arith.constant 0 : i32
        %dma_start3A_135 = tpu.memref_slice %arg7[%add3A_133, %dma_start3A_134] : memref<160x64xi32, #tpu.memory_space<vmem>> -> memref<1x64xi32, #tpu.memory_space<vmem>>
        %dma_start3A_136 = tpu.memref_squeeze %dma_start3A_135 : memref<1x64xi32, #tpu.memory_space<vmem>> -> memref<64xi32, #tpu.memory_space<vmem>>
        %dma_start3A_137 = arith.constant 0 : i32
        %dma_start3A_138 = arith.constant 0 : i32
        %dma_start3A_139 = tpu.memref_slice %arg2[%dma_start3A_137, %dma_start3A_138] : memref<10000x256xf32, #tpu.memory_space<hbm>> -> memref<10000x256xf32, #tpu.memory_space<hbm>>
        tpu.enqueue_indirect_dma source(%dma_start3A_139 : memref<10000x256xf32, #tpu.memory_space<hbm>>) target(%arg11 : memref<64x256xf32, #tpu.memory_space<vmem>>) offsets(%dma_start3A_136 : memref<64xi32, #tpu.memory_space<vmem>>) semaphore(%arg15 : memref<!tpu.dma_semaphore, #tpu.memory_space<semaphore_mem>>)
        %dma_start3A_140 = arith.constant 0 : i32
        %dma_start3A_141 = tpu.memref_slice %arg8[%add3A_133, %dma_start3A_140] : memref<160x64xi32, #tpu.memory_space<vmem>> -> memref<1x64xi32, #tpu.memory_space<vmem>>
        %dma_start3A_142 = tpu.memref_squeeze %dma_start3A_141 : memref<1x64xi32, #tpu.memory_space<vmem>> -> memref<64xi32, #tpu.memory_space<vmem>>
        %dma_start3A_143 = arith.constant 0 : i32
        %dma_start3A_144 = arith.constant 0 : i32
        %dma_start3A_145 = tpu.memref_slice %arg3[%dma_start3A_143, %dma_start3A_144] : memref<10000x256xf32, #tpu.memory_space<hbm>> -> memref<10000x256xf32, #tpu.memory_space<hbm>>
        tpu.enqueue_indirect_dma source(%dma_start3A_145 : memref<10000x256xf32, #tpu.memory_space<hbm>>) target(%arg12 : memref<64x256xf32, #tpu.memory_space<vmem>>) offsets(%dma_start3A_142 : memref<64xi32, #tpu.memory_space<vmem>>) semaphore(%arg16 : memref<!tpu.dma_semaphore, #tpu.memory_space<semaphore_mem>>)
      } else {
      }
      %scan3A_69 = arith.constant 0 : i32
      %scan3A_70 = arith.constant 0 : i32
      %scan3A_71 = arith.constant 64 : i32
      %scan3A_72 = arith.addi %scan3A_70, %scan3A_71 : i32
      %scan3A_73 = arith.constant 1 : i32
      scf.for %scan3A_132 = %scan3A_70 to %scan3A_72 step %scan3A_73  : i32 {
        %get3A = arith.index_cast %scan3A_132 : i32 to index
        %get3A_133 = arith.constant 0 : index
        %get3A_134 = tpu.vector_load %arg9[%get3A, %get3A_133] {strides = array<i32>} : memref<64x256xf32, #tpu.memory_space<vmem>>, vector<1x16xf32>,
        %get3A_135 = vector.shape_cast %get3A_134 : vector<1x16xf32> to vector<16xf32>
        %get3A_136 = arith.index_cast %scan3A_132 : i32 to index
        %get3A_137 = arith.constant 0 : index
        %get3A_138 = tpu.vector_load %arg10[%get3A_136, %get3A_137] {strides = array<i32>} : memref<64x256xf32, #tpu.memory_space<vmem>>, vector<1x16xf32>,
        %get3A_139 = vector.shape_cast %get3A_138 : vector<1x16xf32> to vector<16xf32>
        %add3A_140 = arith.addf %get3A_135, %get3A_139 : vector<16xf32>
        %swap3A = arith.index_cast %scan3A_132 : i32 to index
        %swap3A_141 = arith.constant 0 : index
        %swap3A_142 = tpu.vector_load %arg9[%swap3A, %swap3A_141] {strides = array<i32>} : memref<64x256xf32, #tpu.memory_space<vmem>>, vector<1x16xf32>,
        %swap3A_143 = vector.shape_cast %swap3A_142 : vector<1x16xf32> to vector<16xf32>
        %swap3A_144 = vector.shape_cast %add3A_140 : vector<16xf32> to vector<1x16xf32>
        tpu.vector_store %arg9[%swap3A, %swap3A_141], %swap3A_144 {strides = array<i32>} : memref<64x256xf32, #tpu.memory_space<vmem>>, vector<1x16xf32>,
        %get3A_145 = arith.index_cast %scan3A_132 : i32 to index
        %get3A_146 = arith.constant 16 : index
        %get3A_147 = tpu.vector_load %arg9[%get3A_145, %get3A_146] {strides = array<i32>} : memref<64x256xf32, #tpu.memory_space<vmem>>, vector<1x16xf32>,
        %get3A_148 = vector.shape_cast %get3A_147 : vector<1x16xf32> to vector<16xf32>
        %get3A_149 = arith.index_cast %scan3A_132 : i32 to index
        %get3A_150 = arith.constant 16 : index
        %get3A_151 = tpu.vector_load %arg10[%get3A_149, %get3A_150] {strides = array<i32>} : memref<64x256xf32, #tpu.memory_space<vmem>>, vector<1x16xf32>,
        %get3A_152 = vector.shape_cast %get3A_151 : vector<1x16xf32> to vector<16xf32>
        %add3A_153 = arith.addf %get3A_148, %get3A_152 : vector<16xf32>
        %swap3A_154 = arith.index_cast %scan3A_132 : i32 to index
        %swap3A_155 = arith.constant 16 : index
        %swap3A_156 = tpu.vector_load %arg9[%swap3A_154, %swap3A_155] {strides = array<i32>} : memref<64x256xf32, #tpu.memory_space<vmem>>, vector<1x16xf32>,
        %swap3A_157 = vector.shape_cast %swap3A_156 : vector<1x16xf32> to vector<16xf32>
        %swap3A_158 = vector.shape_cast %add3A_153 : vector<16xf32> to vector<1x16xf32>
        tpu.vector_store %arg9[%swap3A_154, %swap3A_155], %swap3A_158 {strides = array<i32>} : memref<64x256xf32, #tpu.memory_space<vmem>>, vector<1x16xf32>,
        %get3A_159 = arith.index_cast %scan3A_132 : i32 to index
        %get3A_160 = arith.constant 32 : index
        %get3A_161 = tpu.vector_load %arg9[%get3A_159, %get3A_160] {strides = array<i32>} : memref<64x256xf32, #tpu.memory_space<vmem>>, vector<1x16xf32>,
        %get3A_162 = vector.shape_cast %get3A_161 : vector<1x16xf32> to vector<16xf32>
        %get3A_163 = arith.index_cast %scan3A_132 : i32 to index
        %get3A_164 = arith.constant 32 : index
        %get3A_165 = tpu.vector_load %arg10[%get3A_163, %get3A_164] {strides = array<i32>} : memref<64x256xf32, #tpu.memory_space<vmem>>, vector<1x16xf32>,
        %get3A_166 = vector.shape_cast %get3A_165 : vector<1x16xf32> to vector<16xf32>
        %add3A_167 = arith.addf %get3A_162, %get3A_166 : vector<16xf32>
        %swap3A_168 = arith.index_cast %scan3A_132 : i32 to index
        %swap3A_169 = arith.constant 32 : index
        %swap3A_170 = tpu.vector_load %arg9[%swap3A_168, %swap3A_169] {strides = array<i32>} : memref<64x256xf32, #tpu.memory_space<vmem>>, vector<1x16xf32>,
        %swap3A_171 = vector.shape_cast %swap3A_170 : vector<1x16xf32> to vector<16xf32>
        %swap3A_172 = vector.shape_cast %add3A_167 : vector<16xf32> to vector<1x16xf32>
        tpu.vector_store %arg9[%swap3A_168, %swap3A_169], %swap3A_172 {strides = array<i32>} : memref<64x256xf32, #tpu.memory_space<vmem>>, vector<1x16xf32>,
        %get3A_173 = arith.index_cast %scan3A_132 : i32 to index
        %get3A_174 = arith.constant 48 : index
        %get3A_175 = tpu.vector_load %arg9[%get3A_173, %get3A_174] {strides = array<i32>} : memref<64x256xf32, #tpu.memory_space<vmem>>, vector<1x16xf32>,
        %get3A_176 = vector.shape_cast %get3A_175 : vector<1x16xf32> to vector<16xf32>
        %get3A_177 = arith.index_cast %scan3A_132 : i32 to index
        %get3A_178 = arith.constant 48 : index
        %get3A_179 = tpu.vector_load %arg10[%get3A_177, %get3A_178] {strides = array<i32>} : memref<64x256xf32, #tpu.memory_space<vmem>>, vector<1x16xf32>,
        %get3A_180 = vector.shape_cast %get3A_179 : vector<1x16xf32> to vector<16xf32>
        %add3A_181 = arith.addf %get3A_176, %get3A_180 : vector<16xf32>
        %swap3A_182 = arith.index_cast %scan3A_132 : i32 to index
        %swap3A_183 = arith.constant 48 : index
        %swap3A_184 = tpu.vector_load %arg9[%swap3A_182, %swap3A_183] {strides = array<i32>} : memref<64x256xf32, #tpu.memory_space<vmem>>, vector<1x16xf32>,
        %swap3A_185 = vector.shape_cast %swap3A_184 : vector<1x16xf32> to vector<16xf32>
        %swap3A_186 = vector.shape_cast %add3A_181 : vector<16xf32> to vector<1x16xf32>
        tpu.vector_store %arg9[%swap3A_182, %swap3A_183], %swap3A_186 {strides = array<i32>} : memref<64x256xf32, #tpu.memory_space<vmem>>, vector<1x16xf32>,
        %get3A_187 = arith.index_cast %scan3A_132 : i32 to index
        %get3A_188 = arith.constant 64 : index
        %get3A_189 = tpu.vector_load %arg9[%get3A_187, %get3A_188] {strides = array<i32>} : memref<64x256xf32, #tpu.memory_space<vmem>>, vector<1x16xf32>,
        %get3A_190 = vector.shape_cast %get3A_189 : vector<1x16xf32> to vector<16xf32>
        %get3A_191 = arith.index_cast %scan3A_132 : i32 to index
        %get3A_192 = arith.constant 64 : index
        %get3A_193 = tpu.vector_load %arg10[%get3A_191, %get3A_192] {strides = array<i32>} : memref<64x256xf32, #tpu.memory_space<vmem>>, vector<1x16xf32>,
        %get3A_194 = vector.shape_cast %get3A_193 : vector<1x16xf32> to vector<16xf32>
        %add3A_195 = arith.addf %get3A_190, %get3A_194 : vector<16xf32>
        %swap3A_196 = arith.index_cast %scan3A_132 : i32 to index
        %swap3A_197 = arith.constant 64 : index
        %swap3A_198 = tpu.vector_load %arg9[%swap3A_196, %swap3A_197] {strides = array<i32>} : memref<64x256xf32, #tpu.memory_space<vmem>>, vector<1x16xf32>,
        %swap3A_199 = vector.shape_cast %swap3A_198 : vector<1x16xf32> to vector<16xf32>
        %swap3A_200 = vector.shape_cast %add3A_195 : vector<16xf32> to vector<1x16xf32>
        tpu.vector_store %arg9[%swap3A_196, %swap3A_197], %swap3A_200 {strides = array<i32>} : memref<64x256xf32, #tpu.memory_space<vmem>>, vector<1x16xf32>,
        %get3A_201 = arith.index_cast %scan3A_132 : i32 to index
        %get3A_202 = arith.constant 80 : index
        %get3A_203 = tpu.vector_load %arg9[%get3A_201, %get3A_202] {strides = array<i32>} : memref<64x256xf32, #tpu.memory_space<vmem>>, vector<1x16xf32>,
        %get3A_204 = vector.shape_cast %get3A_203 : vector<1x16xf32> to vector<16xf32>
        %get3A_205 = arith.index_cast %scan3A_132 : i32 to index
        %get3A_206 = arith.constant 80 : index
        %get3A_207 = tpu.vector_load %arg10[%get3A_205, %get3A_206] {strides = array<i32>} : memref<64x256xf32, #tpu.memory_space<vmem>>, vector<1x16xf32>,
        %get3A_208 = vector.shape_cast %get3A_207 : vector<1x16xf32> to vector<16xf32>
        %add3A_209 = arith.addf %get3A_204, %get3A_208 : vector<16xf32>
        %swap3A_210 = arith.index_cast %scan3A_132 : i32 to index
        %swap3A_211 = arith.constant 80 : index
        %swap3A_212 = tpu.vector_load %arg9[%swap3A_210, %swap3A_211] {strides = array<i32>} : memref<64x256xf32, #tpu.memory_space<vmem>>, vector<1x16xf32>,
        %swap3A_213 = vector.shape_cast %swap3A_212 : vector<1x16xf32> to vector<16xf32>
        %swap3A_214 = vector.shape_cast %add3A_209 : vector<16xf32> to vector<1x16xf32>
        tpu.vector_store %arg9[%swap3A_210, %swap3A_211], %swap3A_214 {strides = array<i32>} : memref<64x256xf32, #tpu.memory_space<vmem>>, vector<1x16xf32>,
        %get3A_215 = arith.index_cast %scan3A_132 : i32 to index
        %get3A_216 = arith.constant 96 : index
        %get3A_217 = tpu.vector_load %arg9[%get3A_215, %get3A_216] {strides = array<i32>} : memref<64x256xf32, #tpu.memory_space<vmem>>, vector<1x16xf32>,
        %get3A_218 = vector.shape_cast %get3A_217 : vector<1x16xf32> to vector<16xf32>
        %get3A_219 = arith.index_cast %scan3A_132 : i32 to index
        %get3A_220 = arith.constant 96 : index
        %get3A_221 = tpu.vector_load %arg10[%get3A_219, %get3A_220] {strides = array<i32>} : memref<64x256xf32, #tpu.memory_space<vmem>>, vector<1x16xf32>,
        %get3A_222 = vector.shape_cast %get3A_221 : vector<1x16xf32> to vector<16xf32>
        %add3A_223 = arith.addf %get3A_218, %get3A_222 : vector<16xf32>
        %swap3A_224 = arith.index_cast %scan3A_132 : i32 to index
        %swap3A_225 = arith.constant 96 : index
        %swap3A_226 = tpu.vector_load %arg9[%swap3A_224, %swap3A_225] {strides = array<i32>} : memref<64x256xf32, #tpu.memory_space<vmem>>, vector<1x16xf32>,
        %swap3A_227 = vector.shape_cast %swap3A_226 : vector<1x16xf32> to vector<16xf32>
        %swap3A_228 = vector.shape_cast %add3A_223 : vector<16xf32> to vector<1x16xf32>
        tpu.vector_store %arg9[%swap3A_224, %swap3A_225], %swap3A_228 {strides = array<i32>} : memref<64x256xf32, #tpu.memory_space<vmem>>, vector<1x16xf32>,
        %get3A_229 = arith.index_cast %scan3A_132 : i32 to index
        %get3A_230 = arith.constant 112 : index
        %get3A_231 = tpu.vector_load %arg9[%get3A_229, %get3A_230] {strides = array<i32>} : memref<64x256xf32, #tpu.memory_space<vmem>>, vector<1x16xf32>,
        %get3A_232 = vector.shape_cast %get3A_231 : vector<1x16xf32> to vector<16xf32>
        %get3A_233 = arith.index_cast %scan3A_132 : i32 to index
        %get3A_234 = arith.constant 112 : index
        %get3A_235 = tpu.vector_load %arg10[%get3A_233, %get3A_234] {strides = array<i32>} : memref<64x256xf32, #tpu.memory_space<vmem>>, vector<1x16xf32>,
        %get3A_236 = vector.shape_cast %get3A_235 : vector<1x16xf32> to vector<16xf32>
        %add3A_237 = arith.addf %get3A_232, %get3A_236 : vector<16xf32>
        %swap3A_238 = arith.index_cast %scan3A_132 : i32 to index
        %swap3A_239 = arith.constant 112 : index
        %swap3A_240 = tpu.vector_load %arg9[%swap3A_238, %swap3A_239] {strides = array<i32>} : memref<64x256xf32, #tpu.memory_space<vmem>>, vector<1x16xf32>,
        %swap3A_241 = vector.shape_cast %swap3A_240 : vector<1x16xf32> to vector<16xf32>
        %swap3A_242 = vector.shape_cast %add3A_237 : vector<16xf32> to vector<1x16xf32>
        tpu.vector_store %arg9[%swap3A_238, %swap3A_239], %swap3A_242 {strides = array<i32>} : memref<64x256xf32, #tpu.memory_space<vmem>>, vector<1x16xf32>,
        %get3A_243 = arith.index_cast %scan3A_132 : i32 to index
        %get3A_244 = arith.constant 128 : index
        %get3A_245 = tpu.vector_load %arg9[%get3A_243, %get3A_244] {strides = array<i32>} : memref<64x256xf32, #tpu.memory_space<vmem>>, vector<1x16xf32>,
        %get3A_246 = vector.shape_cast %get3A_245 : vector<1x16xf32> to vector<16xf32>
        %get3A_247 = arith.index_cast %scan3A_132 : i32 to index
        %get3A_248 = arith.constant 128 : index
        %get3A_249 = tpu.vector_load %arg10[%get3A_247, %get3A_248] {strides = array<i32>} : memref<64x256xf32, #tpu.memory_space<vmem>>, vector<1x16xf32>,
        %get3A_250 = vector.shape_cast %get3A_249 : vector<1x16xf32> to vector<16xf32>
        %add3A_251 = arith.addf %get3A_246, %get3A_250 : vector<16xf32>
        %swap3A_252 = arith.index_cast %scan3A_132 : i32 to index
        %swap3A_253 = arith.constant 128 : index
        %swap3A_254 = tpu.vector_load %arg9[%swap3A_252, %swap3A_253] {strides = array<i32>} : memref<64x256xf32, #tpu.memory_space<vmem>>, vector<1x16xf32>,
        %swap3A_255 = vector.shape_cast %swap3A_254 : vector<1x16xf32> to vector<16xf32>
        %swap3A_256 = vector.shape_cast %add3A_251 : vector<16xf32> to vector<1x16xf32>
        tpu.vector_store %arg9[%swap3A_252, %swap3A_253], %swap3A_256 {strides = array<i32>} : memref<64x256xf32, #tpu.memory_space<vmem>>, vector<1x16xf32>,
      }
      %scan3A_74 = arith.constant 64 : i32
      %mul3A_75 = arith.constant 160 : i32
      %mul3A_76 = arith.muli %add3A, %mul3A_75 : i32
      %add3A_77 = arith.addi %mul3A_76, %mul3A_44 : i32
      %mul3A_78 = arith.constant 64 : i32
      %mul3A_79 = arith.muli %add3A_77, %mul3A_78 : i32
      %dma_start3A_80 = arith.constant 0 : i32
      %dma_start3A_81 = tpu.memref_slice %arg6[%mul3A_79, %dma_start3A_80] : memref<327680x256xf32, #tpu.memory_space<hbm>> -> memref<64x256xf32, #tpu.memory_space<hbm>>
      %dma_start3A_82 = arith.constant 0 : i32
      %dma_start3A_83 = tpu.memref_slice %arg6[%mul3A_79, %dma_start3A_82] : memref<327680x256xf32, #tpu.memory_space<hbm>> -> memref<64x256xf32, #tpu.memory_space<hbm>>
      tpu.enqueue_dma source(%arg9 : memref<64x256xf32, #tpu.memory_space<vmem>>) target(%dma_start3A_83 : memref<64x256xf32, #tpu.memory_space<hbm>>) target_semaphore(%arg17 : memref<!tpu.dma_semaphore, #tpu.memory_space<semaphore_mem>>)
      %mul3A_84 = arith.constant 2 : i32
      %mul3A_85 = arith.muli %mul3A_84, %scan3A_42 : i32
      %add3A_86 = arith.constant 1 : i32
      %add3A_87 = arith.addi %mul3A_85, %add3A_86 : i32
      %dma_wait3A_88 = arith.constant 0 : i32
      %dma_wait3A_89 = tpu.memref_slice %arg7[%add3A_87, %dma_wait3A_88] : memref<160x64xi32, #tpu.memory_space<vmem>> -> memref<1x64xi32, #tpu.memory_space<vmem>>
      %dma_wait3A_90 = tpu.memref_squeeze %dma_wait3A_89 : memref<1x64xi32, #tpu.memory_space<vmem>> -> memref<64xi32, #tpu.memory_space<vmem>>
      %dma_wait3A_91 = arith.constant 0 : i32
      %dma_wait3A_92 = arith.constant 0 : i32
      %dma_wait3A_93 = tpu.memref_slice %arg2[%dma_wait3A_91, %dma_wait3A_92] : memref<10000x256xf32, #tpu.memory_space<hbm>> -> memref<10000x256xf32, #tpu.memory_space<hbm>>
      tpu.wait_indirect_dma semaphore(%arg15 : memref<!tpu.dma_semaphore, #tpu.memory_space<semaphore_mem>>) src(%dma_wait3A_93 : memref<10000x256xf32, #tpu.memory_space<hbm>>) dst(%arg11 : memref<64x256xf32, #tpu.memory_space<vmem>>)
      %dma_wait3A_94 = arith.constant 0 : i32
      %dma_wait3A_95 = tpu.memref_slice %arg8[%add3A_87, %dma_wait3A_94] : memref<160x64xi32, #tpu.memory_space<vmem>> -> memref<1x64xi32, #tpu.memory_space<vmem>>
      %dma_wait3A_96 = tpu.memref_squeeze %dma_wait3A_95 : memref<1x64xi32, #tpu.memory_space<vmem>> -> memref<64xi32, #tpu.memory_space<vmem>>
      %dma_wait3A_97 = arith.constant 0 : i32
      %dma_wait3A_98 = arith.constant 0 : i32
      %dma_wait3A_99 = tpu.memref_slice %arg3[%dma_wait3A_97, %dma_wait3A_98] : memref<10000x256xf32, #tpu.memory_space<hbm>> -> memref<10000x256xf32, #tpu.memory_space<hbm>>
      tpu.wait_indirect_dma semaphore(%arg16 : memref<!tpu.dma_semaphore, #tpu.memory_space<semaphore_mem>>) src(%dma_wait3A_99 : memref<10000x256xf32, #tpu.memory_space<hbm>>) dst(%arg12 : memref<64x256xf32, #tpu.memory_space<vmem>>)
      %add3A_100 = arith.constant 1 : i32
      %add3A_101 = arith.addi %add3A_87, %add3A_100 : i32
      %lt3A_102 = arith.constant 160 : i32
      %lt3A_103 = arith.cmpi slt, %add3A_101, %lt3A_102 : i32
      %ge3A_104 = arith.constant 1 : i32
      %ge3A_105 = arith.cmpi sge, %add3A_87, %ge3A_104 : i32
      %and3A_106 = arith.andi %lt3A_103, %ge3A_105 : i1
      %convert_element_type3A_107 = arith.extui %and3A_106 : i1 to i32
      %cond3A_108 = arith.constant 0 : i32
      %cond3A_109 = arith.cmpi ne, %convert_element_type3A_107, %cond3A_108 : i32
      scf.if %cond3A_109 {
        %sub3A = arith.constant 1 : i32
        %sub3A_132 = arith.subi %add3A_87, %sub3A : i32
        %mul3A_133 = arith.constant 160 : i32
        %mul3A_134 = arith.muli %add3A, %mul3A_133 : i32
        %add3A_135 = arith.addi %mul3A_134, %sub3A_132 : i32
        %mul3A_136 = arith.constant 64 : i32
        %mul3A_137 = arith.muli %add3A_135, %mul3A_136 : i32
        %dma_wait3A_138 = arith.constant 0 : i32
        %dma_wait3A_139 = tpu.memref_slice %arg6[%mul3A_137, %dma_wait3A_138] : memref<327680x256xf32, #tpu.memory_space<hbm>> -> memref<64x256xf32, #tpu.memory_space<hbm>>
        %dma_wait3A_140 = arith.constant 0 : i32
        %dma_wait3A_141 = tpu.memref_slice %arg6[%mul3A_137, %dma_wait3A_140] : memref<327680x256xf32, #tpu.memory_space<hbm>> -> memref<64x256xf32, #tpu.memory_space<hbm>>
        tpu.wait_dma2 semaphore(%arg17 : memref<!tpu.dma_semaphore, #tpu.memory_space<semaphore_mem>>) src(%arg9 : memref<64x256xf32, #tpu.memory_space<vmem>>) dst(%dma_wait3A_141 : memref<64x256xf32, #tpu.memory_space<hbm>>)
      } else {
      }
      %add3A_110 = arith.constant 1 : i32
      %add3A_111 = arith.addi %add3A_87, %add3A_110 : i32
      %lt3A_112 = arith.constant 160 : i32
      %lt3A_113 = arith.cmpi slt, %add3A_111, %lt3A_112 : i32
      %convert_element_type3A_114 = arith.extui %lt3A_113 : i1 to i32
      %cond3A_115 = arith.constant 0 : i32
      %cond3A_116 = arith.cmpi ne, %convert_element_type3A_114, %cond3A_115 : i32
      scf.if %cond3A_116 {
        %add3A_132 = arith.constant 1 : i32
        %add3A_133 = arith.addi %add3A_87, %add3A_132 : i32
        %dma_start3A_134 = arith.constant 0 : i32
        %dma_start3A_135 = tpu.memref_slice %arg7[%add3A_133, %dma_start3A_134] : memref<160x64xi32, #tpu.memory_space<vmem>> -> memref<1x64xi32, #tpu.memory_space<vmem>>
        %dma_start3A_136 = tpu.memref_squeeze %dma_start3A_135 : memref<1x64xi32, #tpu.memory_space<vmem>> -> memref<64xi32, #tpu.memory_space<vmem>>
        %dma_start3A_137 = arith.constant 0 : i32
        %dma_start3A_138 = arith.constant 0 : i32
        %dma_start3A_139 = tpu.memref_slice %arg2[%dma_start3A_137, %dma_start3A_138] : memref<10000x256xf32, #tpu.memory_space<hbm>> -> memref<10000x256xf32, #tpu.memory_space<hbm>>
        tpu.enqueue_indirect_dma source(%dma_start3A_139 : memref<10000x256xf32, #tpu.memory_space<hbm>>) target(%arg9 : memref<64x256xf32, #tpu.memory_space<vmem>>) offsets(%dma_start3A_136 : memref<64xi32, #tpu.memory_space<vmem>>) semaphore(%arg13 : memref<!tpu.dma_semaphore, #tpu.memory_space<semaphore_mem>>)
        %dma_start3A_140 = arith.constant 0 : i32
        %dma_start3A_141 = tpu.memref_slice %arg8[%add3A_133, %dma_start3A_140] : memref<160x64xi32, #tpu.memory_space<vmem>> -> memref<1x64xi32, #tpu.memory_space<vmem>>
        %dma_start3A_142 = tpu.memref_squeeze %dma_start3A_141 : memref<1x64xi32, #tpu.memory_space<vmem>> -> memref<64xi32, #tpu.memory_space<vmem>>
        %dma_start3A_143 = arith.constant 0 : i32
        %dma_start3A_144 = arith.constant 0 : i32
        %dma_start3A_145 = tpu.memref_slice %arg3[%dma_start3A_143, %dma_start3A_144] : memref<10000x256xf32, #tpu.memory_space<hbm>> -> memref<10000x256xf32, #tpu.memory_space<hbm>>
        tpu.enqueue_indirect_dma source(%dma_start3A_145 : memref<10000x256xf32, #tpu.memory_space<hbm>>) target(%arg10 : memref<64x256xf32, #tpu.memory_space<vmem>>) offsets(%dma_start3A_142 : memref<64xi32, #tpu.memory_space<vmem>>) semaphore(%arg14 : memref<!tpu.dma_semaphore, #tpu.memory_space<semaphore_mem>>)
      } else {
      }
      %scan3A_117 = arith.constant 0 : i32
      %scan3A_118 = arith.constant 0 : i32
      %scan3A_119 = arith.constant 64 : i32
      %scan3A_120 = arith.addi %scan3A_118, %scan3A_119 : i32
      %scan3A_121 = arith.constant 1 : i32
      scf.for %scan3A_132 = %scan3A_118 to %scan3A_120 step %scan3A_121  : i32 {
        %get3A = arith.index_cast %scan3A_132 : i32 to index
        %get3A_133 = arith.constant 0 : index
        %get3A_134 = tpu.vector_load %arg11[%get3A, %get3A_133] {strides = array<i32>} : memref<64x256xf32, #tpu.memory_space<vmem>>, vector<1x16xf32>,
        %get3A_135 = vector.shape_cast %get3A_134 : vector<1x16xf32> to vector<16xf32>
        %get3A_136 = arith.index_cast %scan3A_132 : i32 to index
        %get3A_137 = arith.constant 0 : index
        %get3A_138 = tpu.vector_load %arg12[%get3A_136, %get3A_137] {strides = array<i32>} : memref<64x256xf32, #tpu.memory_space<vmem>>, vector<1x16xf32>,
        %get3A_139 = vector.shape_cast %get3A_138 : vector<1x16xf32> to vector<16xf32>
        %add3A_140 = arith.addf %get3A_135, %get3A_139 : vector<16xf32>
        %swap3A = arith.index_cast %scan3A_132 : i32 to index
        %swap3A_141 = arith.constant 0 : index
        %swap3A_142 = tpu.vector_load %arg11[%swap3A, %swap3A_141] {strides = array<i32>} : memref<64x256xf32, #tpu.memory_space<vmem>>, vector<1x16xf32>,
        %swap3A_143 = vector.shape_cast %swap3A_142 : vector<1x16xf32> to vector<16xf32>
        %swap3A_144 = vector.shape_cast %add3A_140 : vector<16xf32> to vector<1x16xf32>
        tpu.vector_store %arg11[%swap3A, %swap3A_141], %swap3A_144 {strides = array<i32>} : memref<64x256xf32, #tpu.memory_space<vmem>>, vector<1x16xf32>,
        %get3A_145 = arith.index_cast %scan3A_132 : i32 to index
        %get3A_146 = arith.constant 16 : index
        %get3A_147 = tpu.vector_load %arg11[%get3A_145, %get3A_146] {strides = array<i32>} : memref<64x256xf32, #tpu.memory_space<vmem>>, vector<1x16xf32>,
        %get3A_148 = vector.shape_cast %get3A_147 : vector<1x16xf32> to vector<16xf32>
        %get3A_149 = arith.index_cast %scan3A_132 : i32 to index
        %get3A_150 = arith.constant 16 : index
        %get3A_151 = tpu.vector_load %arg12[%get3A_149, %get3A_150] {strides = array<i32>} : memref<64x256xf32, #tpu.memory_space<vmem>>, vector<1x16xf32>,
        %get3A_152 = vector.shape_cast %get3A_151 : vector<1x16xf32> to vector<16xf32>
        %add3A_153 = arith.addf %get3A_148, %get3A_152 : vector<16xf32>
        %swap3A_154 = arith.index_cast %scan3A_132 : i32 to index
        %swap3A_155 = arith.constant 16 : index
        %swap3A_156 = tpu.vector_load %arg11[%swap3A_154, %swap3A_155] {strides = array<i32>} : memref<64x256xf32, #tpu.memory_space<vmem>>, vector<1x16xf32>,
        %swap3A_157 = vector.shape_cast %swap3A_156 : vector<1x16xf32> to vector<16xf32>
        %swap3A_158 = vector.shape_cast %add3A_153 : vector<16xf32> to vector<1x16xf32>
        tpu.vector_store %arg11[%swap3A_154, %swap3A_155], %swap3A_158 {strides = array<i32>} : memref<64x256xf32, #tpu.memory_space<vmem>>, vector<1x16xf32>,
        %get3A_159 = arith.index_cast %scan3A_132 : i32 to index
        %get3A_160 = arith.constant 32 : index
        %get3A_161 = tpu.vector_load %arg11[%get3A_159, %get3A_160] {strides = array<i32>} : memref<64x256xf32, #tpu.memory_space<vmem>>, vector<1x16xf32>,
        %get3A_162 = vector.shape_cast %get3A_161 : vector<1x16xf32> to vector<16xf32>
        %get3A_163 = arith.index_cast %scan3A_132 : i32 to index
        %get3A_164 = arith.constant 32 : index
        %get3A_165 = tpu.vector_load %arg12[%get3A_163, %get3A_164] {strides = array<i32>} : memref<64x256xf32, #tpu.memory_space<vmem>>, vector<1x16xf32>,
        %get3A_166 = vector.shape_cast %get3A_165 : vector<1x16xf32> to vector<16xf32>
        %add3A_167 = arith.addf %get3A_162, %get3A_166 : vector<16xf32>
        %swap3A_168 = arith.index_cast %scan3A_132 : i32 to index
        %swap3A_169 = arith.constant 32 : index
        %swap3A_170 = tpu.vector_load %arg11[%swap3A_168, %swap3A_169] {strides = array<i32>} : memref<64x256xf32, #tpu.memory_space<vmem>>, vector<1x16xf32>,
        %swap3A_171 = vector.shape_cast %swap3A_170 : vector<1x16xf32> to vector<16xf32>
        %swap3A_172 = vector.shape_cast %add3A_167 : vector<16xf32> to vector<1x16xf32>
        tpu.vector_store %arg11[%swap3A_168, %swap3A_169], %swap3A_172 {strides = array<i32>} : memref<64x256xf32, #tpu.memory_space<vmem>>, vector<1x16xf32>,
        %get3A_173 = arith.index_cast %scan3A_132 : i32 to index
        %get3A_174 = arith.constant 48 : index
        %get3A_175 = tpu.vector_load %arg11[%get3A_173, %get3A_174] {strides = array<i32>} : memref<64x256xf32, #tpu.memory_space<vmem>>, vector<1x16xf32>,
        %get3A_176 = vector.shape_cast %get3A_175 : vector<1x16xf32> to vector<16xf32>
        %get3A_177 = arith.index_cast %scan3A_132 : i32 to index
        %get3A_178 = arith.constant 48 : index
        %get3A_179 = tpu.vector_load %arg12[%get3A_177, %get3A_178] {strides = array<i32>} : memref<64x256xf32, #tpu.memory_space<vmem>>, vector<1x16xf32>,
        %get3A_180 = vector.shape_cast %get3A_179 : vector<1x16xf32> to vector<16xf32>
        %add3A_181 = arith.addf %get3A_176, %get3A_180 : vector<16xf32>
        %swap3A_182 = arith.index_cast %scan3A_132 : i32 to index
        %swap3A_183 = arith.constant 48 : index
        %swap3A_184 = tpu.vector_load %arg11[%swap3A_182, %swap3A_183] {strides = array<i32>} : memref<64x256xf32, #tpu.memory_space<vmem>>, vector<1x16xf32>,
        %swap3A_185 = vector.shape_cast %swap3A_184 : vector<1x16xf32> to vector<16xf32>
        %swap3A_186 = vector.shape_cast %add3A_181 : vector<16xf32> to vector<1x16xf32>
        tpu.vector_store %arg11[%swap3A_182, %swap3A_183], %swap3A_186 {strides = array<i32>} : memref<64x256xf32, #tpu.memory_space<vmem>>, vector<1x16xf32>,
        %get3A_187 = arith.index_cast %scan3A_132 : i32 to index
        %get3A_188 = arith.constant 64 : index
        %get3A_189 = tpu.vector_load %arg11[%get3A_187, %get3A_188] {strides = array<i32>} : memref<64x256xf32, #tpu.memory_space<vmem>>, vector<1x16xf32>,
        %get3A_190 = vector.shape_cast %get3A_189 : vector<1x16xf32> to vector<16xf32>
        %get3A_191 = arith.index_cast %scan3A_132 : i32 to index
        %get3A_192 = arith.constant 64 : index
        %get3A_193 = tpu.vector_load %arg12[%get3A_191, %get3A_192] {strides = array<i32>} : memref<64x256xf32, #tpu.memory_space<vmem>>, vector<1x16xf32>,
        %get3A_194 = vector.shape_cast %get3A_193 : vector<1x16xf32> to vector<16xf32>
        %add3A_195 = arith.addf %get3A_190, %get3A_194 : vector<16xf32>
        %swap3A_196 = arith.index_cast %scan3A_132 : i32 to index
        %swap3A_197 = arith.constant 64 : index
        %swap3A_198 = tpu.vector_load %arg11[%swap3A_196, %swap3A_197] {strides = array<i32>} : memref<64x256xf32, #tpu.memory_space<vmem>>, vector<1x16xf32>,
        %swap3A_199 = vector.shape_cast %swap3A_198 : vector<1x16xf32> to vector<16xf32>
        %swap3A_200 = vector.shape_cast %add3A_195 : vector<16xf32> to vector<1x16xf32>
        tpu.vector_store %arg11[%swap3A_196, %swap3A_197], %swap3A_200 {strides = array<i32>} : memref<64x256xf32, #tpu.memory_space<vmem>>, vector<1x16xf32>,
        %get3A_201 = arith.index_cast %scan3A_132 : i32 to index
        %get3A_202 = arith.constant 80 : index
        %get3A_203 = tpu.vector_load %arg11[%get3A_201, %get3A_202] {strides = array<i32>} : memref<64x256xf32, #tpu.memory_space<vmem>>, vector<1x16xf32>,
        %get3A_204 = vector.shape_cast %get3A_203 : vector<1x16xf32> to vector<16xf32>
        %get3A_205 = arith.index_cast %scan3A_132 : i32 to index
        %get3A_206 = arith.constant 80 : index
        %get3A_207 = tpu.vector_load %arg12[%get3A_205, %get3A_206] {strides = array<i32>} : memref<64x256xf32, #tpu.memory_space<vmem>>, vector<1x16xf32>,
        %get3A_208 = vector.shape_cast %get3A_207 : vector<1x16xf32> to vector<16xf32>
        %add3A_209 = arith.addf %get3A_204, %get3A_208 : vector<16xf32>
        %swap3A_210 = arith.index_cast %scan3A_132 : i32 to index
        %swap3A_211 = arith.constant 80 : index
        %swap3A_212 = tpu.vector_load %arg11[%swap3A_210, %swap3A_211] {strides = array<i32>} : memref<64x256xf32, #tpu.memory_space<vmem>>, vector<1x16xf32>,
        %swap3A_213 = vector.shape_cast %swap3A_212 : vector<1x16xf32> to vector<16xf32>
        %swap3A_214 = vector.shape_cast %add3A_209 : vector<16xf32> to vector<1x16xf32>
        tpu.vector_store %arg11[%swap3A_210, %swap3A_211], %swap3A_214 {strides = array<i32>} : memref<64x256xf32, #tpu.memory_space<vmem>>, vector<1x16xf32>,
        %get3A_215 = arith.index_cast %scan3A_132 : i32 to index
        %get3A_216 = arith.constant 96 : index
        %get3A_217 = tpu.vector_load %arg11[%get3A_215, %get3A_216] {strides = array<i32>} : memref<64x256xf32, #tpu.memory_space<vmem>>, vector<1x16xf32>,
        %get3A_218 = vector.shape_cast %get3A_217 : vector<1x16xf32> to vector<16xf32>
        %get3A_219 = arith.index_cast %scan3A_132 : i32 to index
        %get3A_220 = arith.constant 96 : index
        %get3A_221 = tpu.vector_load %arg12[%get3A_219, %get3A_220] {strides = array<i32>} : memref<64x256xf32, #tpu.memory_space<vmem>>, vector<1x16xf32>,
        %get3A_222 = vector.shape_cast %get3A_221 : vector<1x16xf32> to vector<16xf32>
        %add3A_223 = arith.addf %get3A_218, %get3A_222 : vector<16xf32>
        %swap3A_224 = arith.index_cast %scan3A_132 : i32 to index
        %swap3A_225 = arith.constant 96 : index
        %swap3A_226 = tpu.vector_load %arg11[%swap3A_224, %swap3A_225] {strides = array<i32>} : memref<64x256xf32, #tpu.memory_space<vmem>>, vector<1x16xf32>,
        %swap3A_227 = vector.shape_cast %swap3A_226 : vector<1x16xf32> to vector<16xf32>
        %swap3A_228 = vector.shape_cast %add3A_223 : vector<16xf32> to vector<1x16xf32>
        tpu.vector_store %arg11[%swap3A_224, %swap3A_225], %swap3A_228 {strides = array<i32>} : memref<64x256xf32, #tpu.memory_space<vmem>>, vector<1x16xf32>,
        %get3A_229 = arith.index_cast %scan3A_132 : i32 to index
        %get3A_230 = arith.constant 112 : index
        %get3A_231 = tpu.vector_load %arg11[%get3A_229, %get3A_230] {strides = array<i32>} : memref<64x256xf32, #tpu.memory_space<vmem>>, vector<1x16xf32>,
        %get3A_232 = vector.shape_cast %get3A_231 : vector<1x16xf32> to vector<16xf32>
        %get3A_233 = arith.index_cast %scan3A_132 : i32 to index
        %get3A_234 = arith.constant 112 : index
        %get3A_235 = tpu.vector_load %arg12[%get3A_233, %get3A_234] {strides = array<i32>} : memref<64x256xf32, #tpu.memory_space<vmem>>, vector<1x16xf32>,
        %get3A_236 = vector.shape_cast %get3A_235 : vector<1x16xf32> to vector<16xf32>
        %add3A_237 = arith.addf %get3A_232, %get3A_236 : vector<16xf32>
        %swap3A_238 = arith.index_cast %scan3A_132 : i32 to index
        %swap3A_239 = arith.constant 112 : index
        %swap3A_240 = tpu.vector_load %arg11[%swap3A_238, %swap3A_239] {strides = array<i32>} : memref<64x256xf32, #tpu.memory_space<vmem>>, vector<1x16xf32>,
        %swap3A_241 = vector.shape_cast %swap3A_240 : vector<1x16xf32> to vector<16xf32>
        %swap3A_242 = vector.shape_cast %add3A_237 : vector<16xf32> to vector<1x16xf32>
        tpu.vector_store %arg11[%swap3A_238, %swap3A_239], %swap3A_242 {strides = array<i32>} : memref<64x256xf32, #tpu.memory_space<vmem>>, vector<1x16xf32>,
        %get3A_243 = arith.index_cast %scan3A_132 : i32 to index
        %get3A_244 = arith.constant 128 : index
        %get3A_245 = tpu.vector_load %arg11[%get3A_243, %get3A_244] {strides = array<i32>} : memref<64x256xf32, #tpu.memory_space<vmem>>, vector<1x16xf32>,
        %get3A_246 = vector.shape_cast %get3A_245 : vector<1x16xf32> to vector<16xf32>
        %get3A_247 = arith.index_cast %scan3A_132 : i32 to index
        %get3A_248 = arith.constant 128 : index
        %get3A_249 = tpu.vector_load %arg12[%get3A_247, %get3A_248] {strides = array<i32>} : memref<64x256xf32, #tpu.memory_space<vmem>>, vector<1x16xf32>,
        %get3A_250 = vector.shape_cast %get3A_249 : vector<1x16xf32> to vector<16xf32>
        %add3A_251 = arith.addf %get3A_246, %get3A_250 : vector<16xf32>
        %swap3A_252 = arith.index_cast %scan3A_132 : i32 to index
        %swap3A_253 = arith.constant 128 : index
        %swap3A_254 = tpu.vector_load %arg11[%swap3A_252, %swap3A_253] {strides = array<i32>} : memref<64x256xf32, #tpu.memory_space<vmem>>, vector<1x16xf32>,
        %swap3A_255 = vector.shape_cast %swap3A_254 : vector<1x16xf32> to vector<16xf32>
        %swap3A_256 = vector.shape_cast %add3A_251 : vector<16xf32> to vector<1x16xf32>
        tpu.vector_store %arg11[%swap3A_252, %swap3A_253], %swap3A_256 {strides = array<i32>} : memref<64x256xf32, #tpu.memory_space<vmem>>, vector<1x16xf32>,
      }
      %scan3A_122 = arith.constant 64 : i32
      %mul3A_123 = arith.constant 160 : i32
      %mul3A_124 = arith.muli %add3A, %mul3A_123 : i32
      %add3A_125 = arith.addi %mul3A_124, %add3A_87 : i32
      %mul3A_126 = arith.constant 64 : i32
      %mul3A_127 = arith.muli %add3A_125, %mul3A_126 : i32
      %dma_start3A_128 = arith.constant 0 : i32
      %dma_start3A_129 = tpu.memref_slice %arg6[%mul3A_127, %dma_start3A_128] : memref<327680x256xf32, #tpu.memory_space<hbm>> -> memref<64x256xf32, #tpu.memory_space<hbm>>
      %dma_start3A_130 = arith.constant 0 : i32
      %dma_start3A_131 = tpu.memref_slice %arg6[%mul3A_127, %dma_start3A_130] : memref<327680x256xf32, #tpu.memory_space<hbm>> -> memref<64x256xf32, #tpu.memory_space<hbm>>
      tpu.enqueue_dma source(%arg11 : memref<64x256xf32, #tpu.memory_space<vmem>>) target(%dma_start3A_131 : memref<64x256xf32, #tpu.memory_space<hbm>>) target_semaphore(%arg18 : memref<!tpu.dma_semaphore, #tpu.memory_space<semaphore_mem>>)
    }
    %scan3A_22 = arith.constant 80 : i32
    %mul3A_23 = arith.constant 160 : i32
    %mul3A_24 = arith.muli %add3A, %mul3A_23 : i32
    %add3A_25 = arith.constant 158 : i32
    %add3A_26 = arith.addi %mul3A_24, %add3A_25 : i32
    %mul3A_27 = arith.constant 64 : i32
    %mul3A_28 = arith.muli %add3A_26, %mul3A_27 : i32
    %dma_wait3A = arith.constant 0 : i32
    %dma_wait3A_29 = tpu.memref_slice %arg6[%mul3A_28, %dma_wait3A] : memref<327680x256xf32, #tpu.memory_space<hbm>> -> memref<64x256xf32, #tpu.memory_space<hbm>>
    %dma_wait3A_30 = arith.constant 0 : i32
    %dma_wait3A_31 = tpu.memref_slice %arg6[%mul3A_28, %dma_wait3A_30] : memref<327680x256xf32, #tpu.memory_space<hbm>> -> memref<64x256xf32, #tpu.memory_space<hbm>>
    tpu.wait_dma2 semaphore(%arg17 : memref<!tpu.dma_semaphore, #tpu.memory_space<semaphore_mem>>) src(%arg9 : memref<64x256xf32, #tpu.memory_space<vmem>>) dst(%dma_wait3A_31 : memref<64x256xf32, #tpu.memory_space<hbm>>)
    %mul3A_32 = arith.constant 160 : i32
    %mul3A_33 = arith.muli %add3A, %mul3A_32 : i32
    %add3A_34 = arith.constant 159 : i32
    %add3A_35 = arith.addi %mul3A_33, %add3A_34 : i32
    %mul3A_36 = arith.constant 64 : i32
    %mul3A_37 = arith.muli %add3A_35, %mul3A_36 : i32
    %dma_wait3A_38 = arith.constant 0 : i32
    %dma_wait3A_39 = tpu.memref_slice %arg6[%mul3A_37, %dma_wait3A_38] : memref<327680x256xf32, #tpu.memory_space<hbm>> -> memref<64x256xf32, #tpu.memory_space<hbm>>
    %dma_wait3A_40 = arith.constant 0 : i32
    %dma_wait3A_41 = tpu.memref_slice %arg6[%mul3A_37, %dma_wait3A_40] : memref<327680x256xf32, #tpu.memory_space<hbm>> -> memref<64x256xf32, #tpu.memory_space<hbm>>
    tpu.wait_dma2 semaphore(%arg18 : memref<!tpu.dma_semaphore, #tpu.memory_space<semaphore_mem>>) src(%arg11 : memref<64x256xf32, #tpu.memory_space<vmem>>) dst(%dma_wait3A_41 : memref<64x256xf32, #tpu.memory_space<hbm>>)
    return
  }
}

#map = affine_map<(d0, d1) -> (0, 0)>
module attributes {stable_mosaic.version = 14 : i64} {
  func.func @_sc_scatter_body(%arg0: i32, %arg1: i32, %arg2: memref<327680x128xf32, #tpu.memory_space<hbm>>, %arg3: memref<2560x128xi32, #tpu.memory_space<hbm>>, %arg4: memref<10112x128xf32, #tpu.memory_space<hbm>>, %arg5: memref<10112x128xf32, #tpu.memory_space<hbm>>, %arg6: memref<80x128xi32, #tpu.memory_space<vmem>>, %arg7: memref<128x128xf32, #tpu.memory_space<vmem>>, %arg8: memref<128x128xf32, #tpu.memory_space<vmem>>, %arg9: memref<10112x128xf32, #tpu.memory_space<vmem_shared>>, %arg10: memref<!tpu.dma_semaphore, #tpu.memory_space<semaphore_mem>>, %arg11: memref<!tpu.dma_semaphore, #tpu.memory_space<semaphore_mem>>) attributes {dimension_semantics = [#tpu.dimension_semantics<core_parallel>, #tpu.dimension_semantics<subcore_parallel>], iteration_bounds = array<i64: 2, 16>, scalar_prefetch = 0 : i64, scratch_operands = 6 : i64, tpu.core_type = #tpu.core_type<sc_vector_subcore>, window_params = [{transform_indices = #map}, {transform_indices = #map}, {transform_indices = #map}, {transform_indices = #map}]} {
    %mul3A = arith.constant 16 : i32
    %mul3A_0 = arith.muli %arg0, %mul3A : i32
    %add3A = arith.addi %mul3A_0, %arg1 : i32
    %scan3A = arith.constant 0 : i32
    %scan3A_1 = arith.constant 0 : i32
    %scan3A_2 = arith.constant 128 : i32
    %scan3A_3 = arith.addi %scan3A_1, %scan3A_2 : i32
    %scan3A_4 = arith.constant 1 : i32
    scf.for %scan3A_43 = %scan3A_1 to %scan3A_3 step %scan3A_4  : i32 {
      %broadcast_in_dim3A = arith.constant 0.000000e+00 : f32
      %broadcast_in_dim3A_44 = vector.broadcast %broadcast_in_dim3A : f32 to vector<16xf32>
      %swap3A = arith.index_cast %scan3A_43 : i32 to index
      %swap3A_45 = arith.constant 0 : index
      %swap3A_46 = tpu.vector_load %arg7[%swap3A, %swap3A_45] {strides = array<i32>} : memref<128x128xf32, #tpu.memory_space<vmem>>, vector<1x16xf32>,
      %swap3A_47 = vector.shape_cast %swap3A_46 : vector<1x16xf32> to vector<16xf32>
      %swap3A_48 = vector.shape_cast %broadcast_in_dim3A_44 : vector<16xf32> to vector<1x16xf32>
      tpu.vector_store %arg7[%swap3A, %swap3A_45], %swap3A_48 {strides = array<i32>} : memref<128x128xf32, #tpu.memory_space<vmem>>, vector<1x16xf32>,
      %broadcast_in_dim3A_49 = arith.constant 0.000000e+00 : f32
      %broadcast_in_dim3A_50 = vector.broadcast %broadcast_in_dim3A_49 : f32 to vector<16xf32>
      %swap3A_51 = arith.index_cast %scan3A_43 : i32 to index
      %swap3A_52 = arith.constant 16 : index
      %swap3A_53 = tpu.vector_load %arg7[%swap3A_51, %swap3A_52] {strides = array<i32>} : memref<128x128xf32, #tpu.memory_space<vmem>>, vector<1x16xf32>,
      %swap3A_54 = vector.shape_cast %swap3A_53 : vector<1x16xf32> to vector<16xf32>
      %swap3A_55 = vector.shape_cast %broadcast_in_dim3A_50 : vector<16xf32> to vector<1x16xf32>
      tpu.vector_store %arg7[%swap3A_51, %swap3A_52], %swap3A_55 {strides = array<i32>} : memref<128x128xf32, #tpu.memory_space<vmem>>, vector<1x16xf32>,
      %broadcast_in_dim3A_56 = arith.constant 0.000000e+00 : f32
      %broadcast_in_dim3A_57 = vector.broadcast %broadcast_in_dim3A_56 : f32 to vector<16xf32>
      %swap3A_58 = arith.index_cast %scan3A_43 : i32 to index
      %swap3A_59 = arith.constant 32 : index
      %swap3A_60 = tpu.vector_load %arg7[%swap3A_58, %swap3A_59] {strides = array<i32>} : memref<128x128xf32, #tpu.memory_space<vmem>>, vector<1x16xf32>,
      %swap3A_61 = vector.shape_cast %swap3A_60 : vector<1x16xf32> to vector<16xf32>
      %swap3A_62 = vector.shape_cast %broadcast_in_dim3A_57 : vector<16xf32> to vector<1x16xf32>
      tpu.vector_store %arg7[%swap3A_58, %swap3A_59], %swap3A_62 {strides = array<i32>} : memref<128x128xf32, #tpu.memory_space<vmem>>, vector<1x16xf32>,
      %broadcast_in_dim3A_63 = arith.constant 0.000000e+00 : f32
      %broadcast_in_dim3A_64 = vector.broadcast %broadcast_in_dim3A_63 : f32 to vector<16xf32>
      %swap3A_65 = arith.index_cast %scan3A_43 : i32 to index
      %swap3A_66 = arith.constant 48 : index
      %swap3A_67 = tpu.vector_load %arg7[%swap3A_65, %swap3A_66] {strides = array<i32>} : memref<128x128xf32, #tpu.memory_space<vmem>>, vector<1x16xf32>,
      %swap3A_68 = vector.shape_cast %swap3A_67 : vector<1x16xf32> to vector<16xf32>
      %swap3A_69 = vector.shape_cast %broadcast_in_dim3A_64 : vector<16xf32> to vector<1x16xf32>
      tpu.vector_store %arg7[%swap3A_65, %swap3A_66], %swap3A_69 {strides = array<i32>} : memref<128x128xf32, #tpu.memory_space<vmem>>, vector<1x16xf32>,
      %broadcast_in_dim3A_70 = arith.constant 0.000000e+00 : f32
      %broadcast_in_dim3A_71 = vector.broadcast %broadcast_in_dim3A_70 : f32 to vector<16xf32>
      %swap3A_72 = arith.index_cast %scan3A_43 : i32 to index
      %swap3A_73 = arith.constant 64 : index
      %swap3A_74 = tpu.vector_load %arg7[%swap3A_72, %swap3A_73] {strides = array<i32>} : memref<128x128xf32, #tpu.memory_space<vmem>>, vector<1x16xf32>,
      %swap3A_75 = vector.shape_cast %swap3A_74 : vector<1x16xf32> to vector<16xf32>
      %swap3A_76 = vector.shape_cast %broadcast_in_dim3A_71 : vector<16xf32> to vector<1x16xf32>
      tpu.vector_store %arg7[%swap3A_72, %swap3A_73], %swap3A_76 {strides = array<i32>} : memref<128x128xf32, #tpu.memory_space<vmem>>, vector<1x16xf32>,
      %broadcast_in_dim3A_77 = arith.constant 0.000000e+00 : f32
      %broadcast_in_dim3A_78 = vector.broadcast %broadcast_in_dim3A_77 : f32 to vector<16xf32>
      %swap3A_79 = arith.index_cast %scan3A_43 : i32 to index
      %swap3A_80 = arith.constant 80 : index
      %swap3A_81 = tpu.vector_load %arg7[%swap3A_79, %swap3A_80] {strides = array<i32>} : memref<128x128xf32, #tpu.memory_space<vmem>>, vector<1x16xf32>,
      %swap3A_82 = vector.shape_cast %swap3A_81 : vector<1x16xf32> to vector<16xf32>
      %swap3A_83 = vector.shape_cast %broadcast_in_dim3A_78 : vector<16xf32> to vector<1x16xf32>
      tpu.vector_store %arg7[%swap3A_79, %swap3A_80], %swap3A_83 {strides = array<i32>} : memref<128x128xf32, #tpu.memory_space<vmem>>, vector<1x16xf32>,
      %broadcast_in_dim3A_84 = arith.constant 0.000000e+00 : f32
      %broadcast_in_dim3A_85 = vector.broadcast %broadcast_in_dim3A_84 : f32 to vector<16xf32>
      %swap3A_86 = arith.index_cast %scan3A_43 : i32 to index
      %swap3A_87 = arith.constant 96 : index
      %swap3A_88 = tpu.vector_load %arg7[%swap3A_86, %swap3A_87] {strides = array<i32>} : memref<128x128xf32, #tpu.memory_space<vmem>>, vector<1x16xf32>,
      %swap3A_89 = vector.shape_cast %swap3A_88 : vector<1x16xf32> to vector<16xf32>
      %swap3A_90 = vector.shape_cast %broadcast_in_dim3A_85 : vector<16xf32> to vector<1x16xf32>
      tpu.vector_store %arg7[%swap3A_86, %swap3A_87], %swap3A_90 {strides = array<i32>} : memref<128x128xf32, #tpu.memory_space<vmem>>, vector<1x16xf32>,
      %broadcast_in_dim3A_91 = arith.constant 0.000000e+00 : f32
      %broadcast_in_dim3A_92 = vector.broadcast %broadcast_in_dim3A_91 : f32 to vector<16xf32>
      %swap3A_93 = arith.index_cast %scan3A_43 : i32 to index
      %swap3A_94 = arith.constant 112 : index
      %swap3A_95 = tpu.vector_load %arg7[%swap3A_93, %swap3A_94] {strides = array<i32>} : memref<128x128xf32, #tpu.memory_space<vmem>>, vector<1x16xf32>,
      %swap3A_96 = vector.shape_cast %swap3A_95 : vector<1x16xf32> to vector<16xf32>
      %swap3A_97 = vector.shape_cast %broadcast_in_dim3A_92 : vector<16xf32> to vector<1x16xf32>
      tpu.vector_store %arg7[%swap3A_93, %swap3A_94], %swap3A_97 {strides = array<i32>} : memref<128x128xf32, #tpu.memory_space<vmem>>, vector<1x16xf32>,
    }
    %scan3A_5 = arith.constant 128 : i32
    %mul3A_6 = arith.constant 632 : i32
    %mul3A_7 = arith.muli %arg1, %mul3A_6 : i32
    %add3A_8 = arith.constant 0 : i32
    %add3A_9 = arith.addi %mul3A_7, %add3A_8 : i32
    "tpu.region"() ({
      %run_scoped3A = tpu.sem_alloc : memref<!tpu.dma_semaphore, #tpu.memory_space<semaphore_mem>>
      %dma_start3A_43 = arith.constant 0 : i32
      %dma_start3A_44 = tpu.memref_slice %arg9[%add3A_9, %dma_start3A_43] : memref<10112x128xf32, #tpu.memory_space<vmem_shared>> -> memref<128x128xf32, #tpu.memory_space<vmem_shared>>
      %dma_start3A_45 = arith.constant 0 : i32
      %dma_start3A_46 = tpu.memref_slice %arg9[%add3A_9, %dma_start3A_45] : memref<10112x128xf32, #tpu.memory_space<vmem_shared>> -> memref<128x128xf32, #tpu.memory_space<vmem_shared>>
      tpu.enqueue_dma source(%arg7 : memref<128x128xf32, #tpu.memory_space<vmem>>) target(%dma_start3A_46 : memref<128x128xf32, #tpu.memory_space<vmem_shared>>) target_semaphore(%run_scoped3A : memref<!tpu.dma_semaphore, #tpu.memory_space<semaphore_mem>>)
      %dma_wait3A = arith.constant 0 : i32
      %dma_wait3A_47 = tpu.memref_slice %arg9[%add3A_9, %dma_wait3A] : memref<10112x128xf32, #tpu.memory_space<vmem_shared>> -> memref<128x128xf32, #tpu.memory_space<vmem_shared>>
      %dma_wait3A_48 = arith.constant 0 : i32
      %dma_wait3A_49 = tpu.memref_slice %arg9[%add3A_9, %dma_wait3A_48] : memref<10112x128xf32, #tpu.memory_space<vmem_shared>> -> memref<128x128xf32, #tpu.memory_space<vmem_shared>>
      tpu.wait_dma2 semaphore(%run_scoped3A : memref<!tpu.dma_semaphore, #tpu.memory_space<semaphore_mem>>) src(%arg7 : memref<128x128xf32, #tpu.memory_space<vmem>>) dst(%dma_wait3A_49 : memref<128x128xf32, #tpu.memory_space<vmem_shared>>)
      tpu.yield
    }) : () -> ()
    %add3A_10 = arith.constant 128 : i32
    %add3A_11 = arith.addi %mul3A_7, %add3A_10 : i32
    "tpu.region"() ({
      %run_scoped3A = tpu.sem_alloc : memref<!tpu.dma_semaphore, #tpu.memory_space<semaphore_mem>>
      %dma_start3A_43 = arith.constant 0 : i32
      %dma_start3A_44 = tpu.memref_slice %arg9[%add3A_11, %dma_start3A_43] : memref<10112x128xf32, #tpu.memory_space<vmem_shared>> -> memref<128x128xf32, #tpu.memory_space<vmem_shared>>
      %dma_start3A_45 = arith.constant 0 : i32
      %dma_start3A_46 = tpu.memref_slice %arg9[%add3A_11, %dma_start3A_45] : memref<10112x128xf32, #tpu.memory_space<vmem_shared>> -> memref<128x128xf32, #tpu.memory_space<vmem_shared>>
      tpu.enqueue_dma source(%arg7 : memref<128x128xf32, #tpu.memory_space<vmem>>) target(%dma_start3A_46 : memref<128x128xf32, #tpu.memory_space<vmem_shared>>) target_semaphore(%run_scoped3A : memref<!tpu.dma_semaphore, #tpu.memory_space<semaphore_mem>>)
      %dma_wait3A = arith.constant 0 : i32
      %dma_wait3A_47 = tpu.memref_slice %arg9[%add3A_11, %dma_wait3A] : memref<10112x128xf32, #tpu.memory_space<vmem_shared>> -> memref<128x128xf32, #tpu.memory_space<vmem_shared>>
      %dma_wait3A_48 = arith.constant 0 : i32
      %dma_wait3A_49 = tpu.memref_slice %arg9[%add3A_11, %dma_wait3A_48] : memref<10112x128xf32, #tpu.memory_space<vmem_shared>> -> memref<128x128xf32, #tpu.memory_space<vmem_shared>>
      tpu.wait_dma2 semaphore(%run_scoped3A : memref<!tpu.dma_semaphore, #tpu.memory_space<semaphore_mem>>) src(%arg7 : memref<128x128xf32, #tpu.memory_space<vmem>>) dst(%dma_wait3A_49 : memref<128x128xf32, #tpu.memory_space<vmem_shared>>)
      tpu.yield
    }) : () -> ()
    %add3A_12 = arith.constant 256 : i32
    %add3A_13 = arith.addi %mul3A_7, %add3A_12 : i32
    "tpu.region"() ({
      %run_scoped3A = tpu.sem_alloc : memref<!tpu.dma_semaphore, #tpu.memory_space<semaphore_mem>>
      %dma_start3A_43 = arith.constant 0 : i32
      %dma_start3A_44 = tpu.memref_slice %arg9[%add3A_13, %dma_start3A_43] : memref<10112x128xf32, #tpu.memory_space<vmem_shared>> -> memref<128x128xf32, #tpu.memory_space<vmem_shared>>
      %dma_start3A_45 = arith.constant 0 : i32
      %dma_start3A_46 = tpu.memref_slice %arg9[%add3A_13, %dma_start3A_45] : memref<10112x128xf32, #tpu.memory_space<vmem_shared>> -> memref<128x128xf32, #tpu.memory_space<vmem_shared>>
      tpu.enqueue_dma source(%arg7 : memref<128x128xf32, #tpu.memory_space<vmem>>) target(%dma_start3A_46 : memref<128x128xf32, #tpu.memory_space<vmem_shared>>) target_semaphore(%run_scoped3A : memref<!tpu.dma_semaphore, #tpu.memory_space<semaphore_mem>>)
      %dma_wait3A = arith.constant 0 : i32
      %dma_wait3A_47 = tpu.memref_slice %arg9[%add3A_13, %dma_wait3A] : memref<10112x128xf32, #tpu.memory_space<vmem_shared>> -> memref<128x128xf32, #tpu.memory_space<vmem_shared>>
      %dma_wait3A_48 = arith.constant 0 : i32
      %dma_wait3A_49 = tpu.memref_slice %arg9[%add3A_13, %dma_wait3A_48] : memref<10112x128xf32, #tpu.memory_space<vmem_shared>> -> memref<128x128xf32, #tpu.memory_space<vmem_shared>>
      tpu.wait_dma2 semaphore(%run_scoped3A : memref<!tpu.dma_semaphore, #tpu.memory_space<semaphore_mem>>) src(%arg7 : memref<128x128xf32, #tpu.memory_space<vmem>>) dst(%dma_wait3A_49 : memref<128x128xf32, #tpu.memory_space<vmem_shared>>)
      tpu.yield
    }) : () -> ()
    %add3A_14 = arith.constant 384 : i32
    %add3A_15 = arith.addi %mul3A_7, %add3A_14 : i32
    "tpu.region"() ({
      %run_scoped3A = tpu.sem_alloc : memref<!tpu.dma_semaphore, #tpu.memory_space<semaphore_mem>>
      %dma_start3A_43 = arith.constant 0 : i32
      %dma_start3A_44 = tpu.memref_slice %arg9[%add3A_15, %dma_start3A_43] : memref<10112x128xf32, #tpu.memory_space<vmem_shared>> -> memref<128x128xf32, #tpu.memory_space<vmem_shared>>
      %dma_start3A_45 = arith.constant 0 : i32
      %dma_start3A_46 = tpu.memref_slice %arg9[%add3A_15, %dma_start3A_45] : memref<10112x128xf32, #tpu.memory_space<vmem_shared>> -> memref<128x128xf32, #tpu.memory_space<vmem_shared>>
      tpu.enqueue_dma source(%arg7 : memref<128x128xf32, #tpu.memory_space<vmem>>) target(%dma_start3A_46 : memref<128x128xf32, #tpu.memory_space<vmem_shared>>) target_semaphore(%run_scoped3A : memref<!tpu.dma_semaphore, #tpu.memory_space<semaphore_mem>>)
      %dma_wait3A = arith.constant 0 : i32
      %dma_wait3A_47 = tpu.memref_slice %arg9[%add3A_15, %dma_wait3A] : memref<10112x128xf32, #tpu.memory_space<vmem_shared>> -> memref<128x128xf32, #tpu.memory_space<vmem_shared>>
      %dma_wait3A_48 = arith.constant 0 : i32
      %dma_wait3A_49 = tpu.memref_slice %arg9[%add3A_15, %dma_wait3A_48] : memref<10112x128xf32, #tpu.memory_space<vmem_shared>> -> memref<128x128xf32, #tpu.memory_space<vmem_shared>>
      tpu.wait_dma2 semaphore(%run_scoped3A : memref<!tpu.dma_semaphore, #tpu.memory_space<semaphore_mem>>) src(%arg7 : memref<128x128xf32, #tpu.memory_space<vmem>>) dst(%dma_wait3A_49 : memref<128x128xf32, #tpu.memory_space<vmem_shared>>)
      tpu.yield
    }) : () -> ()
    %add3A_16 = arith.constant 512 : i32
    %add3A_17 = arith.addi %mul3A_7, %add3A_16 : i32
    "tpu.region"() ({
      %run_scoped3A = tpu.sem_alloc : memref<!tpu.dma_semaphore, #tpu.memory_space<semaphore_mem>>
      %dma_start3A_43 = arith.constant 0 : i32
      %dma_start3A_44 = arith.constant 0 : i32
      %dma_start3A_45 = tpu.memref_slice %arg7[%dma_start3A_43, %dma_start3A_44] : memref<128x128xf32, #tpu.memory_space<vmem>> -> memref<120x128xf32, #tpu.memory_space<vmem>>
      %dma_start3A_46 = arith.constant 0 : i32
      %dma_start3A_47 = tpu.memref_slice %arg9[%add3A_17, %dma_start3A_46] : memref<10112x128xf32, #tpu.memory_space<vmem_shared>> -> memref<120x128xf32, #tpu.memory_space<vmem_shared>>
      %dma_start3A_48 = arith.constant 0 : i32
      %dma_start3A_49 = tpu.memref_slice %arg9[%add3A_17, %dma_start3A_48] : memref<10112x128xf32, #tpu.memory_space<vmem_shared>> -> memref<120x128xf32, #tpu.memory_space<vmem_shared>>
      %dma_start3A_50 = arith.constant 0 : i32
      %dma_start3A_51 = arith.constant 0 : i32
      %dma_start3A_52 = tpu.memref_slice %arg7[%dma_start3A_50, %dma_start3A_51] : memref<128x128xf32, #tpu.memory_space<vmem>> -> memref<120x128xf32, #tpu.memory_space<vmem>>
      tpu.enqueue_dma source(%dma_start3A_52 : memref<120x128xf32, #tpu.memory_space<vmem>>) target(%dma_start3A_49 : memref<120x128xf32, #tpu.memory_space<vmem_shared>>) target_semaphore(%run_scoped3A : memref<!tpu.dma_semaphore, #tpu.memory_space<semaphore_mem>>)
      %dma_wait3A = arith.constant 0 : i32
      %dma_wait3A_53 = arith.constant 0 : i32
      %dma_wait3A_54 = tpu.memref_slice %arg7[%dma_wait3A, %dma_wait3A_53] : memref<128x128xf32, #tpu.memory_space<vmem>> -> memref<120x128xf32, #tpu.memory_space<vmem>>
      %dma_wait3A_55 = arith.constant 0 : i32
      %dma_wait3A_56 = tpu.memref_slice %arg9[%add3A_17, %dma_wait3A_55] : memref<10112x128xf32, #tpu.memory_space<vmem_shared>> -> memref<120x128xf32, #tpu.memory_space<vmem_shared>>
      %dma_wait3A_57 = arith.constant 0 : i32
      %dma_wait3A_58 = tpu.memref_slice %arg9[%add3A_17, %dma_wait3A_57] : memref<10112x128xf32, #tpu.memory_space<vmem_shared>> -> memref<120x128xf32, #tpu.memory_space<vmem_shared>>
      %dma_wait3A_59 = arith.constant 0 : i32
      %dma_wait3A_60 = arith.constant 0 : i32
      %dma_wait3A_61 = tpu.memref_slice %arg7[%dma_wait3A_59, %dma_wait3A_60] : memref<128x128xf32, #tpu.memory_space<vmem>> -> memref<120x128xf32, #tpu.memory_space<vmem>>
      tpu.wait_dma2 semaphore(%run_scoped3A : memref<!tpu.dma_semaphore, #tpu.memory_space<semaphore_mem>>) src(%dma_wait3A_61 : memref<120x128xf32, #tpu.memory_space<vmem>>) dst(%dma_wait3A_58 : memref<120x128xf32, #tpu.memory_space<vmem_shared>>)
      tpu.yield
    }) : () -> ()
    %mul3A_18 = arith.constant 80 : i32
    %mul3A_19 = arith.muli %add3A, %mul3A_18 : i32
    "tpu.region"() ({
      %run_scoped3A = tpu.sem_alloc : memref<!tpu.dma_semaphore, #tpu.memory_space<semaphore_mem>>
      %dma_start3A_43 = arith.constant 0 : i32
      %dma_start3A_44 = tpu.memref_slice %arg3[%mul3A_19, %dma_start3A_43] : memref<2560x128xi32, #tpu.memory_space<hbm>> -> memref<80x128xi32, #tpu.memory_space<hbm>>
      %dma_start3A_45 = arith.constant 0 : i32
      %dma_start3A_46 = tpu.memref_slice %arg3[%mul3A_19, %dma_start3A_45] : memref<2560x128xi32, #tpu.memory_space<hbm>> -> memref<80x128xi32, #tpu.memory_space<hbm>>
      tpu.enqueue_dma source(%dma_start3A_46 : memref<80x128xi32, #tpu.memory_space<hbm>>) target(%arg6 : memref<80x128xi32, #tpu.memory_space<vmem>>) target_semaphore(%run_scoped3A : memref<!tpu.dma_semaphore, #tpu.memory_space<semaphore_mem>>)
      %dma_wait3A = arith.constant 0 : i32
      %dma_wait3A_47 = tpu.memref_slice %arg3[%mul3A_19, %dma_wait3A] : memref<2560x128xi32, #tpu.memory_space<hbm>> -> memref<80x128xi32, #tpu.memory_space<hbm>>
      %dma_wait3A_48 = arith.constant 0 : i32
      %dma_wait3A_49 = tpu.memref_slice %arg3[%mul3A_19, %dma_wait3A_48] : memref<2560x128xi32, #tpu.memory_space<hbm>> -> memref<80x128xi32, #tpu.memory_space<hbm>>
      tpu.wait_dma2 semaphore(%run_scoped3A : memref<!tpu.dma_semaphore, #tpu.memory_space<semaphore_mem>>) src(%dma_wait3A_49 : memref<80x128xi32, #tpu.memory_space<hbm>>) dst(%arg6 : memref<80x128xi32, #tpu.memory_space<vmem>>)
      tpu.yield
    }) : () -> ()
    %barrier3A = arith.constant 0 : index
    tpu.barrier barrier_id(%barrier3A)
    %mul3A_20 = arith.constant 80 : i32
    %mul3A_21 = arith.muli %add3A, %mul3A_20 : i32
    %add3A_22 = arith.constant 0 : i32
    %add3A_23 = arith.addi %mul3A_21, %add3A_22 : i32
    %mul3A_24 = arith.constant 128 : i32
    %mul3A_25 = arith.muli %add3A_23, %mul3A_24 : i32
    %dma_start3A = arith.constant 0 : i32
    %dma_start3A_26 = tpu.memref_slice %arg2[%mul3A_25, %dma_start3A] : memref<327680x128xf32, #tpu.memory_space<hbm>> -> memref<128x128xf32, #tpu.memory_space<hbm>>
    %dma_start3A_27 = arith.constant 0 : i32
    %dma_start3A_28 = tpu.memref_slice %arg2[%mul3A_25, %dma_start3A_27] : memref<327680x128xf32, #tpu.memory_space<hbm>> -> memref<128x128xf32, #tpu.memory_space<hbm>>
    tpu.enqueue_dma source(%dma_start3A_28 : memref<128x128xf32, #tpu.memory_space<hbm>>) target(%arg7 : memref<128x128xf32, #tpu.memory_space<vmem>>) target_semaphore(%arg10 : memref<!tpu.dma_semaphore, #tpu.memory_space<semaphore_mem>>)
    %scan3A_29 = arith.constant 0 : i32
    %scan3A_30 = arith.constant 0 : i32
    %scan3A_31 = arith.constant 40 : i32
    %scan3A_32 = arith.addi %scan3A_30, %scan3A_31 : i32
    %scan3A_33 = arith.constant 1 : i32
    scf.for %scan3A_43 = %scan3A_30 to %scan3A_32 step %scan3A_33  : i32 {
      %mul3A_44 = arith.constant 2 : i32
      %mul3A_45 = arith.muli %mul3A_44, %scan3A_43 : i32
      %mul3A_46 = arith.constant 80 : i32
      %mul3A_47 = arith.muli %add3A, %mul3A_46 : i32
      %add3A_48 = arith.addi %mul3A_47, %mul3A_45 : i32
      %mul3A_49 = arith.constant 128 : i32
      %mul3A_50 = arith.muli %add3A_48, %mul3A_49 : i32
      %dma_wait3A = arith.constant 0 : i32
      %dma_wait3A_51 = tpu.memref_slice %arg2[%mul3A_50, %dma_wait3A] : memref<327680x128xf32, #tpu.memory_space<hbm>> -> memref<128x128xf32, #tpu.memory_space<hbm>>
      %dma_wait3A_52 = arith.constant 0 : i32
      %dma_wait3A_53 = tpu.memref_slice %arg2[%mul3A_50, %dma_wait3A_52] : memref<327680x128xf32, #tpu.memory_space<hbm>> -> memref<128x128xf32, #tpu.memory_space<hbm>>
      tpu.wait_dma2 semaphore(%arg10 : memref<!tpu.dma_semaphore, #tpu.memory_space<semaphore_mem>>) src(%dma_wait3A_53 : memref<128x128xf32, #tpu.memory_space<hbm>>) dst(%arg7 : memref<128x128xf32, #tpu.memory_space<vmem>>)
      %add3A_54 = arith.constant 1 : i32
      %add3A_55 = arith.addi %mul3A_45, %add3A_54 : i32
      %lt3A = arith.constant 80 : i32
      %lt3A_56 = arith.cmpi slt, %add3A_55, %lt3A : i32
      %convert_element_type3A_57 = arith.extui %lt3A_56 : i1 to i32
      %cond3A_58 = arith.constant 0 : i32
      %cond3A_59 = arith.cmpi ne, %convert_element_type3A_57, %cond3A_58 : i32
      scf.if %cond3A_59 {
        %add3A_80 = arith.constant 1 : i32
        %add3A_81 = arith.addi %mul3A_45, %add3A_80 : i32
        %mul3A_82 = arith.constant 80 : i32
        %mul3A_83 = arith.muli %add3A, %mul3A_82 : i32
        %add3A_84 = arith.addi %mul3A_83, %add3A_81 : i32
        %mul3A_85 = arith.constant 128 : i32
        %mul3A_86 = arith.muli %add3A_84, %mul3A_85 : i32
        %dma_start3A_87 = arith.constant 0 : i32
        %dma_start3A_88 = tpu.memref_slice %arg2[%mul3A_86, %dma_start3A_87] : memref<327680x128xf32, #tpu.memory_space<hbm>> -> memref<128x128xf32, #tpu.memory_space<hbm>>
        %dma_start3A_89 = arith.constant 0 : i32
        %dma_start3A_90 = tpu.memref_slice %arg2[%mul3A_86, %dma_start3A_89] : memref<327680x128xf32, #tpu.memory_space<hbm>> -> memref<128x128xf32, #tpu.memory_space<hbm>>
        tpu.enqueue_dma source(%dma_start3A_90 : memref<128x128xf32, #tpu.memory_space<hbm>>) target(%arg8 : memref<128x128xf32, #tpu.memory_space<vmem>>) target_semaphore(%arg11 : memref<!tpu.dma_semaphore, #tpu.memory_space<semaphore_mem>>)
      } else {
      }
      "tpu.region"() ({
        %run_scoped3A = tpu.sem_alloc : memref<!tpu.dma_semaphore, #tpu.memory_space<semaphore_mem>>
        %dma_start3A_80 = arith.constant 0 : i32
        %dma_start3A_81 = tpu.memref_slice %arg6[%mul3A_45, %dma_start3A_80] : memref<80x128xi32, #tpu.memory_space<vmem>> -> memref<1x128xi32, #tpu.memory_space<vmem>>
        %dma_start3A_82 = tpu.memref_squeeze %dma_start3A_81 : memref<1x128xi32, #tpu.memory_space<vmem>> -> memref<128xi32, #tpu.memory_space<vmem>>
        %dma_start3A_83 = arith.constant 0 : i32
        %dma_start3A_84 = arith.constant 0 : i32
        %dma_start3A_85 = tpu.memref_slice %arg9[%dma_start3A_83, %dma_start3A_84] : memref<10112x128xf32, #tpu.memory_space<vmem_shared>> -> memref<10112x128xf32, #tpu.memory_space<vmem_shared>>
        tpu.enqueue_indirect_dma source(%arg7 : memref<128x128xf32, #tpu.memory_space<vmem>>) target(%dma_start3A_85 : memref<10112x128xf32, #tpu.memory_space<vmem_shared>>) offsets(%dma_start3A_82 : memref<128xi32, #tpu.memory_space<vmem>>) semaphore(%run_scoped3A : memref<!tpu.dma_semaphore, #tpu.memory_space<semaphore_mem>>) {add = true}
        %dma_wait3A_86 = arith.constant 0 : i32
        %dma_wait3A_87 = tpu.memref_slice %arg6[%mul3A_45, %dma_wait3A_86] : memref<80x128xi32, #tpu.memory_space<vmem>> -> memref<1x128xi32, #tpu.memory_space<vmem>>
        %dma_wait3A_88 = tpu.memref_squeeze %dma_wait3A_87 : memref<1x128xi32, #tpu.memory_space<vmem>> -> memref<128xi32, #tpu.memory_space<vmem>>
        %dma_wait3A_89 = arith.constant 0 : i32
        %dma_wait3A_90 = arith.constant 0 : i32
        %dma_wait3A_91 = tpu.memref_slice %arg9[%dma_wait3A_89, %dma_wait3A_90] : memref<10112x128xf32, #tpu.memory_space<vmem_shared>> -> memref<10112x128xf32, #tpu.memory_space<vmem_shared>>
        tpu.wait_indirect_dma semaphore(%run_scoped3A : memref<!tpu.dma_semaphore, #tpu.memory_space<semaphore_mem>>) src(%arg7 : memref<128x128xf32, #tpu.memory_space<vmem>>) dst(%dma_wait3A_91 : memref<10112x128xf32, #tpu.memory_space<vmem_shared>>)
        tpu.yield
      }) : () -> ()
      %mul3A_60 = arith.constant 2 : i32
      %mul3A_61 = arith.muli %mul3A_60, %scan3A_43 : i32
      %add3A_62 = arith.constant 1 : i32
      %add3A_63 = arith.addi %mul3A_61, %add3A_62 : i32
      %mul3A_64 = arith.constant 80 : i32
      %mul3A_65 = arith.muli %add3A, %mul3A_64 : i32
      %add3A_66 = arith.addi %mul3A_65, %add3A_63 : i32
      %mul3A_67 = arith.constant 128 : i32
      %mul3A_68 = arith.muli %add3A_66, %mul3A_67 : i32
      %dma_wait3A_69 = arith.constant 0 : i32
      %dma_wait3A_70 = tpu.memref_slice %arg2[%mul3A_68, %dma_wait3A_69] : memref<327680x128xf32, #tpu.memory_space<hbm>> -> memref<128x128xf32, #tpu.memory_space<hbm>>
      %dma_wait3A_71 = arith.constant 0 : i32
      %dma_wait3A_72 = tpu.memref_slice %arg2[%mul3A_68, %dma_wait3A_71] : memref<327680x128xf32, #tpu.memory_space<hbm>> -> memref<128x128xf32, #tpu.memory_space<hbm>>
      tpu.wait_dma2 semaphore(%arg11 : memref<!tpu.dma_semaphore, #tpu.memory_space<semaphore_mem>>) src(%dma_wait3A_72 : memref<128x128xf32, #tpu.memory_space<hbm>>) dst(%arg8 : memref<128x128xf32, #tpu.memory_space<vmem>>)
      %add3A_73 = arith.constant 1 : i32
      %add3A_74 = arith.addi %add3A_63, %add3A_73 : i32
      %lt3A_75 = arith.constant 80 : i32
      %lt3A_76 = arith.cmpi slt, %add3A_74, %lt3A_75 : i32
      %convert_element_type3A_77 = arith.extui %lt3A_76 : i1 to i32
      %cond3A_78 = arith.constant 0 : i32
      %cond3A_79 = arith.cmpi ne, %convert_element_type3A_77, %cond3A_78 : i32
      scf.if %cond3A_79 {
        %add3A_80 = arith.constant 1 : i32
        %add3A_81 = arith.addi %add3A_63, %add3A_80 : i32
        %mul3A_82 = arith.constant 80 : i32
        %mul3A_83 = arith.muli %add3A, %mul3A_82 : i32
        %add3A_84 = arith.addi %mul3A_83, %add3A_81 : i32
        %mul3A_85 = arith.constant 128 : i32
        %mul3A_86 = arith.muli %add3A_84, %mul3A_85 : i32
        %dma_start3A_87 = arith.constant 0 : i32
        %dma_start3A_88 = tpu.memref_slice %arg2[%mul3A_86, %dma_start3A_87] : memref<327680x128xf32, #tpu.memory_space<hbm>> -> memref<128x128xf32, #tpu.memory_space<hbm>>
        %dma_start3A_89 = arith.constant 0 : i32
        %dma_start3A_90 = tpu.memref_slice %arg2[%mul3A_86, %dma_start3A_89] : memref<327680x128xf32, #tpu.memory_space<hbm>> -> memref<128x128xf32, #tpu.memory_space<hbm>>
        tpu.enqueue_dma source(%dma_start3A_90 : memref<128x128xf32, #tpu.memory_space<hbm>>) target(%arg7 : memref<128x128xf32, #tpu.memory_space<vmem>>) target_semaphore(%arg10 : memref<!tpu.dma_semaphore, #tpu.memory_space<semaphore_mem>>)
      } else {
      }
      "tpu.region"() ({
        %run_scoped3A = tpu.sem_alloc : memref<!tpu.dma_semaphore, #tpu.memory_space<semaphore_mem>>
        %dma_start3A_80 = arith.constant 0 : i32
        %dma_start3A_81 = tpu.memref_slice %arg6[%add3A_63, %dma_start3A_80] : memref<80x128xi32, #tpu.memory_space<vmem>> -> memref<1x128xi32, #tpu.memory_space<vmem>>
        %dma_start3A_82 = tpu.memref_squeeze %dma_start3A_81 : memref<1x128xi32, #tpu.memory_space<vmem>> -> memref<128xi32, #tpu.memory_space<vmem>>
        %dma_start3A_83 = arith.constant 0 : i32
        %dma_start3A_84 = arith.constant 0 : i32
        %dma_start3A_85 = tpu.memref_slice %arg9[%dma_start3A_83, %dma_start3A_84] : memref<10112x128xf32, #tpu.memory_space<vmem_shared>> -> memref<10112x128xf32, #tpu.memory_space<vmem_shared>>
        tpu.enqueue_indirect_dma source(%arg8 : memref<128x128xf32, #tpu.memory_space<vmem>>) target(%dma_start3A_85 : memref<10112x128xf32, #tpu.memory_space<vmem_shared>>) offsets(%dma_start3A_82 : memref<128xi32, #tpu.memory_space<vmem>>) semaphore(%run_scoped3A : memref<!tpu.dma_semaphore, #tpu.memory_space<semaphore_mem>>) {add = true}
        %dma_wait3A_86 = arith.constant 0 : i32
        %dma_wait3A_87 = tpu.memref_slice %arg6[%add3A_63, %dma_wait3A_86] : memref<80x128xi32, #tpu.memory_space<vmem>> -> memref<1x128xi32, #tpu.memory_space<vmem>>
        %dma_wait3A_88 = tpu.memref_squeeze %dma_wait3A_87 : memref<1x128xi32, #tpu.memory_space<vmem>> -> memref<128xi32, #tpu.memory_space<vmem>>
        %dma_wait3A_89 = arith.constant 0 : i32
        %dma_wait3A_90 = arith.constant 0 : i32
        %dma_wait3A_91 = tpu.memref_slice %arg9[%dma_wait3A_89, %dma_wait3A_90] : memref<10112x128xf32, #tpu.memory_space<vmem_shared>> -> memref<10112x128xf32, #tpu.memory_space<vmem_shared>>
        tpu.wait_indirect_dma semaphore(%run_scoped3A : memref<!tpu.dma_semaphore, #tpu.memory_space<semaphore_mem>>) src(%arg8 : memref<128x128xf32, #tpu.memory_space<vmem>>) dst(%dma_wait3A_91 : memref<10112x128xf32, #tpu.memory_space<vmem_shared>>)
        tpu.yield
      }) : () -> ()
    }
    %scan3A_34 = arith.constant 40 : i32
    %barrier3A_35 = arith.constant 0 : index
    tpu.barrier barrier_id(%barrier3A_35)
    %eq3A = arith.constant 0 : i32
    %eq3A_36 = arith.cmpi eq, %arg0, %eq3A : i32
    %convert_element_type3A = arith.extui %eq3A_36 : i1 to i32
    %cond3A = arith.constant 0 : i32
    %cond3A_37 = arith.cmpi ne, %convert_element_type3A, %cond3A : i32
    scf.if %cond3A_37 {
      "tpu.region"() ({
        %run_scoped3A = tpu.sem_alloc : memref<!tpu.dma_semaphore, #tpu.memory_space<semaphore_mem>>
        %dma_start3A_43 = arith.constant 0 : i32
        %dma_start3A_44 = tpu.memref_slice %arg4[%mul3A_7, %dma_start3A_43] : memref<10112x128xf32, #tpu.memory_space<hbm>> -> memref<632x128xf32, #tpu.memory_space<hbm>>
        %dma_start3A_45 = arith.constant 0 : i32
        %dma_start3A_46 = tpu.memref_slice %arg9[%mul3A_7, %dma_start3A_45] : memref<10112x128xf32, #tpu.memory_space<vmem_shared>> -> memref<632x128xf32, #tpu.memory_space<vmem_shared>>
        tpu.enqueue_dma source(%dma_start3A_46 : memref<632x128xf32, #tpu.memory_space<vmem_shared>>) target(%dma_start3A_44 : memref<632x128xf32, #tpu.memory_space<hbm>>) target_semaphore(%run_scoped3A : memref<!tpu.dma_semaphore, #tpu.memory_space<semaphore_mem>>)
        %dma_wait3A = arith.constant 0 : i32
        %dma_wait3A_47 = tpu.memref_slice %arg4[%mul3A_7, %dma_wait3A] : memref<10112x128xf32, #tpu.memory_space<hbm>> -> memref<632x128xf32, #tpu.memory_space<hbm>>
        %dma_wait3A_48 = arith.constant 0 : i32
        %dma_wait3A_49 = tpu.memref_slice %arg9[%mul3A_7, %dma_wait3A_48] : memref<10112x128xf32, #tpu.memory_space<vmem_shared>> -> memref<632x128xf32, #tpu.memory_space<vmem_shared>>
        tpu.wait_dma2 semaphore(%run_scoped3A : memref<!tpu.dma_semaphore, #tpu.memory_space<semaphore_mem>>) src(%dma_wait3A_49 : memref<632x128xf32, #tpu.memory_space<vmem_shared>>) dst(%dma_wait3A_47 : memref<632x128xf32, #tpu.memory_space<hbm>>)
        tpu.yield
      }) : () -> ()
    } else {
    }
    %eq3A_38 = arith.constant 1 : i32
    %eq3A_39 = arith.cmpi eq, %arg0, %eq3A_38 : i32
    %convert_element_type3A_40 = arith.extui %eq3A_39 : i1 to i32
    %cond3A_41 = arith.constant 0 : i32
    %cond3A_42 = arith.cmpi ne, %convert_element_type3A_40, %cond3A_41 : i32
    scf.if %cond3A_42 {
      "tpu.region"() ({
        %run_scoped3A = tpu.sem_alloc : memref<!tpu.dma_semaphore, #tpu.memory_space<semaphore_mem>>
        %dma_start3A_43 = arith.constant 0 : i32
        %dma_start3A_44 = tpu.memref_slice %arg5[%mul3A_7, %dma_start3A_43] : memref<10112x128xf32, #tpu.memory_space<hbm>> -> memref<632x128xf32, #tpu.memory_space<hbm>>
        %dma_start3A_45 = arith.constant 0 : i32
        %dma_start3A_46 = tpu.memref_slice %arg9[%mul3A_7, %dma_start3A_45] : memref<10112x128xf32, #tpu.memory_space<vmem_shared>> -> memref<632x128xf32, #tpu.memory_space<vmem_shared>>
        tpu.enqueue_dma source(%dma_start3A_46 : memref<632x128xf32, #tpu.memory_space<vmem_shared>>) target(%dma_start3A_44 : memref<632x128xf32, #tpu.memory_space<hbm>>) target_semaphore(%run_scoped3A : memref<!tpu.dma_semaphore, #tpu.memory_space<semaphore_mem>>)
        %dma_wait3A = arith.constant 0 : i32
        %dma_wait3A_47 = tpu.memref_slice %arg5[%mul3A_7, %dma_wait3A] : memref<10112x128xf32, #tpu.memory_space<hbm>> -> memref<632x128xf32, #tpu.memory_space<hbm>>
        %dma_wait3A_48 = arith.constant 0 : i32
        %dma_wait3A_49 = tpu.memref_slice %arg9[%mul3A_7, %dma_wait3A_48] : memref<10112x128xf32, #tpu.memory_space<vmem_shared>> -> memref<632x128xf32, #tpu.memory_space<vmem_shared>>
        tpu.wait_dma2 semaphore(%run_scoped3A : memref<!tpu.dma_semaphore, #tpu.memory_space<semaphore_mem>>) src(%dma_wait3A_49 : memref<632x128xf32, #tpu.memory_space<vmem_shared>>) dst(%dma_wait3A_47 : memref<632x128xf32, #tpu.memory_space<hbm>>)
        tpu.yield
      }) : () -> ()
    } else {
    }
    return
  }
}

#map = affine_map<(d0, d1) -> (0, 0)>
module attributes {stable_mosaic.version = 14 : i64} {
  func.func @_sc_scatter_body(%arg0: i32, %arg1: i32, %arg2: memref<327680x128xf32, #tpu.memory_space<hbm>>, %arg3: memref<2560x128xi32, #tpu.memory_space<hbm>>, %arg4: memref<10112x128xf32, #tpu.memory_space<hbm>>, %arg5: memref<10112x128xf32, #tpu.memory_space<hbm>>, %arg6: memref<80x128xi32, #tpu.memory_space<vmem>>, %arg7: memref<128x128xf32, #tpu.memory_space<vmem>>, %arg8: memref<128x128xf32, #tpu.memory_space<vmem>>, %arg9: memref<10112x128xf32, #tpu.memory_space<vmem_shared>>, %arg10: memref<!tpu.dma_semaphore, #tpu.memory_space<semaphore_mem>>, %arg11: memref<!tpu.dma_semaphore, #tpu.memory_space<semaphore_mem>>) attributes {dimension_semantics = [#tpu.dimension_semantics<core_parallel>, #tpu.dimension_semantics<subcore_parallel>], iteration_bounds = array<i64: 2, 16>, scalar_prefetch = 0 : i64, scratch_operands = 6 : i64, tpu.core_type = #tpu.core_type<sc_vector_subcore>, window_params = [{transform_indices = #map}, {transform_indices = #map}, {transform_indices = #map}, {transform_indices = #map}]} {
    %mul3A = arith.constant 16 : i32
    %mul3A_0 = arith.muli %arg0, %mul3A : i32
    %add3A = arith.addi %mul3A_0, %arg1 : i32
    %scan3A = arith.constant 0 : i32
    %scan3A_1 = arith.constant 0 : i32
    %scan3A_2 = arith.constant 128 : i32
    %scan3A_3 = arith.addi %scan3A_1, %scan3A_2 : i32
    %scan3A_4 = arith.constant 1 : i32
    scf.for %scan3A_43 = %scan3A_1 to %scan3A_3 step %scan3A_4  : i32 {
      %broadcast_in_dim3A = arith.constant 0.000000e+00 : f32
      %broadcast_in_dim3A_44 = vector.broadcast %broadcast_in_dim3A : f32 to vector<16xf32>
      %swap3A = arith.index_cast %scan3A_43 : i32 to index
      %swap3A_45 = arith.constant 0 : index
      %swap3A_46 = tpu.vector_load %arg7[%swap3A, %swap3A_45] {strides = array<i32>} : memref<128x128xf32, #tpu.memory_space<vmem>>, vector<1x16xf32>,
      %swap3A_47 = vector.shape_cast %swap3A_46 : vector<1x16xf32> to vector<16xf32>
      %swap3A_48 = vector.shape_cast %broadcast_in_dim3A_44 : vector<16xf32> to vector<1x16xf32>
      tpu.vector_store %arg7[%swap3A, %swap3A_45], %swap3A_48 {strides = array<i32>} : memref<128x128xf32, #tpu.memory_space<vmem>>, vector<1x16xf32>,
      %broadcast_in_dim3A_49 = arith.constant 0.000000e+00 : f32
      %broadcast_in_dim3A_50 = vector.broadcast %broadcast_in_dim3A_49 : f32 to vector<16xf32>
      %swap3A_51 = arith.index_cast %scan3A_43 : i32 to index
      %swap3A_52 = arith.constant 16 : index
      %swap3A_53 = tpu.vector_load %arg7[%swap3A_51, %swap3A_52] {strides = array<i32>} : memref<128x128xf32, #tpu.memory_space<vmem>>, vector<1x16xf32>,
      %swap3A_54 = vector.shape_cast %swap3A_53 : vector<1x16xf32> to vector<16xf32>
      %swap3A_55 = vector.shape_cast %broadcast_in_dim3A_50 : vector<16xf32> to vector<1x16xf32>
      tpu.vector_store %arg7[%swap3A_51, %swap3A_52], %swap3A_55 {strides = array<i32>} : memref<128x128xf32, #tpu.memory_space<vmem>>, vector<1x16xf32>,
      %broadcast_in_dim3A_56 = arith.constant 0.000000e+00 : f32
      %broadcast_in_dim3A_57 = vector.broadcast %broadcast_in_dim3A_56 : f32 to vector<16xf32>
      %swap3A_58 = arith.index_cast %scan3A_43 : i32 to index
      %swap3A_59 = arith.constant 32 : index
      %swap3A_60 = tpu.vector_load %arg7[%swap3A_58, %swap3A_59] {strides = array<i32>} : memref<128x128xf32, #tpu.memory_space<vmem>>, vector<1x16xf32>,
      %swap3A_61 = vector.shape_cast %swap3A_60 : vector<1x16xf32> to vector<16xf32>
      %swap3A_62 = vector.shape_cast %broadcast_in_dim3A_57 : vector<16xf32> to vector<1x16xf32>
      tpu.vector_store %arg7[%swap3A_58, %swap3A_59], %swap3A_62 {strides = array<i32>} : memref<128x128xf32, #tpu.memory_space<vmem>>, vector<1x16xf32>,
      %broadcast_in_dim3A_63 = arith.constant 0.000000e+00 : f32
      %broadcast_in_dim3A_64 = vector.broadcast %broadcast_in_dim3A_63 : f32 to vector<16xf32>
      %swap3A_65 = arith.index_cast %scan3A_43 : i32 to index
      %swap3A_66 = arith.constant 48 : index
      %swap3A_67 = tpu.vector_load %arg7[%swap3A_65, %swap3A_66] {strides = array<i32>} : memref<128x128xf32, #tpu.memory_space<vmem>>, vector<1x16xf32>,
      %swap3A_68 = vector.shape_cast %swap3A_67 : vector<1x16xf32> to vector<16xf32>
      %swap3A_69 = vector.shape_cast %broadcast_in_dim3A_64 : vector<16xf32> to vector<1x16xf32>
      tpu.vector_store %arg7[%swap3A_65, %swap3A_66], %swap3A_69 {strides = array<i32>} : memref<128x128xf32, #tpu.memory_space<vmem>>, vector<1x16xf32>,
      %broadcast_in_dim3A_70 = arith.constant 0.000000e+00 : f32
      %broadcast_in_dim3A_71 = vector.broadcast %broadcast_in_dim3A_70 : f32 to vector<16xf32>
      %swap3A_72 = arith.index_cast %scan3A_43 : i32 to index
      %swap3A_73 = arith.constant 64 : index
      %swap3A_74 = tpu.vector_load %arg7[%swap3A_72, %swap3A_73] {strides = array<i32>} : memref<128x128xf32, #tpu.memory_space<vmem>>, vector<1x16xf32>,
      %swap3A_75 = vector.shape_cast %swap3A_74 : vector<1x16xf32> to vector<16xf32>
      %swap3A_76 = vector.shape_cast %broadcast_in_dim3A_71 : vector<16xf32> to vector<1x16xf32>
      tpu.vector_store %arg7[%swap3A_72, %swap3A_73], %swap3A_76 {strides = array<i32>} : memref<128x128xf32, #tpu.memory_space<vmem>>, vector<1x16xf32>,
      %broadcast_in_dim3A_77 = arith.constant 0.000000e+00 : f32
      %broadcast_in_dim3A_78 = vector.broadcast %broadcast_in_dim3A_77 : f32 to vector<16xf32>
      %swap3A_79 = arith.index_cast %scan3A_43 : i32 to index
      %swap3A_80 = arith.constant 80 : index
      %swap3A_81 = tpu.vector_load %arg7[%swap3A_79, %swap3A_80] {strides = array<i32>} : memref<128x128xf32, #tpu.memory_space<vmem>>, vector<1x16xf32>,
      %swap3A_82 = vector.shape_cast %swap3A_81 : vector<1x16xf32> to vector<16xf32>
      %swap3A_83 = vector.shape_cast %broadcast_in_dim3A_78 : vector<16xf32> to vector<1x16xf32>
      tpu.vector_store %arg7[%swap3A_79, %swap3A_80], %swap3A_83 {strides = array<i32>} : memref<128x128xf32, #tpu.memory_space<vmem>>, vector<1x16xf32>,
      %broadcast_in_dim3A_84 = arith.constant 0.000000e+00 : f32
      %broadcast_in_dim3A_85 = vector.broadcast %broadcast_in_dim3A_84 : f32 to vector<16xf32>
      %swap3A_86 = arith.index_cast %scan3A_43 : i32 to index
      %swap3A_87 = arith.constant 96 : index
      %swap3A_88 = tpu.vector_load %arg7[%swap3A_86, %swap3A_87] {strides = array<i32>} : memref<128x128xf32, #tpu.memory_space<vmem>>, vector<1x16xf32>,
      %swap3A_89 = vector.shape_cast %swap3A_88 : vector<1x16xf32> to vector<16xf32>
      %swap3A_90 = vector.shape_cast %broadcast_in_dim3A_85 : vector<16xf32> to vector<1x16xf32>
      tpu.vector_store %arg7[%swap3A_86, %swap3A_87], %swap3A_90 {strides = array<i32>} : memref<128x128xf32, #tpu.memory_space<vmem>>, vector<1x16xf32>,
      %broadcast_in_dim3A_91 = arith.constant 0.000000e+00 : f32
      %broadcast_in_dim3A_92 = vector.broadcast %broadcast_in_dim3A_91 : f32 to vector<16xf32>
      %swap3A_93 = arith.index_cast %scan3A_43 : i32 to index
      %swap3A_94 = arith.constant 112 : index
      %swap3A_95 = tpu.vector_load %arg7[%swap3A_93, %swap3A_94] {strides = array<i32>} : memref<128x128xf32, #tpu.memory_space<vmem>>, vector<1x16xf32>,
      %swap3A_96 = vector.shape_cast %swap3A_95 : vector<1x16xf32> to vector<16xf32>
      %swap3A_97 = vector.shape_cast %broadcast_in_dim3A_92 : vector<16xf32> to vector<1x16xf32>
      tpu.vector_store %arg7[%swap3A_93, %swap3A_94], %swap3A_97 {strides = array<i32>} : memref<128x128xf32, #tpu.memory_space<vmem>>, vector<1x16xf32>,
    }
    %scan3A_5 = arith.constant 128 : i32
    %mul3A_6 = arith.constant 632 : i32
    %mul3A_7 = arith.muli %arg1, %mul3A_6 : i32
    %add3A_8 = arith.constant 0 : i32
    %add3A_9 = arith.addi %mul3A_7, %add3A_8 : i32
    "tpu.region"() ({
      %run_scoped3A = tpu.sem_alloc : memref<!tpu.dma_semaphore, #tpu.memory_space<semaphore_mem>>
      %dma_start3A_43 = arith.constant 0 : i32
      %dma_start3A_44 = tpu.memref_slice %arg9[%add3A_9, %dma_start3A_43] : memref<10112x128xf32, #tpu.memory_space<vmem_shared>> -> memref<128x128xf32, #tpu.memory_space<vmem_shared>>
      %dma_start3A_45 = arith.constant 0 : i32
      %dma_start3A_46 = tpu.memref_slice %arg9[%add3A_9, %dma_start3A_45] : memref<10112x128xf32, #tpu.memory_space<vmem_shared>> -> memref<128x128xf32, #tpu.memory_space<vmem_shared>>
      tpu.enqueue_dma source(%arg7 : memref<128x128xf32, #tpu.memory_space<vmem>>) target(%dma_start3A_46 : memref<128x128xf32, #tpu.memory_space<vmem_shared>>) target_semaphore(%run_scoped3A : memref<!tpu.dma_semaphore, #tpu.memory_space<semaphore_mem>>)
      %dma_wait3A = arith.constant 0 : i32
      %dma_wait3A_47 = tpu.memref_slice %arg9[%add3A_9, %dma_wait3A] : memref<10112x128xf32, #tpu.memory_space<vmem_shared>> -> memref<128x128xf32, #tpu.memory_space<vmem_shared>>
      %dma_wait3A_48 = arith.constant 0 : i32
      %dma_wait3A_49 = tpu.memref_slice %arg9[%add3A_9, %dma_wait3A_48] : memref<10112x128xf32, #tpu.memory_space<vmem_shared>> -> memref<128x128xf32, #tpu.memory_space<vmem_shared>>
      tpu.wait_dma2 semaphore(%run_scoped3A : memref<!tpu.dma_semaphore, #tpu.memory_space<semaphore_mem>>) src(%arg7 : memref<128x128xf32, #tpu.memory_space<vmem>>) dst(%dma_wait3A_49 : memref<128x128xf32, #tpu.memory_space<vmem_shared>>)
      tpu.yield
    }) : () -> ()
    %add3A_10 = arith.constant 128 : i32
    %add3A_11 = arith.addi %mul3A_7, %add3A_10 : i32
    "tpu.region"() ({
      %run_scoped3A = tpu.sem_alloc : memref<!tpu.dma_semaphore, #tpu.memory_space<semaphore_mem>>
      %dma_start3A_43 = arith.constant 0 : i32
      %dma_start3A_44 = tpu.memref_slice %arg9[%add3A_11, %dma_start3A_43] : memref<10112x128xf32, #tpu.memory_space<vmem_shared>> -> memref<128x128xf32, #tpu.memory_space<vmem_shared>>
      %dma_start3A_45 = arith.constant 0 : i32
      %dma_start3A_46 = tpu.memref_slice %arg9[%add3A_11, %dma_start3A_45] : memref<10112x128xf32, #tpu.memory_space<vmem_shared>> -> memref<128x128xf32, #tpu.memory_space<vmem_shared>>
      tpu.enqueue_dma source(%arg7 : memref<128x128xf32, #tpu.memory_space<vmem>>) target(%dma_start3A_46 : memref<128x128xf32, #tpu.memory_space<vmem_shared>>) target_semaphore(%run_scoped3A : memref<!tpu.dma_semaphore, #tpu.memory_space<semaphore_mem>>)
      %dma_wait3A = arith.constant 0 : i32
      %dma_wait3A_47 = tpu.memref_slice %arg9[%add3A_11, %dma_wait3A] : memref<10112x128xf32, #tpu.memory_space<vmem_shared>> -> memref<128x128xf32, #tpu.memory_space<vmem_shared>>
      %dma_wait3A_48 = arith.constant 0 : i32
      %dma_wait3A_49 = tpu.memref_slice %arg9[%add3A_11, %dma_wait3A_48] : memref<10112x128xf32, #tpu.memory_space<vmem_shared>> -> memref<128x128xf32, #tpu.memory_space<vmem_shared>>
      tpu.wait_dma2 semaphore(%run_scoped3A : memref<!tpu.dma_semaphore, #tpu.memory_space<semaphore_mem>>) src(%arg7 : memref<128x128xf32, #tpu.memory_space<vmem>>) dst(%dma_wait3A_49 : memref<128x128xf32, #tpu.memory_space<vmem_shared>>)
      tpu.yield
    }) : () -> ()
    %add3A_12 = arith.constant 256 : i32
    %add3A_13 = arith.addi %mul3A_7, %add3A_12 : i32
    "tpu.region"() ({
      %run_scoped3A = tpu.sem_alloc : memref<!tpu.dma_semaphore, #tpu.memory_space<semaphore_mem>>
      %dma_start3A_43 = arith.constant 0 : i32
      %dma_start3A_44 = tpu.memref_slice %arg9[%add3A_13, %dma_start3A_43] : memref<10112x128xf32, #tpu.memory_space<vmem_shared>> -> memref<128x128xf32, #tpu.memory_space<vmem_shared>>
      %dma_start3A_45 = arith.constant 0 : i32
      %dma_start3A_46 = tpu.memref_slice %arg9[%add3A_13, %dma_start3A_45] : memref<10112x128xf32, #tpu.memory_space<vmem_shared>> -> memref<128x128xf32, #tpu.memory_space<vmem_shared>>
      tpu.enqueue_dma source(%arg7 : memref<128x128xf32, #tpu.memory_space<vmem>>) target(%dma_start3A_46 : memref<128x128xf32, #tpu.memory_space<vmem_shared>>) target_semaphore(%run_scoped3A : memref<!tpu.dma_semaphore, #tpu.memory_space<semaphore_mem>>)
      %dma_wait3A = arith.constant 0 : i32
      %dma_wait3A_47 = tpu.memref_slice %arg9[%add3A_13, %dma_wait3A] : memref<10112x128xf32, #tpu.memory_space<vmem_shared>> -> memref<128x128xf32, #tpu.memory_space<vmem_shared>>
      %dma_wait3A_48 = arith.constant 0 : i32
      %dma_wait3A_49 = tpu.memref_slice %arg9[%add3A_13, %dma_wait3A_48] : memref<10112x128xf32, #tpu.memory_space<vmem_shared>> -> memref<128x128xf32, #tpu.memory_space<vmem_shared>>
      tpu.wait_dma2 semaphore(%run_scoped3A : memref<!tpu.dma_semaphore, #tpu.memory_space<semaphore_mem>>) src(%arg7 : memref<128x128xf32, #tpu.memory_space<vmem>>) dst(%dma_wait3A_49 : memref<128x128xf32, #tpu.memory_space<vmem_shared>>)
      tpu.yield
    }) : () -> ()
    %add3A_14 = arith.constant 384 : i32
    %add3A_15 = arith.addi %mul3A_7, %add3A_14 : i32
    "tpu.region"() ({
      %run_scoped3A = tpu.sem_alloc : memref<!tpu.dma_semaphore, #tpu.memory_space<semaphore_mem>>
      %dma_start3A_43 = arith.constant 0 : i32
      %dma_start3A_44 = tpu.memref_slice %arg9[%add3A_15, %dma_start3A_43] : memref<10112x128xf32, #tpu.memory_space<vmem_shared>> -> memref<128x128xf32, #tpu.memory_space<vmem_shared>>
      %dma_start3A_45 = arith.constant 0 : i32
      %dma_start3A_46 = tpu.memref_slice %arg9[%add3A_15, %dma_start3A_45] : memref<10112x128xf32, #tpu.memory_space<vmem_shared>> -> memref<128x128xf32, #tpu.memory_space<vmem_shared>>
      tpu.enqueue_dma source(%arg7 : memref<128x128xf32, #tpu.memory_space<vmem>>) target(%dma_start3A_46 : memref<128x128xf32, #tpu.memory_space<vmem_shared>>) target_semaphore(%run_scoped3A : memref<!tpu.dma_semaphore, #tpu.memory_space<semaphore_mem>>)
      %dma_wait3A = arith.constant 0 : i32
      %dma_wait3A_47 = tpu.memref_slice %arg9[%add3A_15, %dma_wait3A] : memref<10112x128xf32, #tpu.memory_space<vmem_shared>> -> memref<128x128xf32, #tpu.memory_space<vmem_shared>>
      %dma_wait3A_48 = arith.constant 0 : i32
      %dma_wait3A_49 = tpu.memref_slice %arg9[%add3A_15, %dma_wait3A_48] : memref<10112x128xf32, #tpu.memory_space<vmem_shared>> -> memref<128x128xf32, #tpu.memory_space<vmem_shared>>
      tpu.wait_dma2 semaphore(%run_scoped3A : memref<!tpu.dma_semaphore, #tpu.memory_space<semaphore_mem>>) src(%arg7 : memref<128x128xf32, #tpu.memory_space<vmem>>) dst(%dma_wait3A_49 : memref<128x128xf32, #tpu.memory_space<vmem_shared>>)
      tpu.yield
    }) : () -> ()
    %add3A_16 = arith.constant 512 : i32
    %add3A_17 = arith.addi %mul3A_7, %add3A_16 : i32
    "tpu.region"() ({
      %run_scoped3A = tpu.sem_alloc : memref<!tpu.dma_semaphore, #tpu.memory_space<semaphore_mem>>
      %dma_start3A_43 = arith.constant 0 : i32
      %dma_start3A_44 = arith.constant 0 : i32
      %dma_start3A_45 = tpu.memref_slice %arg7[%dma_start3A_43, %dma_start3A_44] : memref<128x128xf32, #tpu.memory_space<vmem>> -> memref<120x128xf32, #tpu.memory_space<vmem>>
      %dma_start3A_46 = arith.constant 0 : i32
      %dma_start3A_47 = tpu.memref_slice %arg9[%add3A_17, %dma_start3A_46] : memref<10112x128xf32, #tpu.memory_space<vmem_shared>> -> memref<120x128xf32, #tpu.memory_space<vmem_shared>>
      %dma_start3A_48 = arith.constant 0 : i32
      %dma_start3A_49 = tpu.memref_slice %arg9[%add3A_17, %dma_start3A_48] : memref<10112x128xf32, #tpu.memory_space<vmem_shared>> -> memref<120x128xf32, #tpu.memory_space<vmem_shared>>
      %dma_start3A_50 = arith.constant 0 : i32
      %dma_start3A_51 = arith.constant 0 : i32
      %dma_start3A_52 = tpu.memref_slice %arg7[%dma_start3A_50, %dma_start3A_51] : memref<128x128xf32, #tpu.memory_space<vmem>> -> memref<120x128xf32, #tpu.memory_space<vmem>>
      tpu.enqueue_dma source(%dma_start3A_52 : memref<120x128xf32, #tpu.memory_space<vmem>>) target(%dma_start3A_49 : memref<120x128xf32, #tpu.memory_space<vmem_shared>>) target_semaphore(%run_scoped3A : memref<!tpu.dma_semaphore, #tpu.memory_space<semaphore_mem>>)
      %dma_wait3A = arith.constant 0 : i32
      %dma_wait3A_53 = arith.constant 0 : i32
      %dma_wait3A_54 = tpu.memref_slice %arg7[%dma_wait3A, %dma_wait3A_53] : memref<128x128xf32, #tpu.memory_space<vmem>> -> memref<120x128xf32, #tpu.memory_space<vmem>>
      %dma_wait3A_55 = arith.constant 0 : i32
      %dma_wait3A_56 = tpu.memref_slice %arg9[%add3A_17, %dma_wait3A_55] : memref<10112x128xf32, #tpu.memory_space<vmem_shared>> -> memref<120x128xf32, #tpu.memory_space<vmem_shared>>
      %dma_wait3A_57 = arith.constant 0 : i32
      %dma_wait3A_58 = tpu.memref_slice %arg9[%add3A_17, %dma_wait3A_57] : memref<10112x128xf32, #tpu.memory_space<vmem_shared>> -> memref<120x128xf32, #tpu.memory_space<vmem_shared>>
      %dma_wait3A_59 = arith.constant 0 : i32
      %dma_wait3A_60 = arith.constant 0 : i32
      %dma_wait3A_61 = tpu.memref_slice %arg7[%dma_wait3A_59, %dma_wait3A_60] : memref<128x128xf32, #tpu.memory_space<vmem>> -> memref<120x128xf32, #tpu.memory_space<vmem>>
      tpu.wait_dma2 semaphore(%run_scoped3A : memref<!tpu.dma_semaphore, #tpu.memory_space<semaphore_mem>>) src(%dma_wait3A_61 : memref<120x128xf32, #tpu.memory_space<vmem>>) dst(%dma_wait3A_58 : memref<120x128xf32, #tpu.memory_space<vmem_shared>>)
      tpu.yield
    }) : () -> ()
    %mul3A_18 = arith.constant 80 : i32
    %mul3A_19 = arith.muli %add3A, %mul3A_18 : i32
    "tpu.region"() ({
      %run_scoped3A = tpu.sem_alloc : memref<!tpu.dma_semaphore, #tpu.memory_space<semaphore_mem>>
      %dma_start3A_43 = arith.constant 0 : i32
      %dma_start3A_44 = tpu.memref_slice %arg3[%mul3A_19, %dma_start3A_43] : memref<2560x128xi32, #tpu.memory_space<hbm>> -> memref<80x128xi32, #tpu.memory_space<hbm>>
      %dma_start3A_45 = arith.constant 0 : i32
      %dma_start3A_46 = tpu.memref_slice %arg3[%mul3A_19, %dma_start3A_45] : memref<2560x128xi32, #tpu.memory_space<hbm>> -> memref<80x128xi32, #tpu.memory_space<hbm>>
      tpu.enqueue_dma source(%dma_start3A_46 : memref<80x128xi32, #tpu.memory_space<hbm>>) target(%arg6 : memref<80x128xi32, #tpu.memory_space<vmem>>) target_semaphore(%run_scoped3A : memref<!tpu.dma_semaphore, #tpu.memory_space<semaphore_mem>>)
      %dma_wait3A = arith.constant 0 : i32
      %dma_wait3A_47 = tpu.memref_slice %arg3[%mul3A_19, %dma_wait3A] : memref<2560x128xi32, #tpu.memory_space<hbm>> -> memref<80x128xi32, #tpu.memory_space<hbm>>
      %dma_wait3A_48 = arith.constant 0 : i32
      %dma_wait3A_49 = tpu.memref_slice %arg3[%mul3A_19, %dma_wait3A_48] : memref<2560x128xi32, #tpu.memory_space<hbm>> -> memref<80x128xi32, #tpu.memory_space<hbm>>
      tpu.wait_dma2 semaphore(%run_scoped3A : memref<!tpu.dma_semaphore, #tpu.memory_space<semaphore_mem>>) src(%dma_wait3A_49 : memref<80x128xi32, #tpu.memory_space<hbm>>) dst(%arg6 : memref<80x128xi32, #tpu.memory_space<vmem>>)
      tpu.yield
    }) : () -> ()
    %barrier3A = arith.constant 0 : index
    tpu.barrier barrier_id(%barrier3A)
    %mul3A_20 = arith.constant 80 : i32
    %mul3A_21 = arith.muli %add3A, %mul3A_20 : i32
    %add3A_22 = arith.constant 0 : i32
    %add3A_23 = arith.addi %mul3A_21, %add3A_22 : i32
    %mul3A_24 = arith.constant 128 : i32
    %mul3A_25 = arith.muli %add3A_23, %mul3A_24 : i32
    %dma_start3A = arith.constant 0 : i32
    %dma_start3A_26 = tpu.memref_slice %arg2[%mul3A_25, %dma_start3A] : memref<327680x128xf32, #tpu.memory_space<hbm>> -> memref<128x128xf32, #tpu.memory_space<hbm>>
    %dma_start3A_27 = arith.constant 0 : i32
    %dma_start3A_28 = tpu.memref_slice %arg2[%mul3A_25, %dma_start3A_27] : memref<327680x128xf32, #tpu.memory_space<hbm>> -> memref<128x128xf32, #tpu.memory_space<hbm>>
    tpu.enqueue_dma source(%dma_start3A_28 : memref<128x128xf32, #tpu.memory_space<hbm>>) target(%arg7 : memref<128x128xf32, #tpu.memory_space<vmem>>) target_semaphore(%arg10 : memref<!tpu.dma_semaphore, #tpu.memory_space<semaphore_mem>>)
    %scan3A_29 = arith.constant 0 : i32
    %scan3A_30 = arith.constant 0 : i32
    %scan3A_31 = arith.constant 40 : i32
    %scan3A_32 = arith.addi %scan3A_30, %scan3A_31 : i32
    %scan3A_33 = arith.constant 1 : i32
    scf.for %scan3A_43 = %scan3A_30 to %scan3A_32 step %scan3A_33  : i32 {
      %mul3A_44 = arith.constant 2 : i32
      %mul3A_45 = arith.muli %mul3A_44, %scan3A_43 : i32
      %mul3A_46 = arith.constant 80 : i32
      %mul3A_47 = arith.muli %add3A, %mul3A_46 : i32
      %add3A_48 = arith.addi %mul3A_47, %mul3A_45 : i32
      %mul3A_49 = arith.constant 128 : i32
      %mul3A_50 = arith.muli %add3A_48, %mul3A_49 : i32
      %dma_wait3A = arith.constant 0 : i32
      %dma_wait3A_51 = tpu.memref_slice %arg2[%mul3A_50, %dma_wait3A] : memref<327680x128xf32, #tpu.memory_space<hbm>> -> memref<128x128xf32, #tpu.memory_space<hbm>>
      %dma_wait3A_52 = arith.constant 0 : i32
      %dma_wait3A_53 = tpu.memref_slice %arg2[%mul3A_50, %dma_wait3A_52] : memref<327680x128xf32, #tpu.memory_space<hbm>> -> memref<128x128xf32, #tpu.memory_space<hbm>>
      tpu.wait_dma2 semaphore(%arg10 : memref<!tpu.dma_semaphore, #tpu.memory_space<semaphore_mem>>) src(%dma_wait3A_53 : memref<128x128xf32, #tpu.memory_space<hbm>>) dst(%arg7 : memref<128x128xf32, #tpu.memory_space<vmem>>)
      %add3A_54 = arith.constant 1 : i32
      %add3A_55 = arith.addi %mul3A_45, %add3A_54 : i32
      %lt3A = arith.constant 80 : i32
      %lt3A_56 = arith.cmpi slt, %add3A_55, %lt3A : i32
      %convert_element_type3A_57 = arith.extui %lt3A_56 : i1 to i32
      %cond3A_58 = arith.constant 0 : i32
      %cond3A_59 = arith.cmpi ne, %convert_element_type3A_57, %cond3A_58 : i32
      scf.if %cond3A_59 {
        %add3A_80 = arith.constant 1 : i32
        %add3A_81 = arith.addi %mul3A_45, %add3A_80 : i32
        %mul3A_82 = arith.constant 80 : i32
        %mul3A_83 = arith.muli %add3A, %mul3A_82 : i32
        %add3A_84 = arith.addi %mul3A_83, %add3A_81 : i32
        %mul3A_85 = arith.constant 128 : i32
        %mul3A_86 = arith.muli %add3A_84, %mul3A_85 : i32
        %dma_start3A_87 = arith.constant 0 : i32
        %dma_start3A_88 = tpu.memref_slice %arg2[%mul3A_86, %dma_start3A_87] : memref<327680x128xf32, #tpu.memory_space<hbm>> -> memref<128x128xf32, #tpu.memory_space<hbm>>
        %dma_start3A_89 = arith.constant 0 : i32
        %dma_start3A_90 = tpu.memref_slice %arg2[%mul3A_86, %dma_start3A_89] : memref<327680x128xf32, #tpu.memory_space<hbm>> -> memref<128x128xf32, #tpu.memory_space<hbm>>
        tpu.enqueue_dma source(%dma_start3A_90 : memref<128x128xf32, #tpu.memory_space<hbm>>) target(%arg8 : memref<128x128xf32, #tpu.memory_space<vmem>>) target_semaphore(%arg11 : memref<!tpu.dma_semaphore, #tpu.memory_space<semaphore_mem>>)
      } else {
      }
      "tpu.region"() ({
        %run_scoped3A = tpu.sem_alloc : memref<!tpu.dma_semaphore, #tpu.memory_space<semaphore_mem>>
        %dma_start3A_80 = arith.constant 0 : i32
        %dma_start3A_81 = tpu.memref_slice %arg6[%mul3A_45, %dma_start3A_80] : memref<80x128xi32, #tpu.memory_space<vmem>> -> memref<1x128xi32, #tpu.memory_space<vmem>>
        %dma_start3A_82 = tpu.memref_squeeze %dma_start3A_81 : memref<1x128xi32, #tpu.memory_space<vmem>> -> memref<128xi32, #tpu.memory_space<vmem>>
        %dma_start3A_83 = arith.constant 0 : i32
        %dma_start3A_84 = arith.constant 0 : i32
        %dma_start3A_85 = tpu.memref_slice %arg9[%dma_start3A_83, %dma_start3A_84] : memref<10112x128xf32, #tpu.memory_space<vmem_shared>> -> memref<10112x128xf32, #tpu.memory_space<vmem_shared>>
        tpu.enqueue_indirect_dma source(%arg7 : memref<128x128xf32, #tpu.memory_space<vmem>>) target(%dma_start3A_85 : memref<10112x128xf32, #tpu.memory_space<vmem_shared>>) offsets(%dma_start3A_82 : memref<128xi32, #tpu.memory_space<vmem>>) semaphore(%run_scoped3A : memref<!tpu.dma_semaphore, #tpu.memory_space<semaphore_mem>>) {add = true}
        %dma_wait3A_86 = arith.constant 0 : i32
        %dma_wait3A_87 = tpu.memref_slice %arg6[%mul3A_45, %dma_wait3A_86] : memref<80x128xi32, #tpu.memory_space<vmem>> -> memref<1x128xi32, #tpu.memory_space<vmem>>
        %dma_wait3A_88 = tpu.memref_squeeze %dma_wait3A_87 : memref<1x128xi32, #tpu.memory_space<vmem>> -> memref<128xi32, #tpu.memory_space<vmem>>
        %dma_wait3A_89 = arith.constant 0 : i32
        %dma_wait3A_90 = arith.constant 0 : i32
        %dma_wait3A_91 = tpu.memref_slice %arg9[%dma_wait3A_89, %dma_wait3A_90] : memref<10112x128xf32, #tpu.memory_space<vmem_shared>> -> memref<10112x128xf32, #tpu.memory_space<vmem_shared>>
        tpu.wait_indirect_dma semaphore(%run_scoped3A : memref<!tpu.dma_semaphore, #tpu.memory_space<semaphore_mem>>) src(%arg7 : memref<128x128xf32, #tpu.memory_space<vmem>>) dst(%dma_wait3A_91 : memref<10112x128xf32, #tpu.memory_space<vmem_shared>>)
        tpu.yield
      }) : () -> ()
      %mul3A_60 = arith.constant 2 : i32
      %mul3A_61 = arith.muli %mul3A_60, %scan3A_43 : i32
      %add3A_62 = arith.constant 1 : i32
      %add3A_63 = arith.addi %mul3A_61, %add3A_62 : i32
      %mul3A_64 = arith.constant 80 : i32
      %mul3A_65 = arith.muli %add3A, %mul3A_64 : i32
      %add3A_66 = arith.addi %mul3A_65, %add3A_63 : i32
      %mul3A_67 = arith.constant 128 : i32
      %mul3A_68 = arith.muli %add3A_66, %mul3A_67 : i32
      %dma_wait3A_69 = arith.constant 0 : i32
      %dma_wait3A_70 = tpu.memref_slice %arg2[%mul3A_68, %dma_wait3A_69] : memref<327680x128xf32, #tpu.memory_space<hbm>> -> memref<128x128xf32, #tpu.memory_space<hbm>>
      %dma_wait3A_71 = arith.constant 0 : i32
      %dma_wait3A_72 = tpu.memref_slice %arg2[%mul3A_68, %dma_wait3A_71] : memref<327680x128xf32, #tpu.memory_space<hbm>> -> memref<128x128xf32, #tpu.memory_space<hbm>>
      tpu.wait_dma2 semaphore(%arg11 : memref<!tpu.dma_semaphore, #tpu.memory_space<semaphore_mem>>) src(%dma_wait3A_72 : memref<128x128xf32, #tpu.memory_space<hbm>>) dst(%arg8 : memref<128x128xf32, #tpu.memory_space<vmem>>)
      %add3A_73 = arith.constant 1 : i32
      %add3A_74 = arith.addi %add3A_63, %add3A_73 : i32
      %lt3A_75 = arith.constant 80 : i32
      %lt3A_76 = arith.cmpi slt, %add3A_74, %lt3A_75 : i32
      %convert_element_type3A_77 = arith.extui %lt3A_76 : i1 to i32
      %cond3A_78 = arith.constant 0 : i32
      %cond3A_79 = arith.cmpi ne, %convert_element_type3A_77, %cond3A_78 : i32
      scf.if %cond3A_79 {
        %add3A_80 = arith.constant 1 : i32
        %add3A_81 = arith.addi %add3A_63, %add3A_80 : i32
        %mul3A_82 = arith.constant 80 : i32
        %mul3A_83 = arith.muli %add3A, %mul3A_82 : i32
        %add3A_84 = arith.addi %mul3A_83, %add3A_81 : i32
        %mul3A_85 = arith.constant 128 : i32
        %mul3A_86 = arith.muli %add3A_84, %mul3A_85 : i32
        %dma_start3A_87 = arith.constant 0 : i32
        %dma_start3A_88 = tpu.memref_slice %arg2[%mul3A_86, %dma_start3A_87] : memref<327680x128xf32, #tpu.memory_space<hbm>> -> memref<128x128xf32, #tpu.memory_space<hbm>>
        %dma_start3A_89 = arith.constant 0 : i32
        %dma_start3A_90 = tpu.memref_slice %arg2[%mul3A_86, %dma_start3A_89] : memref<327680x128xf32, #tpu.memory_space<hbm>> -> memref<128x128xf32, #tpu.memory_space<hbm>>
        tpu.enqueue_dma source(%dma_start3A_90 : memref<128x128xf32, #tpu.memory_space<hbm>>) target(%arg7 : memref<128x128xf32, #tpu.memory_space<vmem>>) target_semaphore(%arg10 : memref<!tpu.dma_semaphore, #tpu.memory_space<semaphore_mem>>)
      } else {
      }
      "tpu.region"() ({
        %run_scoped3A = tpu.sem_alloc : memref<!tpu.dma_semaphore, #tpu.memory_space<semaphore_mem>>
        %dma_start3A_80 = arith.constant 0 : i32
        %dma_start3A_81 = tpu.memref_slice %arg6[%add3A_63, %dma_start3A_80] : memref<80x128xi32, #tpu.memory_space<vmem>> -> memref<1x128xi32, #tpu.memory_space<vmem>>
        %dma_start3A_82 = tpu.memref_squeeze %dma_start3A_81 : memref<1x128xi32, #tpu.memory_space<vmem>> -> memref<128xi32, #tpu.memory_space<vmem>>
        %dma_start3A_83 = arith.constant 0 : i32
        %dma_start3A_84 = arith.constant 0 : i32
        %dma_start3A_85 = tpu.memref_slice %arg9[%dma_start3A_83, %dma_start3A_84] : memref<10112x128xf32, #tpu.memory_space<vmem_shared>> -> memref<10112x128xf32, #tpu.memory_space<vmem_shared>>
        tpu.enqueue_indirect_dma source(%arg8 : memref<128x128xf32, #tpu.memory_space<vmem>>) target(%dma_start3A_85 : memref<10112x128xf32, #tpu.memory_space<vmem_shared>>) offsets(%dma_start3A_82 : memref<128xi32, #tpu.memory_space<vmem>>) semaphore(%run_scoped3A : memref<!tpu.dma_semaphore, #tpu.memory_space<semaphore_mem>>) {add = true}
        %dma_wait3A_86 = arith.constant 0 : i32
        %dma_wait3A_87 = tpu.memref_slice %arg6[%add3A_63, %dma_wait3A_86] : memref<80x128xi32, #tpu.memory_space<vmem>> -> memref<1x128xi32, #tpu.memory_space<vmem>>
        %dma_wait3A_88 = tpu.memref_squeeze %dma_wait3A_87 : memref<1x128xi32, #tpu.memory_space<vmem>> -> memref<128xi32, #tpu.memory_space<vmem>>
        %dma_wait3A_89 = arith.constant 0 : i32
        %dma_wait3A_90 = arith.constant 0 : i32
        %dma_wait3A_91 = tpu.memref_slice %arg9[%dma_wait3A_89, %dma_wait3A_90] : memref<10112x128xf32, #tpu.memory_space<vmem_shared>> -> memref<10112x128xf32, #tpu.memory_space<vmem_shared>>
        tpu.wait_indirect_dma semaphore(%run_scoped3A : memref<!tpu.dma_semaphore, #tpu.memory_space<semaphore_mem>>) src(%arg8 : memref<128x128xf32, #tpu.memory_space<vmem>>) dst(%dma_wait3A_91 : memref<10112x128xf32, #tpu.memory_space<vmem_shared>>)
        tpu.yield
      }) : () -> ()
    }
    %scan3A_34 = arith.constant 40 : i32
    %barrier3A_35 = arith.constant 0 : index
    tpu.barrier barrier_id(%barrier3A_35)
    %eq3A = arith.constant 0 : i32
    %eq3A_36 = arith.cmpi eq, %arg0, %eq3A : i32
    %convert_element_type3A = arith.extui %eq3A_36 : i1 to i32
    %cond3A = arith.constant 0 : i32
    %cond3A_37 = arith.cmpi ne, %convert_element_type3A, %cond3A : i32
    scf.if %cond3A_37 {
      "tpu.region"() ({
        %run_scoped3A = tpu.sem_alloc : memref<!tpu.dma_semaphore, #tpu.memory_space<semaphore_mem>>
        %dma_start3A_43 = arith.constant 0 : i32
        %dma_start3A_44 = tpu.memref_slice %arg4[%mul3A_7, %dma_start3A_43] : memref<10112x128xf32, #tpu.memory_space<hbm>> -> memref<632x128xf32, #tpu.memory_space<hbm>>
        %dma_start3A_45 = arith.constant 0 : i32
        %dma_start3A_46 = tpu.memref_slice %arg9[%mul3A_7, %dma_start3A_45] : memref<10112x128xf32, #tpu.memory_space<vmem_shared>> -> memref<632x128xf32, #tpu.memory_space<vmem_shared>>
        tpu.enqueue_dma source(%dma_start3A_46 : memref<632x128xf32, #tpu.memory_space<vmem_shared>>) target(%dma_start3A_44 : memref<632x128xf32, #tpu.memory_space<hbm>>) target_semaphore(%run_scoped3A : memref<!tpu.dma_semaphore, #tpu.memory_space<semaphore_mem>>)
        %dma_wait3A = arith.constant 0 : i32
        %dma_wait3A_47 = tpu.memref_slice %arg4[%mul3A_7, %dma_wait3A] : memref<10112x128xf32, #tpu.memory_space<hbm>> -> memref<632x128xf32, #tpu.memory_space<hbm>>
        %dma_wait3A_48 = arith.constant 0 : i32
        %dma_wait3A_49 = tpu.memref_slice %arg9[%mul3A_7, %dma_wait3A_48] : memref<10112x128xf32, #tpu.memory_space<vmem_shared>> -> memref<632x128xf32, #tpu.memory_space<vmem_shared>>
        tpu.wait_dma2 semaphore(%run_scoped3A : memref<!tpu.dma_semaphore, #tpu.memory_space<semaphore_mem>>) src(%dma_wait3A_49 : memref<632x128xf32, #tpu.memory_space<vmem_shared>>) dst(%dma_wait3A_47 : memref<632x128xf32, #tpu.memory_space<hbm>>)
        tpu.yield
      }) : () -> ()
    } else {
    }
    %eq3A_38 = arith.constant 1 : i32
    %eq3A_39 = arith.cmpi eq, %arg0, %eq3A_38 : i32
    %convert_element_type3A_40 = arith.extui %eq3A_39 : i1 to i32
    %cond3A_41 = arith.constant 0 : i32
    %cond3A_42 = arith.cmpi ne, %convert_element_type3A_40, %cond3A_41 : i32
    scf.if %cond3A_42 {
      "tpu.region"() ({
        %run_scoped3A = tpu.sem_alloc : memref<!tpu.dma_semaphore, #tpu.memory_space<semaphore_mem>>
        %dma_start3A_43 = arith.constant 0 : i32
        %dma_start3A_44 = tpu.memref_slice %arg5[%mul3A_7, %dma_start3A_43] : memref<10112x128xf32, #tpu.memory_space<hbm>> -> memref<632x128xf32, #tpu.memory_space<hbm>>
        %dma_start3A_45 = arith.constant 0 : i32
        %dma_start3A_46 = tpu.memref_slice %arg9[%mul3A_7, %dma_start3A_45] : memref<10112x128xf32, #tpu.memory_space<vmem_shared>> -> memref<632x128xf32, #tpu.memory_space<vmem_shared>>
        tpu.enqueue_dma source(%dma_start3A_46 : memref<632x128xf32, #tpu.memory_space<vmem_shared>>) target(%dma_start3A_44 : memref<632x128xf32, #tpu.memory_space<hbm>>) target_semaphore(%run_scoped3A : memref<!tpu.dma_semaphore, #tpu.memory_space<semaphore_mem>>)
        %dma_wait3A = arith.constant 0 : i32
        %dma_wait3A_47 = tpu.memref_slice %arg5[%mul3A_7, %dma_wait3A] : memref<10112x128xf32, #tpu.memory_space<hbm>> -> memref<632x128xf32, #tpu.memory_space<hbm>>
        %dma_wait3A_48 = arith.constant 0 : i32
        %dma_wait3A_49 = tpu.memref_slice %arg9[%mul3A_7, %dma_wait3A_48] : memref<10112x128xf32, #tpu.memory_space<vmem_shared>> -> memref<632x128xf32, #tpu.memory_space<vmem_shared>>
        tpu.wait_dma2 semaphore(%run_scoped3A : memref<!tpu.dma_semaphore, #tpu.memory_space<semaphore_mem>>) src(%dma_wait3A_49 : memref<632x128xf32, #tpu.memory_space<vmem_shared>>) dst(%dma_wait3A_47 : memref<632x128xf32, #tpu.memory_space<hbm>>)
        tpu.yield
      }) : () -> ()
    } else {
    }
    return
  }
}

#map = affine_map<(d0, d1) -> (0, 0)>
module attributes {stable_mosaic.version = 14 : i64} {
  func.func @_sc_gather_body(%arg0: i32, %arg1: i32, %arg2: memref<10000x128xf32, #tpu.memory_space<hbm>>, %arg3: memref<10000x128xf32, #tpu.memory_space<hbm>>, %arg4: memref<2560x128xi32, #tpu.memory_space<hbm>>, %arg5: memref<2560x128xi32, #tpu.memory_space<hbm>>, %arg6: memref<327680x128xf32, #tpu.memory_space<hbm>>, %arg7: memref<80x128xi32, #tpu.memory_space<vmem>>, %arg8: memref<80x128xi32, #tpu.memory_space<vmem>>, %arg9: memref<128x128xf32, #tpu.memory_space<vmem>>, %arg10: memref<128x128xf32, #tpu.memory_space<vmem>>, %arg11: memref<128x128xf32, #tpu.memory_space<vmem>>, %arg12: memref<128x128xf32, #tpu.memory_space<vmem>>, %arg13: memref<!tpu.dma_semaphore, #tpu.memory_space<semaphore_mem>>, %arg14: memref<!tpu.dma_semaphore, #tpu.memory_space<semaphore_mem>>, %arg15: memref<!tpu.dma_semaphore, #tpu.memory_space<semaphore_mem>>, %arg16: memref<!tpu.dma_semaphore, #tpu.memory_space<semaphore_mem>>, %arg17: memref<!tpu.dma_semaphore, #tpu.memory_space<semaphore_mem>>, %arg18: memref<!tpu.dma_semaphore, #tpu.memory_space<semaphore_mem>>) attributes {dimension_semantics = [#tpu.dimension_semantics<core_parallel>, #tpu.dimension_semantics<subcore_parallel>], iteration_bounds = array<i64: 2, 16>, scalar_prefetch = 0 : i64, scratch_operands = 12 : i64, tpu.core_type = #tpu.core_type<sc_vector_subcore>, window_params = [{transform_indices = #map}, {transform_indices = #map}, {transform_indices = #map}, {transform_indices = #map}, {transform_indices = #map}]} {
    %mul3A = arith.constant 16 : i32
    %mul3A_0 = arith.muli %arg0, %mul3A : i32
    %add3A = arith.addi %mul3A_0, %arg1 : i32
    %mul3A_1 = arith.constant 80 : i32
    %mul3A_2 = arith.muli %add3A, %mul3A_1 : i32
    "tpu.region"() ({
      %run_scoped3A = tpu.sem_alloc : memref<!tpu.dma_semaphore, #tpu.memory_space<semaphore_mem>>
      %dma_start3A_42 = arith.constant 0 : i32
      %dma_start3A_43 = tpu.memref_slice %arg4[%mul3A_2, %dma_start3A_42] : memref<2560x128xi32, #tpu.memory_space<hbm>> -> memref<80x128xi32, #tpu.memory_space<hbm>>
      %dma_start3A_44 = arith.constant 0 : i32
      %dma_start3A_45 = tpu.memref_slice %arg4[%mul3A_2, %dma_start3A_44] : memref<2560x128xi32, #tpu.memory_space<hbm>> -> memref<80x128xi32, #tpu.memory_space<hbm>>
      tpu.enqueue_dma source(%dma_start3A_45 : memref<80x128xi32, #tpu.memory_space<hbm>>) target(%arg7 : memref<80x128xi32, #tpu.memory_space<vmem>>) target_semaphore(%run_scoped3A : memref<!tpu.dma_semaphore, #tpu.memory_space<semaphore_mem>>)
      %dma_wait3A_46 = arith.constant 0 : i32
      %dma_wait3A_47 = tpu.memref_slice %arg4[%mul3A_2, %dma_wait3A_46] : memref<2560x128xi32, #tpu.memory_space<hbm>> -> memref<80x128xi32, #tpu.memory_space<hbm>>
      %dma_wait3A_48 = arith.constant 0 : i32
      %dma_wait3A_49 = tpu.memref_slice %arg4[%mul3A_2, %dma_wait3A_48] : memref<2560x128xi32, #tpu.memory_space<hbm>> -> memref<80x128xi32, #tpu.memory_space<hbm>>
      tpu.wait_dma2 semaphore(%run_scoped3A : memref<!tpu.dma_semaphore, #tpu.memory_space<semaphore_mem>>) src(%dma_wait3A_49 : memref<80x128xi32, #tpu.memory_space<hbm>>) dst(%arg7 : memref<80x128xi32, #tpu.memory_space<vmem>>)
      tpu.yield
    }) : () -> ()
    %mul3A_3 = arith.constant 80 : i32
    %mul3A_4 = arith.muli %add3A, %mul3A_3 : i32
    "tpu.region"() ({
      %run_scoped3A = tpu.sem_alloc : memref<!tpu.dma_semaphore, #tpu.memory_space<semaphore_mem>>
      %dma_start3A_42 = arith.constant 0 : i32
      %dma_start3A_43 = tpu.memref_slice %arg5[%mul3A_4, %dma_start3A_42] : memref<2560x128xi32, #tpu.memory_space<hbm>> -> memref<80x128xi32, #tpu.memory_space<hbm>>
      %dma_start3A_44 = arith.constant 0 : i32
      %dma_start3A_45 = tpu.memref_slice %arg5[%mul3A_4, %dma_start3A_44] : memref<2560x128xi32, #tpu.memory_space<hbm>> -> memref<80x128xi32, #tpu.memory_space<hbm>>
      tpu.enqueue_dma source(%dma_start3A_45 : memref<80x128xi32, #tpu.memory_space<hbm>>) target(%arg8 : memref<80x128xi32, #tpu.memory_space<vmem>>) target_semaphore(%run_scoped3A : memref<!tpu.dma_semaphore, #tpu.memory_space<semaphore_mem>>)
      %dma_wait3A_46 = arith.constant 0 : i32
      %dma_wait3A_47 = tpu.memref_slice %arg5[%mul3A_4, %dma_wait3A_46] : memref<2560x128xi32, #tpu.memory_space<hbm>> -> memref<80x128xi32, #tpu.memory_space<hbm>>
      %dma_wait3A_48 = arith.constant 0 : i32
      %dma_wait3A_49 = tpu.memref_slice %arg5[%mul3A_4, %dma_wait3A_48] : memref<2560x128xi32, #tpu.memory_space<hbm>> -> memref<80x128xi32, #tpu.memory_space<hbm>>
      tpu.wait_dma2 semaphore(%run_scoped3A : memref<!tpu.dma_semaphore, #tpu.memory_space<semaphore_mem>>) src(%dma_wait3A_49 : memref<80x128xi32, #tpu.memory_space<hbm>>) dst(%arg8 : memref<80x128xi32, #tpu.memory_space<vmem>>)
      tpu.yield
    }) : () -> ()
    %dma_start3A = arith.constant 0 : i32
    %dma_start3A_5 = arith.constant 0 : i32
    %dma_start3A_6 = tpu.memref_slice %arg7[%dma_start3A, %dma_start3A_5] : memref<80x128xi32, #tpu.memory_space<vmem>> -> memref<1x128xi32, #tpu.memory_space<vmem>>
    %dma_start3A_7 = tpu.memref_squeeze %dma_start3A_6 : memref<1x128xi32, #tpu.memory_space<vmem>> -> memref<128xi32, #tpu.memory_space<vmem>>
    %dma_start3A_8 = arith.constant 0 : i32
    %dma_start3A_9 = arith.constant 0 : i32
    %dma_start3A_10 = tpu.memref_slice %arg2[%dma_start3A_8, %dma_start3A_9] : memref<10000x128xf32, #tpu.memory_space<hbm>> -> memref<10000x128xf32, #tpu.memory_space<hbm>>
    tpu.enqueue_indirect_dma source(%dma_start3A_10 : memref<10000x128xf32, #tpu.memory_space<hbm>>) target(%arg9 : memref<128x128xf32, #tpu.memory_space<vmem>>) offsets(%dma_start3A_7 : memref<128xi32, #tpu.memory_space<vmem>>) semaphore(%arg13 : memref<!tpu.dma_semaphore, #tpu.memory_space<semaphore_mem>>)
    %dma_start3A_11 = arith.constant 0 : i32
    %dma_start3A_12 = arith.constant 0 : i32
    %dma_start3A_13 = tpu.memref_slice %arg8[%dma_start3A_11, %dma_start3A_12] : memref<80x128xi32, #tpu.memory_space<vmem>> -> memref<1x128xi32, #tpu.memory_space<vmem>>
    %dma_start3A_14 = tpu.memref_squeeze %dma_start3A_13 : memref<1x128xi32, #tpu.memory_space<vmem>> -> memref<128xi32, #tpu.memory_space<vmem>>
    %dma_start3A_15 = arith.constant 0 : i32
    %dma_start3A_16 = arith.constant 0 : i32
    %dma_start3A_17 = tpu.memref_slice %arg3[%dma_start3A_15, %dma_start3A_16] : memref<10000x128xf32, #tpu.memory_space<hbm>> -> memref<10000x128xf32, #tpu.memory_space<hbm>>
    tpu.enqueue_indirect_dma source(%dma_start3A_17 : memref<10000x128xf32, #tpu.memory_space<hbm>>) target(%arg10 : memref<128x128xf32, #tpu.memory_space<vmem>>) offsets(%dma_start3A_14 : memref<128xi32, #tpu.memory_space<vmem>>) semaphore(%arg14 : memref<!tpu.dma_semaphore, #tpu.memory_space<semaphore_mem>>)
    %scan3A = arith.constant 0 : i32
    %scan3A_18 = arith.constant 0 : i32
    %scan3A_19 = arith.constant 40 : i32
    %scan3A_20 = arith.addi %scan3A_18, %scan3A_19 : i32
    %scan3A_21 = arith.constant 1 : i32
    scf.for %scan3A_42 = %scan3A_18 to %scan3A_20 step %scan3A_21  : i32 {
      %mul3A_43 = arith.constant 2 : i32
      %mul3A_44 = arith.muli %mul3A_43, %scan3A_42 : i32
      %dma_wait3A_45 = arith.constant 0 : i32
      %dma_wait3A_46 = tpu.memref_slice %arg7[%mul3A_44, %dma_wait3A_45] : memref<80x128xi32, #tpu.memory_space<vmem>> -> memref<1x128xi32, #tpu.memory_space<vmem>>
      %dma_wait3A_47 = tpu.memref_squeeze %dma_wait3A_46 : memref<1x128xi32, #tpu.memory_space<vmem>> -> memref<128xi32, #tpu.memory_space<vmem>>
      %dma_wait3A_48 = arith.constant 0 : i32
      %dma_wait3A_49 = arith.constant 0 : i32
      %dma_wait3A_50 = tpu.memref_slice %arg2[%dma_wait3A_48, %dma_wait3A_49] : memref<10000x128xf32, #tpu.memory_space<hbm>> -> memref<10000x128xf32, #tpu.memory_space<hbm>>
      tpu.wait_indirect_dma semaphore(%arg13 : memref<!tpu.dma_semaphore, #tpu.memory_space<semaphore_mem>>) src(%dma_wait3A_50 : memref<10000x128xf32, #tpu.memory_space<hbm>>) dst(%arg9 : memref<128x128xf32, #tpu.memory_space<vmem>>)
      %dma_wait3A_51 = arith.constant 0 : i32
      %dma_wait3A_52 = tpu.memref_slice %arg8[%mul3A_44, %dma_wait3A_51] : memref<80x128xi32, #tpu.memory_space<vmem>> -> memref<1x128xi32, #tpu.memory_space<vmem>>
      %dma_wait3A_53 = tpu.memref_squeeze %dma_wait3A_52 : memref<1x128xi32, #tpu.memory_space<vmem>> -> memref<128xi32, #tpu.memory_space<vmem>>
      %dma_wait3A_54 = arith.constant 0 : i32
      %dma_wait3A_55 = arith.constant 0 : i32
      %dma_wait3A_56 = tpu.memref_slice %arg3[%dma_wait3A_54, %dma_wait3A_55] : memref<10000x128xf32, #tpu.memory_space<hbm>> -> memref<10000x128xf32, #tpu.memory_space<hbm>>
      tpu.wait_indirect_dma semaphore(%arg14 : memref<!tpu.dma_semaphore, #tpu.memory_space<semaphore_mem>>) src(%dma_wait3A_56 : memref<10000x128xf32, #tpu.memory_space<hbm>>) dst(%arg10 : memref<128x128xf32, #tpu.memory_space<vmem>>)
      %add3A_57 = arith.constant 1 : i32
      %add3A_58 = arith.addi %mul3A_44, %add3A_57 : i32
      %lt3A = arith.constant 80 : i32
      %lt3A_59 = arith.cmpi slt, %add3A_58, %lt3A : i32
      %ge3A = arith.constant 1 : i32
      %ge3A_60 = arith.cmpi sge, %mul3A_44, %ge3A : i32
      %and3A = arith.andi %lt3A_59, %ge3A_60 : i1
      %convert_element_type3A = arith.extui %and3A : i1 to i32
      %cond3A = arith.constant 0 : i32
      %cond3A_61 = arith.cmpi ne, %convert_element_type3A, %cond3A : i32
      scf.if %cond3A_61 {
        %sub3A = arith.constant 1 : i32
        %sub3A_132 = arith.subi %mul3A_44, %sub3A : i32
        %mul3A_133 = arith.constant 80 : i32
        %mul3A_134 = arith.muli %add3A, %mul3A_133 : i32
        %add3A_135 = arith.addi %mul3A_134, %sub3A_132 : i32
        %mul3A_136 = arith.constant 128 : i32
        %mul3A_137 = arith.muli %add3A_135, %mul3A_136 : i32
        %dma_wait3A_138 = arith.constant 0 : i32
        %dma_wait3A_139 = tpu.memref_slice %arg6[%mul3A_137, %dma_wait3A_138] : memref<327680x128xf32, #tpu.memory_space<hbm>> -> memref<128x128xf32, #tpu.memory_space<hbm>>
        %dma_wait3A_140 = arith.constant 0 : i32
        %dma_wait3A_141 = tpu.memref_slice %arg6[%mul3A_137, %dma_wait3A_140] : memref<327680x128xf32, #tpu.memory_space<hbm>> -> memref<128x128xf32, #tpu.memory_space<hbm>>
        tpu.wait_dma2 semaphore(%arg18 : memref<!tpu.dma_semaphore, #tpu.memory_space<semaphore_mem>>) src(%arg11 : memref<128x128xf32, #tpu.memory_space<vmem>>) dst(%dma_wait3A_141 : memref<128x128xf32, #tpu.memory_space<hbm>>)
      } else {
      }
      %add3A_62 = arith.constant 1 : i32
      %add3A_63 = arith.addi %mul3A_44, %add3A_62 : i32
      %lt3A_64 = arith.constant 80 : i32
      %lt3A_65 = arith.cmpi slt, %add3A_63, %lt3A_64 : i32
      %convert_element_type3A_66 = arith.extui %lt3A_65 : i1 to i32
      %cond3A_67 = arith.constant 0 : i32
      %cond3A_68 = arith.cmpi ne, %convert_element_type3A_66, %cond3A_67 : i32
      scf.if %cond3A_68 {
        %add3A_132 = arith.constant 1 : i32
        %add3A_133 = arith.addi %mul3A_44, %add3A_132 : i32
        %dma_start3A_134 = arith.constant 0 : i32
        %dma_start3A_135 = tpu.memref_slice %arg7[%add3A_133, %dma_start3A_134] : memref<80x128xi32, #tpu.memory_space<vmem>> -> memref<1x128xi32, #tpu.memory_space<vmem>>
        %dma_start3A_136 = tpu.memref_squeeze %dma_start3A_135 : memref<1x128xi32, #tpu.memory_space<vmem>> -> memref<128xi32, #tpu.memory_space<vmem>>
        %dma_start3A_137 = arith.constant 0 : i32
        %dma_start3A_138 = arith.constant 0 : i32
        %dma_start3A_139 = tpu.memref_slice %arg2[%dma_start3A_137, %dma_start3A_138] : memref<10000x128xf32, #tpu.memory_space<hbm>> -> memref<10000x128xf32, #tpu.memory_space<hbm>>
        tpu.enqueue_indirect_dma source(%dma_start3A_139 : memref<10000x128xf32, #tpu.memory_space<hbm>>) target(%arg11 : memref<128x128xf32, #tpu.memory_space<vmem>>) offsets(%dma_start3A_136 : memref<128xi32, #tpu.memory_space<vmem>>) semaphore(%arg15 : memref<!tpu.dma_semaphore, #tpu.memory_space<semaphore_mem>>)
        %dma_start3A_140 = arith.constant 0 : i32
        %dma_start3A_141 = tpu.memref_slice %arg8[%add3A_133, %dma_start3A_140] : memref<80x128xi32, #tpu.memory_space<vmem>> -> memref<1x128xi32, #tpu.memory_space<vmem>>
        %dma_start3A_142 = tpu.memref_squeeze %dma_start3A_141 : memref<1x128xi32, #tpu.memory_space<vmem>> -> memref<128xi32, #tpu.memory_space<vmem>>
        %dma_start3A_143 = arith.constant 0 : i32
        %dma_start3A_144 = arith.constant 0 : i32
        %dma_start3A_145 = tpu.memref_slice %arg3[%dma_start3A_143, %dma_start3A_144] : memref<10000x128xf32, #tpu.memory_space<hbm>> -> memref<10000x128xf32, #tpu.memory_space<hbm>>
        tpu.enqueue_indirect_dma source(%dma_start3A_145 : memref<10000x128xf32, #tpu.memory_space<hbm>>) target(%arg12 : memref<128x128xf32, #tpu.memory_space<vmem>>) offsets(%dma_start3A_142 : memref<128xi32, #tpu.memory_space<vmem>>) semaphore(%arg16 : memref<!tpu.dma_semaphore, #tpu.memory_space<semaphore_mem>>)
      } else {
      }
      %scan3A_69 = arith.constant 0 : i32
      %scan3A_70 = arith.constant 0 : i32
      %scan3A_71 = arith.constant 128 : i32
      %scan3A_72 = arith.addi %scan3A_70, %scan3A_71 : i32
      %scan3A_73 = arith.constant 1 : i32
      scf.for %scan3A_132 = %scan3A_70 to %scan3A_72 step %scan3A_73  : i32 {
        %get3A = arith.index_cast %scan3A_132 : i32 to index
        %get3A_133 = arith.constant 0 : index
        %get3A_134 = tpu.vector_load %arg9[%get3A, %get3A_133] {strides = array<i32>} : memref<128x128xf32, #tpu.memory_space<vmem>>, vector<1x16xf32>,
        %get3A_135 = vector.shape_cast %get3A_134 : vector<1x16xf32> to vector<16xf32>
        %get3A_136 = arith.index_cast %scan3A_132 : i32 to index
        %get3A_137 = arith.constant 0 : index
        %get3A_138 = tpu.vector_load %arg10[%get3A_136, %get3A_137] {strides = array<i32>} : memref<128x128xf32, #tpu.memory_space<vmem>>, vector<1x16xf32>,
        %get3A_139 = vector.shape_cast %get3A_138 : vector<1x16xf32> to vector<16xf32>
        %add3A_140 = arith.addf %get3A_135, %get3A_139 : vector<16xf32>
        %swap3A = arith.index_cast %scan3A_132 : i32 to index
        %swap3A_141 = arith.constant 0 : index
        %swap3A_142 = tpu.vector_load %arg9[%swap3A, %swap3A_141] {strides = array<i32>} : memref<128x128xf32, #tpu.memory_space<vmem>>, vector<1x16xf32>,
        %swap3A_143 = vector.shape_cast %swap3A_142 : vector<1x16xf32> to vector<16xf32>
        %swap3A_144 = vector.shape_cast %add3A_140 : vector<16xf32> to vector<1x16xf32>
        tpu.vector_store %arg9[%swap3A, %swap3A_141], %swap3A_144 {strides = array<i32>} : memref<128x128xf32, #tpu.memory_space<vmem>>, vector<1x16xf32>,
        %get3A_145 = arith.index_cast %scan3A_132 : i32 to index
        %get3A_146 = arith.constant 16 : index
        %get3A_147 = tpu.vector_load %arg9[%get3A_145, %get3A_146] {strides = array<i32>} : memref<128x128xf32, #tpu.memory_space<vmem>>, vector<1x16xf32>,
        %get3A_148 = vector.shape_cast %get3A_147 : vector<1x16xf32> to vector<16xf32>
        %get3A_149 = arith.index_cast %scan3A_132 : i32 to index
        %get3A_150 = arith.constant 16 : index
        %get3A_151 = tpu.vector_load %arg10[%get3A_149, %get3A_150] {strides = array<i32>} : memref<128x128xf32, #tpu.memory_space<vmem>>, vector<1x16xf32>,
        %get3A_152 = vector.shape_cast %get3A_151 : vector<1x16xf32> to vector<16xf32>
        %add3A_153 = arith.addf %get3A_148, %get3A_152 : vector<16xf32>
        %swap3A_154 = arith.index_cast %scan3A_132 : i32 to index
        %swap3A_155 = arith.constant 16 : index
        %swap3A_156 = tpu.vector_load %arg9[%swap3A_154, %swap3A_155] {strides = array<i32>} : memref<128x128xf32, #tpu.memory_space<vmem>>, vector<1x16xf32>,
        %swap3A_157 = vector.shape_cast %swap3A_156 : vector<1x16xf32> to vector<16xf32>
        %swap3A_158 = vector.shape_cast %add3A_153 : vector<16xf32> to vector<1x16xf32>
        tpu.vector_store %arg9[%swap3A_154, %swap3A_155], %swap3A_158 {strides = array<i32>} : memref<128x128xf32, #tpu.memory_space<vmem>>, vector<1x16xf32>,
        %get3A_159 = arith.index_cast %scan3A_132 : i32 to index
        %get3A_160 = arith.constant 32 : index
        %get3A_161 = tpu.vector_load %arg9[%get3A_159, %get3A_160] {strides = array<i32>} : memref<128x128xf32, #tpu.memory_space<vmem>>, vector<1x16xf32>,
        %get3A_162 = vector.shape_cast %get3A_161 : vector<1x16xf32> to vector<16xf32>
        %get3A_163 = arith.index_cast %scan3A_132 : i32 to index
        %get3A_164 = arith.constant 32 : index
        %get3A_165 = tpu.vector_load %arg10[%get3A_163, %get3A_164] {strides = array<i32>} : memref<128x128xf32, #tpu.memory_space<vmem>>, vector<1x16xf32>,
        %get3A_166 = vector.shape_cast %get3A_165 : vector<1x16xf32> to vector<16xf32>
        %add3A_167 = arith.addf %get3A_162, %get3A_166 : vector<16xf32>
        %swap3A_168 = arith.index_cast %scan3A_132 : i32 to index
        %swap3A_169 = arith.constant 32 : index
        %swap3A_170 = tpu.vector_load %arg9[%swap3A_168, %swap3A_169] {strides = array<i32>} : memref<128x128xf32, #tpu.memory_space<vmem>>, vector<1x16xf32>,
        %swap3A_171 = vector.shape_cast %swap3A_170 : vector<1x16xf32> to vector<16xf32>
        %swap3A_172 = vector.shape_cast %add3A_167 : vector<16xf32> to vector<1x16xf32>
        tpu.vector_store %arg9[%swap3A_168, %swap3A_169], %swap3A_172 {strides = array<i32>} : memref<128x128xf32, #tpu.memory_space<vmem>>, vector<1x16xf32>,
        %get3A_173 = arith.index_cast %scan3A_132 : i32 to index
        %get3A_174 = arith.constant 48 : index
        %get3A_175 = tpu.vector_load %arg9[%get3A_173, %get3A_174] {strides = array<i32>} : memref<128x128xf32, #tpu.memory_space<vmem>>, vector<1x16xf32>,
        %get3A_176 = vector.shape_cast %get3A_175 : vector<1x16xf32> to vector<16xf32>
        %get3A_177 = arith.index_cast %scan3A_132 : i32 to index
        %get3A_178 = arith.constant 48 : index
        %get3A_179 = tpu.vector_load %arg10[%get3A_177, %get3A_178] {strides = array<i32>} : memref<128x128xf32, #tpu.memory_space<vmem>>, vector<1x16xf32>,
        %get3A_180 = vector.shape_cast %get3A_179 : vector<1x16xf32> to vector<16xf32>
        %add3A_181 = arith.addf %get3A_176, %get3A_180 : vector<16xf32>
        %swap3A_182 = arith.index_cast %scan3A_132 : i32 to index
        %swap3A_183 = arith.constant 48 : index
        %swap3A_184 = tpu.vector_load %arg9[%swap3A_182, %swap3A_183] {strides = array<i32>} : memref<128x128xf32, #tpu.memory_space<vmem>>, vector<1x16xf32>,
        %swap3A_185 = vector.shape_cast %swap3A_184 : vector<1x16xf32> to vector<16xf32>
        %swap3A_186 = vector.shape_cast %add3A_181 : vector<16xf32> to vector<1x16xf32>
        tpu.vector_store %arg9[%swap3A_182, %swap3A_183], %swap3A_186 {strides = array<i32>} : memref<128x128xf32, #tpu.memory_space<vmem>>, vector<1x16xf32>,
        %get3A_187 = arith.index_cast %scan3A_132 : i32 to index
        %get3A_188 = arith.constant 64 : index
        %get3A_189 = tpu.vector_load %arg9[%get3A_187, %get3A_188] {strides = array<i32>} : memref<128x128xf32, #tpu.memory_space<vmem>>, vector<1x16xf32>,
        %get3A_190 = vector.shape_cast %get3A_189 : vector<1x16xf32> to vector<16xf32>
        %get3A_191 = arith.index_cast %scan3A_132 : i32 to index
        %get3A_192 = arith.constant 64 : index
        %get3A_193 = tpu.vector_load %arg10[%get3A_191, %get3A_192] {strides = array<i32>} : memref<128x128xf32, #tpu.memory_space<vmem>>, vector<1x16xf32>,
        %get3A_194 = vector.shape_cast %get3A_193 : vector<1x16xf32> to vector<16xf32>
        %add3A_195 = arith.addf %get3A_190, %get3A_194 : vector<16xf32>
        %swap3A_196 = arith.index_cast %scan3A_132 : i32 to index
        %swap3A_197 = arith.constant 64 : index
        %swap3A_198 = tpu.vector_load %arg9[%swap3A_196, %swap3A_197] {strides = array<i32>} : memref<128x128xf32, #tpu.memory_space<vmem>>, vector<1x16xf32>,
        %swap3A_199 = vector.shape_cast %swap3A_198 : vector<1x16xf32> to vector<16xf32>
        %swap3A_200 = vector.shape_cast %add3A_195 : vector<16xf32> to vector<1x16xf32>
        tpu.vector_store %arg9[%swap3A_196, %swap3A_197], %swap3A_200 {strides = array<i32>} : memref<128x128xf32, #tpu.memory_space<vmem>>, vector<1x16xf32>,
        %get3A_201 = arith.index_cast %scan3A_132 : i32 to index
        %get3A_202 = arith.constant 80 : index
        %get3A_203 = tpu.vector_load %arg9[%get3A_201, %get3A_202] {strides = array<i32>} : memref<128x128xf32, #tpu.memory_space<vmem>>, vector<1x16xf32>,
        %get3A_204 = vector.shape_cast %get3A_203 : vector<1x16xf32> to vector<16xf32>
        %get3A_205 = arith.index_cast %scan3A_132 : i32 to index
        %get3A_206 = arith.constant 80 : index
        %get3A_207 = tpu.vector_load %arg10[%get3A_205, %get3A_206] {strides = array<i32>} : memref<128x128xf32, #tpu.memory_space<vmem>>, vector<1x16xf32>,
        %get3A_208 = vector.shape_cast %get3A_207 : vector<1x16xf32> to vector<16xf32>
        %add3A_209 = arith.addf %get3A_204, %get3A_208 : vector<16xf32>
        %swap3A_210 = arith.index_cast %scan3A_132 : i32 to index
        %swap3A_211 = arith.constant 80 : index
        %swap3A_212 = tpu.vector_load %arg9[%swap3A_210, %swap3A_211] {strides = array<i32>} : memref<128x128xf32, #tpu.memory_space<vmem>>, vector<1x16xf32>,
        %swap3A_213 = vector.shape_cast %swap3A_212 : vector<1x16xf32> to vector<16xf32>
        %swap3A_214 = vector.shape_cast %add3A_209 : vector<16xf32> to vector<1x16xf32>
        tpu.vector_store %arg9[%swap3A_210, %swap3A_211], %swap3A_214 {strides = array<i32>} : memref<128x128xf32, #tpu.memory_space<vmem>>, vector<1x16xf32>,
        %get3A_215 = arith.index_cast %scan3A_132 : i32 to index
        %get3A_216 = arith.constant 96 : index
        %get3A_217 = tpu.vector_load %arg9[%get3A_215, %get3A_216] {strides = array<i32>} : memref<128x128xf32, #tpu.memory_space<vmem>>, vector<1x16xf32>,
        %get3A_218 = vector.shape_cast %get3A_217 : vector<1x16xf32> to vector<16xf32>
        %get3A_219 = arith.index_cast %scan3A_132 : i32 to index
        %get3A_220 = arith.constant 96 : index
        %get3A_221 = tpu.vector_load %arg10[%get3A_219, %get3A_220] {strides = array<i32>} : memref<128x128xf32, #tpu.memory_space<vmem>>, vector<1x16xf32>,
        %get3A_222 = vector.shape_cast %get3A_221 : vector<1x16xf32> to vector<16xf32>
        %add3A_223 = arith.addf %get3A_218, %get3A_222 : vector<16xf32>
        %swap3A_224 = arith.index_cast %scan3A_132 : i32 to index
        %swap3A_225 = arith.constant 96 : index
        %swap3A_226 = tpu.vector_load %arg9[%swap3A_224, %swap3A_225] {strides = array<i32>} : memref<128x128xf32, #tpu.memory_space<vmem>>, vector<1x16xf32>,
        %swap3A_227 = vector.shape_cast %swap3A_226 : vector<1x16xf32> to vector<16xf32>
        %swap3A_228 = vector.shape_cast %add3A_223 : vector<16xf32> to vector<1x16xf32>
        tpu.vector_store %arg9[%swap3A_224, %swap3A_225], %swap3A_228 {strides = array<i32>} : memref<128x128xf32, #tpu.memory_space<vmem>>, vector<1x16xf32>,
        %get3A_229 = arith.index_cast %scan3A_132 : i32 to index
        %get3A_230 = arith.constant 112 : index
        %get3A_231 = tpu.vector_load %arg9[%get3A_229, %get3A_230] {strides = array<i32>} : memref<128x128xf32, #tpu.memory_space<vmem>>, vector<1x16xf32>,
        %get3A_232 = vector.shape_cast %get3A_231 : vector<1x16xf32> to vector<16xf32>
        %get3A_233 = arith.index_cast %scan3A_132 : i32 to index
        %get3A_234 = arith.constant 112 : index
        %get3A_235 = tpu.vector_load %arg10[%get3A_233, %get3A_234] {strides = array<i32>} : memref<128x128xf32, #tpu.memory_space<vmem>>, vector<1x16xf32>,
        %get3A_236 = vector.shape_cast %get3A_235 : vector<1x16xf32> to vector<16xf32>
        %add3A_237 = arith.addf %get3A_232, %get3A_236 : vector<16xf32>
        %swap3A_238 = arith.index_cast %scan3A_132 : i32 to index
        %swap3A_239 = arith.constant 112 : index
        %swap3A_240 = tpu.vector_load %arg9[%swap3A_238, %swap3A_239] {strides = array<i32>} : memref<128x128xf32, #tpu.memory_space<vmem>>, vector<1x16xf32>,
        %swap3A_241 = vector.shape_cast %swap3A_240 : vector<1x16xf32> to vector<16xf32>
        %swap3A_242 = vector.shape_cast %add3A_237 : vector<16xf32> to vector<1x16xf32>
        tpu.vector_store %arg9[%swap3A_238, %swap3A_239], %swap3A_242 {strides = array<i32>} : memref<128x128xf32, #tpu.memory_space<vmem>>, vector<1x16xf32>,
      }
      %scan3A_74 = arith.constant 128 : i32
      %mul3A_75 = arith.constant 80 : i32
      %mul3A_76 = arith.muli %add3A, %mul3A_75 : i32
      %add3A_77 = arith.addi %mul3A_76, %mul3A_44 : i32
      %mul3A_78 = arith.constant 128 : i32
      %mul3A_79 = arith.muli %add3A_77, %mul3A_78 : i32
      %dma_start3A_80 = arith.constant 0 : i32
      %dma_start3A_81 = tpu.memref_slice %arg6[%mul3A_79, %dma_start3A_80] : memref<327680x128xf32, #tpu.memory_space<hbm>> -> memref<128x128xf32, #tpu.memory_space<hbm>>
      %dma_start3A_82 = arith.constant 0 : i32
      %dma_start3A_83 = tpu.memref_slice %arg6[%mul3A_79, %dma_start3A_82] : memref<327680x128xf32, #tpu.memory_space<hbm>> -> memref<128x128xf32, #tpu.memory_space<hbm>>
      tpu.enqueue_dma source(%arg9 : memref<128x128xf32, #tpu.memory_space<vmem>>) target(%dma_start3A_83 : memref<128x128xf32, #tpu.memory_space<hbm>>) target_semaphore(%arg17 : memref<!tpu.dma_semaphore, #tpu.memory_space<semaphore_mem>>)
      %mul3A_84 = arith.constant 2 : i32
      %mul3A_85 = arith.muli %mul3A_84, %scan3A_42 : i32
      %add3A_86 = arith.constant 1 : i32
      %add3A_87 = arith.addi %mul3A_85, %add3A_86 : i32
      %dma_wait3A_88 = arith.constant 0 : i32
      %dma_wait3A_89 = tpu.memref_slice %arg7[%add3A_87, %dma_wait3A_88] : memref<80x128xi32, #tpu.memory_space<vmem>> -> memref<1x128xi32, #tpu.memory_space<vmem>>
      %dma_wait3A_90 = tpu.memref_squeeze %dma_wait3A_89 : memref<1x128xi32, #tpu.memory_space<vmem>> -> memref<128xi32, #tpu.memory_space<vmem>>
      %dma_wait3A_91 = arith.constant 0 : i32
      %dma_wait3A_92 = arith.constant 0 : i32
      %dma_wait3A_93 = tpu.memref_slice %arg2[%dma_wait3A_91, %dma_wait3A_92] : memref<10000x128xf32, #tpu.memory_space<hbm>> -> memref<10000x128xf32, #tpu.memory_space<hbm>>
      tpu.wait_indirect_dma semaphore(%arg15 : memref<!tpu.dma_semaphore, #tpu.memory_space<semaphore_mem>>) src(%dma_wait3A_93 : memref<10000x128xf32, #tpu.memory_space<hbm>>) dst(%arg11 : memref<128x128xf32, #tpu.memory_space<vmem>>)
      %dma_wait3A_94 = arith.constant 0 : i32
      %dma_wait3A_95 = tpu.memref_slice %arg8[%add3A_87, %dma_wait3A_94] : memref<80x128xi32, #tpu.memory_space<vmem>> -> memref<1x128xi32, #tpu.memory_space<vmem>>
      %dma_wait3A_96 = tpu.memref_squeeze %dma_wait3A_95 : memref<1x128xi32, #tpu.memory_space<vmem>> -> memref<128xi32, #tpu.memory_space<vmem>>
      %dma_wait3A_97 = arith.constant 0 : i32
      %dma_wait3A_98 = arith.constant 0 : i32
      %dma_wait3A_99 = tpu.memref_slice %arg3[%dma_wait3A_97, %dma_wait3A_98] : memref<10000x128xf32, #tpu.memory_space<hbm>> -> memref<10000x128xf32, #tpu.memory_space<hbm>>
      tpu.wait_indirect_dma semaphore(%arg16 : memref<!tpu.dma_semaphore, #tpu.memory_space<semaphore_mem>>) src(%dma_wait3A_99 : memref<10000x128xf32, #tpu.memory_space<hbm>>) dst(%arg12 : memref<128x128xf32, #tpu.memory_space<vmem>>)
      %add3A_100 = arith.constant 1 : i32
      %add3A_101 = arith.addi %add3A_87, %add3A_100 : i32
      %lt3A_102 = arith.constant 80 : i32
      %lt3A_103 = arith.cmpi slt, %add3A_101, %lt3A_102 : i32
      %ge3A_104 = arith.constant 1 : i32
      %ge3A_105 = arith.cmpi sge, %add3A_87, %ge3A_104 : i32
      %and3A_106 = arith.andi %lt3A_103, %ge3A_105 : i1
      %convert_element_type3A_107 = arith.extui %and3A_106 : i1 to i32
      %cond3A_108 = arith.constant 0 : i32
      %cond3A_109 = arith.cmpi ne, %convert_element_type3A_107, %cond3A_108 : i32
      scf.if %cond3A_109 {
        %sub3A = arith.constant 1 : i32
        %sub3A_132 = arith.subi %add3A_87, %sub3A : i32
        %mul3A_133 = arith.constant 80 : i32
        %mul3A_134 = arith.muli %add3A, %mul3A_133 : i32
        %add3A_135 = arith.addi %mul3A_134, %sub3A_132 : i32
        %mul3A_136 = arith.constant 128 : i32
        %mul3A_137 = arith.muli %add3A_135, %mul3A_136 : i32
        %dma_wait3A_138 = arith.constant 0 : i32
        %dma_wait3A_139 = tpu.memref_slice %arg6[%mul3A_137, %dma_wait3A_138] : memref<327680x128xf32, #tpu.memory_space<hbm>> -> memref<128x128xf32, #tpu.memory_space<hbm>>
        %dma_wait3A_140 = arith.constant 0 : i32
        %dma_wait3A_141 = tpu.memref_slice %arg6[%mul3A_137, %dma_wait3A_140] : memref<327680x128xf32, #tpu.memory_space<hbm>> -> memref<128x128xf32, #tpu.memory_space<hbm>>
        tpu.wait_dma2 semaphore(%arg17 : memref<!tpu.dma_semaphore, #tpu.memory_space<semaphore_mem>>) src(%arg9 : memref<128x128xf32, #tpu.memory_space<vmem>>) dst(%dma_wait3A_141 : memref<128x128xf32, #tpu.memory_space<hbm>>)
      } else {
      }
      %add3A_110 = arith.constant 1 : i32
      %add3A_111 = arith.addi %add3A_87, %add3A_110 : i32
      %lt3A_112 = arith.constant 80 : i32
      %lt3A_113 = arith.cmpi slt, %add3A_111, %lt3A_112 : i32
      %convert_element_type3A_114 = arith.extui %lt3A_113 : i1 to i32
      %cond3A_115 = arith.constant 0 : i32
      %cond3A_116 = arith.cmpi ne, %convert_element_type3A_114, %cond3A_115 : i32
      scf.if %cond3A_116 {
        %add3A_132 = arith.constant 1 : i32
        %add3A_133 = arith.addi %add3A_87, %add3A_132 : i32
        %dma_start3A_134 = arith.constant 0 : i32
        %dma_start3A_135 = tpu.memref_slice %arg7[%add3A_133, %dma_start3A_134] : memref<80x128xi32, #tpu.memory_space<vmem>> -> memref<1x128xi32, #tpu.memory_space<vmem>>
        %dma_start3A_136 = tpu.memref_squeeze %dma_start3A_135 : memref<1x128xi32, #tpu.memory_space<vmem>> -> memref<128xi32, #tpu.memory_space<vmem>>
        %dma_start3A_137 = arith.constant 0 : i32
        %dma_start3A_138 = arith.constant 0 : i32
        %dma_start3A_139 = tpu.memref_slice %arg2[%dma_start3A_137, %dma_start3A_138] : memref<10000x128xf32, #tpu.memory_space<hbm>> -> memref<10000x128xf32, #tpu.memory_space<hbm>>
        tpu.enqueue_indirect_dma source(%dma_start3A_139 : memref<10000x128xf32, #tpu.memory_space<hbm>>) target(%arg9 : memref<128x128xf32, #tpu.memory_space<vmem>>) offsets(%dma_start3A_136 : memref<128xi32, #tpu.memory_space<vmem>>) semaphore(%arg13 : memref<!tpu.dma_semaphore, #tpu.memory_space<semaphore_mem>>)
        %dma_start3A_140 = arith.constant 0 : i32
        %dma_start3A_141 = tpu.memref_slice %arg8[%add3A_133, %dma_start3A_140] : memref<80x128xi32, #tpu.memory_space<vmem>> -> memref<1x128xi32, #tpu.memory_space<vmem>>
        %dma_start3A_142 = tpu.memref_squeeze %dma_start3A_141 : memref<1x128xi32, #tpu.memory_space<vmem>> -> memref<128xi32, #tpu.memory_space<vmem>>
        %dma_start3A_143 = arith.constant 0 : i32
        %dma_start3A_144 = arith.constant 0 : i32
        %dma_start3A_145 = tpu.memref_slice %arg3[%dma_start3A_143, %dma_start3A_144] : memref<10000x128xf32, #tpu.memory_space<hbm>> -> memref<10000x128xf32, #tpu.memory_space<hbm>>
        tpu.enqueue_indirect_dma source(%dma_start3A_145 : memref<10000x128xf32, #tpu.memory_space<hbm>>) target(%arg10 : memref<128x128xf32, #tpu.memory_space<vmem>>) offsets(%dma_start3A_142 : memref<128xi32, #tpu.memory_space<vmem>>) semaphore(%arg14 : memref<!tpu.dma_semaphore, #tpu.memory_space<semaphore_mem>>)
      } else {
      }
      %scan3A_117 = arith.constant 0 : i32
      %scan3A_118 = arith.constant 0 : i32
      %scan3A_119 = arith.constant 128 : i32
      %scan3A_120 = arith.addi %scan3A_118, %scan3A_119 : i32
      %scan3A_121 = arith.constant 1 : i32
      scf.for %scan3A_132 = %scan3A_118 to %scan3A_120 step %scan3A_121  : i32 {
        %get3A = arith.index_cast %scan3A_132 : i32 to index
        %get3A_133 = arith.constant 0 : index
        %get3A_134 = tpu.vector_load %arg11[%get3A, %get3A_133] {strides = array<i32>} : memref<128x128xf32, #tpu.memory_space<vmem>>, vector<1x16xf32>,
        %get3A_135 = vector.shape_cast %get3A_134 : vector<1x16xf32> to vector<16xf32>
        %get3A_136 = arith.index_cast %scan3A_132 : i32 to index
        %get3A_137 = arith.constant 0 : index
        %get3A_138 = tpu.vector_load %arg12[%get3A_136, %get3A_137] {strides = array<i32>} : memref<128x128xf32, #tpu.memory_space<vmem>>, vector<1x16xf32>,
        %get3A_139 = vector.shape_cast %get3A_138 : vector<1x16xf32> to vector<16xf32>
        %add3A_140 = arith.addf %get3A_135, %get3A_139 : vector<16xf32>
        %swap3A = arith.index_cast %scan3A_132 : i32 to index
        %swap3A_141 = arith.constant 0 : index
        %swap3A_142 = tpu.vector_load %arg11[%swap3A, %swap3A_141] {strides = array<i32>} : memref<128x128xf32, #tpu.memory_space<vmem>>, vector<1x16xf32>,
        %swap3A_143 = vector.shape_cast %swap3A_142 : vector<1x16xf32> to vector<16xf32>
        %swap3A_144 = vector.shape_cast %add3A_140 : vector<16xf32> to vector<1x16xf32>
        tpu.vector_store %arg11[%swap3A, %swap3A_141], %swap3A_144 {strides = array<i32>} : memref<128x128xf32, #tpu.memory_space<vmem>>, vector<1x16xf32>,
        %get3A_145 = arith.index_cast %scan3A_132 : i32 to index
        %get3A_146 = arith.constant 16 : index
        %get3A_147 = tpu.vector_load %arg11[%get3A_145, %get3A_146] {strides = array<i32>} : memref<128x128xf32, #tpu.memory_space<vmem>>, vector<1x16xf32>,
        %get3A_148 = vector.shape_cast %get3A_147 : vector<1x16xf32> to vector<16xf32>
        %get3A_149 = arith.index_cast %scan3A_132 : i32 to index
        %get3A_150 = arith.constant 16 : index
        %get3A_151 = tpu.vector_load %arg12[%get3A_149, %get3A_150] {strides = array<i32>} : memref<128x128xf32, #tpu.memory_space<vmem>>, vector<1x16xf32>,
        %get3A_152 = vector.shape_cast %get3A_151 : vector<1x16xf32> to vector<16xf32>
        %add3A_153 = arith.addf %get3A_148, %get3A_152 : vector<16xf32>
        %swap3A_154 = arith.index_cast %scan3A_132 : i32 to index
        %swap3A_155 = arith.constant 16 : index
        %swap3A_156 = tpu.vector_load %arg11[%swap3A_154, %swap3A_155] {strides = array<i32>} : memref<128x128xf32, #tpu.memory_space<vmem>>, vector<1x16xf32>,
        %swap3A_157 = vector.shape_cast %swap3A_156 : vector<1x16xf32> to vector<16xf32>
        %swap3A_158 = vector.shape_cast %add3A_153 : vector<16xf32> to vector<1x16xf32>
        tpu.vector_store %arg11[%swap3A_154, %swap3A_155], %swap3A_158 {strides = array<i32>} : memref<128x128xf32, #tpu.memory_space<vmem>>, vector<1x16xf32>,
        %get3A_159 = arith.index_cast %scan3A_132 : i32 to index
        %get3A_160 = arith.constant 32 : index
        %get3A_161 = tpu.vector_load %arg11[%get3A_159, %get3A_160] {strides = array<i32>} : memref<128x128xf32, #tpu.memory_space<vmem>>, vector<1x16xf32>,
        %get3A_162 = vector.shape_cast %get3A_161 : vector<1x16xf32> to vector<16xf32>
        %get3A_163 = arith.index_cast %scan3A_132 : i32 to index
        %get3A_164 = arith.constant 32 : index
        %get3A_165 = tpu.vector_load %arg12[%get3A_163, %get3A_164] {strides = array<i32>} : memref<128x128xf32, #tpu.memory_space<vmem>>, vector<1x16xf32>,
        %get3A_166 = vector.shape_cast %get3A_165 : vector<1x16xf32> to vector<16xf32>
        %add3A_167 = arith.addf %get3A_162, %get3A_166 : vector<16xf32>
        %swap3A_168 = arith.index_cast %scan3A_132 : i32 to index
        %swap3A_169 = arith.constant 32 : index
        %swap3A_170 = tpu.vector_load %arg11[%swap3A_168, %swap3A_169] {strides = array<i32>} : memref<128x128xf32, #tpu.memory_space<vmem>>, vector<1x16xf32>,
        %swap3A_171 = vector.shape_cast %swap3A_170 : vector<1x16xf32> to vector<16xf32>
        %swap3A_172 = vector.shape_cast %add3A_167 : vector<16xf32> to vector<1x16xf32>
        tpu.vector_store %arg11[%swap3A_168, %swap3A_169], %swap3A_172 {strides = array<i32>} : memref<128x128xf32, #tpu.memory_space<vmem>>, vector<1x16xf32>,
        %get3A_173 = arith.index_cast %scan3A_132 : i32 to index
        %get3A_174 = arith.constant 48 : index
        %get3A_175 = tpu.vector_load %arg11[%get3A_173, %get3A_174] {strides = array<i32>} : memref<128x128xf32, #tpu.memory_space<vmem>>, vector<1x16xf32>,
        %get3A_176 = vector.shape_cast %get3A_175 : vector<1x16xf32> to vector<16xf32>
        %get3A_177 = arith.index_cast %scan3A_132 : i32 to index
        %get3A_178 = arith.constant 48 : index
        %get3A_179 = tpu.vector_load %arg12[%get3A_177, %get3A_178] {strides = array<i32>} : memref<128x128xf32, #tpu.memory_space<vmem>>, vector<1x16xf32>,
        %get3A_180 = vector.shape_cast %get3A_179 : vector<1x16xf32> to vector<16xf32>
        %add3A_181 = arith.addf %get3A_176, %get3A_180 : vector<16xf32>
        %swap3A_182 = arith.index_cast %scan3A_132 : i32 to index
        %swap3A_183 = arith.constant 48 : index
        %swap3A_184 = tpu.vector_load %arg11[%swap3A_182, %swap3A_183] {strides = array<i32>} : memref<128x128xf32, #tpu.memory_space<vmem>>, vector<1x16xf32>,
        %swap3A_185 = vector.shape_cast %swap3A_184 : vector<1x16xf32> to vector<16xf32>
        %swap3A_186 = vector.shape_cast %add3A_181 : vector<16xf32> to vector<1x16xf32>
        tpu.vector_store %arg11[%swap3A_182, %swap3A_183], %swap3A_186 {strides = array<i32>} : memref<128x128xf32, #tpu.memory_space<vmem>>, vector<1x16xf32>,
        %get3A_187 = arith.index_cast %scan3A_132 : i32 to index
        %get3A_188 = arith.constant 64 : index
        %get3A_189 = tpu.vector_load %arg11[%get3A_187, %get3A_188] {strides = array<i32>} : memref<128x128xf32, #tpu.memory_space<vmem>>, vector<1x16xf32>,
        %get3A_190 = vector.shape_cast %get3A_189 : vector<1x16xf32> to vector<16xf32>
        %get3A_191 = arith.index_cast %scan3A_132 : i32 to index
        %get3A_192 = arith.constant 64 : index
        %get3A_193 = tpu.vector_load %arg12[%get3A_191, %get3A_192] {strides = array<i32>} : memref<128x128xf32, #tpu.memory_space<vmem>>, vector<1x16xf32>,
        %get3A_194 = vector.shape_cast %get3A_193 : vector<1x16xf32> to vector<16xf32>
        %add3A_195 = arith.addf %get3A_190, %get3A_194 : vector<16xf32>
        %swap3A_196 = arith.index_cast %scan3A_132 : i32 to index
        %swap3A_197 = arith.constant 64 : index
        %swap3A_198 = tpu.vector_load %arg11[%swap3A_196, %swap3A_197] {strides = array<i32>} : memref<128x128xf32, #tpu.memory_space<vmem>>, vector<1x16xf32>,
        %swap3A_199 = vector.shape_cast %swap3A_198 : vector<1x16xf32> to vector<16xf32>
        %swap3A_200 = vector.shape_cast %add3A_195 : vector<16xf32> to vector<1x16xf32>
        tpu.vector_store %arg11[%swap3A_196, %swap3A_197], %swap3A_200 {strides = array<i32>} : memref<128x128xf32, #tpu.memory_space<vmem>>, vector<1x16xf32>,
        %get3A_201 = arith.index_cast %scan3A_132 : i32 to index
        %get3A_202 = arith.constant 80 : index
        %get3A_203 = tpu.vector_load %arg11[%get3A_201, %get3A_202] {strides = array<i32>} : memref<128x128xf32, #tpu.memory_space<vmem>>, vector<1x16xf32>,
        %get3A_204 = vector.shape_cast %get3A_203 : vector<1x16xf32> to vector<16xf32>
        %get3A_205 = arith.index_cast %scan3A_132 : i32 to index
        %get3A_206 = arith.constant 80 : index
        %get3A_207 = tpu.vector_load %arg12[%get3A_205, %get3A_206] {strides = array<i32>} : memref<128x128xf32, #tpu.memory_space<vmem>>, vector<1x16xf32>,
        %get3A_208 = vector.shape_cast %get3A_207 : vector<1x16xf32> to vector<16xf32>
        %add3A_209 = arith.addf %get3A_204, %get3A_208 : vector<16xf32>
        %swap3A_210 = arith.index_cast %scan3A_132 : i32 to index
        %swap3A_211 = arith.constant 80 : index
        %swap3A_212 = tpu.vector_load %arg11[%swap3A_210, %swap3A_211] {strides = array<i32>} : memref<128x128xf32, #tpu.memory_space<vmem>>, vector<1x16xf32>,
        %swap3A_213 = vector.shape_cast %swap3A_212 : vector<1x16xf32> to vector<16xf32>
        %swap3A_214 = vector.shape_cast %add3A_209 : vector<16xf32> to vector<1x16xf32>
        tpu.vector_store %arg11[%swap3A_210, %swap3A_211], %swap3A_214 {strides = array<i32>} : memref<128x128xf32, #tpu.memory_space<vmem>>, vector<1x16xf32>,
        %get3A_215 = arith.index_cast %scan3A_132 : i32 to index
        %get3A_216 = arith.constant 96 : index
        %get3A_217 = tpu.vector_load %arg11[%get3A_215, %get3A_216] {strides = array<i32>} : memref<128x128xf32, #tpu.memory_space<vmem>>, vector<1x16xf32>,
        %get3A_218 = vector.shape_cast %get3A_217 : vector<1x16xf32> to vector<16xf32>
        %get3A_219 = arith.index_cast %scan3A_132 : i32 to index
        %get3A_220 = arith.constant 96 : index
        %get3A_221 = tpu.vector_load %arg12[%get3A_219, %get3A_220] {strides = array<i32>} : memref<128x128xf32, #tpu.memory_space<vmem>>, vector<1x16xf32>,
        %get3A_222 = vector.shape_cast %get3A_221 : vector<1x16xf32> to vector<16xf32>
        %add3A_223 = arith.addf %get3A_218, %get3A_222 : vector<16xf32>
        %swap3A_224 = arith.index_cast %scan3A_132 : i32 to index
        %swap3A_225 = arith.constant 96 : index
        %swap3A_226 = tpu.vector_load %arg11[%swap3A_224, %swap3A_225] {strides = array<i32>} : memref<128x128xf32, #tpu.memory_space<vmem>>, vector<1x16xf32>,
        %swap3A_227 = vector.shape_cast %swap3A_226 : vector<1x16xf32> to vector<16xf32>
        %swap3A_228 = vector.shape_cast %add3A_223 : vector<16xf32> to vector<1x16xf32>
        tpu.vector_store %arg11[%swap3A_224, %swap3A_225], %swap3A_228 {strides = array<i32>} : memref<128x128xf32, #tpu.memory_space<vmem>>, vector<1x16xf32>,
        %get3A_229 = arith.index_cast %scan3A_132 : i32 to index
        %get3A_230 = arith.constant 112 : index
        %get3A_231 = tpu.vector_load %arg11[%get3A_229, %get3A_230] {strides = array<i32>} : memref<128x128xf32, #tpu.memory_space<vmem>>, vector<1x16xf32>,
        %get3A_232 = vector.shape_cast %get3A_231 : vector<1x16xf32> to vector<16xf32>
        %get3A_233 = arith.index_cast %scan3A_132 : i32 to index
        %get3A_234 = arith.constant 112 : index
        %get3A_235 = tpu.vector_load %arg12[%get3A_233, %get3A_234] {strides = array<i32>} : memref<128x128xf32, #tpu.memory_space<vmem>>, vector<1x16xf32>,
        %get3A_236 = vector.shape_cast %get3A_235 : vector<1x16xf32> to vector<16xf32>
        %add3A_237 = arith.addf %get3A_232, %get3A_236 : vector<16xf32>
        %swap3A_238 = arith.index_cast %scan3A_132 : i32 to index
        %swap3A_239 = arith.constant 112 : index
        %swap3A_240 = tpu.vector_load %arg11[%swap3A_238, %swap3A_239] {strides = array<i32>} : memref<128x128xf32, #tpu.memory_space<vmem>>, vector<1x16xf32>,
        %swap3A_241 = vector.shape_cast %swap3A_240 : vector<1x16xf32> to vector<16xf32>
        %swap3A_242 = vector.shape_cast %add3A_237 : vector<16xf32> to vector<1x16xf32>
        tpu.vector_store %arg11[%swap3A_238, %swap3A_239], %swap3A_242 {strides = array<i32>} : memref<128x128xf32, #tpu.memory_space<vmem>>, vector<1x16xf32>,
      }
      %scan3A_122 = arith.constant 128 : i32
      %mul3A_123 = arith.constant 80 : i32
      %mul3A_124 = arith.muli %add3A, %mul3A_123 : i32
      %add3A_125 = arith.addi %mul3A_124, %add3A_87 : i32
      %mul3A_126 = arith.constant 128 : i32
      %mul3A_127 = arith.muli %add3A_125, %mul3A_126 : i32
      %dma_start3A_128 = arith.constant 0 : i32
      %dma_start3A_129 = tpu.memref_slice %arg6[%mul3A_127, %dma_start3A_128] : memref<327680x128xf32, #tpu.memory_space<hbm>> -> memref<128x128xf32, #tpu.memory_space<hbm>>
      %dma_start3A_130 = arith.constant 0 : i32
      %dma_start3A_131 = tpu.memref_slice %arg6[%mul3A_127, %dma_start3A_130] : memref<327680x128xf32, #tpu.memory_space<hbm>> -> memref<128x128xf32, #tpu.memory_space<hbm>>
      tpu.enqueue_dma source(%arg11 : memref<128x128xf32, #tpu.memory_space<vmem>>) target(%dma_start3A_131 : memref<128x128xf32, #tpu.memory_space<hbm>>) target_semaphore(%arg18 : memref<!tpu.dma_semaphore, #tpu.memory_space<semaphore_mem>>)
    }
    %scan3A_22 = arith.constant 40 : i32
    %mul3A_23 = arith.constant 80 : i32
    %mul3A_24 = arith.muli %add3A, %mul3A_23 : i32
    %add3A_25 = arith.constant 78 : i32
    %add3A_26 = arith.addi %mul3A_24, %add3A_25 : i32
    %mul3A_27 = arith.constant 128 : i32
    %mul3A_28 = arith.muli %add3A_26, %mul3A_27 : i32
    %dma_wait3A = arith.constant 0 : i32
    %dma_wait3A_29 = tpu.memref_slice %arg6[%mul3A_28, %dma_wait3A] : memref<327680x128xf32, #tpu.memory_space<hbm>> -> memref<128x128xf32, #tpu.memory_space<hbm>>
    %dma_wait3A_30 = arith.constant 0 : i32
    %dma_wait3A_31 = tpu.memref_slice %arg6[%mul3A_28, %dma_wait3A_30] : memref<327680x128xf32, #tpu.memory_space<hbm>> -> memref<128x128xf32, #tpu.memory_space<hbm>>
    tpu.wait_dma2 semaphore(%arg17 : memref<!tpu.dma_semaphore, #tpu.memory_space<semaphore_mem>>) src(%arg9 : memref<128x128xf32, #tpu.memory_space<vmem>>) dst(%dma_wait3A_31 : memref<128x128xf32, #tpu.memory_space<hbm>>)
    %mul3A_32 = arith.constant 80 : i32
    %mul3A_33 = arith.muli %add3A, %mul3A_32 : i32
    %add3A_34 = arith.constant 79 : i32
    %add3A_35 = arith.addi %mul3A_33, %add3A_34 : i32
    %mul3A_36 = arith.constant 128 : i32
    %mul3A_37 = arith.muli %add3A_35, %mul3A_36 : i32
    %dma_wait3A_38 = arith.constant 0 : i32
    %dma_wait3A_39 = tpu.memref_slice %arg6[%mul3A_37, %dma_wait3A_38] : memref<327680x128xf32, #tpu.memory_space<hbm>> -> memref<128x128xf32, #tpu.memory_space<hbm>>
    %dma_wait3A_40 = arith.constant 0 : i32
    %dma_wait3A_41 = tpu.memref_slice %arg6[%mul3A_37, %dma_wait3A_40] : memref<327680x128xf32, #tpu.memory_space<hbm>> -> memref<128x128xf32, #tpu.memory_space<hbm>>
    tpu.wait_dma2 semaphore(%arg18 : memref<!tpu.dma_semaphore, #tpu.memory_space<semaphore_mem>>) src(%arg11 : memref<128x128xf32, #tpu.memory_space<vmem>>) dst(%dma_wait3A_41 : memref<128x128xf32, #tpu.memory_space<hbm>>)
    return
  }
}

#map = affine_map<(d0, d1) -> (0, 0)>
module attributes {stable_mosaic.version = 14 : i64} {
  func.func @_sc_scatter_body(%arg0: i32, %arg1: i32, %arg2: memref<327680x128xf32, #tpu.memory_space<hbm>>, %arg3: memref<2560x128xi32, #tpu.memory_space<hbm>>, %arg4: memref<10112x128xf32, #tpu.memory_space<hbm>>, %arg5: memref<10112x128xf32, #tpu.memory_space<hbm>>, %arg6: memref<80x128xi32, #tpu.memory_space<vmem>>, %arg7: memref<128x128xf32, #tpu.memory_space<vmem>>, %arg8: memref<128x128xf32, #tpu.memory_space<vmem>>, %arg9: memref<10112x128xf32, #tpu.memory_space<vmem_shared>>, %arg10: memref<!tpu.dma_semaphore, #tpu.memory_space<semaphore_mem>>, %arg11: memref<!tpu.dma_semaphore, #tpu.memory_space<semaphore_mem>>) attributes {dimension_semantics = [#tpu.dimension_semantics<core_parallel>, #tpu.dimension_semantics<subcore_parallel>], iteration_bounds = array<i64: 2, 16>, scalar_prefetch = 0 : i64, scratch_operands = 6 : i64, tpu.core_type = #tpu.core_type<sc_vector_subcore>, window_params = [{transform_indices = #map}, {transform_indices = #map}, {transform_indices = #map}, {transform_indices = #map}]} {
    %mul3A = arith.constant 16 : i32
    %mul3A_0 = arith.muli %arg0, %mul3A : i32
    %add3A = arith.addi %mul3A_0, %arg1 : i32
    %scan3A = arith.constant 0 : i32
    %scan3A_1 = arith.constant 0 : i32
    %scan3A_2 = arith.constant 128 : i32
    %scan3A_3 = arith.addi %scan3A_1, %scan3A_2 : i32
    %scan3A_4 = arith.constant 1 : i32
    scf.for %scan3A_43 = %scan3A_1 to %scan3A_3 step %scan3A_4  : i32 {
      %broadcast_in_dim3A = arith.constant 0.000000e+00 : f32
      %broadcast_in_dim3A_44 = vector.broadcast %broadcast_in_dim3A : f32 to vector<16xf32>
      %swap3A = arith.index_cast %scan3A_43 : i32 to index
      %swap3A_45 = arith.constant 0 : index
      %swap3A_46 = tpu.vector_load %arg7[%swap3A, %swap3A_45] {strides = array<i32>} : memref<128x128xf32, #tpu.memory_space<vmem>>, vector<1x16xf32>,
      %swap3A_47 = vector.shape_cast %swap3A_46 : vector<1x16xf32> to vector<16xf32>
      %swap3A_48 = vector.shape_cast %broadcast_in_dim3A_44 : vector<16xf32> to vector<1x16xf32>
      tpu.vector_store %arg7[%swap3A, %swap3A_45], %swap3A_48 {strides = array<i32>} : memref<128x128xf32, #tpu.memory_space<vmem>>, vector<1x16xf32>,
      %broadcast_in_dim3A_49 = arith.constant 0.000000e+00 : f32
      %broadcast_in_dim3A_50 = vector.broadcast %broadcast_in_dim3A_49 : f32 to vector<16xf32>
      %swap3A_51 = arith.index_cast %scan3A_43 : i32 to index
      %swap3A_52 = arith.constant 16 : index
      %swap3A_53 = tpu.vector_load %arg7[%swap3A_51, %swap3A_52] {strides = array<i32>} : memref<128x128xf32, #tpu.memory_space<vmem>>, vector<1x16xf32>,
      %swap3A_54 = vector.shape_cast %swap3A_53 : vector<1x16xf32> to vector<16xf32>
      %swap3A_55 = vector.shape_cast %broadcast_in_dim3A_50 : vector<16xf32> to vector<1x16xf32>
      tpu.vector_store %arg7[%swap3A_51, %swap3A_52], %swap3A_55 {strides = array<i32>} : memref<128x128xf32, #tpu.memory_space<vmem>>, vector<1x16xf32>,
      %broadcast_in_dim3A_56 = arith.constant 0.000000e+00 : f32
      %broadcast_in_dim3A_57 = vector.broadcast %broadcast_in_dim3A_56 : f32 to vector<16xf32>
      %swap3A_58 = arith.index_cast %scan3A_43 : i32 to index
      %swap3A_59 = arith.constant 32 : index
      %swap3A_60 = tpu.vector_load %arg7[%swap3A_58, %swap3A_59] {strides = array<i32>} : memref<128x128xf32, #tpu.memory_space<vmem>>, vector<1x16xf32>,
      %swap3A_61 = vector.shape_cast %swap3A_60 : vector<1x16xf32> to vector<16xf32>
      %swap3A_62 = vector.shape_cast %broadcast_in_dim3A_57 : vector<16xf32> to vector<1x16xf32>
      tpu.vector_store %arg7[%swap3A_58, %swap3A_59], %swap3A_62 {strides = array<i32>} : memref<128x128xf32, #tpu.memory_space<vmem>>, vector<1x16xf32>,
      %broadcast_in_dim3A_63 = arith.constant 0.000000e+00 : f32
      %broadcast_in_dim3A_64 = vector.broadcast %broadcast_in_dim3A_63 : f32 to vector<16xf32>
      %swap3A_65 = arith.index_cast %scan3A_43 : i32 to index
      %swap3A_66 = arith.constant 48 : index
      %swap3A_67 = tpu.vector_load %arg7[%swap3A_65, %swap3A_66] {strides = array<i32>} : memref<128x128xf32, #tpu.memory_space<vmem>>, vector<1x16xf32>,
      %swap3A_68 = vector.shape_cast %swap3A_67 : vector<1x16xf32> to vector<16xf32>
      %swap3A_69 = vector.shape_cast %broadcast_in_dim3A_64 : vector<16xf32> to vector<1x16xf32>
      tpu.vector_store %arg7[%swap3A_65, %swap3A_66], %swap3A_69 {strides = array<i32>} : memref<128x128xf32, #tpu.memory_space<vmem>>, vector<1x16xf32>,
      %broadcast_in_dim3A_70 = arith.constant 0.000000e+00 : f32
      %broadcast_in_dim3A_71 = vector.broadcast %broadcast_in_dim3A_70 : f32 to vector<16xf32>
      %swap3A_72 = arith.index_cast %scan3A_43 : i32 to index
      %swap3A_73 = arith.constant 64 : index
      %swap3A_74 = tpu.vector_load %arg7[%swap3A_72, %swap3A_73] {strides = array<i32>} : memref<128x128xf32, #tpu.memory_space<vmem>>, vector<1x16xf32>,
      %swap3A_75 = vector.shape_cast %swap3A_74 : vector<1x16xf32> to vector<16xf32>
      %swap3A_76 = vector.shape_cast %broadcast_in_dim3A_71 : vector<16xf32> to vector<1x16xf32>
      tpu.vector_store %arg7[%swap3A_72, %swap3A_73], %swap3A_76 {strides = array<i32>} : memref<128x128xf32, #tpu.memory_space<vmem>>, vector<1x16xf32>,
      %broadcast_in_dim3A_77 = arith.constant 0.000000e+00 : f32
      %broadcast_in_dim3A_78 = vector.broadcast %broadcast_in_dim3A_77 : f32 to vector<16xf32>
      %swap3A_79 = arith.index_cast %scan3A_43 : i32 to index
      %swap3A_80 = arith.constant 80 : index
      %swap3A_81 = tpu.vector_load %arg7[%swap3A_79, %swap3A_80] {strides = array<i32>} : memref<128x128xf32, #tpu.memory_space<vmem>>, vector<1x16xf32>,
      %swap3A_82 = vector.shape_cast %swap3A_81 : vector<1x16xf32> to vector<16xf32>
      %swap3A_83 = vector.shape_cast %broadcast_in_dim3A_78 : vector<16xf32> to vector<1x16xf32>
      tpu.vector_store %arg7[%swap3A_79, %swap3A_80], %swap3A_83 {strides = array<i32>} : memref<128x128xf32, #tpu.memory_space<vmem>>, vector<1x16xf32>,
      %broadcast_in_dim3A_84 = arith.constant 0.000000e+00 : f32
      %broadcast_in_dim3A_85 = vector.broadcast %broadcast_in_dim3A_84 : f32 to vector<16xf32>
      %swap3A_86 = arith.index_cast %scan3A_43 : i32 to index
      %swap3A_87 = arith.constant 96 : index
      %swap3A_88 = tpu.vector_load %arg7[%swap3A_86, %swap3A_87] {strides = array<i32>} : memref<128x128xf32, #tpu.memory_space<vmem>>, vector<1x16xf32>,
      %swap3A_89 = vector.shape_cast %swap3A_88 : vector<1x16xf32> to vector<16xf32>
      %swap3A_90 = vector.shape_cast %broadcast_in_dim3A_85 : vector<16xf32> to vector<1x16xf32>
      tpu.vector_store %arg7[%swap3A_86, %swap3A_87], %swap3A_90 {strides = array<i32>} : memref<128x128xf32, #tpu.memory_space<vmem>>, vector<1x16xf32>,
      %broadcast_in_dim3A_91 = arith.constant 0.000000e+00 : f32
      %broadcast_in_dim3A_92 = vector.broadcast %broadcast_in_dim3A_91 : f32 to vector<16xf32>
      %swap3A_93 = arith.index_cast %scan3A_43 : i32 to index
      %swap3A_94 = arith.constant 112 : index
      %swap3A_95 = tpu.vector_load %arg7[%swap3A_93, %swap3A_94] {strides = array<i32>} : memref<128x128xf32, #tpu.memory_space<vmem>>, vector<1x16xf32>,
      %swap3A_96 = vector.shape_cast %swap3A_95 : vector<1x16xf32> to vector<16xf32>
      %swap3A_97 = vector.shape_cast %broadcast_in_dim3A_92 : vector<16xf32> to vector<1x16xf32>
      tpu.vector_store %arg7[%swap3A_93, %swap3A_94], %swap3A_97 {strides = array<i32>} : memref<128x128xf32, #tpu.memory_space<vmem>>, vector<1x16xf32>,
    }
    %scan3A_5 = arith.constant 128 : i32
    %mul3A_6 = arith.constant 632 : i32
    %mul3A_7 = arith.muli %arg1, %mul3A_6 : i32
    %add3A_8 = arith.constant 0 : i32
    %add3A_9 = arith.addi %mul3A_7, %add3A_8 : i32
    "tpu.region"() ({
      %run_scoped3A = tpu.sem_alloc : memref<!tpu.dma_semaphore, #tpu.memory_space<semaphore_mem>>
      %dma_start3A_43 = arith.constant 0 : i32
      %dma_start3A_44 = tpu.memref_slice %arg9[%add3A_9, %dma_start3A_43] : memref<10112x128xf32, #tpu.memory_space<vmem_shared>> -> memref<128x128xf32, #tpu.memory_space<vmem_shared>>
      %dma_start3A_45 = arith.constant 0 : i32
      %dma_start3A_46 = tpu.memref_slice %arg9[%add3A_9, %dma_start3A_45] : memref<10112x128xf32, #tpu.memory_space<vmem_shared>> -> memref<128x128xf32, #tpu.memory_space<vmem_shared>>
      tpu.enqueue_dma source(%arg7 : memref<128x128xf32, #tpu.memory_space<vmem>>) target(%dma_start3A_46 : memref<128x128xf32, #tpu.memory_space<vmem_shared>>) target_semaphore(%run_scoped3A : memref<!tpu.dma_semaphore, #tpu.memory_space<semaphore_mem>>)
      %dma_wait3A = arith.constant 0 : i32
      %dma_wait3A_47 = tpu.memref_slice %arg9[%add3A_9, %dma_wait3A] : memref<10112x128xf32, #tpu.memory_space<vmem_shared>> -> memref<128x128xf32, #tpu.memory_space<vmem_shared>>
      %dma_wait3A_48 = arith.constant 0 : i32
      %dma_wait3A_49 = tpu.memref_slice %arg9[%add3A_9, %dma_wait3A_48] : memref<10112x128xf32, #tpu.memory_space<vmem_shared>> -> memref<128x128xf32, #tpu.memory_space<vmem_shared>>
      tpu.wait_dma2 semaphore(%run_scoped3A : memref<!tpu.dma_semaphore, #tpu.memory_space<semaphore_mem>>) src(%arg7 : memref<128x128xf32, #tpu.memory_space<vmem>>) dst(%dma_wait3A_49 : memref<128x128xf32, #tpu.memory_space<vmem_shared>>)
      tpu.yield
    }) : () -> ()
    %add3A_10 = arith.constant 128 : i32
    %add3A_11 = arith.addi %mul3A_7, %add3A_10 : i32
    "tpu.region"() ({
      %run_scoped3A = tpu.sem_alloc : memref<!tpu.dma_semaphore, #tpu.memory_space<semaphore_mem>>
      %dma_start3A_43 = arith.constant 0 : i32
      %dma_start3A_44 = tpu.memref_slice %arg9[%add3A_11, %dma_start3A_43] : memref<10112x128xf32, #tpu.memory_space<vmem_shared>> -> memref<128x128xf32, #tpu.memory_space<vmem_shared>>
      %dma_start3A_45 = arith.constant 0 : i32
      %dma_start3A_46 = tpu.memref_slice %arg9[%add3A_11, %dma_start3A_45] : memref<10112x128xf32, #tpu.memory_space<vmem_shared>> -> memref<128x128xf32, #tpu.memory_space<vmem_shared>>
      tpu.enqueue_dma source(%arg7 : memref<128x128xf32, #tpu.memory_space<vmem>>) target(%dma_start3A_46 : memref<128x128xf32, #tpu.memory_space<vmem_shared>>) target_semaphore(%run_scoped3A : memref<!tpu.dma_semaphore, #tpu.memory_space<semaphore_mem>>)
      %dma_wait3A = arith.constant 0 : i32
      %dma_wait3A_47 = tpu.memref_slice %arg9[%add3A_11, %dma_wait3A] : memref<10112x128xf32, #tpu.memory_space<vmem_shared>> -> memref<128x128xf32, #tpu.memory_space<vmem_shared>>
      %dma_wait3A_48 = arith.constant 0 : i32
      %dma_wait3A_49 = tpu.memref_slice %arg9[%add3A_11, %dma_wait3A_48] : memref<10112x128xf32, #tpu.memory_space<vmem_shared>> -> memref<128x128xf32, #tpu.memory_space<vmem_shared>>
      tpu.wait_dma2 semaphore(%run_scoped3A : memref<!tpu.dma_semaphore, #tpu.memory_space<semaphore_mem>>) src(%arg7 : memref<128x128xf32, #tpu.memory_space<vmem>>) dst(%dma_wait3A_49 : memref<128x128xf32, #tpu.memory_space<vmem_shared>>)
      tpu.yield
    }) : () -> ()
    %add3A_12 = arith.constant 256 : i32
    %add3A_13 = arith.addi %mul3A_7, %add3A_12 : i32
    "tpu.region"() ({
      %run_scoped3A = tpu.sem_alloc : memref<!tpu.dma_semaphore, #tpu.memory_space<semaphore_mem>>
      %dma_start3A_43 = arith.constant 0 : i32
      %dma_start3A_44 = tpu.memref_slice %arg9[%add3A_13, %dma_start3A_43] : memref<10112x128xf32, #tpu.memory_space<vmem_shared>> -> memref<128x128xf32, #tpu.memory_space<vmem_shared>>
      %dma_start3A_45 = arith.constant 0 : i32
      %dma_start3A_46 = tpu.memref_slice %arg9[%add3A_13, %dma_start3A_45] : memref<10112x128xf32, #tpu.memory_space<vmem_shared>> -> memref<128x128xf32, #tpu.memory_space<vmem_shared>>
      tpu.enqueue_dma source(%arg7 : memref<128x128xf32, #tpu.memory_space<vmem>>) target(%dma_start3A_46 : memref<128x128xf32, #tpu.memory_space<vmem_shared>>) target_semaphore(%run_scoped3A : memref<!tpu.dma_semaphore, #tpu.memory_space<semaphore_mem>>)
      %dma_wait3A = arith.constant 0 : i32
      %dma_wait3A_47 = tpu.memref_slice %arg9[%add3A_13, %dma_wait3A] : memref<10112x128xf32, #tpu.memory_space<vmem_shared>> -> memref<128x128xf32, #tpu.memory_space<vmem_shared>>
      %dma_wait3A_48 = arith.constant 0 : i32
      %dma_wait3A_49 = tpu.memref_slice %arg9[%add3A_13, %dma_wait3A_48] : memref<10112x128xf32, #tpu.memory_space<vmem_shared>> -> memref<128x128xf32, #tpu.memory_space<vmem_shared>>
      tpu.wait_dma2 semaphore(%run_scoped3A : memref<!tpu.dma_semaphore, #tpu.memory_space<semaphore_mem>>) src(%arg7 : memref<128x128xf32, #tpu.memory_space<vmem>>) dst(%dma_wait3A_49 : memref<128x128xf32, #tpu.memory_space<vmem_shared>>)
      tpu.yield
    }) : () -> ()
    %add3A_14 = arith.constant 384 : i32
    %add3A_15 = arith.addi %mul3A_7, %add3A_14 : i32
    "tpu.region"() ({
      %run_scoped3A = tpu.sem_alloc : memref<!tpu.dma_semaphore, #tpu.memory_space<semaphore_mem>>
      %dma_start3A_43 = arith.constant 0 : i32
      %dma_start3A_44 = tpu.memref_slice %arg9[%add3A_15, %dma_start3A_43] : memref<10112x128xf32, #tpu.memory_space<vmem_shared>> -> memref<128x128xf32, #tpu.memory_space<vmem_shared>>
      %dma_start3A_45 = arith.constant 0 : i32
      %dma_start3A_46 = tpu.memref_slice %arg9[%add3A_15, %dma_start3A_45] : memref<10112x128xf32, #tpu.memory_space<vmem_shared>> -> memref<128x128xf32, #tpu.memory_space<vmem_shared>>
      tpu.enqueue_dma source(%arg7 : memref<128x128xf32, #tpu.memory_space<vmem>>) target(%dma_start3A_46 : memref<128x128xf32, #tpu.memory_space<vmem_shared>>) target_semaphore(%run_scoped3A : memref<!tpu.dma_semaphore, #tpu.memory_space<semaphore_mem>>)
      %dma_wait3A = arith.constant 0 : i32
      %dma_wait3A_47 = tpu.memref_slice %arg9[%add3A_15, %dma_wait3A] : memref<10112x128xf32, #tpu.memory_space<vmem_shared>> -> memref<128x128xf32, #tpu.memory_space<vmem_shared>>
      %dma_wait3A_48 = arith.constant 0 : i32
      %dma_wait3A_49 = tpu.memref_slice %arg9[%add3A_15, %dma_wait3A_48] : memref<10112x128xf32, #tpu.memory_space<vmem_shared>> -> memref<128x128xf32, #tpu.memory_space<vmem_shared>>
      tpu.wait_dma2 semaphore(%run_scoped3A : memref<!tpu.dma_semaphore, #tpu.memory_space<semaphore_mem>>) src(%arg7 : memref<128x128xf32, #tpu.memory_space<vmem>>) dst(%dma_wait3A_49 : memref<128x128xf32, #tpu.memory_space<vmem_shared>>)
      tpu.yield
    }) : () -> ()
    %add3A_16 = arith.constant 512 : i32
    %add3A_17 = arith.addi %mul3A_7, %add3A_16 : i32
    "tpu.region"() ({
      %run_scoped3A = tpu.sem_alloc : memref<!tpu.dma_semaphore, #tpu.memory_space<semaphore_mem>>
      %dma_start3A_43 = arith.constant 0 : i32
      %dma_start3A_44 = arith.constant 0 : i32
      %dma_start3A_45 = tpu.memref_slice %arg7[%dma_start3A_43, %dma_start3A_44] : memref<128x128xf32, #tpu.memory_space<vmem>> -> memref<120x128xf32, #tpu.memory_space<vmem>>
      %dma_start3A_46 = arith.constant 0 : i32
      %dma_start3A_47 = tpu.memref_slice %arg9[%add3A_17, %dma_start3A_46] : memref<10112x128xf32, #tpu.memory_space<vmem_shared>> -> memref<120x128xf32, #tpu.memory_space<vmem_shared>>
      %dma_start3A_48 = arith.constant 0 : i32
      %dma_start3A_49 = tpu.memref_slice %arg9[%add3A_17, %dma_start3A_48] : memref<10112x128xf32, #tpu.memory_space<vmem_shared>> -> memref<120x128xf32, #tpu.memory_space<vmem_shared>>
      %dma_start3A_50 = arith.constant 0 : i32
      %dma_start3A_51 = arith.constant 0 : i32
      %dma_start3A_52 = tpu.memref_slice %arg7[%dma_start3A_50, %dma_start3A_51] : memref<128x128xf32, #tpu.memory_space<vmem>> -> memref<120x128xf32, #tpu.memory_space<vmem>>
      tpu.enqueue_dma source(%dma_start3A_52 : memref<120x128xf32, #tpu.memory_space<vmem>>) target(%dma_start3A_49 : memref<120x128xf32, #tpu.memory_space<vmem_shared>>) target_semaphore(%run_scoped3A : memref<!tpu.dma_semaphore, #tpu.memory_space<semaphore_mem>>)
      %dma_wait3A = arith.constant 0 : i32
      %dma_wait3A_53 = arith.constant 0 : i32
      %dma_wait3A_54 = tpu.memref_slice %arg7[%dma_wait3A, %dma_wait3A_53] : memref<128x128xf32, #tpu.memory_space<vmem>> -> memref<120x128xf32, #tpu.memory_space<vmem>>
      %dma_wait3A_55 = arith.constant 0 : i32
      %dma_wait3A_56 = tpu.memref_slice %arg9[%add3A_17, %dma_wait3A_55] : memref<10112x128xf32, #tpu.memory_space<vmem_shared>> -> memref<120x128xf32, #tpu.memory_space<vmem_shared>>
      %dma_wait3A_57 = arith.constant 0 : i32
      %dma_wait3A_58 = tpu.memref_slice %arg9[%add3A_17, %dma_wait3A_57] : memref<10112x128xf32, #tpu.memory_space<vmem_shared>> -> memref<120x128xf32, #tpu.memory_space<vmem_shared>>
      %dma_wait3A_59 = arith.constant 0 : i32
      %dma_wait3A_60 = arith.constant 0 : i32
      %dma_wait3A_61 = tpu.memref_slice %arg7[%dma_wait3A_59, %dma_wait3A_60] : memref<128x128xf32, #tpu.memory_space<vmem>> -> memref<120x128xf32, #tpu.memory_space<vmem>>
      tpu.wait_dma2 semaphore(%run_scoped3A : memref<!tpu.dma_semaphore, #tpu.memory_space<semaphore_mem>>) src(%dma_wait3A_61 : memref<120x128xf32, #tpu.memory_space<vmem>>) dst(%dma_wait3A_58 : memref<120x128xf32, #tpu.memory_space<vmem_shared>>)
      tpu.yield
    }) : () -> ()
    %mul3A_18 = arith.constant 80 : i32
    %mul3A_19 = arith.muli %add3A, %mul3A_18 : i32
    "tpu.region"() ({
      %run_scoped3A = tpu.sem_alloc : memref<!tpu.dma_semaphore, #tpu.memory_space<semaphore_mem>>
      %dma_start3A_43 = arith.constant 0 : i32
      %dma_start3A_44 = tpu.memref_slice %arg3[%mul3A_19, %dma_start3A_43] : memref<2560x128xi32, #tpu.memory_space<hbm>> -> memref<80x128xi32, #tpu.memory_space<hbm>>
      %dma_start3A_45 = arith.constant 0 : i32
      %dma_start3A_46 = tpu.memref_slice %arg3[%mul3A_19, %dma_start3A_45] : memref<2560x128xi32, #tpu.memory_space<hbm>> -> memref<80x128xi32, #tpu.memory_space<hbm>>
      tpu.enqueue_dma source(%dma_start3A_46 : memref<80x128xi32, #tpu.memory_space<hbm>>) target(%arg6 : memref<80x128xi32, #tpu.memory_space<vmem>>) target_semaphore(%run_scoped3A : memref<!tpu.dma_semaphore, #tpu.memory_space<semaphore_mem>>)
      %dma_wait3A = arith.constant 0 : i32
      %dma_wait3A_47 = tpu.memref_slice %arg3[%mul3A_19, %dma_wait3A] : memref<2560x128xi32, #tpu.memory_space<hbm>> -> memref<80x128xi32, #tpu.memory_space<hbm>>
      %dma_wait3A_48 = arith.constant 0 : i32
      %dma_wait3A_49 = tpu.memref_slice %arg3[%mul3A_19, %dma_wait3A_48] : memref<2560x128xi32, #tpu.memory_space<hbm>> -> memref<80x128xi32, #tpu.memory_space<hbm>>
      tpu.wait_dma2 semaphore(%run_scoped3A : memref<!tpu.dma_semaphore, #tpu.memory_space<semaphore_mem>>) src(%dma_wait3A_49 : memref<80x128xi32, #tpu.memory_space<hbm>>) dst(%arg6 : memref<80x128xi32, #tpu.memory_space<vmem>>)
      tpu.yield
    }) : () -> ()
    %barrier3A = arith.constant 0 : index
    tpu.barrier barrier_id(%barrier3A)
    %mul3A_20 = arith.constant 80 : i32
    %mul3A_21 = arith.muli %add3A, %mul3A_20 : i32
    %add3A_22 = arith.constant 0 : i32
    %add3A_23 = arith.addi %mul3A_21, %add3A_22 : i32
    %mul3A_24 = arith.constant 128 : i32
    %mul3A_25 = arith.muli %add3A_23, %mul3A_24 : i32
    %dma_start3A = arith.constant 0 : i32
    %dma_start3A_26 = tpu.memref_slice %arg2[%mul3A_25, %dma_start3A] : memref<327680x128xf32, #tpu.memory_space<hbm>> -> memref<128x128xf32, #tpu.memory_space<hbm>>
    %dma_start3A_27 = arith.constant 0 : i32
    %dma_start3A_28 = tpu.memref_slice %arg2[%mul3A_25, %dma_start3A_27] : memref<327680x128xf32, #tpu.memory_space<hbm>> -> memref<128x128xf32, #tpu.memory_space<hbm>>
    tpu.enqueue_dma source(%dma_start3A_28 : memref<128x128xf32, #tpu.memory_space<hbm>>) target(%arg7 : memref<128x128xf32, #tpu.memory_space<vmem>>) target_semaphore(%arg10 : memref<!tpu.dma_semaphore, #tpu.memory_space<semaphore_mem>>)
    %scan3A_29 = arith.constant 0 : i32
    %scan3A_30 = arith.constant 0 : i32
    %scan3A_31 = arith.constant 40 : i32
    %scan3A_32 = arith.addi %scan3A_30, %scan3A_31 : i32
    %scan3A_33 = arith.constant 1 : i32
    scf.for %scan3A_43 = %scan3A_30 to %scan3A_32 step %scan3A_33  : i32 {
      %mul3A_44 = arith.constant 2 : i32
      %mul3A_45 = arith.muli %mul3A_44, %scan3A_43 : i32
      %mul3A_46 = arith.constant 80 : i32
      %mul3A_47 = arith.muli %add3A, %mul3A_46 : i32
      %add3A_48 = arith.addi %mul3A_47, %mul3A_45 : i32
      %mul3A_49 = arith.constant 128 : i32
      %mul3A_50 = arith.muli %add3A_48, %mul3A_49 : i32
      %dma_wait3A = arith.constant 0 : i32
      %dma_wait3A_51 = tpu.memref_slice %arg2[%mul3A_50, %dma_wait3A] : memref<327680x128xf32, #tpu.memory_space<hbm>> -> memref<128x128xf32, #tpu.memory_space<hbm>>
      %dma_wait3A_52 = arith.constant 0 : i32
      %dma_wait3A_53 = tpu.memref_slice %arg2[%mul3A_50, %dma_wait3A_52] : memref<327680x128xf32, #tpu.memory_space<hbm>> -> memref<128x128xf32, #tpu.memory_space<hbm>>
      tpu.wait_dma2 semaphore(%arg10 : memref<!tpu.dma_semaphore, #tpu.memory_space<semaphore_mem>>) src(%dma_wait3A_53 : memref<128x128xf32, #tpu.memory_space<hbm>>) dst(%arg7 : memref<128x128xf32, #tpu.memory_space<vmem>>)
      %add3A_54 = arith.constant 1 : i32
      %add3A_55 = arith.addi %mul3A_45, %add3A_54 : i32
      %lt3A = arith.constant 80 : i32
      %lt3A_56 = arith.cmpi slt, %add3A_55, %lt3A : i32
      %convert_element_type3A_57 = arith.extui %lt3A_56 : i1 to i32
      %cond3A_58 = arith.constant 0 : i32
      %cond3A_59 = arith.cmpi ne, %convert_element_type3A_57, %cond3A_58 : i32
      scf.if %cond3A_59 {
        %add3A_80 = arith.constant 1 : i32
        %add3A_81 = arith.addi %mul3A_45, %add3A_80 : i32
        %mul3A_82 = arith.constant 80 : i32
        %mul3A_83 = arith.muli %add3A, %mul3A_82 : i32
        %add3A_84 = arith.addi %mul3A_83, %add3A_81 : i32
        %mul3A_85 = arith.constant 128 : i32
        %mul3A_86 = arith.muli %add3A_84, %mul3A_85 : i32
        %dma_start3A_87 = arith.constant 0 : i32
        %dma_start3A_88 = tpu.memref_slice %arg2[%mul3A_86, %dma_start3A_87] : memref<327680x128xf32, #tpu.memory_space<hbm>> -> memref<128x128xf32, #tpu.memory_space<hbm>>
        %dma_start3A_89 = arith.constant 0 : i32
        %dma_start3A_90 = tpu.memref_slice %arg2[%mul3A_86, %dma_start3A_89] : memref<327680x128xf32, #tpu.memory_space<hbm>> -> memref<128x128xf32, #tpu.memory_space<hbm>>
        tpu.enqueue_dma source(%dma_start3A_90 : memref<128x128xf32, #tpu.memory_space<hbm>>) target(%arg8 : memref<128x128xf32, #tpu.memory_space<vmem>>) target_semaphore(%arg11 : memref<!tpu.dma_semaphore, #tpu.memory_space<semaphore_mem>>)
      } else {
      }
      "tpu.region"() ({
        %run_scoped3A = tpu.sem_alloc : memref<!tpu.dma_semaphore, #tpu.memory_space<semaphore_mem>>
        %dma_start3A_80 = arith.constant 0 : i32
        %dma_start3A_81 = tpu.memref_slice %arg6[%mul3A_45, %dma_start3A_80] : memref<80x128xi32, #tpu.memory_space<vmem>> -> memref<1x128xi32, #tpu.memory_space<vmem>>
        %dma_start3A_82 = tpu.memref_squeeze %dma_start3A_81 : memref<1x128xi32, #tpu.memory_space<vmem>> -> memref<128xi32, #tpu.memory_space<vmem>>
        %dma_start3A_83 = arith.constant 0 : i32
        %dma_start3A_84 = arith.constant 0 : i32
        %dma_start3A_85 = tpu.memref_slice %arg9[%dma_start3A_83, %dma_start3A_84] : memref<10112x128xf32, #tpu.memory_space<vmem_shared>> -> memref<10112x128xf32, #tpu.memory_space<vmem_shared>>
        tpu.enqueue_indirect_dma source(%arg7 : memref<128x128xf32, #tpu.memory_space<vmem>>) target(%dma_start3A_85 : memref<10112x128xf32, #tpu.memory_space<vmem_shared>>) offsets(%dma_start3A_82 : memref<128xi32, #tpu.memory_space<vmem>>) semaphore(%run_scoped3A : memref<!tpu.dma_semaphore, #tpu.memory_space<semaphore_mem>>) {add = true}
        %dma_wait3A_86 = arith.constant 0 : i32
        %dma_wait3A_87 = tpu.memref_slice %arg6[%mul3A_45, %dma_wait3A_86] : memref<80x128xi32, #tpu.memory_space<vmem>> -> memref<1x128xi32, #tpu.memory_space<vmem>>
        %dma_wait3A_88 = tpu.memref_squeeze %dma_wait3A_87 : memref<1x128xi32, #tpu.memory_space<vmem>> -> memref<128xi32, #tpu.memory_space<vmem>>
        %dma_wait3A_89 = arith.constant 0 : i32
        %dma_wait3A_90 = arith.constant 0 : i32
        %dma_wait3A_91 = tpu.memref_slice %arg9[%dma_wait3A_89, %dma_wait3A_90] : memref<10112x128xf32, #tpu.memory_space<vmem_shared>> -> memref<10112x128xf32, #tpu.memory_space<vmem_shared>>
        tpu.wait_indirect_dma semaphore(%run_scoped3A : memref<!tpu.dma_semaphore, #tpu.memory_space<semaphore_mem>>) src(%arg7 : memref<128x128xf32, #tpu.memory_space<vmem>>) dst(%dma_wait3A_91 : memref<10112x128xf32, #tpu.memory_space<vmem_shared>>)
        tpu.yield
      }) : () -> ()
      %mul3A_60 = arith.constant 2 : i32
      %mul3A_61 = arith.muli %mul3A_60, %scan3A_43 : i32
      %add3A_62 = arith.constant 1 : i32
      %add3A_63 = arith.addi %mul3A_61, %add3A_62 : i32
      %mul3A_64 = arith.constant 80 : i32
      %mul3A_65 = arith.muli %add3A, %mul3A_64 : i32
      %add3A_66 = arith.addi %mul3A_65, %add3A_63 : i32
      %mul3A_67 = arith.constant 128 : i32
      %mul3A_68 = arith.muli %add3A_66, %mul3A_67 : i32
      %dma_wait3A_69 = arith.constant 0 : i32
      %dma_wait3A_70 = tpu.memref_slice %arg2[%mul3A_68, %dma_wait3A_69] : memref<327680x128xf32, #tpu.memory_space<hbm>> -> memref<128x128xf32, #tpu.memory_space<hbm>>
      %dma_wait3A_71 = arith.constant 0 : i32
      %dma_wait3A_72 = tpu.memref_slice %arg2[%mul3A_68, %dma_wait3A_71] : memref<327680x128xf32, #tpu.memory_space<hbm>> -> memref<128x128xf32, #tpu.memory_space<hbm>>
      tpu.wait_dma2 semaphore(%arg11 : memref<!tpu.dma_semaphore, #tpu.memory_space<semaphore_mem>>) src(%dma_wait3A_72 : memref<128x128xf32, #tpu.memory_space<hbm>>) dst(%arg8 : memref<128x128xf32, #tpu.memory_space<vmem>>)
      %add3A_73 = arith.constant 1 : i32
      %add3A_74 = arith.addi %add3A_63, %add3A_73 : i32
      %lt3A_75 = arith.constant 80 : i32
      %lt3A_76 = arith.cmpi slt, %add3A_74, %lt3A_75 : i32
      %convert_element_type3A_77 = arith.extui %lt3A_76 : i1 to i32
      %cond3A_78 = arith.constant 0 : i32
      %cond3A_79 = arith.cmpi ne, %convert_element_type3A_77, %cond3A_78 : i32
      scf.if %cond3A_79 {
        %add3A_80 = arith.constant 1 : i32
        %add3A_81 = arith.addi %add3A_63, %add3A_80 : i32
        %mul3A_82 = arith.constant 80 : i32
        %mul3A_83 = arith.muli %add3A, %mul3A_82 : i32
        %add3A_84 = arith.addi %mul3A_83, %add3A_81 : i32
        %mul3A_85 = arith.constant 128 : i32
        %mul3A_86 = arith.muli %add3A_84, %mul3A_85 : i32
        %dma_start3A_87 = arith.constant 0 : i32
        %dma_start3A_88 = tpu.memref_slice %arg2[%mul3A_86, %dma_start3A_87] : memref<327680x128xf32, #tpu.memory_space<hbm>> -> memref<128x128xf32, #tpu.memory_space<hbm>>
        %dma_start3A_89 = arith.constant 0 : i32
        %dma_start3A_90 = tpu.memref_slice %arg2[%mul3A_86, %dma_start3A_89] : memref<327680x128xf32, #tpu.memory_space<hbm>> -> memref<128x128xf32, #tpu.memory_space<hbm>>
        tpu.enqueue_dma source(%dma_start3A_90 : memref<128x128xf32, #tpu.memory_space<hbm>>) target(%arg7 : memref<128x128xf32, #tpu.memory_space<vmem>>) target_semaphore(%arg10 : memref<!tpu.dma_semaphore, #tpu.memory_space<semaphore_mem>>)
      } else {
      }
      "tpu.region"() ({
        %run_scoped3A = tpu.sem_alloc : memref<!tpu.dma_semaphore, #tpu.memory_space<semaphore_mem>>
        %dma_start3A_80 = arith.constant 0 : i32
        %dma_start3A_81 = tpu.memref_slice %arg6[%add3A_63, %dma_start3A_80] : memref<80x128xi32, #tpu.memory_space<vmem>> -> memref<1x128xi32, #tpu.memory_space<vmem>>
        %dma_start3A_82 = tpu.memref_squeeze %dma_start3A_81 : memref<1x128xi32, #tpu.memory_space<vmem>> -> memref<128xi32, #tpu.memory_space<vmem>>
        %dma_start3A_83 = arith.constant 0 : i32
        %dma_start3A_84 = arith.constant 0 : i32
        %dma_start3A_85 = tpu.memref_slice %arg9[%dma_start3A_83, %dma_start3A_84] : memref<10112x128xf32, #tpu.memory_space<vmem_shared>> -> memref<10112x128xf32, #tpu.memory_space<vmem_shared>>
        tpu.enqueue_indirect_dma source(%arg8 : memref<128x128xf32, #tpu.memory_space<vmem>>) target(%dma_start3A_85 : memref<10112x128xf32, #tpu.memory_space<vmem_shared>>) offsets(%dma_start3A_82 : memref<128xi32, #tpu.memory_space<vmem>>) semaphore(%run_scoped3A : memref<!tpu.dma_semaphore, #tpu.memory_space<semaphore_mem>>) {add = true}
        %dma_wait3A_86 = arith.constant 0 : i32
        %dma_wait3A_87 = tpu.memref_slice %arg6[%add3A_63, %dma_wait3A_86] : memref<80x128xi32, #tpu.memory_space<vmem>> -> memref<1x128xi32, #tpu.memory_space<vmem>>
        %dma_wait3A_88 = tpu.memref_squeeze %dma_wait3A_87 : memref<1x128xi32, #tpu.memory_space<vmem>> -> memref<128xi32, #tpu.memory_space<vmem>>
        %dma_wait3A_89 = arith.constant 0 : i32
        %dma_wait3A_90 = arith.constant 0 : i32
        %dma_wait3A_91 = tpu.memref_slice %arg9[%dma_wait3A_89, %dma_wait3A_90] : memref<10112x128xf32, #tpu.memory_space<vmem_shared>> -> memref<10112x128xf32, #tpu.memory_space<vmem_shared>>
        tpu.wait_indirect_dma semaphore(%run_scoped3A : memref<!tpu.dma_semaphore, #tpu.memory_space<semaphore_mem>>) src(%arg8 : memref<128x128xf32, #tpu.memory_space<vmem>>) dst(%dma_wait3A_91 : memref<10112x128xf32, #tpu.memory_space<vmem_shared>>)
        tpu.yield
      }) : () -> ()
    }
    %scan3A_34 = arith.constant 40 : i32
    %barrier3A_35 = arith.constant 0 : index
    tpu.barrier barrier_id(%barrier3A_35)
    %eq3A = arith.constant 0 : i32
    %eq3A_36 = arith.cmpi eq, %arg0, %eq3A : i32
    %convert_element_type3A = arith.extui %eq3A_36 : i1 to i32
    %cond3A = arith.constant 0 : i32
    %cond3A_37 = arith.cmpi ne, %convert_element_type3A, %cond3A : i32
    scf.if %cond3A_37 {
      "tpu.region"() ({
        %run_scoped3A = tpu.sem_alloc : memref<!tpu.dma_semaphore, #tpu.memory_space<semaphore_mem>>
        %dma_start3A_43 = arith.constant 0 : i32
        %dma_start3A_44 = tpu.memref_slice %arg4[%mul3A_7, %dma_start3A_43] : memref<10112x128xf32, #tpu.memory_space<hbm>> -> memref<632x128xf32, #tpu.memory_space<hbm>>
        %dma_start3A_45 = arith.constant 0 : i32
        %dma_start3A_46 = tpu.memref_slice %arg9[%mul3A_7, %dma_start3A_45] : memref<10112x128xf32, #tpu.memory_space<vmem_shared>> -> memref<632x128xf32, #tpu.memory_space<vmem_shared>>
        tpu.enqueue_dma source(%dma_start3A_46 : memref<632x128xf32, #tpu.memory_space<vmem_shared>>) target(%dma_start3A_44 : memref<632x128xf32, #tpu.memory_space<hbm>>) target_semaphore(%run_scoped3A : memref<!tpu.dma_semaphore, #tpu.memory_space<semaphore_mem>>)
        %dma_wait3A = arith.constant 0 : i32
        %dma_wait3A_47 = tpu.memref_slice %arg4[%mul3A_7, %dma_wait3A] : memref<10112x128xf32, #tpu.memory_space<hbm>> -> memref<632x128xf32, #tpu.memory_space<hbm>>
        %dma_wait3A_48 = arith.constant 0 : i32
        %dma_wait3A_49 = tpu.memref_slice %arg9[%mul3A_7, %dma_wait3A_48] : memref<10112x128xf32, #tpu.memory_space<vmem_shared>> -> memref<632x128xf32, #tpu.memory_space<vmem_shared>>
        tpu.wait_dma2 semaphore(%run_scoped3A : memref<!tpu.dma_semaphore, #tpu.memory_space<semaphore_mem>>) src(%dma_wait3A_49 : memref<632x128xf32, #tpu.memory_space<vmem_shared>>) dst(%dma_wait3A_47 : memref<632x128xf32, #tpu.memory_space<hbm>>)
        tpu.yield
      }) : () -> ()
    } else {
    }
    %eq3A_38 = arith.constant 1 : i32
    %eq3A_39 = arith.cmpi eq, %arg0, %eq3A_38 : i32
    %convert_element_type3A_40 = arith.extui %eq3A_39 : i1 to i32
    %cond3A_41 = arith.constant 0 : i32
    %cond3A_42 = arith.cmpi ne, %convert_element_type3A_40, %cond3A_41 : i32
    scf.if %cond3A_42 {
      "tpu.region"() ({
        %run_scoped3A = tpu.sem_alloc : memref<!tpu.dma_semaphore, #tpu.memory_space<semaphore_mem>>
        %dma_start3A_43 = arith.constant 0 : i32
        %dma_start3A_44 = tpu.memref_slice %arg5[%mul3A_7, %dma_start3A_43] : memref<10112x128xf32, #tpu.memory_space<hbm>> -> memref<632x128xf32, #tpu.memory_space<hbm>>
        %dma_start3A_45 = arith.constant 0 : i32
        %dma_start3A_46 = tpu.memref_slice %arg9[%mul3A_7, %dma_start3A_45] : memref<10112x128xf32, #tpu.memory_space<vmem_shared>> -> memref<632x128xf32, #tpu.memory_space<vmem_shared>>
        tpu.enqueue_dma source(%dma_start3A_46 : memref<632x128xf32, #tpu.memory_space<vmem_shared>>) target(%dma_start3A_44 : memref<632x128xf32, #tpu.memory_space<hbm>>) target_semaphore(%run_scoped3A : memref<!tpu.dma_semaphore, #tpu.memory_space<semaphore_mem>>)
        %dma_wait3A = arith.constant 0 : i32
        %dma_wait3A_47 = tpu.memref_slice %arg5[%mul3A_7, %dma_wait3A] : memref<10112x128xf32, #tpu.memory_space<hbm>> -> memref<632x128xf32, #tpu.memory_space<hbm>>
        %dma_wait3A_48 = arith.constant 0 : i32
        %dma_wait3A_49 = tpu.memref_slice %arg9[%mul3A_7, %dma_wait3A_48] : memref<10112x128xf32, #tpu.memory_space<vmem_shared>> -> memref<632x128xf32, #tpu.memory_space<vmem_shared>>
        tpu.wait_dma2 semaphore(%run_scoped3A : memref<!tpu.dma_semaphore, #tpu.memory_space<semaphore_mem>>) src(%dma_wait3A_49 : memref<632x128xf32, #tpu.memory_space<vmem_shared>>) dst(%dma_wait3A_47 : memref<632x128xf32, #tpu.memory_space<hbm>>)
        tpu.yield
      }) : () -> ()
    } else {
    }
    return
  }
}

module attributes {stable_mosaic.version = 14 : i64} {
  func.func @_emb_body(%arg0: i32, %arg1: memref<2000x128xf32, #tpu.memory_space<vmem>>, %arg2: memref<2000x8xf32, #tpu.memory_space<vmem>>, %arg3: memref<128x128xf32, #tpu.memory_space<vmem>>, %arg4: memref<1x128xf32, #tpu.memory_space<vmem>>, %arg5: memref<128x128xf32, #tpu.memory_space<vmem>>, %arg6: memref<128x128xf32, #tpu.memory_space<vmem>>, %arg7: memref<1x128xf32, #tpu.memory_space<vmem>>, %arg8: memref<2000x128xf32, #tpu.memory_space<vmem>>, %arg9: memref<2000x256xf32, #tpu.memory_space<vmem>>, %arg10: memref<2000x256xf32, #tpu.memory_space<vmem>>) attributes {dimension_semantics = [#tpu.dimension_semantics<arbitrary>], iteration_bounds = array<i64: 5>, scalar_prefetch = 0 : i64, scratch_operands = 0 : i64, tpu.core_type = #tpu.core_type<tc>, window_params = [{transform_indices = @transform_0, window_bounds = array<i64: 2000, 128>}, {transform_indices = @transform_1, window_bounds = array<i64: 2000, 8>}, {pipeline_mode = #tpu.pipeline_mode<synchronous>, transform_indices = @transform_2, window_bounds = array<i64: 128, 128>}, {pipeline_mode = #tpu.pipeline_mode<synchronous>, transform_indices = @transform_3, window_bounds = array<i64: 1, 128>}, {pipeline_mode = #tpu.pipeline_mode<synchronous>, transform_indices = @transform_4, window_bounds = array<i64: 128, 128>}, {pipeline_mode = #tpu.pipeline_mode<synchronous>, transform_indices = @transform_5, window_bounds = array<i64: 128, 128>}, {pipeline_mode = #tpu.pipeline_mode<synchronous>, transform_indices = @transform_6, window_bounds = array<i64: 1, 128>}, {transform_indices = @transform_7, window_bounds = array<i64: 2000, 128>}, {transform_indices = @transform_8, window_bounds = array<i64: 2000, 256>}, {transform_indices = @transform_9, window_bounds = array<i64: 2000, 256>}]} {
    %get3A = arith.constant 0 : index
    %get3A_0 = arith.constant 0 : index
    %get3A_1 = vector.load %arg1[%get3A, %get3A_0] : memref<2000x128xf32, #tpu.memory_space<vmem>>, vector<2000x128xf32>
    %get3A_2 = arith.constant 0 : index
    %get3A_3 = arith.constant 0 : index
    %get3A_4 = vector.load %arg3[%get3A_2, %get3A_3] : memref<128x128xf32, #tpu.memory_space<vmem>>, vector<128x128xf32>
    %dot_general3A = arith.constant dense<0.000000e+00> : vector<2000x128xf32>
    %dot_general3A_5 = tpu.matmul %get3A_1, %get3A_4, %dot_general3A {dimension_numbers = #tpu.dot_dimension_numbers<[1], [0], [0], [1], [0, 0, 1, 1], [], []>, transpose_lhs_hint = false} : vector<2000x128xf32>, vector<128x128xf32>, vector<2000x128xf32> -> vector<2000x128xf32>
    %get3A_6 = arith.constant 0 : index
    %get3A_7 = arith.constant 0 : index
    %get3A_8 = vector.load %arg4[%get3A_6, %get3A_7] : memref<1x128xf32, #tpu.memory_space<vmem>>, vector<1x128xf32>
    %add3A = vector.broadcast %get3A_8 : vector<1x128xf32> to vector<2000x128xf32>
    %add3A_9 = arith.addf %dot_general3A_5, %add3A : vector<2000x128xf32>
    %swap3A = arith.constant 0 : index
    %swap3A_10 = arith.constant 0 : index
    %swap3A_11 = vector.load %arg8[%swap3A, %swap3A_10] : memref<2000x128xf32, #tpu.memory_space<vmem>>, vector<2000x128xf32>
    tpu.vector_store %arg8[%swap3A, %swap3A_10], %add3A_9 {strides = array<i32>} : memref<2000x128xf32, #tpu.memory_space<vmem>>, vector<2000x128xf32>,
    %get3A_12 = arith.constant 0 : index
    %get3A_13 = arith.constant 0 : index
    %get3A_14 = vector.load %arg5[%get3A_12, %get3A_13] : memref<128x128xf32, #tpu.memory_space<vmem>>, vector<128x128xf32>
    %dot_general3A_15 = arith.constant dense<0.000000e+00> : vector<2000x128xf32>
    %dot_general3A_16 = tpu.matmul %add3A_9, %get3A_14, %dot_general3A_15 {dimension_numbers = #tpu.dot_dimension_numbers<[1], [0], [0], [1], [0, 0, 1, 1], [], []>, transpose_lhs_hint = false} : vector<2000x128xf32>, vector<128x128xf32>, vector<2000x128xf32> -> vector<2000x128xf32>
    %get3A_17 = arith.constant 0 : index
    %get3A_18 = arith.constant 0 : index
    %get3A_19 = vector.load %arg7[%get3A_17, %get3A_18] : memref<1x128xf32, #tpu.memory_space<vmem>>, vector<1x128xf32>
    %add3A_20 = vector.broadcast %get3A_19 : vector<1x128xf32> to vector<2000x128xf32>
    %add3A_21 = arith.addf %dot_general3A_16, %add3A_20 : vector<2000x128xf32>
    %get3A_22 = arith.constant 0 : index
    %get3A_23 = arith.constant 0 : index
    %get3A_24 = vector.load %arg6[%get3A_22, %get3A_23] : memref<128x128xf32, #tpu.memory_space<vmem>>, vector<128x128xf32>
    %dot_general3A_25 = arith.constant dense<0.000000e+00> : vector<2000x128xf32>
    %dot_general3A_26 = tpu.matmul %add3A_9, %get3A_24, %dot_general3A_25 {dimension_numbers = #tpu.dot_dimension_numbers<[1], [0], [0], [1], [0, 0, 1, 1], [], []>, transpose_lhs_hint = false} : vector<2000x128xf32>, vector<128x128xf32>, vector<2000x128xf32> -> vector<2000x128xf32>
    %get3A_27 = arith.constant 0 : index
    %get3A_28 = arith.constant 0 : index
    %get3A_29 = vector.load %arg2[%get3A_27, %get3A_28] : memref<2000x8xf32, #tpu.memory_space<vmem>>, vector<2000x8xf32>
    %broadcast_in_dim3A = arith.constant 0.000000e+00 : f32
    %broadcast_in_dim3A_30 = vector.broadcast %broadcast_in_dim3A : f32 to vector<2000x120xf32>
    %concatenate3A = tpu.concatenate %add3A_21, %get3A_29, %broadcast_in_dim3A_30 in 1 : vector<2000x128xf32>, vector<2000x8xf32>, vector<2000x120xf32> -> vector<2000x256xf32>
    %swap3A_31 = arith.constant 0 : index
    %swap3A_32 = arith.constant 0 : index
    %swap3A_33 = vector.load %arg9[%swap3A_31, %swap3A_32] : memref<2000x256xf32, #tpu.memory_space<vmem>>, vector<2000x256xf32>
    tpu.vector_store %arg9[%swap3A_31, %swap3A_32], %concatenate3A {strides = array<i32>} : memref<2000x256xf32, #tpu.memory_space<vmem>>, vector<2000x256xf32>,
    %neg3A = arith.constant 0.000000e+00 : f32
    %neg3A_34 = vector.broadcast %neg3A : f32 to vector<2000x8xf32>
    %neg3A_35 = arith.subf %neg3A_34, %get3A_29 : vector<2000x8xf32>
    %concatenate3A_36 = tpu.concatenate %dot_general3A_26, %neg3A_35, %broadcast_in_dim3A_30 in 1 : vector<2000x128xf32>, vector<2000x8xf32>, vector<2000x120xf32> -> vector<2000x256xf32>
    %swap3A_37 = arith.constant 0 : index
    %swap3A_38 = arith.constant 0 : index
    %swap3A_39 = vector.load %arg10[%swap3A_37, %swap3A_38] : memref<2000x256xf32, #tpu.memory_space<vmem>>, vector<2000x256xf32>
    tpu.vector_store %arg10[%swap3A_37, %swap3A_38], %concatenate3A_36 {strides = array<i32>} : memref<2000x256xf32, #tpu.memory_space<vmem>>, vector<2000x256xf32>,
    return
  }
  func.func @transform_0(%arg0: i32) -> (i32, i32) {
    %c0_i32 = arith.constant 0 : i32
    %c0_i32_0 = arith.constant 0 : i32
    return %arg0, %c0_i32 : i32, i32
  }
  func.func @transform_1(%arg0: i32) -> (i32, i32) {
    %c0_i32 = arith.constant 0 : i32
    %c0_i32_0 = arith.constant 0 : i32
    return %arg0, %c0_i32 : i32, i32
  }
  func.func @transform_2(%arg0: i32) -> (i32, i32) {
    %c0_i32 = arith.constant 0 : i32
    %c0_i32_0 = arith.constant 0 : i32
    %c0_i32_1 = arith.constant 0 : i32
    return %c0_i32, %c0_i32_0 : i32, i32
  }
  func.func @transform_3(%arg0: i32) -> (i32, i32) {
    %c0_i32 = arith.constant 0 : i32
    %c0_i32_0 = arith.constant 0 : i32
    %c0_i32_1 = arith.constant 0 : i32
    return %c0_i32, %c0_i32_0 : i32, i32
  }
  func.func @transform_4(%arg0: i32) -> (i32, i32) {
    %c0_i32 = arith.constant 0 : i32
    %c0_i32_0 = arith.constant 0 : i32
    %c0_i32_1 = arith.constant 0 : i32
    return %c0_i32, %c0_i32_0 : i32, i32
  }
  func.func @transform_5(%arg0: i32) -> (i32, i32) {
    %c0_i32 = arith.constant 0 : i32
    %c0_i32_0 = arith.constant 0 : i32
    %c0_i32_1 = arith.constant 0 : i32
    return %c0_i32, %c0_i32_0 : i32, i32
  }
  func.func @transform_6(%arg0: i32) -> (i32, i32) {
    %c0_i32 = arith.constant 0 : i32
    %c0_i32_0 = arith.constant 0 : i32
    %c0_i32_1 = arith.constant 0 : i32
    return %c0_i32, %c0_i32_0 : i32, i32
  }
  func.func @transform_7(%arg0: i32) -> (i32, i32) {
    %c0_i32 = arith.constant 0 : i32
    %c0_i32_0 = arith.constant 0 : i32
    return %arg0, %c0_i32 : i32, i32
  }
  func.func @transform_8(%arg0: i32) -> (i32, i32) {
    %c0_i32 = arith.constant 0 : i32
    %c0_i32_0 = arith.constant 0 : i32
    return %arg0, %c0_i32 : i32, i32
  }
  func.func @transform_9(%arg0: i32) -> (i32, i32) {
    %c0_i32 = arith.constant 0 : i32
    %c0_i32_0 = arith.constant 0 : i32
    return %arg0, %c0_i32 : i32, i32
  }
}

module attributes {stable_mosaic.version = 14 : i64} {
  func.func @_edge_mlp_w_body(%arg0: i32, %arg1: memref<2048x256xf32, #tpu.memory_space<vmem>>, %arg2: memref<128x128xf32, #tpu.memory_space<vmem>>, %arg3: memref<1x128xf32, #tpu.memory_space<vmem>>, %arg4: memref<1x128xf32, #tpu.memory_space<vmem>>, %arg5: memref<2048x128xf32, #tpu.memory_space<vmem>>, %arg6: memref<2048x8xf32, #tpu.memory_space<vmem>>) attributes {dimension_semantics = [#tpu.dimension_semantics<arbitrary>], iteration_bounds = array<i64: 160>, scalar_prefetch = 0 : i64, scratch_operands = 0 : i64, tpu.core_type = #tpu.core_type<tc>, window_params = [{transform_indices = @transform_0, window_bounds = array<i64: 2048, 256>}, {pipeline_mode = #tpu.pipeline_mode<synchronous>, transform_indices = @transform_1, window_bounds = array<i64: 128, 128>}, {pipeline_mode = #tpu.pipeline_mode<synchronous>, transform_indices = @transform_2, window_bounds = array<i64: 1, 128>}, {pipeline_mode = #tpu.pipeline_mode<synchronous>, transform_indices = @transform_3, window_bounds = array<i64: 1, 128>}, {transform_indices = @transform_4, window_bounds = array<i64: 2048, 128>}, {transform_indices = @transform_5, window_bounds = array<i64: 2048, 8>}]} {
    %get3A = arith.constant 0 : index
    %get3A_0 = arith.constant 0 : index
    %get3A_1 = vector.load %arg1[%get3A, %get3A_0] : memref<2048x256xf32, #tpu.memory_space<vmem>>, vector<2048x256xf32>
    %slice3A = vector.extract_strided_slice %get3A_1 {offsets = [0, 128], sizes = [2048, 3], strides = [1, 1]} : vector<2048x256xf32> to vector<2048x3xf32>
    %mul3A = arith.mulf %slice3A, %slice3A : vector<2048x3xf32>
    %reduce_sum3A = arith.constant dense<0.000000e+00> : vector<2048xf32>
    %reduce_sum3A_2 = vector.multi_reduction <add>, %mul3A, %reduce_sum3A [1] : vector<2048x3xf32> to vector<2048xf32>
    %broadcast_in_dim3A = vector.shape_cast %reduce_sum3A_2 : vector<2048xf32> to vector<2048x1xf32>
    %broadcast_in_dim3A_3 = arith.constant 0.000000e+00 : f32
    %broadcast_in_dim3A_4 = vector.broadcast %broadcast_in_dim3A_3 : f32 to vector<2048x4xf32>
    %concatenate3A = tpu.concatenate %slice3A, %broadcast_in_dim3A, %broadcast_in_dim3A_4 in 1 : vector<2048x3xf32>, vector<2048x1xf32>, vector<2048x4xf32> -> vector<2048x8xf32>
    %swap3A = arith.constant 0 : index
    %swap3A_5 = arith.constant 0 : index
    %swap3A_6 = vector.load %arg6[%swap3A, %swap3A_5] : memref<2048x8xf32, #tpu.memory_space<vmem>>, vector<2048x8xf32>
    tpu.vector_store %arg6[%swap3A, %swap3A_5], %concatenate3A {strides = array<i32>} : memref<2048x8xf32, #tpu.memory_space<vmem>>, vector<2048x8xf32>,
    %slice3A_7 = vector.extract_strided_slice %get3A_1 {offsets = [0, 0], sizes = [2048, 128], strides = [1, 1]} : vector<2048x256xf32> to vector<2048x128xf32>
    %get3A_8 = arith.constant 0 : index
    %get3A_9 = arith.constant 0 : index
    %get3A_10 = vector.load %arg4[%get3A_8, %get3A_9] : memref<1x128xf32, #tpu.memory_space<vmem>>, vector<1x128xf32>
    %mul3A_11 = vector.broadcast %broadcast_in_dim3A : vector<2048x1xf32> to vector<2048x128xf32>
    %mul3A_12 = vector.broadcast %get3A_10 : vector<1x128xf32> to vector<2048x128xf32>
    %mul3A_13 = arith.mulf %mul3A_11, %mul3A_12 : vector<2048x128xf32>
    %add3A = arith.addf %slice3A_7, %mul3A_13 : vector<2048x128xf32>
    %logistic3A = arith.negf %add3A : vector<2048x128xf32>
    %logistic3A_14 = math.exp %logistic3A : vector<2048x128xf32>
    %logistic3A_15 = arith.constant 1.000000e+00 : f32
    %logistic3A_16 = vector.broadcast %logistic3A_15 : f32 to vector<2048x128xf32>
    %logistic3A_17 = arith.addf %logistic3A_16, %logistic3A_14 : vector<2048x128xf32>
    %logistic3A_18 = arith.divf %logistic3A_16, %logistic3A_17 : vector<2048x128xf32>
    %mul3A_19 = arith.mulf %add3A, %logistic3A_18 : vector<2048x128xf32>
    %get3A_20 = arith.constant 0 : index
    %get3A_21 = arith.constant 0 : index
    %get3A_22 = vector.load %arg2[%get3A_20, %get3A_21] : memref<128x128xf32, #tpu.memory_space<vmem>>, vector<128x128xf32>
    %dot_general3A = arith.constant dense<0.000000e+00> : vector<2048x128xf32>
    %dot_general3A_23 = tpu.matmul %mul3A_19, %get3A_22, %dot_general3A {dimension_numbers = #tpu.dot_dimension_numbers<[1], [0], [0], [1], [0, 0, 1, 1], [], []>, transpose_lhs_hint = false} : vector<2048x128xf32>, vector<128x128xf32>, vector<2048x128xf32> -> vector<2048x128xf32>
    %get3A_24 = arith.constant 0 : index
    %get3A_25 = arith.constant 0 : index
    %get3A_26 = vector.load %arg3[%get3A_24, %get3A_25] : memref<1x128xf32, #tpu.memory_space<vmem>>, vector<1x128xf32>
    %add3A_27 = vector.broadcast %get3A_26 : vector<1x128xf32> to vector<2048x128xf32>
    %add3A_28 = arith.addf %dot_general3A_23, %add3A_27 : vector<2048x128xf32>
    %logistic3A_29 = arith.negf %add3A_28 : vector<2048x128xf32>
    %logistic3A_30 = math.exp %logistic3A_29 : vector<2048x128xf32>
    %logistic3A_31 = arith.constant 1.000000e+00 : f32
    %logistic3A_32 = vector.broadcast %logistic3A_31 : f32 to vector<2048x128xf32>
    %logistic3A_33 = arith.addf %logistic3A_32, %logistic3A_30 : vector<2048x128xf32>
    %logistic3A_34 = arith.divf %logistic3A_32, %logistic3A_33 : vector<2048x128xf32>
    %mul3A_35 = arith.mulf %add3A_28, %logistic3A_34 : vector<2048x128xf32>
    %iota3A = tpu.iota {dimensions = array<i32: 0>} : vector<2048x1xi32>
    %mul3A_36 = arith.constant 2048 : i32
    %mul3A_37 = arith.muli %arg0, %mul3A_36 : i32
    %add3A_38 = vector.broadcast %mul3A_37 : i32 to vector<2048x1xi32>
    %add3A_39 = arith.addi %iota3A, %add3A_38 : vector<2048x1xi32>
    %lt3A = arith.constant 320000 : i32
    %lt3A_40 = vector.broadcast %lt3A : i32 to vector<2048x1xi32>
    %lt3A_41 = arith.cmpi slt, %add3A_39, %lt3A_40 : vector<2048x1xi32>
    %jit3A = arith.constant 0.000000e+00 : f32
    %broadcast_in_dim3A_42 = vector.shape_cast %lt3A_41 : vector<2048x1xi1> to vector<2048x1xi1>
    %broadcast_in_dim3A_43 = vector.broadcast %broadcast_in_dim3A_42 : vector<2048x1xi1> to vector<2048x128xi1>
    %broadcast_in_dim3A_44 = vector.broadcast %jit3A : f32 to vector<2048x128xf32>
    %select_n3A = arith.select %broadcast_in_dim3A_43, %mul3A_35, %broadcast_in_dim3A_44 : vector<2048x128xi1>, vector<2048x128xf32>
    %swap3A_45 = arith.constant 0 : index
    %swap3A_46 = arith.constant 0 : index
    %swap3A_47 = vector.load %arg5[%swap3A_45, %swap3A_46] : memref<2048x128xf32, #tpu.memory_space<vmem>>, vector<2048x128xf32>
    tpu.vector_store %arg5[%swap3A_45, %swap3A_46], %select_n3A {strides = array<i32>} : memref<2048x128xf32, #tpu.memory_space<vmem>>, vector<2048x128xf32>,
    return
  }
  func.func @transform_0(%arg0: i32) -> (i32, i32) {
    %c0_i32 = arith.constant 0 : i32
    %c0_i32_0 = arith.constant 0 : i32
    return %arg0, %c0_i32 : i32, i32
  }
  func.func @transform_1(%arg0: i32) -> (i32, i32) {
    %c0_i32 = arith.constant 0 : i32
    %c0_i32_0 = arith.constant 0 : i32
    %c0_i32_1 = arith.constant 0 : i32
    return %c0_i32, %c0_i32_0 : i32, i32
  }
  func.func @transform_2(%arg0: i32) -> (i32, i32) {
    %c0_i32 = arith.constant 0 : i32
    %c0_i32_0 = arith.constant 0 : i32
    %c0_i32_1 = arith.constant 0 : i32
    return %c0_i32, %c0_i32_0 : i32, i32
  }
  func.func @transform_3(%arg0: i32) -> (i32, i32) {
    %c0_i32 = arith.constant 0 : i32
    %c0_i32_0 = arith.constant 0 : i32
    %c0_i32_1 = arith.constant 0 : i32
    return %c0_i32, %c0_i32_0 : i32, i32
  }
  func.func @transform_4(%arg0: i32) -> (i32, i32) {
    %c0_i32 = arith.constant 0 : i32
    %c0_i32_0 = arith.constant 0 : i32
    return %arg0, %c0_i32 : i32, i32
  }
  func.func @transform_5(%arg0: i32) -> (i32, i32) {
    %c0_i32 = arith.constant 0 : i32
    %c0_i32_0 = arith.constant 0 : i32
    return %arg0, %c0_i32 : i32, i32
  }
}

module attributes {stable_mosaic.version = 14 : i64} {
  func.func @_node_body(%arg0: i32, %arg1: memref<2000x128xf32, #tpu.memory_space<vmem>>, %arg2: memref<2000x128xf32, #tpu.memory_space<vmem>>, %arg3: memref<2000x128xf32, #tpu.memory_space<vmem>>, %arg4: memref<128x128xf32, #tpu.memory_space<vmem>>, %arg5: memref<128x128xf32, #tpu.memory_space<vmem>>, %arg6: memref<1x128xf32, #tpu.memory_space<vmem>>, %arg7: memref<128x128xf32, #tpu.memory_space<vmem>>, %arg8: memref<1x128xf32, #tpu.memory_space<vmem>>, %arg9: memref<128x128xf32, #tpu.memory_space<vmem>>, %arg10: memref<128x128xf32, #tpu.memory_space<vmem>>, %arg11: memref<1x128xf32, #tpu.memory_space<vmem>>, %arg12: memref<2000x128xf32, #tpu.memory_space<vmem>>, %arg13: memref<2000x128xf32, #tpu.memory_space<vmem>>, %arg14: memref<2000x128xf32, #tpu.memory_space<vmem>>) attributes {dimension_semantics = [#tpu.dimension_semantics<arbitrary>], iteration_bounds = array<i64: 5>, scalar_prefetch = 0 : i64, scratch_operands = 0 : i64, tpu.core_type = #tpu.core_type<tc>, window_params = [{transform_indices = @transform_0, window_bounds = array<i64: 2000, 128>}, {transform_indices = @transform_1, window_bounds = array<i64: 2000, 128>}, {transform_indices = @transform_2, window_bounds = array<i64: 2000, 128>}, {pipeline_mode = #tpu.pipeline_mode<synchronous>, transform_indices = @transform_3, window_bounds = array<i64: 128, 128>}, {pipeline_mode = #tpu.pipeline_mode<synchronous>, transform_indices = @transform_4, window_bounds = array<i64: 128, 128>}, {pipeline_mode = #tpu.pipeline_mode<synchronous>, transform_indices = @transform_5, window_bounds = array<i64: 1, 128>}, {pipeline_mode = #tpu.pipeline_mode<synchronous>, transform_indices = @transform_6, window_bounds = array<i64: 128, 128>}, {pipeline_mode = #tpu.pipeline_mode<synchronous>, transform_indices = @transform_7, window_bounds = array<i64: 1, 128>}, {pipeline_mode = #tpu.pipeline_mode<synchronous>, transform_indices = @transform_8, window_bounds = array<i64: 128, 128>}, {pipeline_mode = #tpu.pipeline_mode<synchronous>, transform_indices = @transform_9, window_bounds = array<i64: 128, 128>}, {pipeline_mode = #tpu.pipeline_mode<synchronous>, transform_indices = @transform_10, window_bounds = array<i64: 1, 128>}, {transform_indices = @transform_11, window_bounds = array<i64: 2000, 128>}, {transform_indices = @transform_12, window_bounds = array<i64: 2000, 128>}, {transform_indices = @transform_13, window_bounds = array<i64: 2000, 128>}]} {
    %get3A = arith.constant 0 : index
    %get3A_0 = arith.constant 0 : index
    %get3A_1 = vector.load %arg2[%get3A, %get3A_0] : memref<2000x128xf32, #tpu.memory_space<vmem>>, vector<2000x128xf32>
    %get3A_2 = arith.constant 0 : index
    %get3A_3 = arith.constant 0 : index
    %get3A_4 = vector.load %arg3[%get3A_2, %get3A_3] : memref<2000x128xf32, #tpu.memory_space<vmem>>, vector<2000x128xf32>
    %add3A = arith.addf %get3A_1, %get3A_4 : vector<2000x128xf32>
    %get3A_5 = arith.constant 0 : index
    %get3A_6 = arith.constant 0 : index
    %get3A_7 = vector.load %arg1[%get3A_5, %get3A_6] : memref<2000x128xf32, #tpu.memory_space<vmem>>, vector<2000x128xf32>
    %get3A_8 = arith.constant 0 : index
    %get3A_9 = arith.constant 0 : index
    %get3A_10 = vector.load %arg4[%get3A_8, %get3A_9] : memref<128x128xf32, #tpu.memory_space<vmem>>, vector<128x128xf32>
    %dot_general3A = arith.constant dense<0.000000e+00> : vector<2000x128xf32>
    %dot_general3A_11 = tpu.matmul %get3A_7, %get3A_10, %dot_general3A {dimension_numbers = #tpu.dot_dimension_numbers<[1], [0], [0], [1], [0, 0, 1, 1], [], []>, transpose_lhs_hint = false} : vector<2000x128xf32>, vector<128x128xf32>, vector<2000x128xf32> -> vector<2000x128xf32>
    %get3A_12 = arith.constant 0 : index
    %get3A_13 = arith.constant 0 : index
    %get3A_14 = vector.load %arg5[%get3A_12, %get3A_13] : memref<128x128xf32, #tpu.memory_space<vmem>>, vector<128x128xf32>
    %dot_general3A_15 = arith.constant dense<0.000000e+00> : vector<2000x128xf32>
    %dot_general3A_16 = tpu.matmul %add3A, %get3A_14, %dot_general3A_15 {dimension_numbers = #tpu.dot_dimension_numbers<[1], [0], [0], [1], [0, 0, 1, 1], [], []>, transpose_lhs_hint = false} : vector<2000x128xf32>, vector<128x128xf32>, vector<2000x128xf32> -> vector<2000x128xf32>
    %add3A_17 = arith.addf %dot_general3A_11, %dot_general3A_16 : vector<2000x128xf32>
    %get3A_18 = arith.constant 0 : index
    %get3A_19 = arith.constant 0 : index
    %get3A_20 = vector.load %arg6[%get3A_18, %get3A_19] : memref<1x128xf32, #tpu.memory_space<vmem>>, vector<1x128xf32>
    %add3A_21 = vector.broadcast %get3A_20 : vector<1x128xf32> to vector<2000x128xf32>
    %add3A_22 = arith.addf %add3A_17, %add3A_21 : vector<2000x128xf32>
    %logistic3A = arith.negf %add3A_22 : vector<2000x128xf32>
    %logistic3A_23 = math.exp %logistic3A : vector<2000x128xf32>
    %logistic3A_24 = arith.constant 1.000000e+00 : f32
    %logistic3A_25 = vector.broadcast %logistic3A_24 : f32 to vector<2000x128xf32>
    %logistic3A_26 = arith.addf %logistic3A_25, %logistic3A_23 : vector<2000x128xf32>
    %logistic3A_27 = arith.divf %logistic3A_25, %logistic3A_26 : vector<2000x128xf32>
    %mul3A = arith.mulf %add3A_22, %logistic3A_27 : vector<2000x128xf32>
    %get3A_28 = arith.constant 0 : index
    %get3A_29 = arith.constant 0 : index
    %get3A_30 = vector.load %arg1[%get3A_28, %get3A_29] : memref<2000x128xf32, #tpu.memory_space<vmem>>, vector<2000x128xf32>
    %get3A_31 = arith.constant 0 : index
    %get3A_32 = arith.constant 0 : index
    %get3A_33 = vector.load %arg7[%get3A_31, %get3A_32] : memref<128x128xf32, #tpu.memory_space<vmem>>, vector<128x128xf32>
    %dot_general3A_34 = arith.constant dense<0.000000e+00> : vector<2000x128xf32>
    %dot_general3A_35 = tpu.matmul %mul3A, %get3A_33, %dot_general3A_34 {dimension_numbers = #tpu.dot_dimension_numbers<[1], [0], [0], [1], [0, 0, 1, 1], [], []>, transpose_lhs_hint = false} : vector<2000x128xf32>, vector<128x128xf32>, vector<2000x128xf32> -> vector<2000x128xf32>
    %add3A_36 = arith.addf %get3A_30, %dot_general3A_35 : vector<2000x128xf32>
    %get3A_37 = arith.constant 0 : index
    %get3A_38 = arith.constant 0 : index
    %get3A_39 = vector.load %arg8[%get3A_37, %get3A_38] : memref<1x128xf32, #tpu.memory_space<vmem>>, vector<1x128xf32>
    %add3A_40 = vector.broadcast %get3A_39 : vector<1x128xf32> to vector<2000x128xf32>
    %add3A_41 = arith.addf %add3A_36, %add3A_40 : vector<2000x128xf32>
    %swap3A = arith.constant 0 : index
    %swap3A_42 = arith.constant 0 : index
    %swap3A_43 = vector.load %arg12[%swap3A, %swap3A_42] : memref<2000x128xf32, #tpu.memory_space<vmem>>, vector<2000x128xf32>
    tpu.vector_store %arg12[%swap3A, %swap3A_42], %add3A_41 {strides = array<i32>} : memref<2000x128xf32, #tpu.memory_space<vmem>>, vector<2000x128xf32>,
    %get3A_44 = arith.constant 0 : index
    %get3A_45 = arith.constant 0 : index
    %get3A_46 = vector.load %arg9[%get3A_44, %get3A_45] : memref<128x128xf32, #tpu.memory_space<vmem>>, vector<128x128xf32>
    %dot_general3A_47 = arith.constant dense<0.000000e+00> : vector<2000x128xf32>
    %dot_general3A_48 = tpu.matmul %add3A_41, %get3A_46, %dot_general3A_47 {dimension_numbers = #tpu.dot_dimension_numbers<[1], [0], [0], [1], [0, 0, 1, 1], [], []>, transpose_lhs_hint = false} : vector<2000x128xf32>, vector<128x128xf32>, vector<2000x128xf32> -> vector<2000x128xf32>
    %get3A_49 = arith.constant 0 : index
    %get3A_50 = arith.constant 0 : index
    %get3A_51 = vector.load %arg11[%get3A_49, %get3A_50] : memref<1x128xf32, #tpu.memory_space<vmem>>, vector<1x128xf32>
    %add3A_52 = vector.broadcast %get3A_51 : vector<1x128xf32> to vector<2000x128xf32>
    %add3A_53 = arith.addf %dot_general3A_48, %add3A_52 : vector<2000x128xf32>
    %swap3A_54 = arith.constant 0 : index
    %swap3A_55 = arith.constant 0 : index
    %swap3A_56 = vector.load %arg13[%swap3A_54, %swap3A_55] : memref<2000x128xf32, #tpu.memory_space<vmem>>, vector<2000x128xf32>
    tpu.vector_store %arg13[%swap3A_54, %swap3A_55], %add3A_53 {strides = array<i32>} : memref<2000x128xf32, #tpu.memory_space<vmem>>, vector<2000x128xf32>,
    %get3A_57 = arith.constant 0 : index
    %get3A_58 = arith.constant 0 : index
    %get3A_59 = vector.load %arg10[%get3A_57, %get3A_58] : memref<128x128xf32, #tpu.memory_space<vmem>>, vector<128x128xf32>
    %dot_general3A_60 = arith.constant dense<0.000000e+00> : vector<2000x128xf32>
    %dot_general3A_61 = tpu.matmul %add3A_41, %get3A_59, %dot_general3A_60 {dimension_numbers = #tpu.dot_dimension_numbers<[1], [0], [0], [1], [0, 0, 1, 1], [], []>, transpose_lhs_hint = false} : vector<2000x128xf32>, vector<128x128xf32>, vector<2000x128xf32> -> vector<2000x128xf32>
    %swap3A_62 = arith.constant 0 : index
    %swap3A_63 = arith.constant 0 : index
    %swap3A_64 = vector.load %arg14[%swap3A_62, %swap3A_63] : memref<2000x128xf32, #tpu.memory_space<vmem>>, vector<2000x128xf32>
    tpu.vector_store %arg14[%swap3A_62, %swap3A_63], %dot_general3A_61 {strides = array<i32>} : memref<2000x128xf32, #tpu.memory_space<vmem>>, vector<2000x128xf32>,
    return
  }
  func.func @transform_0(%arg0: i32) -> (i32, i32) {
    %c0_i32 = arith.constant 0 : i32
    %c0_i32_0 = arith.constant 0 : i32
    return %arg0, %c0_i32 : i32, i32
  }
  func.func @transform_1(%arg0: i32) -> (i32, i32) {
    %c0_i32 = arith.constant 0 : i32
    %c0_i32_0 = arith.constant 0 : i32
    return %arg0, %c0_i32 : i32, i32
  }
  func.func @transform_2(%arg0: i32) -> (i32, i32) {
    %c0_i32 = arith.constant 0 : i32
    %c0_i32_0 = arith.constant 0 : i32
    return %arg0, %c0_i32 : i32, i32
  }
  func.func @transform_3(%arg0: i32) -> (i32, i32) {
    %c0_i32 = arith.constant 0 : i32
    %c0_i32_0 = arith.constant 0 : i32
    %c0_i32_1 = arith.constant 0 : i32
    return %c0_i32, %c0_i32_0 : i32, i32
  }
  func.func @transform_4(%arg0: i32) -> (i32, i32) {
    %c0_i32 = arith.constant 0 : i32
    %c0_i32_0 = arith.constant 0 : i32
    %c0_i32_1 = arith.constant 0 : i32
    return %c0_i32, %c0_i32_0 : i32, i32
  }
  func.func @transform_5(%arg0: i32) -> (i32, i32) {
    %c0_i32 = arith.constant 0 : i32
    %c0_i32_0 = arith.constant 0 : i32
    %c0_i32_1 = arith.constant 0 : i32
    return %c0_i32, %c0_i32_0 : i32, i32
  }
  func.func @transform_6(%arg0: i32) -> (i32, i32) {
    %c0_i32 = arith.constant 0 : i32
    %c0_i32_0 = arith.constant 0 : i32
    %c0_i32_1 = arith.constant 0 : i32
    return %c0_i32, %c0_i32_0 : i32, i32
  }
  func.func @transform_7(%arg0: i32) -> (i32, i32) {
    %c0_i32 = arith.constant 0 : i32
    %c0_i32_0 = arith.constant 0 : i32
    %c0_i32_1 = arith.constant 0 : i32
    return %c0_i32, %c0_i32_0 : i32, i32
  }
  func.func @transform_8(%arg0: i32) -> (i32, i32) {
    %c0_i32 = arith.constant 0 : i32
    %c0_i32_0 = arith.constant 0 : i32
    %c0_i32_1 = arith.constant 0 : i32
    return %c0_i32, %c0_i32_0 : i32, i32
  }
  func.func @transform_9(%arg0: i32) -> (i32, i32) {
    %c0_i32 = arith.constant 0 : i32
    %c0_i32_0 = arith.constant 0 : i32
    %c0_i32_1 = arith.constant 0 : i32
    return %c0_i32, %c0_i32_0 : i32, i32
  }
  func.func @transform_10(%arg0: i32) -> (i32, i32) {
    %c0_i32 = arith.constant 0 : i32
    %c0_i32_0 = arith.constant 0 : i32
    %c0_i32_1 = arith.constant 0 : i32
    return %c0_i32, %c0_i32_0 : i32, i32
  }
  func.func @transform_11(%arg0: i32) -> (i32, i32) {
    %c0_i32 = arith.constant 0 : i32
    %c0_i32_0 = arith.constant 0 : i32
    return %arg0, %c0_i32 : i32, i32
  }
  func.func @transform_12(%arg0: i32) -> (i32, i32) {
    %c0_i32 = arith.constant 0 : i32
    %c0_i32_0 = arith.constant 0 : i32
    return %arg0, %c0_i32 : i32, i32
  }
  func.func @transform_13(%arg0: i32) -> (i32, i32) {
    %c0_i32 = arith.constant 0 : i32
    %c0_i32_0 = arith.constant 0 : i32
    return %arg0, %c0_i32 : i32, i32
  }
}

module attributes {stable_mosaic.version = 14 : i64} {
  func.func @_node_last_body(%arg0: i32, %arg1: memref<2000x128xf32, #tpu.memory_space<vmem>>, %arg2: memref<2000x128xf32, #tpu.memory_space<vmem>>, %arg3: memref<2000x128xf32, #tpu.memory_space<vmem>>, %arg4: memref<128x128xf32, #tpu.memory_space<vmem>>, %arg5: memref<128x128xf32, #tpu.memory_space<vmem>>, %arg6: memref<1x128xf32, #tpu.memory_space<vmem>>, %arg7: memref<128x128xf32, #tpu.memory_space<vmem>>, %arg8: memref<1x128xf32, #tpu.memory_space<vmem>>, %arg9: memref<128x128xf32, #tpu.memory_space<vmem>>, %arg10: memref<128x128xf32, #tpu.memory_space<vmem>>, %arg11: memref<1x128xf32, #tpu.memory_space<vmem>>, %arg12: memref<128x128xf32, #tpu.memory_space<vmem>>, %arg13: memref<1x128xf32, #tpu.memory_space<vmem>>, %arg14: memref<2000x128xf32, #tpu.memory_space<vmem>>, %arg15: memref<2000x128xf32, #tpu.memory_space<vmem>>, %arg16: memref<2000x128xf32, #tpu.memory_space<vmem>>) attributes {dimension_semantics = [#tpu.dimension_semantics<arbitrary>], iteration_bounds = array<i64: 5>, scalar_prefetch = 0 : i64, scratch_operands = 0 : i64, tpu.core_type = #tpu.core_type<tc>, window_params = [{transform_indices = @transform_0, window_bounds = array<i64: 2000, 128>}, {transform_indices = @transform_1, window_bounds = array<i64: 2000, 128>}, {transform_indices = @transform_2, window_bounds = array<i64: 2000, 128>}, {pipeline_mode = #tpu.pipeline_mode<synchronous>, transform_indices = @transform_3, window_bounds = array<i64: 128, 128>}, {pipeline_mode = #tpu.pipeline_mode<synchronous>, transform_indices = @transform_4, window_bounds = array<i64: 128, 128>}, {pipeline_mode = #tpu.pipeline_mode<synchronous>, transform_indices = @transform_5, window_bounds = array<i64: 1, 128>}, {pipeline_mode = #tpu.pipeline_mode<synchronous>, transform_indices = @transform_6, window_bounds = array<i64: 128, 128>}, {pipeline_mode = #tpu.pipeline_mode<synchronous>, transform_indices = @transform_7, window_bounds = array<i64: 1, 128>}, {pipeline_mode = #tpu.pipeline_mode<synchronous>, transform_indices = @transform_8, window_bounds = array<i64: 128, 128>}, {pipeline_mode = #tpu.pipeline_mode<synchronous>, transform_indices = @transform_9, window_bounds = array<i64: 128, 128>}, {pipeline_mode = #tpu.pipeline_mode<synchronous>, transform_indices = @transform_10, window_bounds = array<i64: 1, 128>}, {pipeline_mode = #tpu.pipeline_mode<synchronous>, transform_indices = @transform_11, window_bounds = array<i64: 128, 128>}, {pipeline_mode = #tpu.pipeline_mode<synchronous>, transform_indices = @transform_12, window_bounds = array<i64: 1, 128>}, {transform_indices = @transform_13, window_bounds = array<i64: 2000, 128>}, {transform_indices = @transform_14, window_bounds = array<i64: 2000, 128>}, {transform_indices = @transform_15, window_bounds = array<i64: 2000, 128>}]} {
    %get3A = arith.constant 0 : index
    %get3A_0 = arith.constant 0 : index
    %get3A_1 = vector.load %arg2[%get3A, %get3A_0] : memref<2000x128xf32, #tpu.memory_space<vmem>>, vector<2000x128xf32>
    %get3A_2 = arith.constant 0 : index
    %get3A_3 = arith.constant 0 : index
    %get3A_4 = vector.load %arg3[%get3A_2, %get3A_3] : memref<2000x128xf32, #tpu.memory_space<vmem>>, vector<2000x128xf32>
    %add3A = arith.addf %get3A_1, %get3A_4 : vector<2000x128xf32>
    %get3A_5 = arith.constant 0 : index
    %get3A_6 = arith.constant 0 : index
    %get3A_7 = vector.load %arg1[%get3A_5, %get3A_6] : memref<2000x128xf32, #tpu.memory_space<vmem>>, vector<2000x128xf32>
    %get3A_8 = arith.constant 0 : index
    %get3A_9 = arith.constant 0 : index
    %get3A_10 = vector.load %arg4[%get3A_8, %get3A_9] : memref<128x128xf32, #tpu.memory_space<vmem>>, vector<128x128xf32>
    %dot_general3A = arith.constant dense<0.000000e+00> : vector<2000x128xf32>
    %dot_general3A_11 = tpu.matmul %get3A_7, %get3A_10, %dot_general3A {dimension_numbers = #tpu.dot_dimension_numbers<[1], [0], [0], [1], [0, 0, 1, 1], [], []>, transpose_lhs_hint = false} : vector<2000x128xf32>, vector<128x128xf32>, vector<2000x128xf32> -> vector<2000x128xf32>
    %get3A_12 = arith.constant 0 : index
    %get3A_13 = arith.constant 0 : index
    %get3A_14 = vector.load %arg5[%get3A_12, %get3A_13] : memref<128x128xf32, #tpu.memory_space<vmem>>, vector<128x128xf32>
    %dot_general3A_15 = arith.constant dense<0.000000e+00> : vector<2000x128xf32>
    %dot_general3A_16 = tpu.matmul %add3A, %get3A_14, %dot_general3A_15 {dimension_numbers = #tpu.dot_dimension_numbers<[1], [0], [0], [1], [0, 0, 1, 1], [], []>, transpose_lhs_hint = false} : vector<2000x128xf32>, vector<128x128xf32>, vector<2000x128xf32> -> vector<2000x128xf32>
    %add3A_17 = arith.addf %dot_general3A_11, %dot_general3A_16 : vector<2000x128xf32>
    %get3A_18 = arith.constant 0 : index
    %get3A_19 = arith.constant 0 : index
    %get3A_20 = vector.load %arg6[%get3A_18, %get3A_19] : memref<1x128xf32, #tpu.memory_space<vmem>>, vector<1x128xf32>
    %add3A_21 = vector.broadcast %get3A_20 : vector<1x128xf32> to vector<2000x128xf32>
    %add3A_22 = arith.addf %add3A_17, %add3A_21 : vector<2000x128xf32>
    %logistic3A = arith.negf %add3A_22 : vector<2000x128xf32>
    %logistic3A_23 = math.exp %logistic3A : vector<2000x128xf32>
    %logistic3A_24 = arith.constant 1.000000e+00 : f32
    %logistic3A_25 = vector.broadcast %logistic3A_24 : f32 to vector<2000x128xf32>
    %logistic3A_26 = arith.addf %logistic3A_25, %logistic3A_23 : vector<2000x128xf32>
    %logistic3A_27 = arith.divf %logistic3A_25, %logistic3A_26 : vector<2000x128xf32>
    %mul3A = arith.mulf %add3A_22, %logistic3A_27 : vector<2000x128xf32>
    %get3A_28 = arith.constant 0 : index
    %get3A_29 = arith.constant 0 : index
    %get3A_30 = vector.load %arg1[%get3A_28, %get3A_29] : memref<2000x128xf32, #tpu.memory_space<vmem>>, vector<2000x128xf32>
    %get3A_31 = arith.constant 0 : index
    %get3A_32 = arith.constant 0 : index
    %get3A_33 = vector.load %arg7[%get3A_31, %get3A_32] : memref<128x128xf32, #tpu.memory_space<vmem>>, vector<128x128xf32>
    %dot_general3A_34 = arith.constant dense<0.000000e+00> : vector<2000x128xf32>
    %dot_general3A_35 = tpu.matmul %mul3A, %get3A_33, %dot_general3A_34 {dimension_numbers = #tpu.dot_dimension_numbers<[1], [0], [0], [1], [0, 0, 1, 1], [], []>, transpose_lhs_hint = false} : vector<2000x128xf32>, vector<128x128xf32>, vector<2000x128xf32> -> vector<2000x128xf32>
    %add3A_36 = arith.addf %get3A_30, %dot_general3A_35 : vector<2000x128xf32>
    %get3A_37 = arith.constant 0 : index
    %get3A_38 = arith.constant 0 : index
    %get3A_39 = vector.load %arg8[%get3A_37, %get3A_38] : memref<1x128xf32, #tpu.memory_space<vmem>>, vector<1x128xf32>
    %add3A_40 = vector.broadcast %get3A_39 : vector<1x128xf32> to vector<2000x128xf32>
    %add3A_41 = arith.addf %add3A_36, %add3A_40 : vector<2000x128xf32>
    %get3A_42 = arith.constant 0 : index
    %get3A_43 = arith.constant 0 : index
    %get3A_44 = vector.load %arg9[%get3A_42, %get3A_43] : memref<128x128xf32, #tpu.memory_space<vmem>>, vector<128x128xf32>
    %dot_general3A_45 = arith.constant dense<0.000000e+00> : vector<2000x128xf32>
    %dot_general3A_46 = tpu.matmul %add3A_41, %get3A_44, %dot_general3A_45 {dimension_numbers = #tpu.dot_dimension_numbers<[1], [0], [0], [1], [0, 0, 1, 1], [], []>, transpose_lhs_hint = false} : vector<2000x128xf32>, vector<128x128xf32>, vector<2000x128xf32> -> vector<2000x128xf32>
    %get3A_47 = arith.constant 0 : index
    %get3A_48 = arith.constant 0 : index
    %get3A_49 = vector.load %arg11[%get3A_47, %get3A_48] : memref<1x128xf32, #tpu.memory_space<vmem>>, vector<1x128xf32>
    %add3A_50 = vector.broadcast %get3A_49 : vector<1x128xf32> to vector<2000x128xf32>
    %add3A_51 = arith.addf %dot_general3A_46, %add3A_50 : vector<2000x128xf32>
    %swap3A = arith.constant 0 : index
    %swap3A_52 = arith.constant 0 : index
    %swap3A_53 = vector.load %arg14[%swap3A, %swap3A_52] : memref<2000x128xf32, #tpu.memory_space<vmem>>, vector<2000x128xf32>
    tpu.vector_store %arg14[%swap3A, %swap3A_52], %add3A_51 {strides = array<i32>} : memref<2000x128xf32, #tpu.memory_space<vmem>>, vector<2000x128xf32>,
    %get3A_54 = arith.constant 0 : index
    %get3A_55 = arith.constant 0 : index
    %get3A_56 = vector.load %arg10[%get3A_54, %get3A_55] : memref<128x128xf32, #tpu.memory_space<vmem>>, vector<128x128xf32>
    %dot_general3A_57 = arith.constant dense<0.000000e+00> : vector<2000x128xf32>
    %dot_general3A_58 = tpu.matmul %add3A_41, %get3A_56, %dot_general3A_57 {dimension_numbers = #tpu.dot_dimension_numbers<[1], [0], [0], [1], [0, 0, 1, 1], [], []>, transpose_lhs_hint = false} : vector<2000x128xf32>, vector<128x128xf32>, vector<2000x128xf32> -> vector<2000x128xf32>
    %swap3A_59 = arith.constant 0 : index
    %swap3A_60 = arith.constant 0 : index
    %swap3A_61 = vector.load %arg15[%swap3A_59, %swap3A_60] : memref<2000x128xf32, #tpu.memory_space<vmem>>, vector<2000x128xf32>
    tpu.vector_store %arg15[%swap3A_59, %swap3A_60], %dot_general3A_58 {strides = array<i32>} : memref<2000x128xf32, #tpu.memory_space<vmem>>, vector<2000x128xf32>,
    %get3A_62 = arith.constant 0 : index
    %get3A_63 = arith.constant 0 : index
    %get3A_64 = vector.load %arg12[%get3A_62, %get3A_63] : memref<128x128xf32, #tpu.memory_space<vmem>>, vector<128x128xf32>
    %dot_general3A_65 = arith.constant dense<0.000000e+00> : vector<2000x128xf32>
    %dot_general3A_66 = tpu.matmul %add3A_41, %get3A_64, %dot_general3A_65 {dimension_numbers = #tpu.dot_dimension_numbers<[1], [0], [0], [1], [0, 0, 1, 1], [], []>, transpose_lhs_hint = false} : vector<2000x128xf32>, vector<128x128xf32>, vector<2000x128xf32> -> vector<2000x128xf32>
    %get3A_67 = arith.constant 0 : index
    %get3A_68 = arith.constant 0 : index
    %get3A_69 = vector.load %arg13[%get3A_67, %get3A_68] : memref<1x128xf32, #tpu.memory_space<vmem>>, vector<1x128xf32>
    %add3A_70 = vector.broadcast %get3A_69 : vector<1x128xf32> to vector<2000x128xf32>
    %add3A_71 = arith.addf %dot_general3A_66, %add3A_70 : vector<2000x128xf32>
    %swap3A_72 = arith.constant 0 : index
    %swap3A_73 = arith.constant 0 : index
    %swap3A_74 = vector.load %arg16[%swap3A_72, %swap3A_73] : memref<2000x128xf32, #tpu.memory_space<vmem>>, vector<2000x128xf32>
    tpu.vector_store %arg16[%swap3A_72, %swap3A_73], %add3A_71 {strides = array<i32>} : memref<2000x128xf32, #tpu.memory_space<vmem>>, vector<2000x128xf32>,
    return
  }
  func.func @transform_0(%arg0: i32) -> (i32, i32) {
    %c0_i32 = arith.constant 0 : i32
    %c0_i32_0 = arith.constant 0 : i32
    return %arg0, %c0_i32 : i32, i32
  }
  func.func @transform_1(%arg0: i32) -> (i32, i32) {
    %c0_i32 = arith.constant 0 : i32
    %c0_i32_0 = arith.constant 0 : i32
    return %arg0, %c0_i32 : i32, i32
  }
  func.func @transform_2(%arg0: i32) -> (i32, i32) {
    %c0_i32 = arith.constant 0 : i32
    %c0_i32_0 = arith.constant 0 : i32
    return %arg0, %c0_i32 : i32, i32
  }
  func.func @transform_3(%arg0: i32) -> (i32, i32) {
    %c0_i32 = arith.constant 0 : i32
    %c0_i32_0 = arith.constant 0 : i32
    %c0_i32_1 = arith.constant 0 : i32
    return %c0_i32, %c0_i32_0 : i32, i32
  }
  func.func @transform_4(%arg0: i32) -> (i32, i32) {
    %c0_i32 = arith.constant 0 : i32
    %c0_i32_0 = arith.constant 0 : i32
    %c0_i32_1 = arith.constant 0 : i32
    return %c0_i32, %c0_i32_0 : i32, i32
  }
  func.func @transform_5(%arg0: i32) -> (i32, i32) {
    %c0_i32 = arith.constant 0 : i32
    %c0_i32_0 = arith.constant 0 : i32
    %c0_i32_1 = arith.constant 0 : i32
    return %c0_i32, %c0_i32_0 : i32, i32
  }
  func.func @transform_6(%arg0: i32) -> (i32, i32) {
    %c0_i32 = arith.constant 0 : i32
    %c0_i32_0 = arith.constant 0 : i32
    %c0_i32_1 = arith.constant 0 : i32
    return %c0_i32, %c0_i32_0 : i32, i32
  }
  func.func @transform_7(%arg0: i32) -> (i32, i32) {
    %c0_i32 = arith.constant 0 : i32
    %c0_i32_0 = arith.constant 0 : i32
    %c0_i32_1 = arith.constant 0 : i32
    return %c0_i32, %c0_i32_0 : i32, i32
  }
  func.func @transform_8(%arg0: i32) -> (i32, i32) {
    %c0_i32 = arith.constant 0 : i32
    %c0_i32_0 = arith.constant 0 : i32
    %c0_i32_1 = arith.constant 0 : i32
    return %c0_i32, %c0_i32_0 : i32, i32
  }
  func.func @transform_9(%arg0: i32) -> (i32, i32) {
    %c0_i32 = arith.constant 0 : i32
    %c0_i32_0 = arith.constant 0 : i32
    %c0_i32_1 = arith.constant 0 : i32
    return %c0_i32, %c0_i32_0 : i32, i32
  }
  func.func @transform_10(%arg0: i32) -> (i32, i32) {
    %c0_i32 = arith.constant 0 : i32
    %c0_i32_0 = arith.constant 0 : i32
    %c0_i32_1 = arith.constant 0 : i32
    return %c0_i32, %c0_i32_0 : i32, i32
  }
  func.func @transform_11(%arg0: i32) -> (i32, i32) {
    %c0_i32 = arith.constant 0 : i32
    %c0_i32_0 = arith.constant 0 : i32
    %c0_i32_1 = arith.constant 0 : i32
    return %c0_i32, %c0_i32_0 : i32, i32
  }
  func.func @transform_12(%arg0: i32) -> (i32, i32) {
    %c0_i32 = arith.constant 0 : i32
    %c0_i32_0 = arith.constant 0 : i32
    %c0_i32_1 = arith.constant 0 : i32
    return %c0_i32, %c0_i32_0 : i32, i32
  }
  func.func @transform_13(%arg0: i32) -> (i32, i32) {
    %c0_i32 = arith.constant 0 : i32
    %c0_i32_0 = arith.constant 0 : i32
    return %arg0, %c0_i32 : i32, i32
  }
  func.func @transform_14(%arg0: i32) -> (i32, i32) {
    %c0_i32 = arith.constant 0 : i32
    %c0_i32_0 = arith.constant 0 : i32
    return %arg0, %c0_i32 : i32, i32
  }
  func.func @transform_15(%arg0: i32) -> (i32, i32) {
    %c0_i32 = arith.constant 0 : i32
    %c0_i32_0 = arith.constant 0 : i32
    return %arg0, %c0_i32 : i32, i32
  }
}

module attributes {stable_mosaic.version = 14 : i64} {
  func.func @_edge_mlp_n_body(%arg0: i32, %arg1: memref<2048x128xf32, #tpu.memory_space<vmem>>, %arg2: memref<2048x8xf32, #tpu.memory_space<vmem>>, %arg3: memref<128x128xf32, #tpu.memory_space<vmem>>, %arg4: memref<1x128xf32, #tpu.memory_space<vmem>>, %arg5: memref<1x128xf32, #tpu.memory_space<vmem>>, %arg6: memref<2048x128xf32, #tpu.memory_space<vmem>>) attributes {dimension_semantics = [#tpu.dimension_semantics<arbitrary>], iteration_bounds = array<i64: 160>, scalar_prefetch = 0 : i64, scratch_operands = 0 : i64, tpu.core_type = #tpu.core_type<tc>, window_params = [{transform_indices = @transform_0, window_bounds = array<i64: 2048, 128>}, {transform_indices = @transform_1, window_bounds = array<i64: 2048, 8>}, {pipeline_mode = #tpu.pipeline_mode<synchronous>, transform_indices = @transform_2, window_bounds = array<i64: 128, 128>}, {pipeline_mode = #tpu.pipeline_mode<synchronous>, transform_indices = @transform_3, window_bounds = array<i64: 1, 128>}, {pipeline_mode = #tpu.pipeline_mode<synchronous>, transform_indices = @transform_4, window_bounds = array<i64: 1, 128>}, {transform_indices = @transform_5, window_bounds = array<i64: 2048, 128>}]} {
    %get3A = arith.constant 0 : index
    %get3A_0 = arith.constant 3 : index
    %get3A_1 = vector.load %arg2[%get3A, %get3A_0] : memref<2048x8xf32, #tpu.memory_space<vmem>>, vector<2048x1xf32>
    %get3A_2 = arith.constant 0 : index
    %get3A_3 = arith.constant 0 : index
    %get3A_4 = vector.load %arg1[%get3A_2, %get3A_3] : memref<2048x128xf32, #tpu.memory_space<vmem>>, vector<2048x128xf32>
    %get3A_5 = arith.constant 0 : index
    %get3A_6 = arith.constant 0 : index
    %get3A_7 = vector.load %arg5[%get3A_5, %get3A_6] : memref<1x128xf32, #tpu.memory_space<vmem>>, vector<1x128xf32>
    %mul3A = vector.broadcast %get3A_1 : vector<2048x1xf32> to vector<2048x128xf32>
    %mul3A_8 = vector.broadcast %get3A_7 : vector<1x128xf32> to vector<2048x128xf32>
    %mul3A_9 = arith.mulf %mul3A, %mul3A_8 : vector<2048x128xf32>
    %add3A = arith.addf %get3A_4, %mul3A_9 : vector<2048x128xf32>
    %logistic3A = arith.negf %add3A : vector<2048x128xf32>
    %logistic3A_10 = math.exp %logistic3A : vector<2048x128xf32>
    %logistic3A_11 = arith.constant 1.000000e+00 : f32
    %logistic3A_12 = vector.broadcast %logistic3A_11 : f32 to vector<2048x128xf32>
    %logistic3A_13 = arith.addf %logistic3A_12, %logistic3A_10 : vector<2048x128xf32>
    %logistic3A_14 = arith.divf %logistic3A_12, %logistic3A_13 : vector<2048x128xf32>
    %mul3A_15 = arith.mulf %add3A, %logistic3A_14 : vector<2048x128xf32>
    %get3A_16 = arith.constant 0 : index
    %get3A_17 = arith.constant 0 : index
    %get3A_18 = vector.load %arg3[%get3A_16, %get3A_17] : memref<128x128xf32, #tpu.memory_space<vmem>>, vector<128x128xf32>
    %dot_general3A = arith.constant dense<0.000000e+00> : vector<2048x128xf32>
    %dot_general3A_19 = tpu.matmul %mul3A_15, %get3A_18, %dot_general3A {dimension_numbers = #tpu.dot_dimension_numbers<[1], [0], [0], [1], [0, 0, 1, 1], [], []>, transpose_lhs_hint = false} : vector<2048x128xf32>, vector<128x128xf32>, vector<2048x128xf32> -> vector<2048x128xf32>
    %get3A_20 = arith.constant 0 : index
    %get3A_21 = arith.constant 0 : index
    %get3A_22 = vector.load %arg4[%get3A_20, %get3A_21] : memref<1x128xf32, #tpu.memory_space<vmem>>, vector<1x128xf32>
    %add3A_23 = vector.broadcast %get3A_22 : vector<1x128xf32> to vector<2048x128xf32>
    %add3A_24 = arith.addf %dot_general3A_19, %add3A_23 : vector<2048x128xf32>
    %logistic3A_25 = arith.negf %add3A_24 : vector<2048x128xf32>
    %logistic3A_26 = math.exp %logistic3A_25 : vector<2048x128xf32>
    %logistic3A_27 = arith.constant 1.000000e+00 : f32
    %logistic3A_28 = vector.broadcast %logistic3A_27 : f32 to vector<2048x128xf32>
    %logistic3A_29 = arith.addf %logistic3A_28, %logistic3A_26 : vector<2048x128xf32>
    %logistic3A_30 = arith.divf %logistic3A_28, %logistic3A_29 : vector<2048x128xf32>
    %mul3A_31 = arith.mulf %add3A_24, %logistic3A_30 : vector<2048x128xf32>
    %iota3A = tpu.iota {dimensions = array<i32: 0>} : vector<2048x1xi32>
    %mul3A_32 = arith.constant 2048 : i32
    %mul3A_33 = arith.muli %arg0, %mul3A_32 : i32
    %add3A_34 = vector.broadcast %mul3A_33 : i32 to vector<2048x1xi32>
    %add3A_35 = arith.addi %iota3A, %add3A_34 : vector<2048x1xi32>
    %lt3A = arith.constant 320000 : i32
    %lt3A_36 = vector.broadcast %lt3A : i32 to vector<2048x1xi32>
    %lt3A_37 = arith.cmpi slt, %add3A_35, %lt3A_36 : vector<2048x1xi32>
    %jit3A = arith.constant 0.000000e+00 : f32
    %broadcast_in_dim3A = vector.shape_cast %lt3A_37 : vector<2048x1xi1> to vector<2048x1xi1>
    %broadcast_in_dim3A_38 = vector.broadcast %broadcast_in_dim3A : vector<2048x1xi1> to vector<2048x128xi1>
    %broadcast_in_dim3A_39 = vector.broadcast %jit3A : f32 to vector<2048x128xf32>
    %select_n3A = arith.select %broadcast_in_dim3A_38, %mul3A_31, %broadcast_in_dim3A_39 : vector<2048x128xi1>, vector<2048x128xf32>
    %swap3A = arith.constant 0 : index
    %swap3A_40 = arith.constant 0 : index
    %swap3A_41 = vector.load %arg6[%swap3A, %swap3A_40] : memref<2048x128xf32, #tpu.memory_space<vmem>>, vector<2048x128xf32>
    tpu.vector_store %arg6[%swap3A, %swap3A_40], %select_n3A {strides = array<i32>} : memref<2048x128xf32, #tpu.memory_space<vmem>>, vector<2048x128xf32>,
    return
  }
  func.func @transform_0(%arg0: i32) -> (i32, i32) {
    %c0_i32 = arith.constant 0 : i32
    %c0_i32_0 = arith.constant 0 : i32
    return %arg0, %c0_i32 : i32, i32
  }
  func.func @transform_1(%arg0: i32) -> (i32, i32) {
    %c0_i32 = arith.constant 0 : i32
    %c0_i32_0 = arith.constant 0 : i32
    return %arg0, %c0_i32 : i32, i32
  }
  func.func @transform_2(%arg0: i32) -> (i32, i32) {
    %c0_i32 = arith.constant 0 : i32
    %c0_i32_0 = arith.constant 0 : i32
    %c0_i32_1 = arith.constant 0 : i32
    return %c0_i32, %c0_i32_0 : i32, i32
  }
  func.func @transform_3(%arg0: i32) -> (i32, i32) {
    %c0_i32 = arith.constant 0 : i32
    %c0_i32_0 = arith.constant 0 : i32
    %c0_i32_1 = arith.constant 0 : i32
    return %c0_i32, %c0_i32_0 : i32, i32
  }
  func.func @transform_4(%arg0: i32) -> (i32, i32) {
    %c0_i32 = arith.constant 0 : i32
    %c0_i32_0 = arith.constant 0 : i32
    %c0_i32_1 = arith.constant 0 : i32
    return %c0_i32, %c0_i32_0 : i32, i32
  }
  func.func @transform_5(%arg0: i32) -> (i32, i32) {
    %c0_i32 = arith.constant 0 : i32
    %c0_i32_0 = arith.constant 0 : i32
    return %arg0, %c0_i32 : i32, i32
  }
}

module attributes {stable_mosaic.version = 14 : i64} {
  func.func @_coord_body(%arg0: i32, %arg1: memref<2048x128xf32, #tpu.memory_space<vmem>>, %arg2: memref<2048x8xf32, #tpu.memory_space<vmem>>, %arg3: memref<128x128xf32, #tpu.memory_space<vmem>>, %arg4: memref<1x128xf32, #tpu.memory_space<vmem>>, %arg5: memref<1x128xf32, #tpu.memory_space<vmem>>, %arg6: memref<1x128xf32, #tpu.memory_space<vmem>>, %arg7: memref<2048x128xf32, #tpu.memory_space<vmem>>) attributes {dimension_semantics = [#tpu.dimension_semantics<arbitrary>], iteration_bounds = array<i64: 160>, scalar_prefetch = 0 : i64, scratch_operands = 0 : i64, tpu.core_type = #tpu.core_type<tc>, window_params = [{transform_indices = @transform_0, window_bounds = array<i64: 2048, 128>}, {transform_indices = @transform_1, window_bounds = array<i64: 2048, 8>}, {pipeline_mode = #tpu.pipeline_mode<synchronous>, transform_indices = @transform_2, window_bounds = array<i64: 128, 128>}, {pipeline_mode = #tpu.pipeline_mode<synchronous>, transform_indices = @transform_3, window_bounds = array<i64: 1, 128>}, {pipeline_mode = #tpu.pipeline_mode<synchronous>, transform_indices = @transform_4, window_bounds = array<i64: 1, 128>}, {pipeline_mode = #tpu.pipeline_mode<synchronous>, transform_indices = @transform_5, window_bounds = array<i64: 1, 128>}, {transform_indices = @transform_6, window_bounds = array<i64: 2048, 128>}]} {
    %get3A = arith.constant 0 : index
    %get3A_0 = arith.constant 0 : index
    %get3A_1 = vector.load %arg2[%get3A, %get3A_0] : memref<2048x8xf32, #tpu.memory_space<vmem>>, vector<2048x3xf32>
    %get3A_2 = arith.constant 0 : index
    %get3A_3 = arith.constant 3 : index
    %get3A_4 = vector.load %arg2[%get3A_2, %get3A_3] : memref<2048x8xf32, #tpu.memory_space<vmem>>, vector<2048x1xf32>
    %get3A_5 = arith.constant 0 : index
    %get3A_6 = arith.constant 0 : index
    %get3A_7 = vector.load %arg1[%get3A_5, %get3A_6] : memref<2048x128xf32, #tpu.memory_space<vmem>>, vector<2048x128xf32>
    %get3A_8 = arith.constant 0 : index
    %get3A_9 = arith.constant 0 : index
    %get3A_10 = vector.load %arg5[%get3A_8, %get3A_9] : memref<1x128xf32, #tpu.memory_space<vmem>>, vector<1x128xf32>
    %mul3A = vector.broadcast %get3A_4 : vector<2048x1xf32> to vector<2048x128xf32>
    %mul3A_11 = vector.broadcast %get3A_10 : vector<1x128xf32> to vector<2048x128xf32>
    %mul3A_12 = arith.mulf %mul3A, %mul3A_11 : vector<2048x128xf32>
    %add3A = arith.addf %get3A_7, %mul3A_12 : vector<2048x128xf32>
    %logistic3A = arith.negf %add3A : vector<2048x128xf32>
    %logistic3A_13 = math.exp %logistic3A : vector<2048x128xf32>
    %logistic3A_14 = arith.constant 1.000000e+00 : f32
    %logistic3A_15 = vector.broadcast %logistic3A_14 : f32 to vector<2048x128xf32>
    %logistic3A_16 = arith.addf %logistic3A_15, %logistic3A_13 : vector<2048x128xf32>
    %logistic3A_17 = arith.divf %logistic3A_15, %logistic3A_16 : vector<2048x128xf32>
    %mul3A_18 = arith.mulf %add3A, %logistic3A_17 : vector<2048x128xf32>
    %get3A_19 = arith.constant 0 : index
    %get3A_20 = arith.constant 0 : index
    %get3A_21 = vector.load %arg3[%get3A_19, %get3A_20] : memref<128x128xf32, #tpu.memory_space<vmem>>, vector<128x128xf32>
    %dot_general3A = arith.constant dense<0.000000e+00> : vector<2048x128xf32>
    %dot_general3A_22 = tpu.matmul %mul3A_18, %get3A_21, %dot_general3A {dimension_numbers = #tpu.dot_dimension_numbers<[1], [0], [0], [1], [0, 0, 1, 1], [], []>, transpose_lhs_hint = false} : vector<2048x128xf32>, vector<128x128xf32>, vector<2048x128xf32> -> vector<2048x128xf32>
    %get3A_23 = arith.constant 0 : index
    %get3A_24 = arith.constant 0 : index
    %get3A_25 = vector.load %arg4[%get3A_23, %get3A_24] : memref<1x128xf32, #tpu.memory_space<vmem>>, vector<1x128xf32>
    %add3A_26 = vector.broadcast %get3A_25 : vector<1x128xf32> to vector<2048x128xf32>
    %add3A_27 = arith.addf %dot_general3A_22, %add3A_26 : vector<2048x128xf32>
    %logistic3A_28 = arith.negf %add3A_27 : vector<2048x128xf32>
    %logistic3A_29 = math.exp %logistic3A_28 : vector<2048x128xf32>
    %logistic3A_30 = arith.constant 1.000000e+00 : f32
    %logistic3A_31 = vector.broadcast %logistic3A_30 : f32 to vector<2048x128xf32>
    %logistic3A_32 = arith.addf %logistic3A_31, %logistic3A_29 : vector<2048x128xf32>
    %logistic3A_33 = arith.divf %logistic3A_31, %logistic3A_32 : vector<2048x128xf32>
    %mul3A_34 = arith.mulf %add3A_27, %logistic3A_33 : vector<2048x128xf32>
    %get3A_35 = arith.constant 0 : index
    %get3A_36 = arith.constant 0 : index
    %get3A_37 = vector.load %arg6[%get3A_35, %get3A_36] : memref<1x128xf32, #tpu.memory_space<vmem>>, vector<1x128xf32>
    %mul3A_38 = vector.broadcast %get3A_37 : vector<1x128xf32> to vector<2048x128xf32>
    %mul3A_39 = arith.mulf %mul3A_34, %mul3A_38 : vector<2048x128xf32>
    %reduce_sum3A = arith.constant dense<0.000000e+00> : vector<2048xf32>
    %reduce_sum3A_40 = vector.multi_reduction <add>, %mul3A_39, %reduce_sum3A [1] : vector<2048x128xf32> to vector<2048xf32>
    %broadcast_in_dim3A = vector.shape_cast %reduce_sum3A_40 : vector<2048xf32> to vector<2048x1xf32>
    %add3A_41 = arith.constant 9.99999993E-9 : f32
    %add3A_42 = vector.broadcast %add3A_41 : f32 to vector<2048x1xf32>
    %add3A_43 = arith.addf %get3A_4, %add3A_42 : vector<2048x1xf32>
    %sqrt3A = math.sqrt %add3A_43 : vector<2048x1xf32>
    %add3A_44 = arith.constant 1.000000e+00 : f32
    %add3A_45 = vector.broadcast %add3A_44 : f32 to vector<2048x1xf32>
    %add3A_46 = arith.addf %sqrt3A, %add3A_45 : vector<2048x1xf32>
    %div3A = vector.broadcast %add3A_46 : vector<2048x1xf32> to vector<2048x3xf32>
    %div3A_47 = arith.divf %get3A_1, %div3A : vector<2048x3xf32>
    %mul3A_48 = vector.broadcast %broadcast_in_dim3A : vector<2048x1xf32> to vector<2048x3xf32>
    %mul3A_49 = arith.mulf %div3A_47, %mul3A_48 : vector<2048x3xf32>
    %iota3A = tpu.iota {dimensions = array<i32: 0>} : vector<2048x1xi32>
    %mul3A_50 = arith.constant 2048 : i32
    %mul3A_51 = arith.muli %arg0, %mul3A_50 : i32
    %add3A_52 = vector.broadcast %mul3A_51 : i32 to vector<2048x1xi32>
    %add3A_53 = arith.addi %iota3A, %add3A_52 : vector<2048x1xi32>
    %lt3A = arith.constant 320000 : i32
    %lt3A_54 = vector.broadcast %lt3A : i32 to vector<2048x1xi32>
    %lt3A_55 = arith.cmpi slt, %add3A_53, %lt3A_54 : vector<2048x1xi32>
    %jit3A = arith.constant 0.000000e+00 : f32
    %broadcast_in_dim3A_56 = vector.shape_cast %lt3A_55 : vector<2048x1xi1> to vector<2048x1xi1>
    %broadcast_in_dim3A_57 = vector.broadcast %broadcast_in_dim3A_56 : vector<2048x1xi1> to vector<2048x3xi1>
    %broadcast_in_dim3A_58 = vector.broadcast %jit3A : f32 to vector<2048x3xf32>
    %select_n3A = arith.select %broadcast_in_dim3A_57, %mul3A_49, %broadcast_in_dim3A_58 : vector<2048x3xi1>, vector<2048x3xf32>
    %broadcast_in_dim3A_59 = arith.constant 0.000000e+00 : f32
    %broadcast_in_dim3A_60 = vector.broadcast %broadcast_in_dim3A_59 : f32 to vector<2048x125xf32>
    %concatenate3A = tpu.concatenate %select_n3A, %broadcast_in_dim3A_60 in 1 : vector<2048x3xf32>, vector<2048x125xf32> -> vector<2048x128xf32>
    %swap3A = arith.constant 0 : index
    %swap3A_61 = arith.constant 0 : index
    %swap3A_62 = vector.load %arg7[%swap3A, %swap3A_61] : memref<2048x128xf32, #tpu.memory_space<vmem>>, vector<2048x128xf32>
    tpu.vector_store %arg7[%swap3A, %swap3A_61], %concatenate3A {strides = array<i32>} : memref<2048x128xf32, #tpu.memory_space<vmem>>, vector<2048x128xf32>,
    return
  }
  func.func @transform_0(%arg0: i32) -> (i32, i32) {
    %c0_i32 = arith.constant 0 : i32
    %c0_i32_0 = arith.constant 0 : i32
    return %arg0, %c0_i32 : i32, i32
  }
  func.func @transform_1(%arg0: i32) -> (i32, i32) {
    %c0_i32 = arith.constant 0 : i32
    %c0_i32_0 = arith.constant 0 : i32
    return %arg0, %c0_i32 : i32, i32
  }
  func.func @transform_2(%arg0: i32) -> (i32, i32) {
    %c0_i32 = arith.constant 0 : i32
    %c0_i32_0 = arith.constant 0 : i32
    %c0_i32_1 = arith.constant 0 : i32
    return %c0_i32, %c0_i32_0 : i32, i32
  }
  func.func @transform_3(%arg0: i32) -> (i32, i32) {
    %c0_i32 = arith.constant 0 : i32
    %c0_i32_0 = arith.constant 0 : i32
    %c0_i32_1 = arith.constant 0 : i32
    return %c0_i32, %c0_i32_0 : i32, i32
  }
  func.func @transform_4(%arg0: i32) -> (i32, i32) {
    %c0_i32 = arith.constant 0 : i32
    %c0_i32_0 = arith.constant 0 : i32
    %c0_i32_1 = arith.constant 0 : i32
    return %c0_i32, %c0_i32_0 : i32, i32
  }
  func.func @transform_5(%arg0: i32) -> (i32, i32) {
    %c0_i32 = arith.constant 0 : i32
    %c0_i32_0 = arith.constant 0 : i32
    %c0_i32_1 = arith.constant 0 : i32
    return %c0_i32, %c0_i32_0 : i32, i32
  }
  func.func @transform_6(%arg0: i32) -> (i32, i32) {
    %c0_i32 = arith.constant 0 : i32
    %c0_i32_0 = arith.constant 0 : i32
    return %arg0, %c0_i32 : i32, i32
  }
}

module attributes {stable_mosaic.version = 14 : i64} {
  func.func @_xupd_body(%arg0: i32, %arg1: memref<10000x128xf32, #tpu.memory_space<vmem>>, %arg2: memref<10000x128xf32, #tpu.memory_space<vmem>>, %arg3: memref<10000x128xf32, #tpu.memory_space<vmem>>, %arg4: memref<10000x128xf32, #tpu.memory_space<vmem>>) attributes {dimension_semantics = [#tpu.dimension_semantics<arbitrary>], iteration_bounds = array<i64: 1>, scalar_prefetch = 0 : i64, scratch_operands = 0 : i64, tpu.core_type = #tpu.core_type<tc>, window_params = [{pipeline_mode = #tpu.pipeline_mode<synchronous>, transform_indices = @transform_0, window_bounds = array<i64: 10000, 128>}, {pipeline_mode = #tpu.pipeline_mode<synchronous>, transform_indices = @transform_1, window_bounds = array<i64: 10000, 128>}, {pipeline_mode = #tpu.pipeline_mode<synchronous>, transform_indices = @transform_2, window_bounds = array<i64: 10000, 128>}, {pipeline_mode = #tpu.pipeline_mode<synchronous>, transform_indices = @transform_3, window_bounds = array<i64: 10000, 128>}]} {
    %get3A = arith.constant 0 : index
    %get3A_0 = arith.constant 0 : index
    %get3A_1 = vector.load %arg1[%get3A, %get3A_0] : memref<10000x128xf32, #tpu.memory_space<vmem>>, vector<10000x128xf32>
    %get3A_2 = arith.constant 0 : index
    %get3A_3 = arith.constant 0 : index
    %get3A_4 = vector.load %arg2[%get3A_2, %get3A_3] : memref<10000x128xf32, #tpu.memory_space<vmem>>, vector<10000x128xf32>
    %get3A_5 = arith.constant 0 : index
    %get3A_6 = arith.constant 0 : index
    %get3A_7 = vector.load %arg3[%get3A_5, %get3A_6] : memref<10000x128xf32, #tpu.memory_space<vmem>>, vector<10000x128xf32>
    %add3A = arith.addf %get3A_4, %get3A_7 : vector<10000x128xf32>
    %mul3A = arith.constant 0.00999999977 : f32
    %mul3A_8 = vector.broadcast %mul3A : f32 to vector<10000x128xf32>
    %mul3A_9 = arith.mulf %add3A, %mul3A_8 : vector<10000x128xf32>
    %add3A_10 = arith.addf %get3A_1, %mul3A_9 : vector<10000x128xf32>
    %swap3A = arith.constant 0 : index
    %swap3A_11 = arith.constant 0 : index
    %swap3A_12 = vector.load %arg4[%swap3A, %swap3A_11] : memref<10000x128xf32, #tpu.memory_space<vmem>>, vector<10000x128xf32>
    tpu.vector_store %arg4[%swap3A, %swap3A_11], %add3A_10 {strides = array<i32>} : memref<10000x128xf32, #tpu.memory_space<vmem>>, vector<10000x128xf32>,
    return
  }
  func.func @transform_0(%arg0: i32) -> (i32, i32) {
    %c0_i32 = arith.constant 0 : i32
    %c0_i32_0 = arith.constant 0 : i32
    %c0_i32_1 = arith.constant 0 : i32
    return %c0_i32, %c0_i32_0 : i32, i32
  }
  func.func @transform_1(%arg0: i32) -> (i32, i32) {
    %c0_i32 = arith.constant 0 : i32
    %c0_i32_0 = arith.constant 0 : i32
    %c0_i32_1 = arith.constant 0 : i32
    return %c0_i32, %c0_i32_0 : i32, i32
  }
  func.func @transform_2(%arg0: i32) -> (i32, i32) {
    %c0_i32 = arith.constant 0 : i32
    %c0_i32_0 = arith.constant 0 : i32
    %c0_i32_1 = arith.constant 0 : i32
    return %c0_i32, %c0_i32_0 : i32, i32
  }
  func.func @transform_3(%arg0: i32) -> (i32, i32) {
    %c0_i32 = arith.constant 0 : i32
    %c0_i32_0 = arith.constant 0 : i32
    %c0_i32_1 = arith.constant 0 : i32
    return %c0_i32, %c0_i32_0 : i32, i32
  }
}

</mosaic_0001>

<sc_bundles>
// kernel: kernel.15.cloned.1.call-start
scs
__scs_entry_jumppad:
0x0: {  	(pc) =	sbr.rel $0x88, $3  }
0x1: {  	(tag) =	ssettag $0x0;
	lr =	simm.s32 $0x1  }
0x2: {  	[smem:$0x3F85] =	sst lr;
	_ =	strace $0xD0000000  }
0x3: {  	_ = 	snop  }
0x4: {  	_ = 	snop  }
0x5: {  	_ = 	snop  }
0x6: {  	_ = 	snop  }
0x7: {  	_ = 	snop  }
__scs_overlays_trampoline_lowered:
0x8: {  	[smem:$0x3F94] =	sst s0  }
0x9: {  	[smem:$0x3F95] =	sst s1  }
0xa: {  	[smem:$0x3F96] =	sst s2  }
0xb: {  	[smem:$0x3F97] =	sst s3  }
0xc: {  	[smem:$0x3F98] =	sst s4  }
0xd: {  	[smem:$0x3F99] =	sst s5  }
0xe: {  	[smem:$0x3F9A] =	sst s6  }
0xf: {  	[smem:$0x3F9B] =	sst s7  }
0x10: {  	[smem:$0x3F9C] =	sst s8  }
0x11: {  	[smem:$0x3F9D] =	sst s9;
	s0 =	simm.s32 @!p0 $0x0  }
0x12: {  	s1 =	sld [smem:$0x3F83];
	s0 =	simm.s32 @p0 $0x1  }
0x13: {  	[smem:$0x3F9E] =	sst s0;
	s0 =	simm.s32 @!p1 $0x0  }
0x14: {  	s2 =	sld [smem:$0x3F82];
	s0 =	simm.s32 @p1 $0x1  }
0x15: {  	[smem:$0x3F9F] =	sst s0;
	s0 =	simm.s32 @!p2 $0x0  }
0x16: {  	s3 =	sld [smem:$0x3FDB];
	s0 =	simm.s32 @p2 $0x1  }
0x17: {  	s4 =	simm.s32 $0x1BF5;
	[smem:$0x3FA1] =	sst s0  }
0x18: {  	s0 =	sld [smem:$0x3F84];
	_ =	swait.ge [sflag:s4], $0x0  }
0x19: {  	s7 =	sld [smem:$0x3F85]  }
0x1a: {  	s8 =	sadd.s32 $0xFFFFE003, lr  }
0x1b: {  	s9 =	sadd.s32 $0xFFFFFEF7, lr;
	s5 =	simm.s32 $0xFFFFFFFF;
	p2 =	slt.u32 s8, $0xFFFFF086  }
0x1c: {  	p1 =	slt.u32 s9, $0xF7A;
	s5 =	simm.s32 @!p2 $0x0  }
0x1d: {  	s5 =	simm.s32 @p1 $0x1;
	p0 =	seq.s32 s7, s2  }
0x1e: {  	s7 =	smul.u32 @!p0 $0xF7A, s2;
	p2 =	seq.s32 @!p0 s5, $0x0  }
0x1f: {  	s9 =	smul.u32 $0xF7A, s1;
	s8 =	simm.s32 @!p0 $0x1BF5;
	p2 =	por !p2, p0  }
0x20: {  	[sflag:s8] =	ssyncset.s32 @!p0 $0xFFFFF086;
	s6 =	sadd.s32 @!p0 s3, s7;
	s7 =	simm.s32 @!p0 $0x108  }
0x21: {  	s3 =	sadd.s32 s3, s9;
	s6 =	sadd.s32 @!p0 $0x88, s6;
	s7 =	simm.s32 @p2 $0x1082  }
0x22: {  	[simem:s7], [sflag:s8] =	dma.local @!p0 [hbm:s6], $0xF7A  }
0x23: {  	s9 =	sor.u32 $0xD0000000, s2;
	s6 =	simm.s32 $0x108;
	_ =	swait.ge @!p0 [sflag:s8], $0x0  }
0x24: {  	s3 =	sadd.s32 $0x88, s3;
	s6 =	simm.s32 @!p1 $0x1082;
	[sflag:s4] =	ssyncset.s32 $0xFFFFF086  }
0x25: {  	[simem:s6], [sflag:s4] =	dma.local [hbm:s3], $0xF7A  }
0x26: {  	[smem:$0x3F85] =	sst s1;
	(tag) =	ssettag s2;
	_ =	strace s9  }
0x27: {  	s1 =	sld [smem:$0x3F95]  }
0x28: {  	s2 =	sld [smem:$0x3F96]  }
0x29: {  	s4 =	sld [smem:$0x3F98]  }
0x2a: {  	p0 =	seq.s32 s5, $0x0;
	s5 =	sld [smem:$0x3F99]  }
0x2b: {  	s6 =	sld [smem:$0x3F9A]  }
0x2c: {  	s7 =	sld [smem:$0x3F9B]  }
0x2d: {  	s3 =	simm.s32 $0x108;
	s8 =	sld [smem:$0x3F9C]  }
0x2e: {  	s3 =	simm.s32 @!p0 $0x1082;
	s9 =	sld [smem:$0x3F9D]  }
0x2f: {  	lr =	sadd.s32 s0, s3;
	s0 =	sld [smem:$0x3F94]  }
0x30: {  	s3 =	sld [smem:$0x3F97]  }
0x31: {  	[smem:$0x3FA0] =	sst s10  }
0x32: {  	s10 =	sld [smem:$0x3F9E];
	_ =	sdelay $0x3  }
0x33: {  	p0 =	seq.s32 s10, $0x1;
	s10 =	sld [smem:$0x3FA0];
	_ =	sdelay $0x3  }
0x34: {  	[smem:$0x3FA0] =	sst s10  }
0x35: {  	s10 =	sld [smem:$0x3F9F];
	_ =	sdelay $0x3  }
0x36: {  	p1 =	seq.s32 s10, $0x1;
	s10 =	sld [smem:$0x3FA0];
	_ =	sdelay $0x3  }
0x37: {  	[smem:$0x3FA0] =	sst s10  }
0x38: {  	s10 =	sld [smem:$0x3FA1]  }
0x39: {  	_ = 	snop;
	(pc) =	sbr.ind lr, $3  }
0x3a: {  	_ = 	snop  }
0x3b: {  	_ = 	snop  }
0x3c: {  	p2 =	seq.s32 s10, $0x1;
	s10 =	sld [smem:$0x3FA0]  }
0x3d: {  	_ =	shalt  }
0x3e: {  	_ =	shalt  }
0x3f: {  	_ =	shalt  }
0x40: {  	_ =	shalt  }
0x41: {  	_ =	shalt  }
0x42: {  	_ =	shalt  }
0x43: {  	_ =	shalt  }
0x44: {  	_ =	shalt  }
0x45: {  	_ =	shalt  }
0x46: {  	_ =	shalt  }
0x47: {  	_ =	shalt  }
0x48: {  	_ =	shalt  }
0x49: {  	_ =	shalt  }
0x4a: {  	_ =	shalt  }
0x4b: {  	_ =	shalt  }
0x4c: {  	_ =	shalt  }
0x4d: {  	_ =	shalt  }
0x4e: {  	_ =	shalt  }
0x4f: {  	_ =	shalt  }
0x50: {  	_ =	shalt  }
0x51: {  	_ =	shalt  }
0x52: {  	_ =	shalt  }
0x53: {  	_ =	shalt  }
0x54: {  	_ =	shalt  }
0x55: {  	_ =	shalt  }
0x56: {  	_ =	shalt  }
0x57: {  	_ =	shalt  }
0x58: {  	_ =	shalt  }
0x59: {  	_ =	shalt  }
0x5a: {  	_ =	shalt  }
0x5b: {  	_ =	shalt  }
0x5c: {  	_ =	shalt  }
0x5d: {  	_ =	shalt  }
0x5e: {  	_ =	shalt  }
0x5f: {  	_ =	shalt  }
0x60: {  	_ =	shalt  }
0x61: {  	_ =	shalt  }
0x62: {  	_ =	shalt  }
0x63: {  	_ =	shalt  }
0x64: {  	_ =	shalt  }
0x65: {  	_ =	shalt  }
0x66: {  	_ =	shalt  }
0x67: {  	_ =	shalt  }
0x68: {  	_ =	shalt  }
0x69: {  	_ =	shalt  }
0x6a: {  	_ =	shalt  }
0x6b: {  	_ =	shalt  }
0x6c: {  	_ =	shalt  }
0x6d: {  	_ =	shalt  }
0x6e: {  	_ =	shalt  }
0x6f: {  	_ =	shalt  }
0x70: {  	_ =	shalt  }
0x71: {  	_ =	shalt  }
0x72: {  	_ =	shalt  }
0x73: {  	_ =	shalt  }
0x74: {  	_ =	shalt  }
0x75: {  	_ =	shalt  }
0x76: {  	_ =	shalt  }
0x77: {  	_ =	shalt  }
0x78: {  	_ =	shalt  }
0x79: {  	_ =	shalt  }
0x7a: {  	_ =	shalt  }
0x7b: {  	_ =	shalt  }
0x7c: {  	_ =	shalt  }
0x7d: {  	_ =	shalt  }
0x7e: {  	_ =	shalt  }
0x7f: {  	_ =	shalt  }
0x80: {  	_ =	shalt  }
0x81: {  	_ =	shalt  }
0x82: {  	_ =	shalt  }
0x83: {  	_ =	shalt  }
0x84: {  	_ =	shalt  }
0x85: {  	_ =	shalt  }
0x86: {  	_ =	shalt  }
0x87: {  	_ =	shalt  }
.Lfunc_end0:
.L_simem_size_0:
called_computation_lowered:
.L_overlay_start_0:
0x88: {  	s2 =	sld [smem:$0x3FD9]  }
0x89: {  	s3 =	sld [smem:$0x3FFE];
	_ =	sdelay $0x1  }
0x8a: {  	s1 =	srdreg.scid  }
0x8b: {  	s0 =	sand.u32 $0x1, s1  }
0x8c: {  	s16 =	sshll.u32 s0, $0xA;
	s2 =	sadd.s32 s3, s2  }
0x8d: {  	s2 =	sadd.s32 s2, s16  }
0x8e: {  	[smem:$0x3FAC] =	sst s2  }
0x8f: {  	_ = 	snop  }
0x90: {  	(tm) =	ssettm $0x1  }
0x91: {  	s17 =	sld [smem:$0x3FFB];
	_ =	sdelay $0x3  }
0x92: {  	_ =	strace s17  }
0x93: {  	s2 =	sld [smem:$0x3FFC];
	_ =	sdelay $0x3  }
0x94: {  	_ =	strace s2  }
0x95: {  	s2 =	sld [smem:$0x3FFD];
	_ =	sdelay $0x3  }
0x96: {  	_ =	strace s2  }
0x97: {  	_ =	strace $0x8FFFFFFF  }
0x98: {  	s18 =	sld [smem:$0x3FDB];
	_ =	sdelay $0x1  }
0x99: {  	s19 =	simm.s32 $_scs_section_size  }
0x9a: {  	s4 =	simm.s32 $_size__tile_overlayer_lowered;
	s5 =	simm.s32 $_tile_overlayer_lowered  }
0x9b: {  	s22 =	simm.s32 $0x1BFF;
	s21 =	sshll.u32 s5, $0x1;
	s2 =	sadd.s32 s19, s18  }
0x9c: {  	s6 =	simm.s32 $0x0;
	s20 =	sshll.u32 s4, $0x1;
	s4 =	sadd.s32 s21, s2  }
0x9d: {  	[timem:s6], [sflag:s22] =	dma.local [hbm:s4], s20  }
0x9e: {  	_ =	swait.ge [sflag:s22], s20  }
0x9f: {  	s3 =	ssub.s32 $0x0, s20;
	[sflag:s22] =	ssyncset.done $0x0  }
0xa0: {  	[sflag:s22] =	ssyncadd.s32 s3;
	_ =	sdelay $0x1  }
0xa1: {  	s23 =	simm.s32 $0x1B8B  }
0xa2: {  	_ =	swait.ge [sflag:s23], $0x1  }
0xa3: {  	[sflag:s23] =	ssyncset.done $0x0  }
0xa4: {  	s25 =	simm.s32 $0x1B8E;
	s24 =	sld [smem:$0x3FFE];
	[sflag:s23] =	ssyncadd.s32 $0xFFFFFFFF  }
0xa5: {  	s26 =	simm.s32 $execute0_lowered;
	[smem:$0x3FD2] =	sst s25  }
0xa6: {  	s4 =	sshll.u32 s26, $0x1;
	_ =	strace $0x80000046;
	[dreg:$0x1] =	wrdreg $0xFFFFFFFF  }
0xa7: {  	s28 =	simm.s32 $_size_execute0_lowered;
	s2 =	sadd.s32 s2, s4;
	[dreg:$0x0] =	wrdreg $0x0  }
0xa8: {  	s4 =	sshll.u32 s28, $0x1;
	[dreg:$0x2] =	wrdreg s2  }
0xa9: {  	[dreg:$0x3] =	wrdreg s4  }
0xaa: {  	[dreg:$0x4] =	wrdreg $0xC0  }
0xab: {  	_ =	task [dreg:s6], $0x5FFFF  }
0xac: {  	[dreg:$0x1] =	wrdreg $0xFFFFFFFF  }
0xad: {  	[dreg:$0x0] =	wrdreg $0x60  }
0xae: {  	[dreg:$0x2] =	wrdreg s24  }
0xaf: {  	[dreg:$0x3] =	wrdreg $0x9  }
0xb0: {  	_ =	task.clear_ibuf [dreg:s6], $0x4FFFF;
	_ =	strace $0x90000046  }
0xb1: {  	s29 =	simm.s32 $0x9;
	_ =	strace $0x80000048  }
0xb2: {  	_ =	swait.ge [sflag:s29], $0x1  }
0xb3: {  	[sflag:s29] =	ssyncadd.s32 $0xFFFFFFFF  }
0xb4: {  	_ =	strace $0x90000048  }
0xb5: {  	_ =	sfence  }
0xb6: {  	s30 =	sld [smem:$0x0];
	_ =	sdelay $0x2  }
0xb7: {  	s31 =	sshll.u32 s1, $0xD;
	s1 =	sshrl.u32 s1, $0x2  }
0xb8: {  	s3 =	sand.u32 $0x4000, s31;
	s1 =	sadd.s32 s1, s30  }
0xb9: {  	s0 =	sor.u32 s3, s0;
	s1 =	sshll.u32 s1, $0x11  }
0xba: {  	s0 =	sor.u32 s1, s0  }
0xbb: {  	s0 =	sadd.s32 $0x8F2B, s0  }
0xbc: {  	[sflag:s0] =	ssyncadd.remote.s32 $0x1  }
0xbd: {  	_ =	sfence.sel $0xFFFF  }
0xbe: {  	[dreg:$0x0] =	wrdreg $0xFFFFFFFF;
	(pc) =	sbr.abs _section_cstart, $3  }
0xbf: {  	[dreg:$0x1] =	wrdreg $0xFFFFFFFF  }
0xc0: {  	_ =	task.clear_ibuf [dreg:s6], $0x2FFFF;
	_ =	strace $0x9FFFFFFF  }
0xc1: {  	(tm) =	ssettm $0x7FFFFFFF  }
tec
execute0_lowered:
.L_overlay_start_1:
0x0: {  	(tag) =	ssettag $0x1  }
0x1: {  	s0 =	rddreg [dreg:$0x0]  }
0x2: {  	s1 =	srdreg.scid;
	s2 =	simm.s32 $0x0;
	s4 =	stileid.u32  }
0x3: {  	s12 =	simm.s32 $0xA000;
	s29 =	simm.s32 $0x1;
	s30 =	simm.s32 $0x2  }
0x4: {  	s31 =	simm.s32 $0x12000;
	s9 =	simm.s32 $0x15000;
	s10 =	simm.s32 $0x15800  }
0x5: {  	s13 =	simm.s32 $0x16000;
	s14 =	simm.s32 $0x16800;
	s15 =	simm.s32 $0x17000  }
0x6: {  	s16 =	simm.s32 $0x17800;
	s17 =	simm.s32 $0x18000;
	s18 =	simm.s32 $0x18800  }
0x7: {  	s19 =	simm.s32 $0x19000;
	s20 =	simm.s32 $0x19800;
	s1 =	sand.u32 $0x1, s1  }
0x8: {  	s21 =	simm.s32 $0x3;
	s22 =	simm.s32 $0x4;
	s3 =	sshll.u32 s1, $0x4  }
0x9: {  	s23 =	simm.s32 $0x5;
	s1 =	ssub.s32 $0x2, s1;
	s6 =	sor.u32 s4, s3  }
0xa: {  	[smem:$0x7FF] =	sst s2;
	s7 =	sshrl.u32 s1, $0x1;
	s5 =	smul.u32 $0xA00, s6  }
0xb: {  	s3 =	sadd.s32 $0x6C000, s0;
	s4 =	sadd.s32 $0xBA200, s0;
	s25 =	ssub.s32 s1, s7  }
0xc: {  	s8 =	sadd.s32 s5, s0;
	s5 =	sadd.s32 $0x108400, s0;
	s0 =	smax.u32 s25, $0x1  }
0xd: {  	v2 =	vlaneseq.u32;
	_ =	strace $0x80000047;
	s26 =	sadd.s32 $0x44000, s8;
	[dreg:$0x4] =	wrdreg s0  }
0xe: {  	vm0 =	vmmov $0xffff;
	v1 =	vshrl.u32 v2, $0x3;
	s6 =	smul.u32 $0xA0, s6;
	s28 =	sadd.s32 $0x58000, s8;
	[dreg:$0x2] =	wrdreg s26  }
0xf: {  	v0 =	vand.u32 $0x7, v2;
	v2 =	vor.u32 $0x8, v2;
	v1 =	vmul.u32 $0x8, v1;
	s7 =	simm.s32 $0x0;
	s8 =	simm.s32 $0x14800;
	[dreg:$0x3] =	wrdreg s28  }
.LBB2_1:
0x10: {  	[dreg:$0x5] =	wrdreg s7  }
0x11: {  	s0 =	rddreg [dreg:$0x2];
	s1 =	simm.s32 $0x7  }
0x12: {  	[tilespmem:s2], [sflag:$0x7] =	stream.linear.gather [hbm4b:s0+s2], $0x5000, $0x38;
	[tilespmem:$0x1A000] =	vst v63  }
0x13: {  	_ =	swait.ge [sflag:s1], $0x5000  }
0x14: {  	[sflag:s1] =	ssyncset.done $0x0  }
0x15: {  	s26 =	simm.s32 $0x5000;
	s25 =	rddreg [dreg:$0x3];
	[sflag:s1] =	ssyncadd.s32 $0xFFFFB000  }
0x16: {  	[tilespmem:s26], [sflag:$0x7] =	stream.linear.gather [hbm4b:s25+s2], $0x5000, $0x38;
	[tilespmem:$0x1A000] =	vst v63  }
0x17: {  	_ =	swait.ge [sflag:s1], $0x5000  }
0x18: {  	[sflag:s1] =	ssyncset.done $0x0  }
0x19: {  	[sflag:s1] =	ssyncadd.s32 $0xFFFFB000  }
0x1a: {  	v3 =	vld [tilespmem:$0x0];
	_ =	sdelay $0x4  }
0x1b: {  	v4 =	vshll.u32 v3, $0x1  }
0x1c: {  	v3 =	vand.u32 $0x7, v3;
	v4 =	vand.u32 $0xFFFFFFF0, v4  }
0x1d: {  	v3 =	vor.u32 v3, v4  }
0x1e: {  	v4 =	vperm.xlane v3, v0;
	_ =	sdelay $0x1  }
0x1f: {  	v3 =	vperm.xlane v3, v2;
	v4 =	vadd.s32 v1, v4;
	_ =	sdelay $0x1  }
0x20: {  	v3 =	vadd.s32 v1, v3;
	_ =	sdelay $0x2  }
0x21: {  	[tilespmem:s12], [sflag:$0x1] =	stream.indirect_vreg.gather [hbm4b:s3+s2], $0x80, v4, vm0, $0xb8;
	[tilespmem:$0x1A000] =	vst v63  }
0x22: {  	s28 =	simm.s32 $0xA800  }
0x23: {  	[tilespmem:s28], [sflag:$0x1] =	stream.indirect_vreg.gather [hbm4b:s3+s2], $0x80, v3, vm0, $0xb8;
	[tilespmem:$0x1A000] =	vst v63  }
0x24: {  	v3 =	vld [tilespmem:$0x10];
	_ =	sdelay $0x4  }
0x25: {  	v57 =	vshll.u32 v3, $0x1  }
0x26: {  	v3 =	vand.u32 $0x7, v3;
	v4 =	vand.u32 $0xFFFFFFF0, v57  }
0x27: {  	v3 =	vor.u32 v3, v4  }
0x28: {  	v4 =	vperm.xlane v3, v0;
	_ =	sdelay $0x1  }
0x29: {  	v3 =	vperm.xlane v3, v2;
	v4 =	vadd.s32 v1, v4;
	_ =	sdelay $0x1  }
0x2a: {  	v3 =	vadd.s32 v1, v3;
	_ =	sdelay $0x1  }
0x2b: {  	s1 =	simm.s32 $0xB000  }
0x2c: {  	[tilespmem:s1], [sflag:$0x1] =	stream.indirect_vreg.gather [hbm4b:s3+s2], $0x80, v4, vm0, $0xb8;
	[tilespmem:$0x1A000] =	vst v63  }
0x2d: {  	s7 =	simm.s32 $0xB800  }
0x2e: {  	[tilespmem:s7], [sflag:$0x1] =	stream.indirect_vreg.gather [hbm4b:s3+s2], $0x80, v3, vm0, $0xb8;
	[tilespmem:$0x1A000] =	vst v63  }
0x2f: {  	v3 =	vld [tilespmem:$0x20];
	_ =	sdelay $0x4  }
0x30: {  	v58 =	vshll.u32 v3, $0x1  }
0x31: {  	v3 =	vand.u32 $0x7, v3;
	v4 =	vand.u32 $0xFFFFFFF0, v58  }
0x32: {  	v3 =	vor.u32 v3, v4  }
0x33: {  	v4 =	vperm.xlane v3, v0;
	_ =	sdelay $0x1  }
0x34: {  	v3 =	vperm.xlane v3, v2;
	v4 =	vadd.s32 v1, v4;
	_ =	sdelay $0x1  }
0x35: {  	v3 =	vadd.s32 v1, v3;
	_ =	sdelay $0x1  }
0x36: {  	s11 =	simm.s32 $0xC000  }
0x37: {  	[tilespmem:s11], [sflag:$0x1] =	stream.indirect_vreg.gather [hbm4b:s3+s2], $0x80, v4, vm0, $0xb8;
	[tilespmem:$0x1A000] =	vst v63  }
0x38: {  	s24 =	simm.s32 $0xC800  }
0x39: {  	[tilespmem:s24], [sflag:$0x1] =	stream.indirect_vreg.gather [hbm4b:s3+s2], $0x80, v3, vm0, $0xb8;
	[tilespmem:$0x1A000] =	vst v63  }
0x3a: {  	v3 =	vld [tilespmem:$0x30];
	_ =	sdelay $0x4  }
0x3b: {  	v59 =	vshll.u32 v3, $0x1  }
0x3c: {  	v3 =	vand.u32 $0x7, v3;
	v4 =	vand.u32 $0xFFFFFFF0, v59  }
0x3d: {  	v3 =	vor.u32 v3, v4  }
0x3e: {  	v4 =	vperm.xlane v3, v0;
	_ =	sdelay $0x1  }
0x3f: {  	v3 =	vperm.xlane v3, v2;
	v4 =	vadd.s32 v1, v4;
	_ =	sdelay $0x1  }
0x40: {  	v3 =	vadd.s32 v1, v3;
	_ =	sdelay $0x1  }
0x41: {  	s25 =	simm.s32 $0xD000  }
0x42: {  	[tilespmem:s25], [sflag:$0x1] =	stream.indirect_vreg.gather [hbm4b:s3+s2], $0x80, v4, vm0, $0xb8;
	[tilespmem:$0x1A000] =	vst v63  }
0x43: {  	s26 =	simm.s32 $0xD800  }
0x44: {  	[tilespmem:s26], [sflag:$0x1] =	stream.indirect_vreg.gather [hbm4b:s3+s2], $0x80, v3, vm0, $0xb8;
	[tilespmem:$0x1A000] =	vst v63  }
0x45: {  	v3 =	vld [tilespmem:$0x5000];
	_ =	sdelay $0x4  }
0x46: {  	v60 =	vshll.u32 v3, $0x1  }
0x47: {  	v3 =	vand.u32 $0x7, v3;
	v4 =	vand.u32 $0xFFFFFFF0, v60  }
0x48: {  	v3 =	vor.u32 v3, v4  }
0x49: {  	v4 =	vperm.xlane v3, v0;
	_ =	sdelay $0x1  }
0x4a: {  	v3 =	vperm.xlane v3, v2;
	v4 =	vadd.s32 v1, v4;
	_ =	sdelay $0x1  }
0x4b: {  	v3 =	vadd.s32 v1, v3;
	_ =	sdelay $0x1  }
0x4c: {  	s28 =	simm.s32 $0xE000  }
0x4d: {  	[tilespmem:s28], [sflag:$0x2] =	stream.indirect_vreg.gather [hbm4b:s4+s2], $0x80, v4, vm0, $0xb8;
	[tilespmem:$0x1A000] =	vst v63  }
0x4e: {  	s1 =	simm.s32 $0xE800  }
0x4f: {  	[tilespmem:s1], [sflag:$0x2] =	stream.indirect_vreg.gather [hbm4b:s4+s2], $0x80, v3, vm0, $0xb8;
	[tilespmem:$0x1A000] =	vst v63  }
0x50: {  	v3 =	vld [tilespmem:$0x5010];
	_ =	sdelay $0x4  }
0x51: {  	v61 =	vshll.u32 v3, $0x1  }
0x52: {  	v3 =	vand.u32 $0x7, v3;
	v4 =	vand.u32 $0xFFFFFFF0, v61  }
0x53: {  	v3 =	vor.u32 v3, v4  }
0x54: {  	v4 =	vperm.xlane v3, v0;
	_ =	sdelay $0x1  }
0x55: {  	v3 =	vperm.xlane v3, v2;
	v4 =	vadd.s32 v1, v4;
	_ =	sdelay $0x1  }
0x56: {  	v3 =	vadd.s32 v1, v3;
	_ =	sdelay $0x1  }
0x57: {  	s7 =	simm.s32 $0xF000  }
0x58: {  	[tilespmem:s7], [sflag:$0x2] =	stream.indirect_vreg.gather [hbm4b:s4+s2], $0x80, v4, vm0, $0xb8;
	[tilespmem:$0x1A000] =	vst v63  }
0x59: {  	s11 =	simm.s32 $0xF800  }
0x5a: {  	[tilespmem:s11], [sflag:$0x2] =	stream.indirect_vreg.gather [hbm4b:s4+s2], $0x80, v3, vm0, $0xb8;
	[tilespmem:$0x1A000] =	vst v63  }
0x5b: {  	v3 =	vld [tilespmem:$0x5020];
	_ =	sdelay $0x4  }
0x5c: {  	v62 =	vshll.u32 v3, $0x1  }
0x5d: {  	v3 =	vand.u32 $0x7, v3;
	v4 =	vand.u32 $0xFFFFFFF0, v62  }
0x5e: {  	v3 =	vor.u32 v3, v4  }
0x5f: {  	v4 =	vperm.xlane v3, v0;
	_ =	sdelay $0x1  }
0x60: {  	v3 =	vperm.xlane v3, v2;
	v4 =	vadd.s32 v1, v4;
	_ =	sdelay $0x1  }
0x61: {  	v3 =	vadd.s32 v1, v3;
	_ =	sdelay $0x1  }
0x62: {  	s24 =	simm.s32 $0x10000  }
0x63: {  	[tilespmem:s24], [sflag:$0x2] =	stream.indirect_vreg.gather [hbm4b:s4+s2], $0x80, v4, vm0, $0xb8;
	[tilespmem:$0x1A000] =	vst v63  }
0x64: {  	s25 =	simm.s32 $0x10800  }
0x65: {  	[tilespmem:s25], [sflag:$0x2] =	stream.indirect_vreg.gather [hbm4b:s4+s2], $0x80, v3, vm0, $0xb8;
	[tilespmem:$0x1A000] =	vst v63  }
0x66: {  	v3 =	vld [tilespmem:$0x5030];
	_ =	sdelay $0x4  }
0x67: {  	v63 =	vshll.u32 v3, $0x1  }
0x68: {  	v3 =	vand.u32 $0x7, v3;
	v4 =	vand.u32 $0xFFFFFFF0, v63  }
0x69: {  	v3 =	vor.u32 v3, v4  }
0x6a: {  	v4 =	vperm.xlane v3, v0;
	_ =	sdelay $0x1  }
0x6b: {  	v3 =	vperm.xlane v3, v2;
	v4 =	vadd.s32 v1, v4;
	_ =	sdelay $0x1  }
0x6c: {  	v3 =	vadd.s32 v1, v3;
	_ =	sdelay $0x1  }
0x6d: {  	s26 =	simm.s32 $0x11000  }
0x6e: {  	[tilespmem:s26], [sflag:$0x2] =	stream.indirect_vreg.gather [hbm4b:s4+s2], $0x80, v4, vm0, $0xb8;
	[tilespmem:$0x1A000] =	vst v63  }
0x6f: {  	s28 =	simm.s32 $0x11800;
	s24 =	simm.s32 $0x0  }
0x70: {  	[tilespmem:s28], [sflag:$0x2] =	stream.indirect_vreg.gather [hbm4b:s4+s2], $0x80, v3, vm0, $0xb8;
	[tilespmem:$0x1A000] =	vst v63  }
.LBB2_2:
0x71: {  	_ =	swait.ge [sflag:s29], $0x4000  }
0x72: {  	[sflag:s29] =	ssyncset.done $0x0  }
0x73: {  	[sflag:s29] =	ssyncadd.s32 $0xFFFFC000  }
0x74: {  	_ =	swait.ge [sflag:s30], $0x4000  }
0x75: {  	p0 =	seq.s32 s24, $0x0;
	[sflag:s30] =	ssyncset.done $0x0  }
0x76: {  	s0 =	simm.s32 @!p0 $0x6;
	[sflag:s30] =	ssyncadd.s32 $0xFFFFC000  }
0x77: {  	_ =	swait.ge @!p0 [sflag:s0], $0x4000  }
0x78: {  	s25 =	sshllo.u32 s24, $0x1;
	[sflag:s0] =	ssyncset.done @!p0 $0x0  }
0x79: {  	s28 =	sshll.u32 s25, $0x7;
	[sflag:s0] =	ssyncadd.s32 @!p0 $0xFFFFC000  }
0x7a: {  	v3 =	vld [tilespmem:s28+$0x0];
	_ =	sdelay $0x4  }
0x7b: {  	v4 =	vshll.u32 v3, $0x1  }
0x7c: {  	v3 =	vand.u32 $0x7, v3;
	v4 =	vand.u32 $0xFFFFFFF0, v4  }
0x7d: {  	v3 =	vor.u32 v3, v4  }
0x7e: {  	v4 =	vperm.xlane v3, v0;
	_ =	sdelay $0x1  }
0x7f: {  	v3 =	vperm.xlane v3, v2;
	v4 =	vadd.s32 v1, v4;
	_ =	sdelay $0x1  }
0x80: {  	v3 =	vadd.s32 v1, v3;
	_ =	sdelay $0x1  }
0x81: {  	s26 =	simm.s32 $0x0  }
0x82: {  	[tilespmem:s31], [sflag:$0x3] =	stream.indirect_vreg.gather [hbm4b:s3+s26], $0x80, v4, vm0, $0xb8;
	[tilespmem:$0x1A000] =	vst v63  }
0x83: {  	s7 =	simm.s32 $0x12800  }
0x84: {  	[tilespmem:s7], [sflag:$0x3] =	stream.indirect_vreg.gather [hbm4b:s3+s26], $0x80, v3, vm0, $0xb8;
	[tilespmem:$0x1A000] =	vst v63  }
0x85: {  	v3 =	vld [tilespmem:s28+$0x10];
	_ =	sdelay $0x4  }
0x86: {  	v4 =	vshll.u32 v3, $0x1  }
0x87: {  	v3 =	vand.u32 $0x7, v3;
	v4 =	vand.u32 $0xFFFFFFF0, v4  }
0x88: {  	v3 =	vor.u32 v3, v4  }
0x89: {  	v4 =	vperm.xlane v3, v0;
	_ =	sdelay $0x1  }
0x8a: {  	v3 =	vperm.xlane v3, v2;
	v4 =	vadd.s32 v1, v4;
	_ =	sdelay $0x1  }
0x8b: {  	v3 =	vadd.s32 v1, v3;
	_ =	sdelay $0x1  }
0x8c: {  	s11 =	simm.s32 $0x13000  }
0x8d: {  	[tilespmem:s11], [sflag:$0x3] =	stream.indirect_vreg.gather [hbm4b:s3+s26], $0x80, v4, vm0, $0xb8;
	[tilespmem:$0x1A000] =	vst v63  }
0x8e: {  	s1 =	simm.s32 $0x13800  }
0x8f: {  	[tilespmem:s1], [sflag:$0x3] =	stream.indirect_vreg.gather [hbm4b:s3+s26], $0x80, v3, vm0, $0xb8;
	[tilespmem:$0x1A000] =	vst v63  }
0x90: {  	v3 =	vld [tilespmem:s28+$0x20];
	_ =	sdelay $0x4  }
0x91: {  	v4 =	vshll.u32 v3, $0x1  }
0x92: {  	v3 =	vand.u32 $0x7, v3;
	v4 =	vand.u32 $0xFFFFFFF0, v4  }
0x93: {  	v3 =	vor.u32 v3, v4  }
0x94: {  	v4 =	vperm.xlane v3, v0;
	_ =	sdelay $0x1  }
0x95: {  	v3 =	vperm.xlane v3, v2;
	v4 =	vadd.s32 v1, v4;
	_ =	sdelay $0x1  }
0x96: {  	v3 =	vadd.s32 v1, v3;
	_ =	sdelay $0x1  }
0x97: {  	s7 =	simm.s32 $0x14000  }
0x98: {  	[tilespmem:s7], [sflag:$0x3] =	stream.indirect_vreg.gather [hbm4b:s3+s26], $0x80, v4, vm0, $0xb8;
	[tilespmem:$0x1A000] =	vst v63  }
0x99: {  	_ = 	snop  }
0x9a: {  	[tilespmem:s8], [sflag:$0x3] =	stream.indirect_vreg.gather [hbm4b:s3+s26], $0x80, v3, vm0, $0xb8;
	[tilespmem:$0x1A000] =	vst v63  }
0x9b: {  	v3 =	vld [tilespmem:s28+$0x30];
	_ =	sdelay $0x4  }
0x9c: {  	v4 =	vshll.u32 v3, $0x1  }
0x9d: {  	v3 =	vand.u32 $0x7, v3;
	v4 =	vand.u32 $0xFFFFFFF0, v4  }
0x9e: {  	v3 =	vor.u32 v3, v4  }
0x9f: {  	v4 =	vperm.xlane v3, v0;
	_ =	sdelay $0x1  }
0xa0: {  	v3 =	vperm.xlane v3, v2;
	v4 =	vadd.s32 v1, v4;
	_ =	sdelay $0x1  }
0xa1: {  	v3 =	vadd.s32 v1, v3;
	_ =	sdelay $0x2  }
0xa2: {  	[tilespmem:s9], [sflag:$0x3] =	stream.indirect_vreg.gather [hbm4b:s3+s26], $0x80, v4, vm0, $0xb8;
	[tilespmem:$0x1A000] =	vst v63  }
0xa3: {  	_ = 	snop  }
0xa4: {  	[tilespmem:s10], [sflag:$0x3] =	stream.indirect_vreg.gather [hbm4b:s3+s26], $0x80, v3, vm0, $0xb8;
	[tilespmem:$0x1A000] =	vst v63  }
0xa5: {  	v3 =	vld [tilespmem:s28+$0x5000];
	_ =	sdelay $0x4  }
0xa6: {  	v4 =	vshll.u32 v3, $0x1  }
0xa7: {  	v3 =	vand.u32 $0x7, v3;
	v4 =	vand.u32 $0xFFFFFFF0, v4  }
0xa8: {  	v3 =	vor.u32 v3, v4  }
0xa9: {  	v4 =	vperm.xlane v3, v0;
	_ =	sdelay $0x1  }
0xaa: {  	v3 =	vperm.xlane v3, v2;
	v4 =	vadd.s32 v1, v4;
	_ =	sdelay $0x1  }
0xab: {  	v3 =	vadd.s32 v1, v3;
	_ =	sdelay $0x2  }
0xac: {  	[tilespmem:s13], [sflag:$0x4] =	stream.indirect_vreg.gather [hbm4b:s4+s26], $0x80, v4, vm0, $0xb8;
	[tilespmem:$0x1A000] =	vst v63  }
0xad: {  	_ = 	snop  }
0xae: {  	[tilespmem:s14], [sflag:$0x4] =	stream.indirect_vreg.gather [hbm4b:s4+s26], $0x80, v3, vm0, $0xb8;
	[tilespmem:$0x1A000] =	vst v63  }
0xaf: {  	v3 =	vld [tilespmem:s28+$0x5010];
	_ =	sdelay $0x4  }
0xb0: {  	v4 =	vshll.u32 v3, $0x1  }
0xb1: {  	v3 =	vand.u32 $0x7, v3;
	v4 =	vand.u32 $0xFFFFFFF0, v4  }
0xb2: {  	v3 =	vor.u32 v3, v4  }
0xb3: {  	v4 =	vperm.xlane v3, v0;
	_ =	sdelay $0x1  }
0xb4: {  	v3 =	vperm.xlane v3, v2;
	v4 =	vadd.s32 v1, v4;
	_ =	sdelay $0x1  }
0xb5: {  	v3 =	vadd.s32 v1, v3;
	_ =	sdelay $0x2  }
0xb6: {  	[tilespmem:s15], [sflag:$0x4] =	stream.indirect_vreg.gather [hbm4b:s4+s26], $0x80, v4, vm0, $0xb8;
	[tilespmem:$0x1A000] =	vst v63  }
0xb7: {  	_ = 	snop  }
0xb8: {  	[tilespmem:s16], [sflag:$0x4] =	stream.indirect_vreg.gather [hbm4b:s4+s26], $0x80, v3, vm0, $0xb8;
	[tilespmem:$0x1A000] =	vst v63  }
0xb9: {  	v3 =	vld [tilespmem:s28+$0x5020];
	_ =	sdelay $0x4  }
0xba: {  	v4 =	vshll.u32 v3, $0x1  }
0xbb: {  	v3 =	vand.u32 $0x7, v3;
	v4 =	vand.u32 $0xFFFFFFF0, v4  }
0xbc: {  	v3 =	vor.u32 v3, v4  }
0xbd: {  	v4 =	vperm.xlane v3, v0;
	_ =	sdelay $0x1  }
0xbe: {  	v3 =	vperm.xlane v3, v2;
	v4 =	vadd.s32 v1, v4;
	_ =	sdelay $0x1  }
0xbf: {  	v3 =	vadd.s32 v1, v3;
	_ =	sdelay $0x2  }
0xc0: {  	[tilespmem:s17], [sflag:$0x4] =	stream.indirect_vreg.gather [hbm4b:s4+s26], $0x80, v4, vm0, $0xb8;
	[tilespmem:$0x1A000] =	vst v63  }
0xc1: {  	_ = 	snop  }
0xc2: {  	[tilespmem:s18], [sflag:$0x4] =	stream.indirect_vreg.gather [hbm4b:s4+s26], $0x80, v3, vm0, $0xb8;
	[tilespmem:$0x1A000] =	vst v63  }
0xc3: {  	v3 =	vld [tilespmem:s28+$0x5030];
	_ =	sdelay $0x4  }
0xc4: {  	v4 =	vshll.u32 v3, $0x1  }
0xc5: {  	v3 =	vand.u32 $0x7, v3;
	v4 =	vand.u32 $0xFFFFFFF0, v4  }
0xc6: {  	v3 =	vor.u32 v3, v4  }
0xc7: {  	v4 =	vperm.xlane v3, v0;
	_ =	sdelay $0x1  }
0xc8: {  	v3 =	vperm.xlane v3, v2;
	v4 =	vadd.s32 v1, v4;
	_ =	sdelay $0x1  }
0xc9: {  	v3 =	vadd.s32 v1, v3;
	_ =	sdelay $0x2  }
0xca: {  	[tilespmem:s19], [sflag:$0x4] =	stream.indirect_vreg.gather [hbm4b:s4+s26], $0x80, v4, vm0, $0xb8;
	[tilespmem:$0x1A000] =	vst v63  }
0xcb: {  	s11 =	sand.u32 $0x3800, s26;
	s1 =	sand.u32 $0x380, s26  }
0xcc: {  	[tilespmem:s20], [sflag:$0x4] =	stream.indirect_vreg.gather [hbm4b:s4+s26], $0x80, v3, vm0, $0xb8;
	[tilespmem:$0x1A000] =	vst v63  }
0xcd: {  	s26 =	sor.u32 s1, s11  }
0xce: {  	v11 =	vld [tilespmem:s26+$0xE000]  }
0xcf: {  	v15 =	vld [tilespmem:s26+$0xE010]  }
0xd0: {  	v9 =	vld [tilespmem:s26+$0xE020]  }
0xd1: {  	v8 =	vld [tilespmem:s26+$0xE030]  }
0xd2: {  	v7 =	vld [tilespmem:s26+$0xE040]  }
0xd3: {  	v6 =	vld [tilespmem:s26+$0xE050]  }
0xd4: {  	v5 =	vld [tilespmem:s26+$0xE060]  }
0xd5: {  	v4 =	vld [tilespmem:s26+$0xE070]  }
0xd6: {  	v3 =	vld [tilespmem:s26+$0xE400]  }
0xd7: {  	v16 =	vld [tilespmem:s26+$0xA000]  }
0xd8: {  	v17 =	vld [tilespmem:s26+$0xA010]  }
0xd9: {  	v14 =	vld [tilespmem:s26+$0xA020]  }
0xda: {  	v13 =	vld [tilespmem:s26+$0xA030]  }
0xdb: {  	v12 =	vld [tilespmem:s26+$0xA040]  }
0xdc: {  	v10 =	vld [tilespmem:s26+$0xA050];
	v16 =	vadd.f32 v11, v16  }
0xdd: {  	s0 =	simm.s32 $0x80;
	s28 =	sshll.u32 s24, $0x1;
	s1 =	simm.s32 $0x100;
	v15 =	vadd.f32 v15, v17;
	v11 =	vld [tilespmem:s26+$0xA060]  }
.LBB2_3:
0xde: {  	s11 =	sand.u32 $0x3800, s1;
	s7 =	sand.u32 $0x380, s0;
	p0 =	sne.s32 s1, $0x3F00;
	[tilespmem:s26+$0xA000] =	vst v16;
	v9 =	vadd.f32 v9, v14;
	v14 =	vld [tilespmem:s26+$0xA070]  }
0xdf: {  	s7 =	sor.u32 s7, s11;
	[tilespmem:s26+$0xA010] =	vst v15;
	v8 =	vadd.f32 v8, v13;
	v13 =	vld [tilespmem:s26+$0xA400]  }
0xe0: {  	v15 =	vld [tilespmem:s7+$0xE000];
	[tilespmem:s26+$0xA020] =	vst v9;
	v7 =	vadd.f32 v7, v12  }
0xe1: {  	v17 =	vld [tilespmem:s7+$0xE010];
	[tilespmem:s26+$0xA030] =	vst v8;
	v6 =	vadd.f32 v6, v10  }
0xe2: {  	v9 =	vld [tilespmem:s7+$0xE020];
	[tilespmem:s26+$0xA040] =	vst v7;
	v5 =	vadd.f32 v5, v11  }
0xe3: {  	v8 =	vld [tilespmem:s7+$0xE030];
	[tilespmem:s26+$0xA050] =	vst v6;
	v4 =	vadd.f32 v4, v14  }
0xe4: {  	v7 =	vld [tilespmem:s7+$0xE040];
	[tilespmem:s26+$0xA060] =	vst v5;
	v3 =	vadd.f32 v3, v13  }
0xe5: {  	v6 =	vld [tilespmem:s7+$0xE050];
	[tilespmem:s26+$0xA070] =	vst v4  }
0xe6: {  	v5 =	vld [tilespmem:s7+$0xE060];
	[tilespmem:s26+$0xA400] =	vst v3;
	s26 =	smov.u32 s7  }
0xe7: {  	v4 =	vld [tilespmem:s26+$0xE070]  }
0xe8: {  	v3 =	vld [tilespmem:s26+$0xE400]  }
0xe9: {  	v10 =	vld [tilespmem:s26+$0xA000]  }
0xea: {  	v11 =	vld [tilespmem:s26+$0xA010]  }
.Ltmp0:
0xeb: {  	v14 =	vld [tilespmem:s26+$0xA020];
	(pc) =	sbr.rel @p0 .LBB2_3-.Ltmp0, $4  }
0xec: {  	v13 =	vld [tilespmem:s26+$0xA030]  }
0xed: {  	v12 =	vld [tilespmem:s26+$0xA040]  }
0xee: {  	v16 =	vadd.f32 v15, v10;
	v10 =	vld [tilespmem:s26+$0xA050]  }
0xef: {  	s0 =	sadd.s32 $0x80, s0;
	s1 =	sadd.s32 $0x100, s1;
	v15 =	vadd.f32 v17, v11;
	v11 =	vld [tilespmem:s26+$0xA060]  }
0xf0: {  	[tilespmem:s26+$0xA000] =	vst v16;
	v9 =	vadd.f32 v9, v14;
	v62 =	vld [tilespmem:s26+$0xA070]  }
0xf1: {  	v63 =	vld [tilespmem:s26+$0xA400];
	[tilespmem:s26+$0xA010] =	vst v15;
	v8 =	vadd.f32 v8, v13  }
0xf2: {  	[tilespmem:s26+$0xA020] =	vst v9;
	v7 =	vadd.f32 v7, v12  }
0xf3: {  	[tilespmem:s26+$0xA030] =	vst v8;
	v6 =	vadd.f32 v6, v10  }
0xf4: {  	[tilespmem:s26+$0xA040] =	vst v7;
	v5 =	vadd.f32 v5, v11  }
0xf5: {  	[tilespmem:s26+$0xA050] =	vst v6;
	v4 =	vadd.f32 v4, v62  }
0xf6: {  	s0 =	sadd.s32 s6, s28;
	v3 =	vadd.f32 v3, v63;
	[tilespmem:s26+$0xA060] =	vst v5  }
0xf7: {  	s0 =	sshll.u32 s0, $0xB;
	[tilespmem:s26+$0xA070] =	vst v4  }
0xf8: {  	s0 =	sadd.s32 s5, s0;
	[tilespmem:s26+$0xA400] =	vst v3  }
0xf9: {  	[hbm4b:s0+s2] =	stream.linear.scatter [tilespmem:s12], [sflag:$0x5], $0x4000, $0x38;
	[tilespmem:$0x1A000] =	vst v63  }
0xfa: {  	p0 =	seq.s32 s24, $0x4F;
	_ =	swait.ge [sflag:s21], $0x4000  }
.Ltmp1:
0xfb: {  	[sflag:s21] =	ssyncset.done $0x0;
	(pc) =	sbr.rel @p0 .LBB2_6-.Ltmp1, $4  }
0xfc: {  	[sflag:s21] =	ssyncadd.s32 $0xFFFFC000  }
0xfd: {  	_ =	swait.ge [sflag:s22], $0x4000  }
0xfe: {  	[sflag:s22] =	ssyncset.done $0x0  }
0xff: {  	[sflag:s22] =	ssyncadd.s32 $0xFFFFC000  }
0x100: {  	_ =	swait.ge [sflag:s23], $0x4000  }
0x101: {  	[sflag:s23] =	ssyncset.done $0x0  }
0x102: {  	s26 =	sshll.u32 s24, $0x8;
	[sflag:s23] =	ssyncadd.s32 $0xFFFFC000  }
0x103: {  	v3 =	vld [tilespmem:s26+$0x100];
	_ =	sdelay $0x4  }
0x104: {  	v4 =	vshll.u32 v3, $0x1  }
0x105: {  	v3 =	vand.u32 $0x7, v3;
	v4 =	vand.u32 $0xFFFFFFF0, v4  }
0x106: {  	v3 =	vor.u32 v3, v4  }
0x107: {  	v4 =	vperm.xlane v3, v0;
	_ =	sdelay $0x1  }
0x108: {  	v3 =	vperm.xlane v3, v2;
	v4 =	vadd.s32 v1, v4;
	_ =	sdelay $0x1  }
0x109: {  	v3 =	vadd.s32 v1, v3;
	_ =	sdelay $0x2  }
0x10a: {  	[tilespmem:s12], [sflag:$0x1] =	stream.indirect_vreg.gather [hbm4b:s3+s2], $0x80, v4, vm0, $0xb8;
	[tilespmem:$0x1A000] =	vst v63  }
0x10b: {  	s0 =	simm.s32 $0xA800  }
0x10c: {  	[tilespmem:s0], [sflag:$0x1] =	stream.indirect_vreg.gather [hbm4b:s3+s2], $0x80, v3, vm0, $0xb8;
	[tilespmem:$0x1A000] =	vst v63  }
0x10d: {  	v3 =	vld [tilespmem:s26+$0x110];
	_ =	sdelay $0x4  }
0x10e: {  	v57 =	vshll.u32 v3, $0x1  }
0x10f: {  	v3 =	vand.u32 $0x7, v3;
	v4 =	vand.u32 $0xFFFFFFF0, v57  }
0x110: {  	v3 =	vor.u32 v3, v4  }
0x111: {  	v4 =	vperm.xlane v3, v0;
	_ =	sdelay $0x1  }
0x112: {  	v3 =	vperm.xlane v3, v2;
	v4 =	vadd.s32 v1, v4;
	_ =	sdelay $0x1  }
0x113: {  	v3 =	vadd.s32 v1, v3;
	_ =	sdelay $0x1  }
0x114: {  	s28 =	simm.s32 $0xB000  }
0x115: {  	[tilespmem:s28], [sflag:$0x1] =	stream.indirect_vreg.gather [hbm4b:s3+s2], $0x80, v4, vm0, $0xb8;
	[tilespmem:$0x1A000] =	vst v63  }
0x116: {  	s1 =	simm.s32 $0xB800  }
0x117: {  	[tilespmem:s1], [sflag:$0x1] =	stream.indirect_vreg.gather [hbm4b:s3+s2], $0x80, v3, vm0, $0xb8;
	[tilespmem:$0x1A000] =	vst v63  }
0x118: {  	v3 =	vld [tilespmem:s26+$0x120];
	_ =	sdelay $0x4  }
0x119: {  	v58 =	vshll.u32 v3, $0x1  }
0x11a: {  	v3 =	vand.u32 $0x7, v3;
	v4 =	vand.u32 $0xFFFFFFF0, v58  }
0x11b: {  	v3 =	vor.u32 v3, v4  }
0x11c: {  	v4 =	vperm.xlane v3, v0;
	_ =	sdelay $0x1  }
0x11d: {  	v3 =	vperm.xlane v3, v2;
	v4 =	vadd.s32 v1, v4;
	_ =	sdelay $0x1  }
0x11e: {  	v3 =	vadd.s32 v1, v3;
	_ =	sdelay $0x1  }
0x11f: {  	s7 =	simm.s32 $0xC000  }
0x120: {  	[tilespmem:s7], [sflag:$0x1] =	stream.indirect_vreg.gather [hbm4b:s3+s2], $0x80, v4, vm0, $0xb8;
	[tilespmem:$0x1A000] =	vst v63  }
0x121: {  	s11 =	simm.s32 $0xC800  }
0x122: {  	[tilespmem:s11], [sflag:$0x1] =	stream.indirect_vreg.gather [hbm4b:s3+s2], $0x80, v3, vm0, $0xb8;
	[tilespmem:$0x1A000] =	vst v63  }
0x123: {  	v3 =	vld [tilespmem:s26+$0x130];
	_ =	sdelay $0x4  }
0x124: {  	v59 =	vshll.u32 v3, $0x1  }
0x125: {  	v3 =	vand.u32 $0x7, v3;
	v4 =	vand.u32 $0xFFFFFFF0, v59  }
0x126: {  	v3 =	vor.u32 v3, v4  }
0x127: {  	v4 =	vperm.xlane v3, v0;
	_ =	sdelay $0x1  }
0x128: {  	v3 =	vperm.xlane v3, v2;
	v4 =	vadd.s32 v1, v4;
	_ =	sdelay $0x1  }
0x129: {  	v3 =	vadd.s32 v1, v3;
	_ =	sdelay $0x1  }
0x12a: {  	s28 =	simm.s32 $0xD000  }
0x12b: {  	[tilespmem:s28], [sflag:$0x1] =	stream.indirect_vreg.gather [hbm4b:s3+s2], $0x80, v4, vm0, $0xb8;
	[tilespmem:$0x1A000] =	vst v63  }
0x12c: {  	s1 =	simm.s32 $0xD800  }
0x12d: {  	[tilespmem:s1], [sflag:$0x1] =	stream.indirect_vreg.gather [hbm4b:s3+s2], $0x80, v3, vm0, $0xb8;
	[tilespmem:$0x1A000] =	vst v63  }
0x12e: {  	v3 =	vld [tilespmem:s26+$0x5100];
	_ =	sdelay $0x4  }
0x12f: {  	v60 =	vshll.u32 v3, $0x1  }
0x130: {  	v3 =	vand.u32 $0x7, v3;
	v4 =	vand.u32 $0xFFFFFFF0, v60  }
0x131: {  	v3 =	vor.u32 v3, v4  }
0x132: {  	v4 =	vperm.xlane v3, v0;
	_ =	sdelay $0x1  }
0x133: {  	v3 =	vperm.xlane v3, v2;
	v4 =	vadd.s32 v1, v4;
	_ =	sdelay $0x1  }
0x134: {  	v3 =	vadd.s32 v1, v3;
	_ =	sdelay $0x1  }
0x135: {  	s7 =	simm.s32 $0xE000  }
0x136: {  	[tilespmem:s7], [sflag:$0x2] =	stream.indirect_vreg.gather [hbm4b:s4+s2], $0x80, v4, vm0, $0xb8;
	[tilespmem:$0x1A000] =	vst v63  }
0x137: {  	s11 =	simm.s32 $0xE800  }
0x138: {  	[tilespmem:s11], [sflag:$0x2] =	stream.indirect_vreg.gather [hbm4b:s4+s2], $0x80, v3, vm0, $0xb8;
	[tilespmem:$0x1A000] =	vst v63  }
0x139: {  	v3 =	vld [tilespmem:s26+$0x5110];
	_ =	sdelay $0x4  }
0x13a: {  	v61 =	vshll.u32 v3, $0x1  }
0x13b: {  	v3 =	vand.u32 $0x7, v3;
	v4 =	vand.u32 $0xFFFFFFF0, v61  }
0x13c: {  	v3 =	vor.u32 v3, v4  }
0x13d: {  	v4 =	vperm.xlane v3, v0;
	_ =	sdelay $0x1  }
0x13e: {  	v3 =	vperm.xlane v3, v2;
	v4 =	vadd.s32 v1, v4;
	_ =	sdelay $0x1  }
0x13f: {  	v3 =	vadd.s32 v1, v3;
	_ =	sdelay $0x1  }
0x140: {  	s28 =	simm.s32 $0xF000  }
0x141: {  	[tilespmem:s28], [sflag:$0x2] =	stream.indirect_vreg.gather [hbm4b:s4+s2], $0x80, v4, vm0, $0xb8;
	[tilespmem:$0x1A000] =	vst v63  }
0x142: {  	s1 =	simm.s32 $0xF800  }
0x143: {  	[tilespmem:s1], [sflag:$0x2] =	stream.indirect_vreg.gather [hbm4b:s4+s2], $0x80, v3, vm0, $0xb8;
	[tilespmem:$0x1A000] =	vst v63  }
0x144: {  	v3 =	vld [tilespmem:s26+$0x5120];
	_ =	sdelay $0x4  }
0x145: {  	v62 =	vshll.u32 v3, $0x1  }
0x146: {  	v3 =	vand.u32 $0x7, v3;
	v4 =	vand.u32 $0xFFFFFFF0, v62  }
0x147: {  	v3 =	vor.u32 v3, v4  }
0x148: {  	v4 =	vperm.xlane v3, v0;
	_ =	sdelay $0x1  }
0x149: {  	v3 =	vperm.xlane v3, v2;
	v4 =	vadd.s32 v1, v4;
	_ =	sdelay $0x1  }
0x14a: {  	v3 =	vadd.s32 v1, v3;
	_ =	sdelay $0x1  }
0x14b: {  	s7 =	simm.s32 $0x10000  }
0x14c: {  	[tilespmem:s7], [sflag:$0x2] =	stream.indirect_vreg.gather [hbm4b:s4+s2], $0x80, v4, vm0, $0xb8;
	[tilespmem:$0x1A000] =	vst v63  }
0x14d: {  	s11 =	simm.s32 $0x10800  }
0x14e: {  	[tilespmem:s11], [sflag:$0x2] =	stream.indirect_vreg.gather [hbm4b:s4+s2], $0x80, v3, vm0, $0xb8;
	[tilespmem:$0x1A000] =	vst v63  }
0x14f: {  	v3 =	vld [tilespmem:s26+$0x5130];
	_ =	sdelay $0x4  }
0x150: {  	v63 =	vshll.u32 v3, $0x1  }
0x151: {  	v3 =	vand.u32 $0x7, v3;
	v4 =	vand.u32 $0xFFFFFFF0, v63  }
0x152: {  	v3 =	vor.u32 v3, v4  }
0x153: {  	v4 =	vperm.xlane v3, v0;
	_ =	sdelay $0x1  }
0x154: {  	v3 =	vperm.xlane v3, v2;
	v4 =	vadd.s32 v1, v4;
	_ =	sdelay $0x1  }
0x155: {  	v3 =	vadd.s32 v1, v3;
	_ =	sdelay $0x1  }
0x156: {  	s26 =	simm.s32 $0x11000  }
0x157: {  	[tilespmem:s26], [sflag:$0x2] =	stream.indirect_vreg.gather [hbm4b:s4+s2], $0x80, v4, vm0, $0xb8;
	[tilespmem:$0x1A000] =	vst v63  }
0x158: {  	s28 =	simm.s32 $0x11800  }
0x159: {  	[tilespmem:s28], [sflag:$0x2] =	stream.indirect_vreg.gather [hbm4b:s4+s2], $0x80, v3, vm0, $0xb8;
	[tilespmem:$0x1A000] =	vst v63  }
.LBB2_6:
0x15a: {  	s0 =	simm.s32 $0x0  }
0x15b: {  	s1 =	sand.u32 $0x3800, s0;
	s0 =	sand.u32 $0x380, s0  }
0x15c: {  	s26 =	sor.u32 s0, s1  }
0x15d: {  	v11 =	vld [tilespmem:s26+$0x16000]  }
0x15e: {  	v15 =	vld [tilespmem:s26+$0x16010]  }
0x15f: {  	v9 =	vld [tilespmem:s26+$0x16020]  }
0x160: {  	v8 =	vld [tilespmem:s26+$0x16030]  }
0x161: {  	v7 =	vld [tilespmem:s26+$0x16040]  }
0x162: {  	v6 =	vld [tilespmem:s26+$0x16050]  }
0x163: {  	v5 =	vld [tilespmem:s26+$0x16060]  }
0x164: {  	v4 =	vld [tilespmem:s26+$0x16070]  }
0x165: {  	v3 =	vld [tilespmem:s26+$0x16400]  }
0x166: {  	v16 =	vld [tilespmem:s26+$0x12000]  }
0x167: {  	v17 =	vld [tilespmem:s26+$0x12010]  }
0x168: {  	v14 =	vld [tilespmem:s26+$0x12020]  }
0x169: {  	v13 =	vld [tilespmem:s26+$0x12030]  }
0x16a: {  	v12 =	vld [tilespmem:s26+$0x12040]  }
0x16b: {  	v10 =	vld [tilespmem:s26+$0x12050];
	v16 =	vadd.f32 v11, v16  }
0x16c: {  	s0 =	simm.s32 $0x80;
	s1 =	simm.s32 $0x100;
	v15 =	vadd.f32 v15, v17;
	v11 =	vld [tilespmem:s26+$0x12060]  }
.LBB2_7:
0x16d: {  	s7 =	sand.u32 $0x3800, s1;
	s11 =	sand.u32 $0x380, s0;
	p0 =	sne.s32 s1, $0x3F00;
	[tilespmem:s26+$0x12000] =	vst v16;
	v9 =	vadd.f32 v9, v14;
	v14 =	vld [tilespmem:s26+$0x12070]  }
0x16e: {  	s7 =	sor.u32 s11, s7;
	[tilespmem:s26+$0x12010] =	vst v15;
	v8 =	vadd.f32 v8, v13;
	v13 =	vld [tilespmem:s26+$0x12400]  }
0x16f: {  	v15 =	vld [tilespmem:s7+$0x16000];
	[tilespmem:s26+$0x12020] =	vst v9;
	v7 =	vadd.f32 v7, v12  }
0x170: {  	v17 =	vld [tilespmem:s7+$0x16010];
	[tilespmem:s26+$0x12030] =	vst v8;
	v6 =	vadd.f32 v6, v10  }
0x171: {  	v9 =	vld [tilespmem:s7+$0x16020];
	[tilespmem:s26+$0x12040] =	vst v7;
	v5 =	vadd.f32 v5, v11  }
0x172: {  	v8 =	vld [tilespmem:s7+$0x16030];
	[tilespmem:s26+$0x12050] =	vst v6;
	v4 =	vadd.f32 v4, v14  }
0x173: {  	v7 =	vld [tilespmem:s7+$0x16040];
	[tilespmem:s26+$0x12060] =	vst v5;
	v3 =	vadd.f32 v3, v13  }
0x174: {  	v6 =	vld [tilespmem:s7+$0x16050];
	[tilespmem:s26+$0x12070] =	vst v4  }
0x175: {  	v5 =	vld [tilespmem:s7+$0x16060];
	[tilespmem:s26+$0x12400] =	vst v3;
	s26 =	smov.u32 s7  }
0x176: {  	v4 =	vld [tilespmem:s26+$0x16070]  }
0x177: {  	v3 =	vld [tilespmem:s26+$0x16400]  }
0x178: {  	v10 =	vld [tilespmem:s26+$0x12000]  }
0x179: {  	v11 =	vld [tilespmem:s26+$0x12010]  }
.Ltmp2:
0x17a: {  	v14 =	vld [tilespmem:s26+$0x12020];
	(pc) =	sbr.rel @p0 .LBB2_7-.Ltmp2, $4  }
0x17b: {  	v13 =	vld [tilespmem:s26+$0x12030]  }
0x17c: {  	v12 =	vld [tilespmem:s26+$0x12040]  }
0x17d: {  	v16 =	vadd.f32 v15, v10;
	v10 =	vld [tilespmem:s26+$0x12050]  }
0x17e: {  	s0 =	sadd.s32 $0x80, s0;
	s1 =	sadd.s32 $0x100, s1;
	v15 =	vadd.f32 v17, v11;
	v11 =	vld [tilespmem:s26+$0x12060]  }
0x17f: {  	[tilespmem:s26+$0x12000] =	vst v16;
	v9 =	vadd.f32 v9, v14;
	v62 =	vld [tilespmem:s26+$0x12070]  }
0x180: {  	v63 =	vld [tilespmem:s26+$0x12400];
	[tilespmem:s26+$0x12010] =	vst v15;
	v8 =	vadd.f32 v8, v13  }
0x181: {  	[tilespmem:s26+$0x12020] =	vst v9;
	v7 =	vadd.f32 v7, v12  }
0x182: {  	s24 =	sadd.s32 $0x1, s24;
	[tilespmem:s26+$0x12030] =	vst v8;
	v6 =	vadd.f32 v6, v10  }
0x183: {  	p0 =	sne.s32 s24, $0x50;
	[tilespmem:s26+$0x12040] =	vst v7;
	v5 =	vadd.f32 v5, v11  }
.Ltmp3:
0x184: {  	s0 =	sadd.s32 s6, s25;
	[tilespmem:s26+$0x12050] =	vst v6;
	v4 =	vadd.f32 v4, v62;
	(pc) =	sbr.rel @p0 .LBB2_2-.Ltmp3, $4  }
0x185: {  	s0 =	sshll.u32 s0, $0xB;
	v3 =	vadd.f32 v3, v63;
	[tilespmem:s26+$0x12060] =	vst v5  }
0x186: {  	s0 =	sand.u32 $0x1FFFF800, s0;
	[tilespmem:s26+$0x12070] =	vst v4  }
0x187: {  	s0 =	sadd.s32 s5, s0;
	[tilespmem:s26+$0x12400] =	vst v3  }
0x188: {  	[hbm4b:s0+s2] =	stream.linear.scatter [tilespmem:s31], [sflag:$0x6], $0x4000, $0x38;
	[tilespmem:$0x1A000] =	vst v63  }
0x189: {  	_ =	swait.ge [sflag:s23], $0x4000  }
0x18a: {  	[sflag:s23] =	ssyncset.done $0x0  }
0x18b: {  	s1 =	simm.s32 $0x6;
	[sflag:s23] =	ssyncadd.s32 $0xFFFFC000  }
0x18c: {  	_ =	swait.ge [sflag:s1], $0x4000  }
0x18d: {  	s7 =	rddreg [dreg:$0x5]  }
0x18e: {  	s0 =	rddreg [dreg:$0x4];
	s7 =	sadd.s32 $0x1, s7  }
0x18f: {  	p0 =	sne.s32 s7, s0  }
.Ltmp4:
0x190: {  	_ = 	snop;
	(pc) =	sbr.rel @p0 .LBB2_1-.Ltmp4, $3  }
0x191: {  	_ =	sdelay $0x1  }
0x192: {  	[sflag:s1] =	ssyncset.done $0x0  }
0x193: {  	[sflag:s1] =	ssyncadd.s32 $0xFFFFC000  }
0x194: {  	_ =	sfence.sel $0x180000  }
0x195: {  	[bflag:$0x0] =	sbarrier.arrive $0xFFFF  }
0x196: {  	_ =	strace $0x90000047  }
0x197: {  	s0 =	stileid.u32;
	[bflag:$0x2] =	sbarrier.arrive $0xFFFF  }
0x198: {  	p0 =	sne.s32 s0, $0x0;
	s0 =	rddreg [dreg:$0x1]  }
0x199: {  	s0 =	sadd.s32 @!p0 $0x100000, s0  }
0x19a: {  	[sflag:s0] =	ssyncadd.tile.s32 @!p0 $0x1;
	_ =	shalt  }
.Lfunc_end2:
_tile_overlayer_lowered:
.L_overlay_start_2:
0x19b: {  	(tag) =	ssettag $0x2  }
0x19c: {  	s0 =	rddreg [dreg:$0x0];
	s2 =	stileid.u32  }
0x19d: {  	s1 =	rddreg [dreg:$0x1];
	p0 =	sne.s32 s2, $0x0  }
0x19e: {  	s3 =	rddreg [dreg:$0x2];
	[bflag:$0x3] =	sbarrier.arrive $0xFFFF;
	s2 =	simm.s32 @!p0 $0x1C07  }
0x19f: {  	[timem:s3], [sflag:s2] =	dma.local @!p0 [hbm:s0], s1  }
0x1a0: {  	s0 =	simm.s32 @!p0 $0x7  }
0x1a1: {  	_ =	swait.ge @!p0 [sflag:s0], s1  }
0x1a2: {  	s1 =	ssub.s32 @!p0 $0x0, s1;
	[sflag:s0] =	ssyncset.done @!p0 $0x0  }
0x1a3: {  	[sflag:s0] =	ssyncadd.s32 @!p0 s1  }
0x1a4: {  	[bflag:$0x3] =	sbarrier.arrive $0xFFFF  }
0x1a5: {  	_ =	shalt  }

// kernel: kernel.18.cloned.1.call-start
scs
__scs_entry_jumppad:
0x0: {  	(pc) =	sbr.rel $0x88, $3  }
0x1: {  	(tag) =	ssettag $0x0;
	lr =	simm.s32 $0x1  }
0x2: {  	[smem:$0x3F85] =	sst lr;
	_ =	strace $0xD0000000  }
0x3: {  	_ = 	snop  }
0x4: {  	_ = 	snop  }
0x5: {  	_ = 	snop  }
0x6: {  	_ = 	snop  }
0x7: {  	_ = 	snop  }
__scs_overlays_trampoline_lowered:
0x8: {  	[smem:$0x3F94] =	sst s0  }
0x9: {  	[smem:$0x3F95] =	sst s1  }
0xa: {  	[smem:$0x3F96] =	sst s2  }
0xb: {  	[smem:$0x3F97] =	sst s3  }
0xc: {  	[smem:$0x3F98] =	sst s4  }
0xd: {  	[smem:$0x3F99] =	sst s5  }
0xe: {  	[smem:$0x3F9A] =	sst s6  }
0xf: {  	[smem:$0x3F9B] =	sst s7  }
0x10: {  	[smem:$0x3F9C] =	sst s8  }
0x11: {  	[smem:$0x3F9D] =	sst s9;
	s0 =	simm.s32 @!p0 $0x0  }
0x12: {  	s1 =	sld [smem:$0x3F83];
	s0 =	simm.s32 @p0 $0x1  }
0x13: {  	[smem:$0x3F9E] =	sst s0;
	s0 =	simm.s32 @!p1 $0x0  }
0x14: {  	s2 =	sld [smem:$0x3F82];
	s0 =	simm.s32 @p1 $0x1  }
0x15: {  	[smem:$0x3F9F] =	sst s0;
	s0 =	simm.s32 @!p2 $0x0  }
0x16: {  	s3 =	sld [smem:$0x3FDB];
	s0 =	simm.s32 @p2 $0x1  }
0x17: {  	s4 =	simm.s32 $0x1BF5;
	[smem:$0x3FA1] =	sst s0  }
0x18: {  	s0 =	sld [smem:$0x3F84];
	_ =	swait.ge [sflag:s4], $0x0  }
0x19: {  	s7 =	sld [smem:$0x3F85]  }
0x1a: {  	s8 =	sadd.s32 $0xFFFFE003, lr  }
0x1b: {  	s9 =	sadd.s32 $0xFFFFFEF7, lr;
	s5 =	simm.s32 $0xFFFFFFFF;
	p2 =	slt.u32 s8, $0xFFFFF086  }
0x1c: {  	p1 =	slt.u32 s9, $0xF7A;
	s5 =	simm.s32 @!p2 $0x0  }
0x1d: {  	s5 =	simm.s32 @p1 $0x1;
	p0 =	seq.s32 s7, s2  }
0x1e: {  	s7 =	smul.u32 @!p0 $0xF7A, s2;
	p2 =	seq.s32 @!p0 s5, $0x0  }
0x1f: {  	s9 =	smul.u32 $0xF7A, s1;
	s8 =	simm.s32 @!p0 $0x1BF5;
	p2 =	por !p2, p0  }
0x20: {  	[sflag:s8] =	ssyncset.s32 @!p0 $0xFFFFF086;
	s6 =	sadd.s32 @!p0 s3, s7;
	s7 =	simm.s32 @!p0 $0x108  }
0x21: {  	s3 =	sadd.s32 s3, s9;
	s6 =	sadd.s32 @!p0 $0x88, s6;
	s7 =	simm.s32 @p2 $0x1082  }
0x22: {  	[simem:s7], [sflag:s8] =	dma.local @!p0 [hbm:s6], $0xF7A  }
0x23: {  	s9 =	sor.u32 $0xD0000000, s2;
	s6 =	simm.s32 $0x108;
	_ =	swait.ge @!p0 [sflag:s8], $0x0  }
0x24: {  	s3 =	sadd.s32 $0x88, s3;
	s6 =	simm.s32 @!p1 $0x1082;
	[sflag:s4] =	ssyncset.s32 $0xFFFFF086  }
0x25: {  	[simem:s6], [sflag:s4] =	dma.local [hbm:s3], $0xF7A  }
0x26: {  	[smem:$0x3F85] =	sst s1;
	(tag) =	ssettag s2;
	_ =	strace s9  }
0x27: {  	s1 =	sld [smem:$0x3F95]  }
0x28: {  	s2 =	sld [smem:$0x3F96]  }
0x29: {  	s4 =	sld [smem:$0x3F98]  }
0x2a: {  	p0 =	seq.s32 s5, $0x0;
	s5 =	sld [smem:$0x3F99]  }
0x2b: {  	s6 =	sld [smem:$0x3F9A]  }
0x2c: {  	s7 =	sld [smem:$0x3F9B]  }
0x2d: {  	s3 =	simm.s32 $0x108;
	s8 =	sld [smem:$0x3F9C]  }
0x2e: {  	s3 =	simm.s32 @!p0 $0x1082;
	s9 =	sld [smem:$0x3F9D]  }
0x2f: {  	lr =	sadd.s32 s0, s3;
	s0 =	sld [smem:$0x3F94]  }
0x30: {  	s3 =	sld [smem:$0x3F97]  }
0x31: {  	[smem:$0x3FA0] =	sst s10  }
0x32: {  	s10 =	sld [smem:$0x3F9E];
	_ =	sdelay $0x3  }
0x33: {  	p0 =	seq.s32 s10, $0x1;
	s10 =	sld [smem:$0x3FA0];
	_ =	sdelay $0x3  }
0x34: {  	[smem:$0x3FA0] =	sst s10  }
0x35: {  	s10 =	sld [smem:$0x3F9F];
	_ =	sdelay $0x3  }
0x36: {  	p1 =	seq.s32 s10, $0x1;
	s10 =	sld [smem:$0x3FA0];
	_ =	sdelay $0x3  }
0x37: {  	[smem:$0x3FA0] =	sst s10  }
0x38: {  	s10 =	sld [smem:$0x3FA1]  }
0x39: {  	_ = 	snop;
	(pc) =	sbr.ind lr, $3  }
0x3a: {  	_ = 	snop  }
0x3b: {  	_ = 	snop  }
0x3c: {  	p2 =	seq.s32 s10, $0x1;
	s10 =	sld [smem:$0x3FA0]  }
0x3d: {  	_ =	shalt  }
0x3e: {  	_ =	shalt  }
0x3f: {  	_ =	shalt  }
0x40: {  	_ =	shalt  }
0x41: {  	_ =	shalt  }
0x42: {  	_ =	shalt  }
0x43: {  	_ =	shalt  }
0x44: {  	_ =	shalt  }
0x45: {  	_ =	shalt  }
0x46: {  	_ =	shalt  }
0x47: {  	_ =	shalt  }
0x48: {  	_ =	shalt  }
0x49: {  	_ =	shalt  }
0x4a: {  	_ =	shalt  }
0x4b: {  	_ =	shalt  }
0x4c: {  	_ =	shalt  }
0x4d: {  	_ =	shalt  }
0x4e: {  	_ =	shalt  }
0x4f: {  	_ =	shalt  }
0x50: {  	_ =	shalt  }
0x51: {  	_ =	shalt  }
0x52: {  	_ =	shalt  }
0x53: {  	_ =	shalt  }
0x54: {  	_ =	shalt  }
0x55: {  	_ =	shalt  }
0x56: {  	_ =	shalt  }
0x57: {  	_ =	shalt  }
0x58: {  	_ =	shalt  }
0x59: {  	_ =	shalt  }
0x5a: {  	_ =	shalt  }
0x5b: {  	_ =	shalt  }
0x5c: {  	_ =	shalt  }
0x5d: {  	_ =	shalt  }
0x5e: {  	_ =	shalt  }
0x5f: {  	_ =	shalt  }
0x60: {  	_ =	shalt  }
0x61: {  	_ =	shalt  }
0x62: {  	_ =	shalt  }
0x63: {  	_ =	shalt  }
0x64: {  	_ =	shalt  }
0x65: {  	_ =	shalt  }
0x66: {  	_ =	shalt  }
0x67: {  	_ =	shalt  }
0x68: {  	_ =	shalt  }
0x69: {  	_ =	shalt  }
0x6a: {  	_ =	shalt  }
0x6b: {  	_ =	shalt  }
0x6c: {  	_ =	shalt  }
0x6d: {  	_ =	shalt  }
0x6e: {  	_ =	shalt  }
0x6f: {  	_ =	shalt  }
0x70: {  	_ =	shalt  }
0x71: {  	_ =	shalt  }
0x72: {  	_ =	shalt  }
0x73: {  	_ =	shalt  }
0x74: {  	_ =	shalt  }
0x75: {  	_ =	shalt  }
0x76: {  	_ =	shalt  }
0x77: {  	_ =	shalt  }
0x78: {  	_ =	shalt  }
0x79: {  	_ =	shalt  }
0x7a: {  	_ =	shalt  }
0x7b: {  	_ =	shalt  }
0x7c: {  	_ =	shalt  }
0x7d: {  	_ =	shalt  }
0x7e: {  	_ =	shalt  }
0x7f: {  	_ =	shalt  }
0x80: {  	_ =	shalt  }
0x81: {  	_ =	shalt  }
0x82: {  	_ =	shalt  }
0x83: {  	_ =	shalt  }
0x84: {  	_ =	shalt  }
0x85: {  	_ =	shalt  }
0x86: {  	_ =	shalt  }
0x87: {  	_ =	shalt  }
.Lfunc_end0:
.L_simem_size_0:
called_computation.1_lowered:
.L_overlay_start_0:
0x88: {  	s2 =	sld [smem:$0x3FD9]  }
0x89: {  	s3 =	sld [smem:$0x3FFE];
	_ =	sdelay $0x1  }
0x8a: {  	s1 =	srdreg.scid  }
0x8b: {  	s0 =	sand.u32 $0x1, s1  }
0x8c: {  	s16 =	sshll.u32 s0, $0xA;
	s2 =	sadd.s32 s3, s2  }
0x8d: {  	s2 =	sadd.s32 s2, s16  }
0x8e: {  	[smem:$0x3FAC] =	sst s2  }
0x8f: {  	_ = 	snop  }
0x90: {  	(tm) =	ssettm $0x1  }
0x91: {  	s17 =	sld [smem:$0x3FFB];
	_ =	sdelay $0x3  }
0x92: {  	_ =	strace s17  }
0x93: {  	s2 =	sld [smem:$0x3FFC];
	_ =	sdelay $0x3  }
0x94: {  	_ =	strace s2  }
0x95: {  	s2 =	sld [smem:$0x3FFD];
	_ =	sdelay $0x3  }
0x96: {  	_ =	strace s2  }
0x97: {  	_ =	strace $0x8FFFFFFF  }
0x98: {  	s18 =	sld [smem:$0x3FDB];
	_ =	sdelay $0x1  }
0x99: {  	s19 =	simm.s32 $_scs_section_size  }
0x9a: {  	s4 =	simm.s32 $_size__tile_overlayer_lowered;
	s5 =	simm.s32 $_tile_overlayer_lowered  }
0x9b: {  	s22 =	simm.s32 $0x1BFF;
	s21 =	sshll.u32 s5, $0x1;
	s2 =	sadd.s32 s19, s18  }
0x9c: {  	s6 =	simm.s32 $0x0;
	s20 =	sshll.u32 s4, $0x1;
	s4 =	sadd.s32 s21, s2  }
0x9d: {  	[timem:s6], [sflag:s22] =	dma.local [hbm:s4], s20  }
0x9e: {  	_ =	swait.ge [sflag:s22], s20  }
0x9f: {  	s3 =	ssub.s32 $0x0, s20;
	[sflag:s22] =	ssyncset.done $0x0  }
0xa0: {  	[sflag:s22] =	ssyncadd.s32 s3;
	_ =	sdelay $0x1  }
0xa1: {  	s23 =	simm.s32 $0x1B8B  }
0xa2: {  	_ =	swait.ge [sflag:s23], $0x1  }
0xa3: {  	[sflag:s23] =	ssyncset.done $0x0  }
0xa4: {  	s25 =	simm.s32 $0x1B8E;
	s24 =	sld [smem:$0x3FFE];
	[sflag:s23] =	ssyncadd.s32 $0xFFFFFFFF  }
0xa5: {  	s26 =	simm.s32 $execute0_lowered;
	[smem:$0x3FD2] =	sst s25  }
0xa6: {  	s4 =	sshll.u32 s26, $0x1;
	_ =	strace $0x80000049;
	[dreg:$0x1] =	wrdreg $0xFFFFFFFF  }
0xa7: {  	s28 =	simm.s32 $_size_execute0_lowered;
	s2 =	sadd.s32 s2, s4;
	[dreg:$0x0] =	wrdreg $0x0  }
0xa8: {  	s4 =	sshll.u32 s28, $0x1;
	[dreg:$0x2] =	wrdreg s2  }
0xa9: {  	[dreg:$0x3] =	wrdreg s4  }
0xaa: {  	[dreg:$0x4] =	wrdreg $0xC0  }
0xab: {  	_ =	task [dreg:s6], $0x5FFFF  }
0xac: {  	[dreg:$0x1] =	wrdreg $0xFFFFFFFF  }
0xad: {  	[dreg:$0x0] =	wrdreg $0x60  }
0xae: {  	[dreg:$0x2] =	wrdreg s24  }
0xaf: {  	[dreg:$0x3] =	wrdreg $0xA8000  }
0xb0: {  	[dreg:$0x4] =	wrdreg $0x9  }
0xb1: {  	_ =	task.clear_ibuf [dreg:s6], $0x5FFFF;
	_ =	strace $0x90000049  }
0xb2: {  	s29 =	simm.s32 $0x9;
	_ =	strace $0x8000004B  }
0xb3: {  	_ =	swait.ge [sflag:s29], $0x1  }
0xb4: {  	[sflag:s29] =	ssyncadd.s32 $0xFFFFFFFF  }
0xb5: {  	_ =	strace $0x9000004B  }
0xb6: {  	_ =	sfence  }
0xb7: {  	s30 =	sld [smem:$0x0];
	_ =	sdelay $0x2  }
0xb8: {  	s31 =	sshll.u32 s1, $0xD;
	s1 =	sshrl.u32 s1, $0x2  }
0xb9: {  	s3 =	sand.u32 $0x4000, s31;
	s1 =	sadd.s32 s1, s30  }
0xba: {  	s0 =	sor.u32 s3, s0;
	s1 =	sshll.u32 s1, $0x11  }
0xbb: {  	s0 =	sor.u32 s1, s0  }
0xbc: {  	s0 =	sadd.s32 $0x8F2B, s0  }
0xbd: {  	[sflag:s0] =	ssyncadd.remote.s32 $0x1  }
0xbe: {  	_ =	sfence.sel $0xFFFF  }
0xbf: {  	[dreg:$0x0] =	wrdreg $0xFFFFFFFF;
	(pc) =	sbr.abs _section_cstart, $3  }
0xc0: {  	[dreg:$0x1] =	wrdreg $0xFFFFFFFF  }
0xc1: {  	_ =	task.clear_ibuf [dreg:s6], $0x2FFFF;
	_ =	strace $0x9FFFFFFF  }
0xc2: {  	(tm) =	ssettm $0x7FFFFFFF  }
0xc3: {  	_ =	shalt  }
tec
execute0_lowered:
.L_overlay_start_1:
0x0: {  	(tag) =	ssettag $0x1  }
0x1: {  	s13 =	rddreg [dreg:$0x0]  }
0x2: {  	s0 =	srdreg.scid;
	s2 =	rddreg [dreg:$0x1]  }
0x3: {  	s3 =	simm.s32 $0x0;
	s18 =	simm.s32 $0x6B800;
	s19 =	simm.s32 $0x6800  }
0x4: {  	s20 =	simm.s32 $0x80;
	s21 =	simm.s32 $0x2;
	s22 =	simm.s32 $0x2700  }
0x5: {  	s23 =	simm.s32 $0x2780;
	s11 =	sand.u32 $0x1, s0;
	s0 =	stileid.u32  }
0x6: {  	s24 =	simm.s32 $0x0;
	[smem:$0x7FF] =	sst s3;
	s6 =	smul.u32 $0x4F000, s0  }
0x7: {  	s14 =	sadd.s32 $0xB08400, s13;
	s1 =	sshll.u32 s11, $0x4;
	s15 =	smul.u32 $0x500, s11  }
0x8: {  	s7 =	ssub.s32 $0x2, s11;
	s16 =	smul.u32 $0x50, s0;
	p0 =	seq.s32 s11, $0x1  }
0x9: {  	s17 =	smul.u32 $0x2780, s0;
	s5 =	sor.u32 s0, s1;
	s1 =	rddreg [dreg:$0x2]  }
0xa: {  	_ =	strace $0x8000004A;
	s31 =	sshrl.u32 s7, $0x1;
	s18 =	simm.s32 @!p0 $0x44000  }
0xb: {  	s4 =	smul.u32 $0x500, s5;
	s6 =	sshrl.u32 s6, $0x2;
	s12 =	ssub.s32 s7, s31  }
0xc: {  	s10 =	smul.u32 $0x28000, s5;
	s15 =	sadd.s32 s16, s15;
	s16 =	simm.s32 $0x2800  }
0xd: {  	s11 =	smax.u32 s12, $0x1;
	s15 =	sshll.u32 s15, $0xB;
	s9 =	sadd.s32 s4, s13  }
0xe: {  	s4 =	sadd.s32 s6, s2;
	s10 =	sadd.s32 s14, s10;
	s13 =	sadd.s32 s18, s13  }
0xf: {  	s15 =	sadd.s32 s15, s14;
	s18 =	simm.s32 $0x1;
	s5 =	sadd.s32 $0x4000, s4  }
0x10: {  	s6 =	sadd.s32 $0x8000, s4;
	s7 =	sadd.s32 $0xC000, s4;
	s8 =	sadd.s32 $0x10000, s4  }
0x11: {  	s9 =	sadd.s32 $0x3A000, s9;
	s12 =	sadd.s32 $0x27800, s10;
	s13 =	sadd.s32 s13, s17  }
0x12: {  	v0 =	vimm.f32 $0.0e+00;
	s14 =	sadd.s32 $0x1000, s15;
	s15 =	sadd.s32 $0x800, s15;
	s17 =	simm.s32 $0x3  }
.LBB2_1:
0x13: {  	s25 =	simm.s32 $0x0;
	s26 =	simm.s32 $0x200  }
.LBB2_2:
0x14: {  	p0 =	sne.s32 s26, $0xFE00;
	[tilespmem:s25+$0x2870] =	vst v0  }
0x15: {  	[tilespmem:s25+$0x2800] =	vst v0  }
0x16: {  	[tilespmem:s25+$0x2810] =	vst v0  }
.Ltmp0:
0x17: {  	[tilespmem:s25+$0x2820] =	vst v0;
	(pc) =	sbr.rel @p0 .LBB2_2-.Ltmp0, $4  }
0x18: {  	[tilespmem:s25+$0x2830] =	vst v0  }
0x19: {  	[tilespmem:s25+$0x2840] =	vst v0  }
0x1a: {  	[tilespmem:s25+$0x2850] =	vst v0  }
0x1b: {  	[tilespmem:s25+$0x2860] =	vst v0;
	s25 =	sshra.s32 s26, $0x2;
	s26 =	sadd.s32 $0x200, s26  }
0x1c: {  	[tilespmem:s25+$0x2870] =	vst v0  }
0x1d: {  	[tilespmem:s25+$0x2800] =	vst v0  }
0x1e: {  	[tilespmem:s25+$0x2810] =	vst v0  }
0x1f: {  	[tilespmem:s25+$0x2820] =	vst v0  }
0x20: {  	[tilespmem:s25+$0x2830] =	vst v0  }
0x21: {  	[tilespmem:s25+$0x2840] =	vst v0  }
0x22: {  	[tilespmem:s25+$0x2850] =	vst v0  }
0x23: {  	[tilespmem:s25+$0x2860] =	vst v0  }
0x24: {  	[spmem:s4] =	stream.linear.scatter [tilespmem:s16], [sflag:$0x3], $0x4000, $0x38;
	[tilespmem:$0x1E400] =	vst v63  }
0x25: {  	_ =	swait.ge [sflag:s17], $0x4000  }
0x26: {  	[sflag:s17] =	ssyncset.done $0x0  }
0x27: {  	[sflag:s17] =	ssyncadd.s32 $0xFFFFC000  }
0x28: {  	[spmem:s5] =	stream.linear.scatter [tilespmem:s16], [sflag:$0x3], $0x4000, $0x38;
	[tilespmem:$0x1E400] =	vst v63  }
0x29: {  	_ =	swait.ge [sflag:s17], $0x4000  }
0x2a: {  	[sflag:s17] =	ssyncset.done $0x0  }
0x2b: {  	[sflag:s17] =	ssyncadd.s32 $0xFFFFC000  }
0x2c: {  	[spmem:s6] =	stream.linear.scatter [tilespmem:s16], [sflag:$0x3], $0x4000, $0x38;
	[tilespmem:$0x1E400] =	vst v63  }
0x2d: {  	_ =	swait.ge [sflag:s17], $0x4000  }
0x2e: {  	[sflag:s17] =	ssyncset.done $0x0  }
0x2f: {  	[sflag:s17] =	ssyncadd.s32 $0xFFFFC000  }
0x30: {  	[spmem:s7] =	stream.linear.scatter [tilespmem:s16], [sflag:$0x3], $0x4000, $0x38;
	[tilespmem:$0x1E400] =	vst v63  }
0x31: {  	_ =	swait.ge [sflag:s17], $0x4000  }
0x32: {  	[sflag:s17] =	ssyncset.done $0x0  }
0x33: {  	[sflag:s17] =	ssyncadd.s32 $0xFFFFC000  }
0x34: {  	[spmem:s8] =	stream.linear.scatter [tilespmem:s16], [sflag:$0x3], $0x3C00, $0x38;
	[tilespmem:$0x1E400] =	vst v63  }
0x35: {  	_ =	swait.ge [sflag:s17], $0x3C00  }
0x36: {  	[sflag:s17] =	ssyncset.done $0x0  }
0x37: {  	s25 =	simm.s32 $0x0;
	[sflag:s17] =	ssyncadd.s32 $0xFFFFC400  }
0x38: {  	[tilespmem:s25], [sflag:$0x3] =	stream.linear.gather [hbm4b:s9+s25], $0x2800, $0x38;
	[tilespmem:$0x1E400] =	vst v63  }
0x39: {  	_ =	swait.ge [sflag:s17], $0x2800  }
0x3a: {  	[sflag:s17] =	ssyncset.done $0x0  }
0x3b: {  	[sflag:s17] =	ssyncadd.s32 $0xFFFFD800  }
0x3c: {  	[bflag:$0x0] =	sbarrier.arrive $0xFFFF  }
0x3d: {  	[tilespmem:s16], [sflag:$0x1] =	stream.linear.gather [hbm4b:s10+s25], $0x4000, $0x38;
	[tilespmem:$0x1E400] =	vst v63  }
0x3e: {  	_ =	swait.ge [sflag:s18], $0x4000  }
0x3f: {  	[sflag:s18] =	ssyncset.done $0x0  }
0x40: {  	s26 =	sadd.s32 $0x0, s15;
	[sflag:s18] =	ssyncadd.s32 $0xFFFFC000  }
0x41: {  	[tilespmem:s19], [sflag:$0x2] =	stream.linear.gather [hbm4b:s26+s3], $0x4000, $0x38;
	[tilespmem:$0x1E400] =	vst v63  }
0x42: {  	_ = 	snop  }
0x43: {  	[spmem:s2] =	stream.indirect.scatter.add.f32 [tilespmem:s16], [sflag:$0x3], $0x80, s25, s20, $0xb8;
	[tilespmem:$0x1E400] =	vst v63  }
0x44: {  	_ =	swait.ge [sflag:s17], $0x4000  }
0x45: {  	[sflag:s17] =	ssyncset.done $0x0  }
0x46: {  	[sflag:s17] =	ssyncadd.s32 $0xFFFFC000  }
0x47: {  	_ =	swait.ge [sflag:s21], $0x4000  }
0x48: {  	[sflag:s21] =	ssyncset.done $0x0  }
0x49: {  	s30 =	sadd.s32 $0x0, s14;
	[sflag:s21] =	ssyncadd.s32 $0xFFFFC000  }
0x4a: {  	[tilespmem:s16], [sflag:$0x1] =	stream.linear.gather [hbm4b:s30+s3], $0x4000, $0x38;
	[tilespmem:$0x1E400] =	vst v63  }
0x4b: {  	s31 =	simm.s32 $0x80  }
0x4c: {  	[spmem:s2] =	stream.indirect.scatter.add.f32 [tilespmem:s19], [sflag:$0x3], $0x80, s31, s20, $0xb8;
	[tilespmem:$0x1E400] =	vst v63  }
0x4d: {  	_ =	swait.ge [sflag:s17], $0x4000  }
0x4e: {  	s26 =	simm.s32 $0x1000;
	[sflag:s17] =	ssyncset.done $0x0  }
.LBB2_4:
0x4f: {  	p0 =	sne.s32 s26, $0x26000;
	[sflag:s17] =	ssyncadd.s32 $0xFFFFC000;
	s25 =	sadd.s32 $0x100, s25  }
0x50: {  	s28 =	smov.u32 s26;
	s26 =	sadd.s32 $0x1000, s26  }
0x51: {  	_ =	swait.ge [sflag:s18], $0x4000  }
0x52: {  	[sflag:s18] =	ssyncset.done $0x0  }
0x53: {  	s29 =	sadd.s32 s28, s15;
	[sflag:s18] =	ssyncadd.s32 $0xFFFFC000  }
0x54: {  	[tilespmem:s19], [sflag:$0x2] =	stream.linear.gather [hbm4b:s29+s3], $0x4000, $0x38;
	[tilespmem:$0x1E400] =	vst v63  }
0x55: {  	_ = 	snop  }
0x56: {  	[spmem:s2] =	stream.indirect.scatter.add.f32 [tilespmem:s16], [sflag:$0x3], $0x80, s25, s20, $0xb8;
	[tilespmem:$0x1E400] =	vst v63  }
0x57: {  	_ =	swait.ge [sflag:s17], $0x4000  }
0x58: {  	[sflag:s17] =	ssyncset.done $0x0  }
0x59: {  	[sflag:s17] =	ssyncadd.s32 $0xFFFFC000  }
0x5a: {  	_ =	swait.ge [sflag:s21], $0x4000  }
0x5b: {  	[sflag:s21] =	ssyncset.done $0x0  }
0x5c: {  	s28 =	sadd.s32 s28, s14;
	[sflag:s21] =	ssyncadd.s32 $0xFFFFC000  }
0x5d: {  	[tilespmem:s16], [sflag:$0x1] =	stream.linear.gather [hbm4b:s28+s3], $0x4000, $0x38;
	[tilespmem:$0x1E400] =	vst v63  }
.Ltmp1:
0x5e: {  	_ = 	snop;
	(pc) =	sbr.rel @p0 .LBB2_4-.Ltmp1, $4  }
0x5f: {  	s28 =	sadd.s32 $0x80, s25  }
0x60: {  	[spmem:s2] =	stream.indirect.scatter.add.f32 [tilespmem:s19], [sflag:$0x3], $0x80, s28, s20, $0xb8;
	[tilespmem:$0x1E400] =	vst v63  }
0x61: {  	_ =	swait.ge [sflag:s17], $0x4000  }
0x62: {  	[sflag:s17] =	ssyncset.done $0x0  }
0x63: {  	[sflag:s17] =	ssyncadd.s32 $0xFFFFC000  }
0x64: {  	_ =	swait.ge [sflag:s18], $0x4000  }
0x65: {  	[sflag:s18] =	ssyncset.done $0x0  }
0x66: {  	[sflag:s18] =	ssyncadd.s32 $0xFFFFC000  }
0x67: {  	[tilespmem:s19], [sflag:$0x2] =	stream.linear.gather [hbm4b:s12+s3], $0x4000, $0x38;
	[tilespmem:$0x1E400] =	vst v63  }
0x68: {  	_ = 	snop  }
0x69: {  	[spmem:s2] =	stream.indirect.scatter.add.f32 [tilespmem:s16], [sflag:$0x3], $0x80, s22, s20, $0xb8;
	[tilespmem:$0x1E400] =	vst v63  }
0x6a: {  	_ =	swait.ge [sflag:s17], $0x4000  }
0x6b: {  	[sflag:s17] =	ssyncset.done $0x0  }
0x6c: {  	[sflag:s17] =	ssyncadd.s32 $0xFFFFC000  }
0x6d: {  	_ =	swait.ge [sflag:s21], $0x4000  }
0x6e: {  	[sflag:s21] =	ssyncset.done $0x0  }
0x6f: {  	[sflag:s21] =	ssyncadd.s32 $0xFFFFC000  }
0x70: {  	[spmem:s2] =	stream.indirect.scatter.add.f32 [tilespmem:s19], [sflag:$0x3], $0x80, s23, s20, $0xb8;
	[tilespmem:$0x1E400] =	vst v63  }
0x71: {  	_ =	swait.ge [sflag:s17], $0x4000  }
0x72: {  	s25 =	sshll.u32 s0, $0x6;
	s24 =	sadd.s32 $0x1, s24;
	[sflag:s17] =	ssyncset.done $0x0  }
0x73: {  	s26 =	sshrl.u32 s4, $0x3;
	p0 =	sne.s32 s24, s11;
	[sflag:s17] =	ssyncadd.s32 $0xFFFFC000  }
.Ltmp2:
0x74: {  	s25 =	sor.u32 $0x1C03, s25;
	[bflag:$0x0] =	sbarrier.arrive $0xFFFF;
	(pc) =	sbr.rel @p0 .LBB2_1-.Ltmp2, $4  }
0x75: {  	[hbm:s13], [sflag:s25] =	dma.local [spmem:s26], $0x2780  }
0x76: {  	_ =	swait.ge [sflag:s17], $0x2780  }
0x77: {  	[sflag:s17] =	ssyncset.done $0x0  }
0x78: {  	[sflag:s17] =	ssyncadd.s32 $0xFFFFD880  }
0x79: {  	_ =	sfence.sel $0x180000  }
0x7a: {  	[bflag:$0x0] =	sbarrier.arrive $0xFFFF  }
0x7b: {  	p0 =	sne.s32 s0, $0x0;
	_ =	strace $0x9000004A  }
0x7c: {  	s0 =	sadd.s32 @!p0 $0x100000, s1;
	[bflag:$0x2] =	sbarrier.arrive $0xFFFF  }
0x7d: {  	[sflag:s0] =	ssyncadd.tile.s32 @!p0 $0x1;
	_ =	shalt  }
.Lfunc_end2:
_tile_overlayer_lowered:
.L_overlay_start_2:
0x7e: {  	(tag) =	ssettag $0x2  }
0x7f: {  	s0 =	rddreg [dreg:$0x0];
	s2 =	stileid.u32  }
0x80: {  	s1 =	rddreg [dreg:$0x1];
	p0 =	sne.s32 s2, $0x0  }
0x81: {  	s3 =	rddreg [dreg:$0x2];
	[bflag:$0x3] =	sbarrier.arrive $0xFFFF;
	s2 =	simm.s32 @!p0 $0x1C03  }
0x82: {  	[timem:s3], [sflag:s2] =	dma.local @!p0 [hbm:s0], s1  }
0x83: {  	s0 =	simm.s32 @!p0 $0x3  }
0x84: {  	_ =	swait.ge @!p0 [sflag:s0], s1  }
0x85: {  	s1 =	ssub.s32 @!p0 $0x0, s1;
	[sflag:s0] =	ssyncset.done @!p0 $0x0  }
0x86: {  	[sflag:s0] =	ssyncadd.s32 @!p0 s1  }
0x87: {  	[bflag:$0x3] =	sbarrier.arrive $0xFFFF  }
0x88: {  	_ =	shalt  }

// kernel: kernel.21.cloned.1.call-start
scs
__scs_entry_jumppad:
0x0: {  	(pc) =	sbr.rel $0x88, $3  }
0x1: {  	(tag) =	ssettag $0x0;
	lr =	simm.s32 $0x1  }
0x2: {  	[smem:$0x3F85] =	sst lr;
	_ =	strace $0xD0000000  }
0x3: {  	_ = 	snop  }
0x4: {  	_ = 	snop  }
0x5: {  	_ = 	snop  }
0x6: {  	_ = 	snop  }
0x7: {  	_ = 	snop  }
__scs_overlays_trampoline_lowered:
0x8: {  	[smem:$0x3F94] =	sst s0  }
0x9: {  	[smem:$0x3F95] =	sst s1  }
0xa: {  	[smem:$0x3F96] =	sst s2  }
0xb: {  	[smem:$0x3F97] =	sst s3  }
0xc: {  	[smem:$0x3F98] =	sst s4  }
0xd: {  	[smem:$0x3F99] =	sst s5  }
0xe: {  	[smem:$0x3F9A] =	sst s6  }
0xf: {  	[smem:$0x3F9B] =	sst s7  }
0x10: {  	[smem:$0x3F9C] =	sst s8  }
0x11: {  	[smem:$0x3F9D] =	sst s9;
	s0 =	simm.s32 @!p0 $0x0  }
0x12: {  	s1 =	sld [smem:$0x3F83];
	s0 =	simm.s32 @p0 $0x1  }
0x13: {  	[smem:$0x3F9E] =	sst s0;
	s0 =	simm.s32 @!p1 $0x0  }
0x14: {  	s2 =	sld [smem:$0x3F82];
	s0 =	simm.s32 @p1 $0x1  }
0x15: {  	[smem:$0x3F9F] =	sst s0;
	s0 =	simm.s32 @!p2 $0x0  }
0x16: {  	s3 =	sld [smem:$0x3FDB];
	s0 =	simm.s32 @p2 $0x1  }
0x17: {  	s4 =	simm.s32 $0x1BF5;
	[smem:$0x3FA1] =	sst s0  }
0x18: {  	s0 =	sld [smem:$0x3F84];
	_ =	swait.ge [sflag:s4], $0x0  }
0x19: {  	s7 =	sld [smem:$0x3F85]  }
0x1a: {  	s8 =	sadd.s32 $0xFFFFE003, lr  }
0x1b: {  	s9 =	sadd.s32 $0xFFFFFEF7, lr;
	s5 =	simm.s32 $0xFFFFFFFF;
	p2 =	slt.u32 s8, $0xFFFFF086  }
0x1c: {  	p1 =	slt.u32 s9, $0xF7A;
	s5 =	simm.s32 @!p2 $0x0  }
0x1d: {  	s5 =	simm.s32 @p1 $0x1;
	p0 =	seq.s32 s7, s2  }
0x1e: {  	s7 =	smul.u32 @!p0 $0xF7A, s2;
	p2 =	seq.s32 @!p0 s5, $0x0  }
0x1f: {  	s9 =	smul.u32 $0xF7A, s1;
	s8 =	simm.s32 @!p0 $0x1BF5;
	p2 =	por !p2, p0  }
0x20: {  	[sflag:s8] =	ssyncset.s32 @!p0 $0xFFFFF086;
	s6 =	sadd.s32 @!p0 s3, s7;
	s7 =	simm.s32 @!p0 $0x108  }
0x21: {  	s3 =	sadd.s32 s3, s9;
	s6 =	sadd.s32 @!p0 $0x88, s6;
	s7 =	simm.s32 @p2 $0x1082  }
0x22: {  	[simem:s7], [sflag:s8] =	dma.local @!p0 [hbm:s6], $0xF7A  }
0x23: {  	s9 =	sor.u32 $0xD0000000, s2;
	s6 =	simm.s32 $0x108;
	_ =	swait.ge @!p0 [sflag:s8], $0x0  }
0x24: {  	s3 =	sadd.s32 $0x88, s3;
	s6 =	simm.s32 @!p1 $0x1082;
	[sflag:s4] =	ssyncset.s32 $0xFFFFF086  }
0x25: {  	[simem:s6], [sflag:s4] =	dma.local [hbm:s3], $0xF7A  }
0x26: {  	[smem:$0x3F85] =	sst s1;
	(tag) =	ssettag s2;
	_ =	strace s9  }
0x27: {  	s1 =	sld [smem:$0x3F95]  }
0x28: {  	s2 =	sld [smem:$0x3F96]  }
0x29: {  	s4 =	sld [smem:$0x3F98]  }
0x2a: {  	p0 =	seq.s32 s5, $0x0;
	s5 =	sld [smem:$0x3F99]  }
0x2b: {  	s6 =	sld [smem:$0x3F9A]  }
0x2c: {  	s7 =	sld [smem:$0x3F9B]  }
0x2d: {  	s3 =	simm.s32 $0x108;
	s8 =	sld [smem:$0x3F9C]  }
0x2e: {  	s3 =	simm.s32 @!p0 $0x1082;
	s9 =	sld [smem:$0x3F9D]  }
0x2f: {  	lr =	sadd.s32 s0, s3;
	s0 =	sld [smem:$0x3F94]  }
0x30: {  	s3 =	sld [smem:$0x3F97]  }
0x31: {  	[smem:$0x3FA0] =	sst s10  }
0x32: {  	s10 =	sld [smem:$0x3F9E];
	_ =	sdelay $0x3  }
0x33: {  	p0 =	seq.s32 s10, $0x1;
	s10 =	sld [smem:$0x3FA0];
	_ =	sdelay $0x3  }
0x34: {  	[smem:$0x3FA0] =	sst s10  }
0x35: {  	s10 =	sld [smem:$0x3F9F];
	_ =	sdelay $0x3  }
0x36: {  	p1 =	seq.s32 s10, $0x1;
	s10 =	sld [smem:$0x3FA0];
	_ =	sdelay $0x3  }
0x37: {  	[smem:$0x3FA0] =	sst s10  }
0x38: {  	s10 =	sld [smem:$0x3FA1]  }
0x39: {  	_ = 	snop;
	(pc) =	sbr.ind lr, $3  }
0x3a: {  	_ = 	snop  }
0x3b: {  	_ = 	snop  }
0x3c: {  	p2 =	seq.s32 s10, $0x1;
	s10 =	sld [smem:$0x3FA0]  }
0x3d: {  	_ =	shalt  }
0x3e: {  	_ =	shalt  }
0x3f: {  	_ =	shalt  }
0x40: {  	_ =	shalt  }
0x41: {  	_ =	shalt  }
0x42: {  	_ =	shalt  }
0x43: {  	_ =	shalt  }
0x44: {  	_ =	shalt  }
0x45: {  	_ =	shalt  }
0x46: {  	_ =	shalt  }
0x47: {  	_ =	shalt  }
0x48: {  	_ =	shalt  }
0x49: {  	_ =	shalt  }
0x4a: {  	_ =	shalt  }
0x4b: {  	_ =	shalt  }
0x4c: {  	_ =	shalt  }
0x4d: {  	_ =	shalt  }
0x4e: {  	_ =	shalt  }
0x4f: {  	_ =	shalt  }
0x50: {  	_ =	shalt  }
0x51: {  	_ =	shalt  }
0x52: {  	_ =	shalt  }
0x53: {  	_ =	shalt  }
0x54: {  	_ =	shalt  }
0x55: {  	_ =	shalt  }
0x56: {  	_ =	shalt  }
0x57: {  	_ =	shalt  }
0x58: {  	_ =	shalt  }
0x59: {  	_ =	shalt  }
0x5a: {  	_ =	shalt  }
0x5b: {  	_ =	shalt  }
0x5c: {  	_ =	shalt  }
0x5d: {  	_ =	shalt  }
0x5e: {  	_ =	shalt  }
0x5f: {  	_ =	shalt  }
0x60: {  	_ =	shalt  }
0x61: {  	_ =	shalt  }
0x62: {  	_ =	shalt  }
0x63: {  	_ =	shalt  }
0x64: {  	_ =	shalt  }
0x65: {  	_ =	shalt  }
0x66: {  	_ =	shalt  }
0x67: {  	_ =	shalt  }
0x68: {  	_ =	shalt  }
0x69: {  	_ =	shalt  }
0x6a: {  	_ =	shalt  }
0x6b: {  	_ =	shalt  }
0x6c: {  	_ =	shalt  }
0x6d: {  	_ =	shalt  }
0x6e: {  	_ =	shalt  }
0x6f: {  	_ =	shalt  }
0x70: {  	_ =	shalt  }
0x71: {  	_ =	shalt  }
0x72: {  	_ =	shalt  }
0x73: {  	_ =	shalt  }
0x74: {  	_ =	shalt  }
0x75: {  	_ =	shalt  }
0x76: {  	_ =	shalt  }
0x77: {  	_ =	shalt  }
0x78: {  	_ =	shalt  }
0x79: {  	_ =	shalt  }
0x7a: {  	_ =	shalt  }
0x7b: {  	_ =	shalt  }
0x7c: {  	_ =	shalt  }
0x7d: {  	_ =	shalt  }
0x7e: {  	_ =	shalt  }
0x7f: {  	_ =	shalt  }
0x80: {  	_ =	shalt  }
0x81: {  	_ =	shalt  }
0x82: {  	_ =	shalt  }
0x83: {  	_ =	shalt  }
0x84: {  	_ =	shalt  }
0x85: {  	_ =	shalt  }
0x86: {  	_ =	shalt  }
0x87: {  	_ =	shalt  }
.Lfunc_end0:
.L_simem_size_0:
called_computation.2_lowered:
.L_overlay_start_0:
0x88: {  	s2 =	sld [smem:$0x3FD9]  }
0x89: {  	s3 =	sld [smem:$0x3FFE];
	_ =	sdelay $0x1  }
0x8a: {  	s1 =	srdreg.scid  }
0x8b: {  	s0 =	sand.u32 $0x1, s1  }
0x8c: {  	s16 =	sshll.u32 s0, $0xA;
	s2 =	sadd.s32 s3, s2  }
0x8d: {  	s2 =	sadd.s32 s2, s16  }
0x8e: {  	[smem:$0x3FAC] =	sst s2  }
0x8f: {  	_ = 	snop  }
0x90: {  	(tm) =	ssettm $0x1  }
0x91: {  	s17 =	sld [smem:$0x3FFB];
	_ =	sdelay $0x3  }
0x92: {  	_ =	strace s17  }
0x93: {  	s2 =	sld [smem:$0x3FFC];
	_ =	sdelay $0x3  }
0x94: {  	_ =	strace s2  }
0x95: {  	s2 =	sld [smem:$0x3FFD];
	_ =	sdelay $0x3  }
0x96: {  	_ =	strace s2  }
0x97: {  	_ =	strace $0x8FFFFFFF  }
0x98: {  	s18 =	sld [smem:$0x3FDB];
	_ =	sdelay $0x1  }
0x99: {  	s19 =	simm.s32 $_scs_section_size  }
0x9a: {  	s4 =	simm.s32 $_size__tile_overlayer_lowered;
	s5 =	simm.s32 $_tile_overlayer_lowered  }
0x9b: {  	s22 =	simm.s32 $0x1BFF;
	s21 =	sshll.u32 s5, $0x1;
	s2 =	sadd.s32 s19, s18  }
0x9c: {  	s6 =	simm.s32 $0x0;
	s20 =	sshll.u32 s4, $0x1;
	s4 =	sadd.s32 s21, s2  }
0x9d: {  	[timem:s6], [sflag:s22] =	dma.local [hbm:s4], s20  }
0x9e: {  	_ =	swait.ge [sflag:s22], s20  }
0x9f: {  	s3 =	ssub.s32 $0x0, s20;
	[sflag:s22] =	ssyncset.done $0x0  }
0xa0: {  	[sflag:s22] =	ssyncadd.s32 s3;
	_ =	sdelay $0x1  }
0xa1: {  	s23 =	simm.s32 $0x1B8B  }
0xa2: {  	_ =	swait.ge [sflag:s23], $0x1  }
0xa3: {  	[sflag:s23] =	ssyncset.done $0x0  }
0xa4: {  	s25 =	simm.s32 $0x1B8E;
	s24 =	sld [smem:$0x3FFE];
	[sflag:s23] =	ssyncadd.s32 $0xFFFFFFFF  }
0xa5: {  	s26 =	simm.s32 $execute0_lowered;
	[smem:$0x3FD2] =	sst s25  }
0xa6: {  	s4 =	sshll.u32 s26, $0x1;
	_ =	strace $0x8000004C;
	[dreg:$0x1] =	wrdreg $0xFFFFFFFF  }
0xa7: {  	s28 =	simm.s32 $_size_execute0_lowered;
	s2 =	sadd.s32 s2, s4;
	[dreg:$0x0] =	wrdreg $0x0  }
0xa8: {  	s4 =	sshll.u32 s28, $0x1;
	[dreg:$0x2] =	wrdreg s2  }
0xa9: {  	[dreg:$0x3] =	wrdreg s4  }
0xaa: {  	[dreg:$0x4] =	wrdreg $0xC0  }
0xab: {  	_ =	task [dreg:s6], $0x5FFFF  }
0xac: {  	[dreg:$0x1] =	wrdreg $0xFFFFFFFF  }
0xad: {  	[dreg:$0x0] =	wrdreg $0x60  }
0xae: {  	[dreg:$0x2] =	wrdreg s24  }
0xaf: {  	[dreg:$0x3] =	wrdreg $0x9  }
0xb0: {  	_ =	task.clear_ibuf [dreg:s6], $0x4FFFF;
	_ =	strace $0x9000004C  }
0xb1: {  	s29 =	simm.s32 $0x9;
	_ =	strace $0x8000004E  }
0xb2: {  	_ =	swait.ge [sflag:s29], $0x1  }
0xb3: {  	[sflag:s29] =	ssyncadd.s32 $0xFFFFFFFF  }
0xb4: {  	_ =	strace $0x9000004E  }
0xb5: {  	_ =	sfence  }
0xb6: {  	s30 =	sld [smem:$0x0];
	_ =	sdelay $0x2  }
0xb7: {  	s31 =	sshll.u32 s1, $0xD;
	s1 =	sshrl.u32 s1, $0x2  }
0xb8: {  	s3 =	sand.u32 $0x4000, s31;
	s1 =	sadd.s32 s1, s30  }
0xb9: {  	s0 =	sor.u32 s3, s0;
	s1 =	sshll.u32 s1, $0x11  }
0xba: {  	s0 =	sor.u32 s1, s0  }
0xbb: {  	s0 =	sadd.s32 $0x8F2B, s0  }
0xbc: {  	[sflag:s0] =	ssyncadd.remote.s32 $0x1  }
0xbd: {  	_ =	sfence.sel $0xFFFF  }
0xbe: {  	[dreg:$0x0] =	wrdreg $0xFFFFFFFF;
	(pc) =	sbr.abs _section_cstart, $3  }
0xbf: {  	[dreg:$0x1] =	wrdreg $0xFFFFFFFF  }
0xc0: {  	_ =	task.clear_ibuf [dreg:s6], $0x2FFFF;
	_ =	strace $0x9FFFFFFF  }
0xc1: {  	(tm) =	ssettm $0x7FFFFFFF  }
tec
execute0_lowered:
.L_overlay_start_1:
0x0: {  	(tag) =	ssettag $0x1  }
0x1: {  	s5 =	rddreg [dreg:$0x0]  }
0x2: {  	s1 =	srdreg.scid;
	s0 =	rddreg [dreg:$0x1]  }
0x3: {  	s2 =	simm.s32 $0x0;
	s11 =	simm.s32 $0x2800;
	s12 =	simm.s32 $0x80  }
0x4: {  	s13 =	simm.s32 $0x5000;
	s14 =	simm.s32 $0x9000;
	s15 =	simm.s32 $0x1  }
0x5: {  	s16 =	simm.s32 $0x2;
	s17 =	simm.s32 $0xD000;
	s18 =	simm.s32 $0x11000  }
0x6: {  	s19 =	simm.s32 $0x3;
	s20 =	simm.s32 $0x4;
	s21 =	simm.s32 $0x5  }
0x7: {  	s22 =	simm.s32 $0x6;
	s23 =	simm.s32 $0x0;
	s3 =	sand.u32 $0x1, s1  }
0x8: {  	s1 =	stileid.u32;
	[smem:$0x7FF] =	sst s2;
	s4 =	sshll.u32 s3, $0x4  }
0x9: {  	_ =	strace $0x8000004D;
	s8 =	ssub.s32 $0x2, s3;
	s6 =	sor.u32 s1, s4  }
0xa: {  	s3 =	sadd.s32 $0x44000, s5;
	s9 =	sshrl.u32 s8, $0x1;
	s7 =	smul.u32 $0x500, s6  }
0xb: {  	s4 =	sadd.s32 $0x6B200, s5;
	s9 =	ssub.s32 s8, s9;
	s6 =	smul.u32 $0x50, s6  }
0xc: {  	s9 =	smax.u32 s9, $0x1;
	s10 =	sadd.s32 s7, s5;
	s5 =	sadd.s32 $0x92400, s5  }
0xd: {  	s7 =	sadd.s32 $0x3A000, s10;
	s8 =	sadd.s32 $0x30000, s10;
	s10 =	simm.s32 $0x7  }
.LBB2_1:
0xe: {  	[tilespmem:s2], [sflag:$0x7] =	stream.linear.gather [hbm4b:s7+s2], $0x2800, $0x38;
	[tilespmem:$0x15000] =	vst v63  }
0xf: {  	_ =	swait.ge [sflag:s10], $0x2800  }
0x10: {  	[sflag:s10] =	ssyncset.done $0x0  }
0x11: {  	[sflag:s10] =	ssyncadd.s32 $0xFFFFD800  }
0x12: {  	[tilespmem:s11], [sflag:$0x7] =	stream.linear.gather [hbm4b:s8+s2], $0x2800, $0x38;
	[tilespmem:$0x15000] =	vst v63  }
0x13: {  	_ =	swait.ge [sflag:s10], $0x2800  }
0x14: {  	[sflag:s10] =	ssyncset.done $0x0  }
0x15: {  	[sflag:s10] =	ssyncadd.s32 $0xFFFFD800  }
0x16: {  	[tilespmem:s13], [sflag:$0x1] =	stream.indirect.gather [hbm4b:s3+s12], $0x80, s2, s12, $0xb8;
	[tilespmem:$0x15000] =	vst v63  }
0x17: {  	s24 =	simm.s32 $0x0  }
0x18: {  	[tilespmem:s14], [sflag:$0x2] =	stream.indirect.gather [hbm4b:s4+s12], $0x80, s11, s12, $0xb8;
	[tilespmem:$0x15000] =	vst v63  }
.LBB2_2:
0x19: {  	_ =	swait.ge [sflag:s15], $0x4000  }
0x1a: {  	[sflag:s15] =	ssyncset.done $0x0  }
0x1b: {  	[sflag:s15] =	ssyncadd.s32 $0xFFFFC000  }
0x1c: {  	_ =	swait.ge [sflag:s16], $0x4000  }
0x1d: {  	p0 =	seq.s32 s24, $0x0;
	[sflag:s16] =	ssyncset.done $0x0  }
0x1e: {  	s26 =	simm.s32 @!p0 $0x6;
	[sflag:s16] =	ssyncadd.s32 $0xFFFFC000  }
0x1f: {  	_ =	swait.ge @!p0 [sflag:s26], $0x4000  }
0x20: {  	s25 =	sshllo.u32 s24, $0x1;
	[sflag:s26] =	ssyncset.done @!p0 $0x0  }
0x21: {  	s31 =	sshll.u32 s25, $0x7;
	[sflag:s26] =	ssyncadd.s32 @!p0 $0xFFFFC000  }
0x22: {  	[tilespmem:s17], [sflag:$0x3] =	stream.indirect.gather [hbm4b:s3+s12], $0x80, s31, s12, $0xb8;
	[tilespmem:$0x15000] =	vst v63  }
0x23: {  	s26 =	sadd.s32 $0x2800, s31  }
0x24: {  	[tilespmem:s18], [sflag:$0x4] =	stream.indirect.gather [hbm4b:s4+s12], $0x80, s26, s12, $0xb8;
	[tilespmem:$0x15000] =	vst v63  }
0x25: {  	s26 =	simm.s32 $0x0  }
0x26: {  	v7 =	vld [tilespmem:s26+$0x9000]  }
0x27: {  	v11 =	vld [tilespmem:s26+$0x9010]  }
0x28: {  	v5 =	vld [tilespmem:s26+$0x9020]  }
0x29: {  	v4 =	vld [tilespmem:s26+$0x9030]  }
0x2a: {  	v3 =	vld [tilespmem:s26+$0x9040]  }
0x2b: {  	v2 =	vld [tilespmem:s26+$0x9050]  }
0x2c: {  	v1 =	vld [tilespmem:s26+$0x9060]  }
0x2d: {  	v0 =	vld [tilespmem:s26+$0x9070]  }
0x2e: {  	v12 =	vld [tilespmem:s26+$0x5000]  }
0x2f: {  	v13 =	vld [tilespmem:s26+$0x5010]  }
0x30: {  	v10 =	vld [tilespmem:s26+$0x5020]  }
0x31: {  	v9 =	vld [tilespmem:s26+$0x5030]  }
0x32: {  	v8 =	vld [tilespmem:s26+$0x5040]  }
0x33: {  	v6 =	vld [tilespmem:s26+$0x5050];
	v12 =	vadd.f32 v7, v12  }
0x34: {  	s28 =	sshll.u32 s24, $0x1;
	s29 =	simm.s32 $0x200;
	v11 =	vadd.f32 v11, v13;
	v7 =	vld [tilespmem:s26+$0x5060]  }
.LBB2_3:
0x35: {  	s30 =	sshra.s32 s29, $0x2;
	p0 =	sne.s32 s29, $0xFE00;
	[tilespmem:s26+$0x5000] =	vst v12;
	v5 =	vadd.f32 v5, v10;
	v10 =	vld [tilespmem:s26+$0x5070]  }
0x36: {  	v12 =	vld [tilespmem:s30+$0x9000];
	[tilespmem:s26+$0x5010] =	vst v11;
	v4 =	vadd.f32 v4, v9  }
0x37: {  	v11 =	vld [tilespmem:s30+$0x9010];
	[tilespmem:s26+$0x5020] =	vst v5;
	v3 =	vadd.f32 v3, v8  }
0x38: {  	v5 =	vld [tilespmem:s30+$0x9020];
	[tilespmem:s26+$0x5030] =	vst v4;
	v2 =	vadd.f32 v2, v6  }
0x39: {  	v4 =	vld [tilespmem:s30+$0x9030];
	[tilespmem:s26+$0x5040] =	vst v3;
	v1 =	vadd.f32 v1, v7  }
0x3a: {  	v3 =	vld [tilespmem:s30+$0x9040];
	[tilespmem:s26+$0x5050] =	vst v2;
	v0 =	vadd.f32 v0, v10  }
0x3b: {  	v2 =	vld [tilespmem:s30+$0x9050];
	[tilespmem:s26+$0x5060] =	vst v1  }
0x3c: {  	v1 =	vld [tilespmem:s30+$0x9060];
	[tilespmem:s26+$0x5070] =	vst v0;
	s26 =	smov.u32 s30  }
0x3d: {  	v0 =	vld [tilespmem:s26+$0x9070]  }
0x3e: {  	v6 =	vld [tilespmem:s26+$0x5000]  }
0x3f: {  	v7 =	vld [tilespmem:s26+$0x5010]  }
.Ltmp0:
0x40: {  	v10 =	vld [tilespmem:s26+$0x5020];
	(pc) =	sbr.rel @p0 .LBB2_3-.Ltmp0, $4  }
0x41: {  	v9 =	vld [tilespmem:s26+$0x5030]  }
0x42: {  	v8 =	vld [tilespmem:s26+$0x5040]  }
0x43: {  	v12 =	vadd.f32 v12, v6;
	v6 =	vld [tilespmem:s26+$0x5050]  }
0x44: {  	s29 =	sadd.s32 $0x200, s29;
	v11 =	vadd.f32 v11, v7;
	v7 =	vld [tilespmem:s26+$0x5060]  }
0x45: {  	[tilespmem:s26+$0x5000] =	vst v12;
	v5 =	vadd.f32 v5, v10;
	v10 =	vld [tilespmem:s26+$0x5070]  }
0x46: {  	[tilespmem:s26+$0x5010] =	vst v11;
	v4 =	vadd.f32 v4, v9  }
0x47: {  	[tilespmem:s26+$0x5020] =	vst v5;
	v3 =	vadd.f32 v3, v8  }
0x48: {  	[tilespmem:s26+$0x5030] =	vst v4;
	v2 =	vadd.f32 v2, v6  }
0x49: {  	[tilespmem:s26+$0x5040] =	vst v3;
	v1 =	vadd.f32 v1, v7  }
0x4a: {  	s28 =	sadd.s32 s6, s28;
	[tilespmem:s26+$0x5050] =	vst v2;
	v0 =	vadd.f32 v0, v10  }
0x4b: {  	s28 =	sshll.u32 s28, $0xB;
	[tilespmem:s26+$0x5060] =	vst v1  }
0x4c: {  	s31 =	sadd.s32 s5, s28;
	[tilespmem:s26+$0x5070] =	vst v0  }
0x4d: {  	[hbm4b:s31+s2] =	stream.linear.scatter [tilespmem:s13], [sflag:$0x5], $0x4000, $0x38;
	[tilespmem:$0x15000] =	vst v63  }
0x4e: {  	_ =	swait.ge [sflag:s19], $0x4000  }
0x4f: {  	[sflag:s19] =	ssyncset.done $0x0  }
0x50: {  	[sflag:s19] =	ssyncadd.s32 $0xFFFFC000  }
0x51: {  	_ =	swait.ge [sflag:s20], $0x4000  }
0x52: {  	p0 =	seq.s32 s24, $0x27;
	[sflag:s20] =	ssyncset.done $0x0  }
0x53: {  	s26 =	simm.s32 @!p0 $0x5;
	[sflag:s20] =	ssyncadd.s32 $0xFFFFC000  }
0x54: {  	_ =	swait.ge @!p0 [sflag:s26], $0x4000  }
0x55: {  	[sflag:s26] =	ssyncset.done @!p0 $0x0  }
0x56: {  	[sflag:s26] =	ssyncadd.s32 @!p0 $0xFFFFC000;
	s26 =	sshll.u32 @!p0 s24, $0x8  }
0x57: {  	s29 =	simm.s32 @!p0 $0x80;
	s30 =	simm.s32 @!p0 $0x5000;
	s28 =	sadd.s32 @!p0 $0x100, s26  }
0x58: {  	[tilespmem:s30], [sflag:$0x1] =	stream.indirect.gather @!p0 [hbm4b:s3+s29], $0x80, s28, s29, $0xb8;
	[tilespmem:$0x15000] =	vst v63  }
0x59: {  	s26 =	sadd.s32 @!p0 $0x2900, s26;
	s28 =	simm.s32 @!p0 $0x9000  }
0x5a: {  	[tilespmem:s28], [sflag:$0x2] =	stream.indirect.gather @!p0 [hbm4b:s4+s29], $0x80, s26, s29, $0xb8;
	[tilespmem:$0x15000] =	vst v63  }
0x5b: {  	s26 =	simm.s32 $0x0  }
0x5c: {  	v7 =	vld [tilespmem:s26+$0x11000]  }
0x5d: {  	v11 =	vld [tilespmem:s26+$0x11010]  }
0x5e: {  	v5 =	vld [tilespmem:s26+$0x11020]  }
0x5f: {  	v4 =	vld [tilespmem:s26+$0x11030]  }
0x60: {  	v3 =	vld [tilespmem:s26+$0x11040]  }
0x61: {  	v2 =	vld [tilespmem:s26+$0x11050]  }
0x62: {  	v1 =	vld [tilespmem:s26+$0x11060]  }
0x63: {  	v0 =	vld [tilespmem:s26+$0x11070]  }
0x64: {  	v12 =	vld [tilespmem:s26+$0xD000]  }
0x65: {  	v13 =	vld [tilespmem:s26+$0xD010]  }
0x66: {  	v10 =	vld [tilespmem:s26+$0xD020]  }
0x67: {  	v9 =	vld [tilespmem:s26+$0xD030]  }
0x68: {  	v8 =	vld [tilespmem:s26+$0xD040]  }
0x69: {  	v6 =	vld [tilespmem:s26+$0xD050];
	v12 =	vadd.f32 v7, v12  }
0x6a: {  	s28 =	simm.s32 $0x200;
	v11 =	vadd.f32 v11, v13;
	v7 =	vld [tilespmem:s26+$0xD060]  }
.LBB2_5:
0x6b: {  	s29 =	sshra.s32 s28, $0x2;
	p0 =	sne.s32 s28, $0xFE00;
	[tilespmem:s26+$0xD000] =	vst v12;
	v5 =	vadd.f32 v5, v10;
	v10 =	vld [tilespmem:s26+$0xD070]  }
0x6c: {  	v12 =	vld [tilespmem:s29+$0x11000];
	[tilespmem:s26+$0xD010] =	vst v11;
	v4 =	vadd.f32 v4, v9  }
0x6d: {  	v11 =	vld [tilespmem:s29+$0x11010];
	[tilespmem:s26+$0xD020] =	vst v5;
	v3 =	vadd.f32 v3, v8  }
0x6e: {  	v5 =	vld [tilespmem:s29+$0x11020];
	[tilespmem:s26+$0xD030] =	vst v4;
	v2 =	vadd.f32 v2, v6  }
0x6f: {  	v4 =	vld [tilespmem:s29+$0x11030];
	[tilespmem:s26+$0xD040] =	vst v3;
	v1 =	vadd.f32 v1, v7  }
0x70: {  	v3 =	vld [tilespmem:s29+$0x11040];
	[tilespmem:s26+$0xD050] =	vst v2;
	v0 =	vadd.f32 v0, v10  }
0x71: {  	v2 =	vld [tilespmem:s29+$0x11050];
	[tilespmem:s26+$0xD060] =	vst v1  }
0x72: {  	v1 =	vld [tilespmem:s29+$0x11060];
	[tilespmem:s26+$0xD070] =	vst v0;
	s26 =	smov.u32 s29  }
0x73: {  	v0 =	vld [tilespmem:s26+$0x11070]  }
0x74: {  	v6 =	vld [tilespmem:s26+$0xD000]  }
0x75: {  	v7 =	vld [tilespmem:s26+$0xD010]  }
.Ltmp1:
0x76: {  	v10 =	vld [tilespmem:s26+$0xD020];
	(pc) =	sbr.rel @p0 .LBB2_5-.Ltmp1, $4  }
0x77: {  	v9 =	vld [tilespmem:s26+$0xD030]  }
0x78: {  	v8 =	vld [tilespmem:s26+$0xD040]  }
0x79: {  	v12 =	vadd.f32 v12, v6;
	v6 =	vld [tilespmem:s26+$0xD050]  }
0x7a: {  	s28 =	sadd.s32 $0x200, s28;
	v11 =	vadd.f32 v11, v7;
	v7 =	vld [tilespmem:s26+$0xD060]  }
0x7b: {  	[tilespmem:s26+$0xD000] =	vst v12;
	v5 =	vadd.f32 v5, v10;
	v63 =	vld [tilespmem:s26+$0xD070]  }
0x7c: {  	[tilespmem:s26+$0xD010] =	vst v11;
	v4 =	vadd.f32 v4, v9  }
0x7d: {  	s24 =	sadd.s32 $0x1, s24;
	[tilespmem:s26+$0xD020] =	vst v5;
	v3 =	vadd.f32 v3, v8  }
0x7e: {  	p0 =	sne.s32 s24, $0x28;
	[tilespmem:s26+$0xD030] =	vst v4;
	v2 =	vadd.f32 v2, v6  }
.Ltmp2:
0x7f: {  	s25 =	sadd.s32 s6, s25;
	[tilespmem:s26+$0xD040] =	vst v3;
	v1 =	vadd.f32 v1, v7;
	(pc) =	sbr.rel @p0 .LBB2_2-.Ltmp2, $4  }
0x80: {  	s25 =	sshll.u32 s25, $0xB;
	[tilespmem:s26+$0xD050] =	vst v2;
	v0 =	vadd.f32 v0, v63  }
0x81: {  	s25 =	sand.u32 $0x1FFFF800, s25;
	[tilespmem:s26+$0xD060] =	vst v1  }
0x82: {  	s25 =	sadd.s32 s5, s25;
	[tilespmem:s26+$0xD070] =	vst v0  }
0x83: {  	[hbm4b:s25+s2] =	stream.linear.scatter [tilespmem:s17], [sflag:$0x6], $0x4000, $0x38;
	[tilespmem:$0x15000] =	vst v63  }
0x84: {  	s23 =	sadd.s32 $0x1, s23  }
0x85: {  	_ =	swait.ge [sflag:s21], $0x4000;
	p0 =	sne.s32 s23, s9  }
.Ltmp3:
0x86: {  	[sflag:s21] =	ssyncset.done $0x0;
	(pc) =	sbr.rel @p0 .LBB2_1-.Ltmp3, $4  }
0x87: {  	[sflag:s21] =	ssyncadd.s32 $0xFFFFC000  }
0x88: {  	_ =	swait.ge [sflag:s22], $0x4000  }
0x89: {  	[sflag:s22] =	ssyncset.done $0x0  }
0x8a: {  	[sflag:s22] =	ssyncadd.s32 $0xFFFFC000  }
0x8b: {  	_ =	sfence.sel $0x180000  }
0x8c: {  	[bflag:$0x0] =	sbarrier.arrive $0xFFFF  }
0x8d: {  	p0 =	sne.s32 s1, $0x0;
	_ =	strace $0x9000004D  }
0x8e: {  	s0 =	sadd.s32 @!p0 $0x100000, s0;
	[bflag:$0x2] =	sbarrier.arrive $0xFFFF  }
0x8f: {  	[sflag:s0] =	ssyncadd.tile.s32 @!p0 $0x1;
	_ =	shalt  }
.Lfunc_end2:
_tile_overlayer_lowered:
.L_overlay_start_2:
0x90: {  	(tag) =	ssettag $0x2  }
0x91: {  	s0 =	rddreg [dreg:$0x0];
	s2 =	stileid.u32  }
0x92: {  	s1 =	rddreg [dreg:$0x1];
	p0 =	sne.s32 s2, $0x0  }
0x93: {  	s3 =	rddreg [dreg:$0x2];
	[bflag:$0x3] =	sbarrier.arrive $0xFFFF;
	s2 =	simm.s32 @!p0 $0x1C07  }
0x94: {  	[timem:s3], [sflag:s2] =	dma.local @!p0 [hbm:s0], s1  }
0x95: {  	s0 =	simm.s32 @!p0 $0x7  }
0x96: {  	_ =	swait.ge @!p0 [sflag:s0], s1  }
0x97: {  	s1 =	ssub.s32 @!p0 $0x0, s1;
	[sflag:s0] =	ssyncset.done @!p0 $0x0  }
0x98: {  	[sflag:s0] =	ssyncadd.s32 @!p0 s1  }
0x99: {  	[bflag:$0x3] =	sbarrier.arrive $0xFFFF  }
0x9a: {  	_ =	shalt  }

// kernel: kernel.24.cloned.1.call-start
scs
__scs_entry_jumppad:
0x0: {  	(pc) =	sbr.rel $0x88, $3  }
0x1: {  	(tag) =	ssettag $0x0;
	lr =	simm.s32 $0x1  }
0x2: {  	[smem:$0x3F85] =	sst lr;
	_ =	strace $0xD0000000  }
0x3: {  	_ = 	snop  }
0x4: {  	_ = 	snop  }
0x5: {  	_ = 	snop  }
0x6: {  	_ = 	snop  }
0x7: {  	_ = 	snop  }
__scs_overlays_trampoline_lowered:
0x8: {  	[smem:$0x3F94] =	sst s0  }
0x9: {  	[smem:$0x3F95] =	sst s1  }
0xa: {  	[smem:$0x3F96] =	sst s2  }
0xb: {  	[smem:$0x3F97] =	sst s3  }
0xc: {  	[smem:$0x3F98] =	sst s4  }
0xd: {  	[smem:$0x3F99] =	sst s5  }
0xe: {  	[smem:$0x3F9A] =	sst s6  }
0xf: {  	[smem:$0x3F9B] =	sst s7  }
0x10: {  	[smem:$0x3F9C] =	sst s8  }
0x11: {  	[smem:$0x3F9D] =	sst s9;
	s0 =	simm.s32 @!p0 $0x0  }
0x12: {  	s1 =	sld [smem:$0x3F83];
	s0 =	simm.s32 @p0 $0x1  }
0x13: {  	[smem:$0x3F9E] =	sst s0;
	s0 =	simm.s32 @!p1 $0x0  }
0x14: {  	s2 =	sld [smem:$0x3F82];
	s0 =	simm.s32 @p1 $0x1  }
0x15: {  	[smem:$0x3F9F] =	sst s0;
	s0 =	simm.s32 @!p2 $0x0  }
0x16: {  	s3 =	sld [smem:$0x3FDB];
	s0 =	simm.s32 @p2 $0x1  }
0x17: {  	s4 =	simm.s32 $0x1BF5;
	[smem:$0x3FA1] =	sst s0  }
0x18: {  	s0 =	sld [smem:$0x3F84];
	_ =	swait.ge [sflag:s4], $0x0  }
0x19: {  	s7 =	sld [smem:$0x3F85]  }
0x1a: {  	s8 =	sadd.s32 $0xFFFFE003, lr  }
0x1b: {  	s9 =	sadd.s32 $0xFFFFFEF7, lr;
	s5 =	simm.s32 $0xFFFFFFFF;
	p2 =	slt.u32 s8, $0xFFFFF086  }
0x1c: {  	p1 =	slt.u32 s9, $0xF7A;
	s5 =	simm.s32 @!p2 $0x0  }
0x1d: {  	s5 =	simm.s32 @p1 $0x1;
	p0 =	seq.s32 s7, s2  }
0x1e: {  	s7 =	smul.u32 @!p0 $0xF7A, s2;
	p2 =	seq.s32 @!p0 s5, $0x0  }
0x1f: {  	s9 =	smul.u32 $0xF7A, s1;
	s8 =	simm.s32 @!p0 $0x1BF5;
	p2 =	por !p2, p0  }
0x20: {  	[sflag:s8] =	ssyncset.s32 @!p0 $0xFFFFF086;
	s6 =	sadd.s32 @!p0 s3, s7;
	s7 =	simm.s32 @!p0 $0x108  }
0x21: {  	s3 =	sadd.s32 s3, s9;
	s6 =	sadd.s32 @!p0 $0x88, s6;
	s7 =	simm.s32 @p2 $0x1082  }
0x22: {  	[simem:s7], [sflag:s8] =	dma.local @!p0 [hbm:s6], $0xF7A  }
0x23: {  	s9 =	sor.u32 $0xD0000000, s2;
	s6 =	simm.s32 $0x108;
	_ =	swait.ge @!p0 [sflag:s8], $0x0  }
0x24: {  	s3 =	sadd.s32 $0x88, s3;
	s6 =	simm.s32 @!p1 $0x1082;
	[sflag:s4] =	ssyncset.s32 $0xFFFFF086  }
0x25: {  	[simem:s6], [sflag:s4] =	dma.local [hbm:s3], $0xF7A  }
0x26: {  	[smem:$0x3F85] =	sst s1;
	(tag) =	ssettag s2;
	_ =	strace s9  }
0x27: {  	s1 =	sld [smem:$0x3F95]  }
0x28: {  	s2 =	sld [smem:$0x3F96]  }
0x29: {  	s4 =	sld [smem:$0x3F98]  }
0x2a: {  	p0 =	seq.s32 s5, $0x0;
	s5 =	sld [smem:$0x3F99]  }
0x2b: {  	s6 =	sld [smem:$0x3F9A]  }
0x2c: {  	s7 =	sld [smem:$0x3F9B]  }
0x2d: {  	s3 =	simm.s32 $0x108;
	s8 =	sld [smem:$0x3F9C]  }
0x2e: {  	s3 =	simm.s32 @!p0 $0x1082;
	s9 =	sld [smem:$0x3F9D]  }
0x2f: {  	lr =	sadd.s32 s0, s3;
	s0 =	sld [smem:$0x3F94]  }
0x30: {  	s3 =	sld [smem:$0x3F97]  }
0x31: {  	[smem:$0x3FA0] =	sst s10  }
0x32: {  	s10 =	sld [smem:$0x3F9E];
	_ =	sdelay $0x3  }
0x33: {  	p0 =	seq.s32 s10, $0x1;
	s10 =	sld [smem:$0x3FA0];
	_ =	sdelay $0x3  }
0x34: {  	[smem:$0x3FA0] =	sst s10  }
0x35: {  	s10 =	sld [smem:$0x3F9F];
	_ =	sdelay $0x3  }
0x36: {  	p1 =	seq.s32 s10, $0x1;
	s10 =	sld [smem:$0x3FA0];
	_ =	sdelay $0x3  }
0x37: {  	[smem:$0x3FA0] =	sst s10  }
0x38: {  	s10 =	sld [smem:$0x3FA1]  }
0x39: {  	_ = 	snop;
	(pc) =	sbr.ind lr, $3  }
0x3a: {  	_ = 	snop  }
0x3b: {  	_ = 	snop  }
0x3c: {  	p2 =	seq.s32 s10, $0x1;
	s10 =	sld [smem:$0x3FA0]  }
0x3d: {  	_ =	shalt  }
0x3e: {  	_ =	shalt  }
0x3f: {  	_ =	shalt  }
0x40: {  	_ =	shalt  }
0x41: {  	_ =	shalt  }
0x42: {  	_ =	shalt  }
0x43: {  	_ =	shalt  }
0x44: {  	_ =	shalt  }
0x45: {  	_ =	shalt  }
0x46: {  	_ =	shalt  }
0x47: {  	_ =	shalt  }
0x48: {  	_ =	shalt  }
0x49: {  	_ =	shalt  }
0x4a: {  	_ =	shalt  }
0x4b: {  	_ =	shalt  }
0x4c: {  	_ =	shalt  }
0x4d: {  	_ =	shalt  }
0x4e: {  	_ =	shalt  }
0x4f: {  	_ =	shalt  }
0x50: {  	_ =	shalt  }
0x51: {  	_ =	shalt  }
0x52: {  	_ =	shalt  }
0x53: {  	_ =	shalt  }
0x54: {  	_ =	shalt  }
0x55: {  	_ =	shalt  }
0x56: {  	_ =	shalt  }
0x57: {  	_ =	shalt  }
0x58: {  	_ =	shalt  }
0x59: {  	_ =	shalt  }
0x5a: {  	_ =	shalt  }
0x5b: {  	_ =	shalt  }
0x5c: {  	_ =	shalt  }
0x5d: {  	_ =	shalt  }
0x5e: {  	_ =	shalt  }
0x5f: {  	_ =	shalt  }
0x60: {  	_ =	shalt  }
0x61: {  	_ =	shalt  }
0x62: {  	_ =	shalt  }
0x63: {  	_ =	shalt  }
0x64: {  	_ =	shalt  }
0x65: {  	_ =	shalt  }
0x66: {  	_ =	shalt  }
0x67: {  	_ =	shalt  }
0x68: {  	_ =	shalt  }
0x69: {  	_ =	shalt  }
0x6a: {  	_ =	shalt  }
0x6b: {  	_ =	shalt  }
0x6c: {  	_ =	shalt  }
0x6d: {  	_ =	shalt  }
0x6e: {  	_ =	shalt  }
0x6f: {  	_ =	shalt  }
0x70: {  	_ =	shalt  }
0x71: {  	_ =	shalt  }
0x72: {  	_ =	shalt  }
0x73: {  	_ =	shalt  }
0x74: {  	_ =	shalt  }
0x75: {  	_ =	shalt  }
0x76: {  	_ =	shalt  }
0x77: {  	_ =	shalt  }
0x78: {  	_ =	shalt  }
0x79: {  	_ =	shalt  }
0x7a: {  	_ =	shalt  }
0x7b: {  	_ =	shalt  }
0x7c: {  	_ =	shalt  }
0x7d: {  	_ =	shalt  }
0x7e: {  	_ =	shalt  }
0x7f: {  	_ =	shalt  }
0x80: {  	_ =	shalt  }
0x81: {  	_ =	shalt  }
0x82: {  	_ =	shalt  }
0x83: {  	_ =	shalt  }
0x84: {  	_ =	shalt  }
0x85: {  	_ =	shalt  }
0x86: {  	_ =	shalt  }
0x87: {  	_ =	shalt  }
.Lfunc_end0:
.L_simem_size_0:
called_computation.3_lowered:
.L_overlay_start_0:
0x88: {  	s2 =	sld [smem:$0x3FD9]  }
0x89: {  	s3 =	sld [smem:$0x3FFE];
	_ =	sdelay $0x1  }
0x8a: {  	s1 =	srdreg.scid  }
0x8b: {  	s0 =	sand.u32 $0x1, s1  }
0x8c: {  	s16 =	sshll.u32 s0, $0xA;
	s2 =	sadd.s32 s3, s2  }
0x8d: {  	s2 =	sadd.s32 s2, s16  }
0x8e: {  	[smem:$0x3FAC] =	sst s2  }
0x8f: {  	_ = 	snop  }
0x90: {  	(tm) =	ssettm $0x1  }
0x91: {  	s17 =	sld [smem:$0x3FFB];
	_ =	sdelay $0x3  }
0x92: {  	_ =	strace s17  }
0x93: {  	s2 =	sld [smem:$0x3FFC];
	_ =	sdelay $0x3  }
0x94: {  	_ =	strace s2  }
0x95: {  	s2 =	sld [smem:$0x3FFD];
	_ =	sdelay $0x3  }
0x96: {  	_ =	strace s2  }
0x97: {  	_ =	strace $0x8FFFFFFF  }
0x98: {  	s18 =	sld [smem:$0x3FDB];
	_ =	sdelay $0x1  }
0x99: {  	s19 =	simm.s32 $_scs_section_size  }
0x9a: {  	s4 =	simm.s32 $_size__tile_overlayer_lowered;
	s5 =	simm.s32 $_tile_overlayer_lowered  }
0x9b: {  	s22 =	simm.s32 $0x1BFF;
	s21 =	sshll.u32 s5, $0x1;
	s2 =	sadd.s32 s19, s18  }
0x9c: {  	s6 =	simm.s32 $0x0;
	s20 =	sshll.u32 s4, $0x1;
	s4 =	sadd.s32 s21, s2  }
0x9d: {  	[timem:s6], [sflag:s22] =	dma.local [hbm:s4], s20  }
0x9e: {  	_ =	swait.ge [sflag:s22], s20  }
0x9f: {  	s3 =	ssub.s32 $0x0, s20;
	[sflag:s22] =	ssyncset.done $0x0  }
0xa0: {  	[sflag:s22] =	ssyncadd.s32 s3;
	_ =	sdelay $0x1  }
0xa1: {  	s23 =	simm.s32 $0x1B8B  }
0xa2: {  	_ =	swait.ge [sflag:s23], $0x1  }
0xa3: {  	[sflag:s23] =	ssyncset.done $0x0  }
0xa4: {  	s25 =	simm.s32 $0x1B8E;
	s24 =	sld [smem:$0x3FFE];
	[sflag:s23] =	ssyncadd.s32 $0xFFFFFFFF  }
0xa5: {  	s26 =	simm.s32 $execute0_lowered;
	[smem:$0x3FD2] =	sst s25  }
0xa6: {  	s4 =	sshll.u32 s26, $0x1;
	_ =	strace $0x8000004F;
	[dreg:$0x1] =	wrdreg $0xFFFFFFFF  }
0xa7: {  	s28 =	simm.s32 $_size_execute0_lowered;
	s2 =	sadd.s32 s2, s4;
	[dreg:$0x0] =	wrdreg $0x0  }
0xa8: {  	s4 =	sshll.u32 s28, $0x1;
	[dreg:$0x2] =	wrdreg s2  }
0xa9: {  	[dreg:$0x3] =	wrdreg s4  }
0xaa: {  	[dreg:$0x4] =	wrdreg $0xC0  }
0xab: {  	_ =	task [dreg:s6], $0x5FFFF  }
0xac: {  	[dreg:$0x1] =	wrdreg $0xFFFFFFFF  }
0xad: {  	[dreg:$0x0] =	wrdreg $0x60  }
0xae: {  	[dreg:$0x2] =	wrdreg s24  }
0xaf: {  	[dreg:$0x3] =	wrdreg $0xA8000  }
0xb0: {  	[dreg:$0x4] =	wrdreg $0x9  }
0xb1: {  	_ =	task.clear_ibuf [dreg:s6], $0x5FFFF;
	_ =	strace $0x9000004F  }
0xb2: {  	s29 =	simm.s32 $0x9;
	_ =	strace $0x80000051  }
0xb3: {  	_ =	swait.ge [sflag:s29], $0x1  }
0xb4: {  	[sflag:s29] =	ssyncadd.s32 $0xFFFFFFFF  }
0xb5: {  	_ =	strace $0x90000051  }
0xb6: {  	_ =	sfence  }
0xb7: {  	s30 =	sld [smem:$0x0];
	_ =	sdelay $0x2  }
0xb8: {  	s31 =	sshll.u32 s1, $0xD;
	s1 =	sshrl.u32 s1, $0x2  }
0xb9: {  	s3 =	sand.u32 $0x4000, s31;
	s1 =	sadd.s32 s1, s30  }
0xba: {  	s0 =	sor.u32 s3, s0;
	s1 =	sshll.u32 s1, $0x11  }
0xbb: {  	s0 =	sor.u32 s1, s0  }
0xbc: {  	s0 =	sadd.s32 $0x8F2B, s0  }
0xbd: {  	[sflag:s0] =	ssyncadd.remote.s32 $0x1  }
0xbe: {  	_ =	sfence.sel $0xFFFF  }
0xbf: {  	[dreg:$0x0] =	wrdreg $0xFFFFFFFF;
	(pc) =	sbr.abs _section_cstart, $3  }
0xc0: {  	[dreg:$0x1] =	wrdreg $0xFFFFFFFF  }
0xc1: {  	_ =	task.clear_ibuf [dreg:s6], $0x2FFFF;
	_ =	strace $0x9FFFFFFF  }
0xc2: {  	(tm) =	ssettm $0x7FFFFFFF  }
0xc3: {  	_ =	shalt  }
tec
execute0_lowered:
.L_overlay_start_1:
0x0: {  	(tag) =	ssettag $0x1  }
0x1: {  	s13 =	rddreg [dreg:$0x0]  }
0x2: {  	s0 =	srdreg.scid;
	s2 =	rddreg [dreg:$0x1]  }
0x3: {  	s3 =	simm.s32 $0x0;
	s18 =	simm.s32 $0x6B800;
	s19 =	simm.s32 $0x6800  }
0x4: {  	s20 =	simm.s32 $0x80;
	s21 =	simm.s32 $0x2;
	s22 =	simm.s32 $0x2700  }
0x5: {  	s23 =	simm.s32 $0x2780;
	s11 =	sand.u32 $0x1, s0;
	s0 =	stileid.u32  }
0x6: {  	s24 =	simm.s32 $0x0;
	[smem:$0x7FF] =	sst s3;
	s6 =	smul.u32 $0x4F000, s0  }
0x7: {  	s14 =	sadd.s32 $0x592400, s13;
	s1 =	sshll.u32 s11, $0x4;
	s15 =	smul.u32 $0x500, s11  }
0x8: {  	s7 =	ssub.s32 $0x2, s11;
	s16 =	smul.u32 $0x50, s0;
	p0 =	seq.s32 s11, $0x1  }
0x9: {  	s17 =	smul.u32 $0x2780, s0;
	s5 =	sor.u32 s0, s1;
	s1 =	rddreg [dreg:$0x2]  }
0xa: {  	_ =	strace $0x80000050;
	s31 =	sshrl.u32 s7, $0x1;
	s18 =	simm.s32 @!p0 $0x44000  }
0xb: {  	s4 =	smul.u32 $0x500, s5;
	s6 =	sshrl.u32 s6, $0x2;
	s12 =	ssub.s32 s7, s31  }
0xc: {  	s10 =	smul.u32 $0x28000, s5;
	s15 =	sadd.s32 s16, s15;
	s16 =	simm.s32 $0x2800  }
0xd: {  	s11 =	smax.u32 s12, $0x1;
	s15 =	sshll.u32 s15, $0xB;
	s9 =	sadd.s32 s4, s13  }
0xe: {  	s4 =	sadd.s32 s6, s2;
	s10 =	sadd.s32 s14, s10;
	s13 =	sadd.s32 s18, s13  }
0xf: {  	s15 =	sadd.s32 s15, s14;
	s18 =	simm.s32 $0x1;
	s5 =	sadd.s32 $0x4000, s4  }
0x10: {  	s6 =	sadd.s32 $0x8000, s4;
	s7 =	sadd.s32 $0xC000, s4;
	s8 =	sadd.s32 $0x10000, s4  }
0x11: {  	s9 =	sadd.s32 $0x3A000, s9;
	s12 =	sadd.s32 $0x27800, s10;
	s13 =	sadd.s32 s13, s17  }
0x12: {  	v0 =	vimm.f32 $0.0e+00;
	s14 =	sadd.s32 $0x1000, s15;
	s15 =	sadd.s32 $0x800, s15;
	s17 =	simm.s32 $0x3  }
.LBB2_1:
0x13: {  	s25 =	simm.s32 $0x0;
	s26 =	simm.s32 $0x200  }
.LBB2_2:
0x14: {  	p0 =	sne.s32 s26, $0xFE00;
	[tilespmem:s25+$0x2870] =	vst v0  }
0x15: {  	[tilespmem:s25+$0x2800] =	vst v0  }
0x16: {  	[tilespmem:s25+$0x2810] =	vst v0  }
.Ltmp0:
0x17: {  	[tilespmem:s25+$0x2820] =	vst v0;
	(pc) =	sbr.rel @p0 .LBB2_2-.Ltmp0, $4  }
0x18: {  	[tilespmem:s25+$0x2830] =	vst v0  }
0x19: {  	[tilespmem:s25+$0x2840] =	vst v0  }
0x1a: {  	[tilespmem:s25+$0x2850] =	vst v0  }
0x1b: {  	[tilespmem:s25+$0x2860] =	vst v0;
	s25 =	sshra.s32 s26, $0x2;
	s26 =	sadd.s32 $0x200, s26  }
0x1c: {  	[tilespmem:s25+$0x2870] =	vst v0  }
0x1d: {  	[tilespmem:s25+$0x2800] =	vst v0  }
0x1e: {  	[tilespmem:s25+$0x2810] =	vst v0  }
0x1f: {  	[tilespmem:s25+$0x2820] =	vst v0  }
0x20: {  	[tilespmem:s25+$0x2830] =	vst v0  }
0x21: {  	[tilespmem:s25+$0x2840] =	vst v0  }
0x22: {  	[tilespmem:s25+$0x2850] =	vst v0  }
0x23: {  	[tilespmem:s25+$0x2860] =	vst v0  }
0x24: {  	[spmem:s4] =	stream.linear.scatter [tilespmem:s16], [sflag:$0x3], $0x4000, $0x38;
	[tilespmem:$0x1E400] =	vst v63  }
0x25: {  	_ =	swait.ge [sflag:s17], $0x4000  }
0x26: {  	[sflag:s17] =	ssyncset.done $0x0  }
0x27: {  	[sflag:s17] =	ssyncadd.s32 $0xFFFFC000  }
0x28: {  	[spmem:s5] =	stream.linear.scatter [tilespmem:s16], [sflag:$0x3], $0x4000, $0x38;
	[tilespmem:$0x1E400] =	vst v63  }
0x29: {  	_ =	swait.ge [sflag:s17], $0x4000  }
0x2a: {  	[sflag:s17] =	ssyncset.done $0x0  }
0x2b: {  	[sflag:s17] =	ssyncadd.s32 $0xFFFFC000  }
0x2c: {  	[spmem:s6] =	stream.linear.scatter [tilespmem:s16], [sflag:$0x3], $0x4000, $0x38;
	[tilespmem:$0x1E400] =	vst v63  }
0x2d: {  	_ =	swait.ge [sflag:s17], $0x4000  }
0x2e: {  	[sflag:s17] =	ssyncset.done $0x0  }
0x2f: {  	[sflag:s17] =	ssyncadd.s32 $0xFFFFC000  }
0x30: {  	[spmem:s7] =	stream.linear.scatter [tilespmem:s16], [sflag:$0x3], $0x4000, $0x38;
	[tilespmem:$0x1E400] =	vst v63  }
0x31: {  	_ =	swait.ge [sflag:s17], $0x4000  }
0x32: {  	[sflag:s17] =	ssyncset.done $0x0  }
0x33: {  	[sflag:s17] =	ssyncadd.s32 $0xFFFFC000  }
0x34: {  	[spmem:s8] =	stream.linear.scatter [tilespmem:s16], [sflag:$0x3], $0x3C00, $0x38;
	[tilespmem:$0x1E400] =	vst v63  }
0x35: {  	_ =	swait.ge [sflag:s17], $0x3C00  }
0x36: {  	[sflag:s17] =	ssyncset.done $0x0  }
0x37: {  	s25 =	simm.s32 $0x0;
	[sflag:s17] =	ssyncadd.s32 $0xFFFFC400  }
0x38: {  	[tilespmem:s25], [sflag:$0x3] =	stream.linear.gather [hbm4b:s9+s25], $0x2800, $0x38;
	[tilespmem:$0x1E400] =	vst v63  }
0x39: {  	_ =	swait.ge [sflag:s17], $0x2800  }
0x3a: {  	[sflag:s17] =	ssyncset.done $0x0  }
0x3b: {  	[sflag:s17] =	ssyncadd.s32 $0xFFFFD800  }
0x3c: {  	[bflag:$0x0] =	sbarrier.arrive $0xFFFF  }
0x3d: {  	[tilespmem:s16], [sflag:$0x1] =	stream.linear.gather [hbm4b:s10+s25], $0x4000, $0x38;
	[tilespmem:$0x1E400] =	vst v63  }
0x3e: {  	_ =	swait.ge [sflag:s18], $0x4000  }
0x3f: {  	[sflag:s18] =	ssyncset.done $0x0  }
0x40: {  	s26 =	sadd.s32 $0x0, s15;
	[sflag:s18] =	ssyncadd.s32 $0xFFFFC000  }
0x41: {  	[tilespmem:s19], [sflag:$0x2] =	stream.linear.gather [hbm4b:s26+s3], $0x4000, $0x38;
	[tilespmem:$0x1E400] =	vst v63  }
0x42: {  	_ = 	snop  }
0x43: {  	[spmem:s2] =	stream.indirect.scatter.add.f32 [tilespmem:s16], [sflag:$0x3], $0x80, s25, s20, $0xb8;
	[tilespmem:$0x1E400] =	vst v63  }
0x44: {  	_ =	swait.ge [sflag:s17], $0x4000  }
0x45: {  	[sflag:s17] =	ssyncset.done $0x0  }
0x46: {  	[sflag:s17] =	ssyncadd.s32 $0xFFFFC000  }
0x47: {  	_ =	swait.ge [sflag:s21], $0x4000  }
0x48: {  	[sflag:s21] =	ssyncset.done $0x0  }
0x49: {  	s30 =	sadd.s32 $0x0, s14;
	[sflag:s21] =	ssyncadd.s32 $0xFFFFC000  }
0x4a: {  	[tilespmem:s16], [sflag:$0x1] =	stream.linear.gather [hbm4b:s30+s3], $0x4000, $0x38;
	[tilespmem:$0x1E400] =	vst v63  }
0x4b: {  	s31 =	simm.s32 $0x80  }
0x4c: {  	[spmem:s2] =	stream.indirect.scatter.add.f32 [tilespmem:s19], [sflag:$0x3], $0x80, s31, s20, $0xb8;
	[tilespmem:$0x1E400] =	vst v63  }
0x4d: {  	_ =	swait.ge [sflag:s17], $0x4000  }
0x4e: {  	s26 =	simm.s32 $0x1000;
	[sflag:s17] =	ssyncset.done $0x0  }
.LBB2_4:
0x4f: {  	p0 =	sne.s32 s26, $0x26000;
	[sflag:s17] =	ssyncadd.s32 $0xFFFFC000;
	s25 =	sadd.s32 $0x100, s25  }
0x50: {  	s28 =	smov.u32 s26;
	s26 =	sadd.s32 $0x1000, s26  }
0x51: {  	_ =	swait.ge [sflag:s18], $0x4000  }
0x52: {  	[sflag:s18] =	ssyncset.done $0x0  }
0x53: {  	s29 =	sadd.s32 s28, s15;
	[sflag:s18] =	ssyncadd.s32 $0xFFFFC000  }
0x54: {  	[tilespmem:s19], [sflag:$0x2] =	stream.linear.gather [hbm4b:s29+s3], $0x4000, $0x38;
	[tilespmem:$0x1E400] =	vst v63  }
0x55: {  	_ = 	snop  }
0x56: {  	[spmem:s2] =	stream.indirect.scatter.add.f32 [tilespmem:s16], [sflag:$0x3], $0x80, s25, s20, $0xb8;
	[tilespmem:$0x1E400] =	vst v63  }
0x57: {  	_ =	swait.ge [sflag:s17], $0x4000  }
0x58: {  	[sflag:s17] =	ssyncset.done $0x0  }
0x59: {  	[sflag:s17] =	ssyncadd.s32 $0xFFFFC000  }
0x5a: {  	_ =	swait.ge [sflag:s21], $0x4000  }
0x5b: {  	[sflag:s21] =	ssyncset.done $0x0  }
0x5c: {  	s28 =	sadd.s32 s28, s14;
	[sflag:s21] =	ssyncadd.s32 $0xFFFFC000  }
0x5d: {  	[tilespmem:s16], [sflag:$0x1] =	stream.linear.gather [hbm4b:s28+s3], $0x4000, $0x38;
	[tilespmem:$0x1E400] =	vst v63  }
.Ltmp1:
0x5e: {  	_ = 	snop;
	(pc) =	sbr.rel @p0 .LBB2_4-.Ltmp1, $4  }
0x5f: {  	s28 =	sadd.s32 $0x80, s25  }
0x60: {  	[spmem:s2] =	stream.indirect.scatter.add.f32 [tilespmem:s19], [sflag:$0x3], $0x80, s28, s20, $0xb8;
	[tilespmem:$0x1E400] =	vst v63  }
0x61: {  	_ =	swait.ge [sflag:s17], $0x4000  }
0x62: {  	[sflag:s17] =	ssyncset.done $0x0  }
0x63: {  	[sflag:s17] =	ssyncadd.s32 $0xFFFFC000  }
0x64: {  	_ =	swait.ge [sflag:s18], $0x4000  }
0x65: {  	[sflag:s18] =	ssyncset.done $0x0  }
0x66: {  	[sflag:s18] =	ssyncadd.s32 $0xFFFFC000  }
0x67: {  	[tilespmem:s19], [sflag:$0x2] =	stream.linear.gather [hbm4b:s12+s3], $0x4000, $0x38;
	[tilespmem:$0x1E400] =	vst v63  }
0x68: {  	_ = 	snop  }
0x69: {  	[spmem:s2] =	stream.indirect.scatter.add.f32 [tilespmem:s16], [sflag:$0x3], $0x80, s22, s20, $0xb8;
	[tilespmem:$0x1E400] =	vst v63  }
0x6a: {  	_ =	swait.ge [sflag:s17], $0x4000  }
0x6b: {  	[sflag:s17] =	ssyncset.done $0x0  }
0x6c: {  	[sflag:s17] =	ssyncadd.s32 $0xFFFFC000  }
0x6d: {  	_ =	swait.ge [sflag:s21], $0x4000  }
0x6e: {  	[sflag:s21] =	ssyncset.done $0x0  }
0x6f: {  	[sflag:s21] =	ssyncadd.s32 $0xFFFFC000  }
0x70: {  	[spmem:s2] =	stream.indirect.scatter.add.f32 [tilespmem:s19], [sflag:$0x3], $0x80, s23, s20, $0xb8;
	[tilespmem:$0x1E400] =	vst v63  }
0x71: {  	_ =	swait.ge [sflag:s17], $0x4000  }
0x72: {  	s25 =	sshll.u32 s0, $0x6;
	s24 =	sadd.s32 $0x1, s24;
	[sflag:s17] =	ssyncset.done $0x0  }
0x73: {  	s26 =	sshrl.u32 s4, $0x3;
	p0 =	sne.s32 s24, s11;
	[sflag:s17] =	ssyncadd.s32 $0xFFFFC000  }
.Ltmp2:
0x74: {  	s25 =	sor.u32 $0x1C03, s25;
	[bflag:$0x0] =	sbarrier.arrive $0xFFFF;
	(pc) =	sbr.rel @p0 .LBB2_1-.Ltmp2, $4  }
0x75: {  	[hbm:s13], [sflag:s25] =	dma.local [spmem:s26], $0x2780  }
0x76: {  	_ =	swait.ge [sflag:s17], $0x2780  }
0x77: {  	[sflag:s17] =	ssyncset.done $0x0  }
0x78: {  	[sflag:s17] =	ssyncadd.s32 $0xFFFFD880  }
0x79: {  	_ =	sfence.sel $0x180000  }
0x7a: {  	[bflag:$0x0] =	sbarrier.arrive $0xFFFF  }
0x7b: {  	p0 =	sne.s32 s0, $0x0;
	_ =	strace $0x90000050  }
0x7c: {  	s0 =	sadd.s32 @!p0 $0x100000, s1;
	[bflag:$0x2] =	sbarrier.arrive $0xFFFF  }
0x7d: {  	[sflag:s0] =	ssyncadd.tile.s32 @!p0 $0x1;
	_ =	shalt  }
.Lfunc_end2:
_tile_overlayer_lowered:
.L_overlay_start_2:
0x7e: {  	(tag) =	ssettag $0x2  }
0x7f: {  	s0 =	rddreg [dreg:$0x0];
	s2 =	stileid.u32  }
0x80: {  	s1 =	rddreg [dreg:$0x1];
	p0 =	sne.s32 s2, $0x0  }
0x81: {  	s3 =	rddreg [dreg:$0x2];
	[bflag:$0x3] =	sbarrier.arrive $0xFFFF;
	s2 =	simm.s32 @!p0 $0x1C03  }
0x82: {  	[timem:s3], [sflag:s2] =	dma.local @!p0 [hbm:s0], s1  }
0x83: {  	s0 =	simm.s32 @!p0 $0x3  }
0x84: {  	_ =	swait.ge @!p0 [sflag:s0], s1  }
0x85: {  	s1 =	ssub.s32 @!p0 $0x0, s1;
	[sflag:s0] =	ssyncset.done @!p0 $0x0  }
0x86: {  	[sflag:s0] =	ssyncadd.s32 @!p0 s1  }
0x87: {  	[bflag:$0x3] =	sbarrier.arrive $0xFFFF  }
0x88: {  	_ =	shalt  }

// kernel: kernel.27.cloned.1.call-start
scs
__scs_entry_jumppad:
0x0: {  	(pc) =	sbr.rel $0x88, $3  }
0x1: {  	(tag) =	ssettag $0x0;
	lr =	simm.s32 $0x1  }
0x2: {  	[smem:$0x3F85] =	sst lr;
	_ =	strace $0xD0000000  }
0x3: {  	_ = 	snop  }
0x4: {  	_ = 	snop  }
0x5: {  	_ = 	snop  }
0x6: {  	_ = 	snop  }
0x7: {  	_ = 	snop  }
__scs_overlays_trampoline_lowered:
0x8: {  	[smem:$0x3F94] =	sst s0  }
0x9: {  	[smem:$0x3F95] =	sst s1  }
0xa: {  	[smem:$0x3F96] =	sst s2  }
0xb: {  	[smem:$0x3F97] =	sst s3  }
0xc: {  	[smem:$0x3F98] =	sst s4  }
0xd: {  	[smem:$0x3F99] =	sst s5  }
0xe: {  	[smem:$0x3F9A] =	sst s6  }
0xf: {  	[smem:$0x3F9B] =	sst s7  }
0x10: {  	[smem:$0x3F9C] =	sst s8  }
0x11: {  	[smem:$0x3F9D] =	sst s9;
	s0 =	simm.s32 @!p0 $0x0  }
0x12: {  	s1 =	sld [smem:$0x3F83];
	s0 =	simm.s32 @p0 $0x1  }
0x13: {  	[smem:$0x3F9E] =	sst s0;
	s0 =	simm.s32 @!p1 $0x0  }
0x14: {  	s2 =	sld [smem:$0x3F82];
	s0 =	simm.s32 @p1 $0x1  }
0x15: {  	[smem:$0x3F9F] =	sst s0;
	s0 =	simm.s32 @!p2 $0x0  }
0x16: {  	s3 =	sld [smem:$0x3FDB];
	s0 =	simm.s32 @p2 $0x1  }
0x17: {  	s4 =	simm.s32 $0x1BF5;
	[smem:$0x3FA1] =	sst s0  }
0x18: {  	s0 =	sld [smem:$0x3F84];
	_ =	swait.ge [sflag:s4], $0x0  }
0x19: {  	s7 =	sld [smem:$0x3F85]  }
0x1a: {  	s8 =	sadd.s32 $0xFFFFE003, lr  }
0x1b: {  	s9 =	sadd.s32 $0xFFFFFEF7, lr;
	s5 =	simm.s32 $0xFFFFFFFF;
	p2 =	slt.u32 s8, $0xFFFFF086  }
0x1c: {  	p1 =	slt.u32 s9, $0xF7A;
	s5 =	simm.s32 @!p2 $0x0  }
0x1d: {  	s5 =	simm.s32 @p1 $0x1;
	p0 =	seq.s32 s7, s2  }
0x1e: {  	s7 =	smul.u32 @!p0 $0xF7A, s2;
	p2 =	seq.s32 @!p0 s5, $0x0  }
0x1f: {  	s9 =	smul.u32 $0xF7A, s1;
	s8 =	simm.s32 @!p0 $0x1BF5;
	p2 =	por !p2, p0  }
0x20: {  	[sflag:s8] =	ssyncset.s32 @!p0 $0xFFFFF086;
	s6 =	sadd.s32 @!p0 s3, s7;
	s7 =	simm.s32 @!p0 $0x108  }
0x21: {  	s3 =	sadd.s32 s3, s9;
	s6 =	sadd.s32 @!p0 $0x88, s6;
	s7 =	simm.s32 @p2 $0x1082  }
0x22: {  	[simem:s7], [sflag:s8] =	dma.local @!p0 [hbm:s6], $0xF7A  }
0x23: {  	s9 =	sor.u32 $0xD0000000, s2;
	s6 =	simm.s32 $0x108;
	_ =	swait.ge @!p0 [sflag:s8], $0x0  }
0x24: {  	s3 =	sadd.s32 $0x88, s3;
	s6 =	simm.s32 @!p1 $0x1082;
	[sflag:s4] =	ssyncset.s32 $0xFFFFF086  }
0x25: {  	[simem:s6], [sflag:s4] =	dma.local [hbm:s3], $0xF7A  }
0x26: {  	[smem:$0x3F85] =	sst s1;
	(tag) =	ssettag s2;
	_ =	strace s9  }
0x27: {  	s1 =	sld [smem:$0x3F95]  }
0x28: {  	s2 =	sld [smem:$0x3F96]  }
0x29: {  	s4 =	sld [smem:$0x3F98]  }
0x2a: {  	p0 =	seq.s32 s5, $0x0;
	s5 =	sld [smem:$0x3F99]  }
0x2b: {  	s6 =	sld [smem:$0x3F9A]  }
0x2c: {  	s7 =	sld [smem:$0x3F9B]  }
0x2d: {  	s3 =	simm.s32 $0x108;
	s8 =	sld [smem:$0x3F9C]  }
0x2e: {  	s3 =	simm.s32 @!p0 $0x1082;
	s9 =	sld [smem:$0x3F9D]  }
0x2f: {  	lr =	sadd.s32 s0, s3;
	s0 =	sld [smem:$0x3F94]  }
0x30: {  	s3 =	sld [smem:$0x3F97]  }
0x31: {  	[smem:$0x3FA0] =	sst s10  }
0x32: {  	s10 =	sld [smem:$0x3F9E];
	_ =	sdelay $0x3  }
0x33: {  	p0 =	seq.s32 s10, $0x1;
	s10 =	sld [smem:$0x3FA0];
	_ =	sdelay $0x3  }
0x34: {  	[smem:$0x3FA0] =	sst s10  }
0x35: {  	s10 =	sld [smem:$0x3F9F];
	_ =	sdelay $0x3  }
0x36: {  	p1 =	seq.s32 s10, $0x1;
	s10 =	sld [smem:$0x3FA0];
	_ =	sdelay $0x3  }
0x37: {  	[smem:$0x3FA0] =	sst s10  }
0x38: {  	s10 =	sld [smem:$0x3FA1]  }
0x39: {  	_ = 	snop;
	(pc) =	sbr.ind lr, $3  }
0x3a: {  	_ = 	snop  }
0x3b: {  	_ = 	snop  }
0x3c: {  	p2 =	seq.s32 s10, $0x1;
	s10 =	sld [smem:$0x3FA0]  }
0x3d: {  	_ =	shalt  }
0x3e: {  	_ =	shalt  }
0x3f: {  	_ =	shalt  }
0x40: {  	_ =	shalt  }
0x41: {  	_ =	shalt  }
0x42: {  	_ =	shalt  }
0x43: {  	_ =	shalt  }
0x44: {  	_ =	shalt  }
0x45: {  	_ =	shalt  }
0x46: {  	_ =	shalt  }
0x47: {  	_ =	shalt  }
0x48: {  	_ =	shalt  }
0x49: {  	_ =	shalt  }
0x4a: {  	_ =	shalt  }
0x4b: {  	_ =	shalt  }
0x4c: {  	_ =	shalt  }
0x4d: {  	_ =	shalt  }
0x4e: {  	_ =	shalt  }
0x4f: {  	_ =	shalt  }
0x50: {  	_ =	shalt  }
0x51: {  	_ =	shalt  }
0x52: {  	_ =	shalt  }
0x53: {  	_ =	shalt  }
0x54: {  	_ =	shalt  }
0x55: {  	_ =	shalt  }
0x56: {  	_ =	shalt  }
0x57: {  	_ =	shalt  }
0x58: {  	_ =	shalt  }
0x59: {  	_ =	shalt  }
0x5a: {  	_ =	shalt  }
0x5b: {  	_ =	shalt  }
0x5c: {  	_ =	shalt  }
0x5d: {  	_ =	shalt  }
0x5e: {  	_ =	shalt  }
0x5f: {  	_ =	shalt  }
0x60: {  	_ =	shalt  }
0x61: {  	_ =	shalt  }
0x62: {  	_ =	shalt  }
0x63: {  	_ =	shalt  }
0x64: {  	_ =	shalt  }
0x65: {  	_ =	shalt  }
0x66: {  	_ =	shalt  }
0x67: {  	_ =	shalt  }
0x68: {  	_ =	shalt  }
0x69: {  	_ =	shalt  }
0x6a: {  	_ =	shalt  }
0x6b: {  	_ =	shalt  }
0x6c: {  	_ =	shalt  }
0x6d: {  	_ =	shalt  }
0x6e: {  	_ =	shalt  }
0x6f: {  	_ =	shalt  }
0x70: {  	_ =	shalt  }
0x71: {  	_ =	shalt  }
0x72: {  	_ =	shalt  }
0x73: {  	_ =	shalt  }
0x74: {  	_ =	shalt  }
0x75: {  	_ =	shalt  }
0x76: {  	_ =	shalt  }
0x77: {  	_ =	shalt  }
0x78: {  	_ =	shalt  }
0x79: {  	_ =	shalt  }
0x7a: {  	_ =	shalt  }
0x7b: {  	_ =	shalt  }
0x7c: {  	_ =	shalt  }
0x7d: {  	_ =	shalt  }
0x7e: {  	_ =	shalt  }
0x7f: {  	_ =	shalt  }
0x80: {  	_ =	shalt  }
0x81: {  	_ =	shalt  }
0x82: {  	_ =	shalt  }
0x83: {  	_ =	shalt  }
0x84: {  	_ =	shalt  }
0x85: {  	_ =	shalt  }
0x86: {  	_ =	shalt  }
0x87: {  	_ =	shalt  }
.Lfunc_end0:
.L_simem_size_0:
called_computation.4_lowered:
.L_overlay_start_0:
0x88: {  	s2 =	sld [smem:$0x3FD9]  }
0x89: {  	s3 =	sld [smem:$0x3FFE];
	_ =	sdelay $0x1  }
0x8a: {  	s1 =	srdreg.scid  }
0x8b: {  	s0 =	sand.u32 $0x1, s1  }
0x8c: {  	s16 =	sshll.u32 s0, $0xA;
	s2 =	sadd.s32 s3, s2  }
0x8d: {  	s2 =	sadd.s32 s2, s16  }
0x8e: {  	[smem:$0x3FAC] =	sst s2  }
0x8f: {  	_ = 	snop  }
0x90: {  	(tm) =	ssettm $0x1  }
0x91: {  	s17 =	sld [smem:$0x3FFB];
	_ =	sdelay $0x3  }
0x92: {  	_ =	strace s17  }
0x93: {  	s2 =	sld [smem:$0x3FFC];
	_ =	sdelay $0x3  }
0x94: {  	_ =	strace s2  }
0x95: {  	s2 =	sld [smem:$0x3FFD];
	_ =	sdelay $0x3  }
0x96: {  	_ =	strace s2  }
0x97: {  	_ =	strace $0x8FFFFFFF  }
0x98: {  	s18 =	sld [smem:$0x3FDB];
	_ =	sdelay $0x1  }
0x99: {  	s19 =	simm.s32 $_scs_section_size  }
0x9a: {  	s4 =	simm.s32 $_size__tile_overlayer_lowered;
	s5 =	simm.s32 $_tile_overlayer_lowered  }
0x9b: {  	s22 =	simm.s32 $0x1BFF;
	s21 =	sshll.u32 s5, $0x1;
	s2 =	sadd.s32 s19, s18  }
0x9c: {  	s6 =	simm.s32 $0x0;
	s20 =	sshll.u32 s4, $0x1;
	s4 =	sadd.s32 s21, s2  }
0x9d: {  	[timem:s6], [sflag:s22] =	dma.local [hbm:s4], s20  }
0x9e: {  	_ =	swait.ge [sflag:s22], s20  }
0x9f: {  	s3 =	ssub.s32 $0x0, s20;
	[sflag:s22] =	ssyncset.done $0x0  }
0xa0: {  	[sflag:s22] =	ssyncadd.s32 s3;
	_ =	sdelay $0x1  }
0xa1: {  	s23 =	simm.s32 $0x1B8B  }
0xa2: {  	_ =	swait.ge [sflag:s23], $0x1  }
0xa3: {  	[sflag:s23] =	ssyncset.done $0x0  }
0xa4: {  	s25 =	simm.s32 $0x1B8E;
	s24 =	sld [smem:$0x3FFE];
	[sflag:s23] =	ssyncadd.s32 $0xFFFFFFFF  }
0xa5: {  	s26 =	simm.s32 $execute0_lowered;
	[smem:$0x3FD2] =	sst s25  }
0xa6: {  	s4 =	sshll.u32 s26, $0x1;
	_ =	strace $0x80000052;
	[dreg:$0x1] =	wrdreg $0xFFFFFFFF  }
0xa7: {  	s28 =	simm.s32 $_size_execute0_lowered;
	s2 =	sadd.s32 s2, s4;
	[dreg:$0x0] =	wrdreg $0x0  }
0xa8: {  	s4 =	sshll.u32 s28, $0x1;
	[dreg:$0x2] =	wrdreg s2  }
0xa9: {  	[dreg:$0x3] =	wrdreg s4  }
0xaa: {  	[dreg:$0x4] =	wrdreg $0xC0  }
0xab: {  	_ =	task [dreg:s6], $0x5FFFF  }
0xac: {  	[dreg:$0x1] =	wrdreg $0xFFFFFFFF  }
0xad: {  	[dreg:$0x0] =	wrdreg $0x60  }
0xae: {  	[dreg:$0x2] =	wrdreg s24  }
0xaf: {  	[dreg:$0x3] =	wrdreg $0x9  }
0xb0: {  	_ =	task.clear_ibuf [dreg:s6], $0x4FFFF;
	_ =	strace $0x90000052  }
0xb1: {  	s29 =	simm.s32 $0x9;
	_ =	strace $0x80000054  }
0xb2: {  	_ =	swait.ge [sflag:s29], $0x1  }
0xb3: {  	[sflag:s29] =	ssyncadd.s32 $0xFFFFFFFF  }
0xb4: {  	_ =	strace $0x90000054  }
0xb5: {  	_ =	sfence  }
0xb6: {  	s30 =	sld [smem:$0x0];
	_ =	sdelay $0x2  }
0xb7: {  	s31 =	sshll.u32 s1, $0xD;
	s1 =	sshrl.u32 s1, $0x2  }
0xb8: {  	s3 =	sand.u32 $0x4000, s31;
	s1 =	sadd.s32 s1, s30  }
0xb9: {  	s0 =	sor.u32 s3, s0;
	s1 =	sshll.u32 s1, $0x11  }
0xba: {  	s0 =	sor.u32 s1, s0  }
0xbb: {  	s0 =	sadd.s32 $0x8F2B, s0  }
0xbc: {  	[sflag:s0] =	ssyncadd.remote.s32 $0x1  }
0xbd: {  	_ =	sfence.sel $0xFFFF  }
0xbe: {  	[dreg:$0x0] =	wrdreg $0xFFFFFFFF;
	(pc) =	sbr.abs _section_cstart, $3  }
0xbf: {  	[dreg:$0x1] =	wrdreg $0xFFFFFFFF  }
0xc0: {  	_ =	task.clear_ibuf [dreg:s6], $0x2FFFF;
	_ =	strace $0x9FFFFFFF  }
0xc1: {  	(tm) =	ssettm $0x7FFFFFFF  }
tec
execute0_lowered:
.L_overlay_start_1:
0x0: {  	(tag) =	ssettag $0x1  }
0x1: {  	s5 =	rddreg [dreg:$0x0]  }
0x2: {  	s1 =	srdreg.scid;
	s0 =	rddreg [dreg:$0x1]  }
0x3: {  	s2 =	simm.s32 $0x0;
	s11 =	simm.s32 $0x2800;
	s12 =	simm.s32 $0x80  }
0x4: {  	s13 =	simm.s32 $0x5000;
	s14 =	simm.s32 $0x9000;
	s15 =	simm.s32 $0x1  }
0x5: {  	s16 =	simm.s32 $0x2;
	s17 =	simm.s32 $0xD000;
	s18 =	simm.s32 $0x11000  }
0x6: {  	s19 =	simm.s32 $0x3;
	s20 =	simm.s32 $0x4;
	s21 =	simm.s32 $0x5  }
0x7: {  	s22 =	simm.s32 $0x6;
	s23 =	simm.s32 $0x0;
	s3 =	sand.u32 $0x1, s1  }
0x8: {  	s1 =	stileid.u32;
	[smem:$0x7FF] =	sst s2;
	s4 =	sshll.u32 s3, $0x4  }
0x9: {  	_ =	strace $0x80000053;
	s8 =	ssub.s32 $0x2, s3;
	s6 =	sor.u32 s1, s4  }
0xa: {  	s3 =	sadd.s32 $0x44000, s5;
	s9 =	sshrl.u32 s8, $0x1;
	s7 =	smul.u32 $0x500, s6  }
0xb: {  	s4 =	sadd.s32 $0x6B200, s5;
	s9 =	ssub.s32 s8, s9;
	s6 =	smul.u32 $0x50, s6  }
0xc: {  	s9 =	smax.u32 s9, $0x1;
	s10 =	sadd.s32 s7, s5;
	s5 =	sadd.s32 $0x92400, s5  }
0xd: {  	s7 =	sadd.s32 $0x3A000, s10;
	s8 =	sadd.s32 $0x30000, s10;
	s10 =	simm.s32 $0x7  }
.LBB2_1:
0xe: {  	[tilespmem:s2], [sflag:$0x7] =	stream.linear.gather [hbm4b:s7+s2], $0x2800, $0x38;
	[tilespmem:$0x15000] =	vst v63  }
0xf: {  	_ =	swait.ge [sflag:s10], $0x2800  }
0x10: {  	[sflag:s10] =	ssyncset.done $0x0  }
0x11: {  	[sflag:s10] =	ssyncadd.s32 $0xFFFFD800  }
0x12: {  	[tilespmem:s11], [sflag:$0x7] =	stream.linear.gather [hbm4b:s8+s2], $0x2800, $0x38;
	[tilespmem:$0x15000] =	vst v63  }
0x13: {  	_ =	swait.ge [sflag:s10], $0x2800  }
0x14: {  	[sflag:s10] =	ssyncset.done $0x0  }
0x15: {  	[sflag:s10] =	ssyncadd.s32 $0xFFFFD800  }
0x16: {  	[tilespmem:s13], [sflag:$0x1] =	stream.indirect.gather [hbm4b:s3+s12], $0x80, s2, s12, $0xb8;
	[tilespmem:$0x15000] =	vst v63  }
0x17: {  	s24 =	simm.s32 $0x0  }
0x18: {  	[tilespmem:s14], [sflag:$0x2] =	stream.indirect.gather [hbm4b:s4+s12], $0x80, s11, s12, $0xb8;
	[tilespmem:$0x15000] =	vst v63  }
.LBB2_2:
0x19: {  	_ =	swait.ge [sflag:s15], $0x4000  }
0x1a: {  	[sflag:s15] =	ssyncset.done $0x0  }
0x1b: {  	[sflag:s15] =	ssyncadd.s32 $0xFFFFC000  }
0x1c: {  	_ =	swait.ge [sflag:s16], $0x4000  }
0x1d: {  	p0 =	seq.s32 s24, $0x0;
	[sflag:s16] =	ssyncset.done $0x0  }
0x1e: {  	s26 =	simm.s32 @!p0 $0x6;
	[sflag:s16] =	ssyncadd.s32 $0xFFFFC000  }
0x1f: {  	_ =	swait.ge @!p0 [sflag:s26], $0x4000  }
0x20: {  	s25 =	sshllo.u32 s24, $0x1;
	[sflag:s26] =	ssyncset.done @!p0 $0x0  }
0x21: {  	s31 =	sshll.u32 s25, $0x7;
	[sflag:s26] =	ssyncadd.s32 @!p0 $0xFFFFC000  }
0x22: {  	[tilespmem:s17], [sflag:$0x3] =	stream.indirect.gather [hbm4b:s3+s12], $0x80, s31, s12, $0xb8;
	[tilespmem:$0x15000] =	vst v63  }
0x23: {  	s26 =	sadd.s32 $0x2800, s31  }
0x24: {  	[tilespmem:s18], [sflag:$0x4] =	stream.indirect.gather [hbm4b:s4+s12], $0x80, s26, s12, $0xb8;
	[tilespmem:$0x15000] =	vst v63  }
0x25: {  	s26 =	simm.s32 $0x0  }
0x26: {  	v7 =	vld [tilespmem:s26+$0x9000]  }
0x27: {  	v11 =	vld [tilespmem:s26+$0x9010]  }
0x28: {  	v5 =	vld [tilespmem:s26+$0x9020]  }
0x29: {  	v4 =	vld [tilespmem:s26+$0x9030]  }
0x2a: {  	v3 =	vld [tilespmem:s26+$0x9040]  }
0x2b: {  	v2 =	vld [tilespmem:s26+$0x9050]  }
0x2c: {  	v1 =	vld [tilespmem:s26+$0x9060]  }
0x2d: {  	v0 =	vld [tilespmem:s26+$0x9070]  }
0x2e: {  	v12 =	vld [tilespmem:s26+$0x5000]  }
0x2f: {  	v13 =	vld [tilespmem:s26+$0x5010]  }
0x30: {  	v10 =	vld [tilespmem:s26+$0x5020]  }
0x31: {  	v9 =	vld [tilespmem:s26+$0x5030]  }
0x32: {  	v8 =	vld [tilespmem:s26+$0x5040]  }
0x33: {  	v6 =	vld [tilespmem:s26+$0x5050];
	v12 =	vadd.f32 v7, v12  }
0x34: {  	s28 =	sshll.u32 s24, $0x1;
	s29 =	simm.s32 $0x200;
	v11 =	vadd.f32 v11, v13;
	v7 =	vld [tilespmem:s26+$0x5060]  }
.LBB2_3:
0x35: {  	s30 =	sshra.s32 s29, $0x2;
	p0 =	sne.s32 s29, $0xFE00;
	[tilespmem:s26+$0x5000] =	vst v12;
	v5 =	vadd.f32 v5, v10;
	v10 =	vld [tilespmem:s26+$0x5070]  }
0x36: {  	v12 =	vld [tilespmem:s30+$0x9000];
	[tilespmem:s26+$0x5010] =	vst v11;
	v4 =	vadd.f32 v4, v9  }
0x37: {  	v11 =	vld [tilespmem:s30+$0x9010];
	[tilespmem:s26+$0x5020] =	vst v5;
	v3 =	vadd.f32 v3, v8  }
0x38: {  	v5 =	vld [tilespmem:s30+$0x9020];
	[tilespmem:s26+$0x5030] =	vst v4;
	v2 =	vadd.f32 v2, v6  }
0x39: {  	v4 =	vld [tilespmem:s30+$0x9030];
	[tilespmem:s26+$0x5040] =	vst v3;
	v1 =	vadd.f32 v1, v7  }
0x3a: {  	v3 =	vld [tilespmem:s30+$0x9040];
	[tilespmem:s26+$0x5050] =	vst v2;
	v0 =	vadd.f32 v0, v10  }
0x3b: {  	v2 =	vld [tilespmem:s30+$0x9050];
	[tilespmem:s26+$0x5060] =	vst v1  }
0x3c: {  	v1 =	vld [tilespmem:s30+$0x9060];
	[tilespmem:s26+$0x5070] =	vst v0;
	s26 =	smov.u32 s30  }
0x3d: {  	v0 =	vld [tilespmem:s26+$0x9070]  }
0x3e: {  	v6 =	vld [tilespmem:s26+$0x5000]  }
0x3f: {  	v7 =	vld [tilespmem:s26+$0x5010]  }
.Ltmp0:
0x40: {  	v10 =	vld [tilespmem:s26+$0x5020];
	(pc) =	sbr.rel @p0 .LBB2_3-.Ltmp0, $4  }
0x41: {  	v9 =	vld [tilespmem:s26+$0x5030]  }
0x42: {  	v8 =	vld [tilespmem:s26+$0x5040]  }
0x43: {  	v12 =	vadd.f32 v12, v6;
	v6 =	vld [tilespmem:s26+$0x5050]  }
0x44: {  	s29 =	sadd.s32 $0x200, s29;
	v11 =	vadd.f32 v11, v7;
	v7 =	vld [tilespmem:s26+$0x5060]  }
0x45: {  	[tilespmem:s26+$0x5000] =	vst v12;
	v5 =	vadd.f32 v5, v10;
	v10 =	vld [tilespmem:s26+$0x5070]  }
0x46: {  	[tilespmem:s26+$0x5010] =	vst v11;
	v4 =	vadd.f32 v4, v9  }
0x47: {  	[tilespmem:s26+$0x5020] =	vst v5;
	v3 =	vadd.f32 v3, v8  }
0x48: {  	[tilespmem:s26+$0x5030] =	vst v4;
	v2 =	vadd.f32 v2, v6  }
0x49: {  	[tilespmem:s26+$0x5040] =	vst v3;
	v1 =	vadd.f32 v1, v7  }
0x4a: {  	s28 =	sadd.s32 s6, s28;
	[tilespmem:s26+$0x5050] =	vst v2;
	v0 =	vadd.f32 v0, v10  }
0x4b: {  	s28 =	sshll.u32 s28, $0xB;
	[tilespmem:s26+$0x5060] =	vst v1  }
0x4c: {  	s31 =	sadd.s32 s5, s28;
	[tilespmem:s26+$0x5070] =	vst v0  }
0x4d: {  	[hbm4b:s31+s2] =	stream.linear.scatter [tilespmem:s13], [sflag:$0x5], $0x4000, $0x38;
	[tilespmem:$0x15000] =	vst v63  }
0x4e: {  	_ =	swait.ge [sflag:s19], $0x4000  }
0x4f: {  	[sflag:s19] =	ssyncset.done $0x0  }
0x50: {  	[sflag:s19] =	ssyncadd.s32 $0xFFFFC000  }
0x51: {  	_ =	swait.ge [sflag:s20], $0x4000  }
0x52: {  	p0 =	seq.s32 s24, $0x27;
	[sflag:s20] =	ssyncset.done $0x0  }
0x53: {  	s26 =	simm.s32 @!p0 $0x5;
	[sflag:s20] =	ssyncadd.s32 $0xFFFFC000  }
0x54: {  	_ =	swait.ge @!p0 [sflag:s26], $0x4000  }
0x55: {  	[sflag:s26] =	ssyncset.done @!p0 $0x0  }
0x56: {  	[sflag:s26] =	ssyncadd.s32 @!p0 $0xFFFFC000;
	s26 =	sshll.u32 @!p0 s24, $0x8  }
0x57: {  	s29 =	simm.s32 @!p0 $0x80;
	s30 =	simm.s32 @!p0 $0x5000;
	s28 =	sadd.s32 @!p0 $0x100, s26  }
0x58: {  	[tilespmem:s30], [sflag:$0x1] =	stream.indirect.gather @!p0 [hbm4b:s3+s29], $0x80, s28, s29, $0xb8;
	[tilespmem:$0x15000] =	vst v63  }
0x59: {  	s26 =	sadd.s32 @!p0 $0x2900, s26;
	s28 =	simm.s32 @!p0 $0x9000  }
0x5a: {  	[tilespmem:s28], [sflag:$0x2] =	stream.indirect.gather @!p0 [hbm4b:s4+s29], $0x80, s26, s29, $0xb8;
	[tilespmem:$0x15000] =	vst v63  }
0x5b: {  	s26 =	simm.s32 $0x0  }
0x5c: {  	v7 =	vld [tilespmem:s26+$0x11000]  }
0x5d: {  	v11 =	vld [tilespmem:s26+$0x11010]  }
0x5e: {  	v5 =	vld [tilespmem:s26+$0x11020]  }
0x5f: {  	v4 =	vld [tilespmem:s26+$0x11030]  }
0x60: {  	v3 =	vld [tilespmem:s26+$0x11040]  }
0x61: {  	v2 =	vld [tilespmem:s26+$0x11050]  }
0x62: {  	v1 =	vld [tilespmem:s26+$0x11060]  }
0x63: {  	v0 =	vld [tilespmem:s26+$0x11070]  }
0x64: {  	v12 =	vld [tilespmem:s26+$0xD000]  }
0x65: {  	v13 =	vld [tilespmem:s26+$0xD010]  }
0x66: {  	v10 =	vld [tilespmem:s26+$0xD020]  }
0x67: {  	v9 =	vld [tilespmem:s26+$0xD030]  }
0x68: {  	v8 =	vld [tilespmem:s26+$0xD040]  }
0x69: {  	v6 =	vld [tilespmem:s26+$0xD050];
	v12 =	vadd.f32 v7, v12  }
0x6a: {  	s28 =	simm.s32 $0x200;
	v11 =	vadd.f32 v11, v13;
	v7 =	vld [tilespmem:s26+$0xD060]  }
.LBB2_5:
0x6b: {  	s29 =	sshra.s32 s28, $0x2;
	p0 =	sne.s32 s28, $0xFE00;
	[tilespmem:s26+$0xD000] =	vst v12;
	v5 =	vadd.f32 v5, v10;
	v10 =	vld [tilespmem:s26+$0xD070]  }
0x6c: {  	v12 =	vld [tilespmem:s29+$0x11000];
	[tilespmem:s26+$0xD010] =	vst v11;
	v4 =	vadd.f32 v4, v9  }
0x6d: {  	v11 =	vld [tilespmem:s29+$0x11010];
	[tilespmem:s26+$0xD020] =	vst v5;
	v3 =	vadd.f32 v3, v8  }
0x6e: {  	v5 =	vld [tilespmem:s29+$0x11020];
	[tilespmem:s26+$0xD030] =	vst v4;
	v2 =	vadd.f32 v2, v6  }
0x6f: {  	v4 =	vld [tilespmem:s29+$0x11030];
	[tilespmem:s26+$0xD040] =	vst v3;
	v1 =	vadd.f32 v1, v7  }
0x70: {  	v3 =	vld [tilespmem:s29+$0x11040];
	[tilespmem:s26+$0xD050] =	vst v2;
	v0 =	vadd.f32 v0, v10  }
0x71: {  	v2 =	vld [tilespmem:s29+$0x11050];
	[tilespmem:s26+$0xD060] =	vst v1  }
0x72: {  	v1 =	vld [tilespmem:s29+$0x11060];
	[tilespmem:s26+$0xD070] =	vst v0;
	s26 =	smov.u32 s29  }
0x73: {  	v0 =	vld [tilespmem:s26+$0x11070]  }
0x74: {  	v6 =	vld [tilespmem:s26+$0xD000]  }
0x75: {  	v7 =	vld [tilespmem:s26+$0xD010]  }
.Ltmp1:
0x76: {  	v10 =	vld [tilespmem:s26+$0xD020];
	(pc) =	sbr.rel @p0 .LBB2_5-.Ltmp1, $4  }
0x77: {  	v9 =	vld [tilespmem:s26+$0xD030]  }
0x78: {  	v8 =	vld [tilespmem:s26+$0xD040]  }
0x79: {  	v12 =	vadd.f32 v12, v6;
	v6 =	vld [tilespmem:s26+$0xD050]  }
0x7a: {  	s28 =	sadd.s32 $0x200, s28;
	v11 =	vadd.f32 v11, v7;
	v7 =	vld [tilespmem:s26+$0xD060]  }
0x7b: {  	[tilespmem:s26+$0xD000] =	vst v12;
	v5 =	vadd.f32 v5, v10;
	v63 =	vld [tilespmem:s26+$0xD070]  }
0x7c: {  	[tilespmem:s26+$0xD010] =	vst v11;
	v4 =	vadd.f32 v4, v9  }
0x7d: {  	s24 =	sadd.s32 $0x1, s24;
	[tilespmem:s26+$0xD020] =	vst v5;
	v3 =	vadd.f32 v3, v8  }
0x7e: {  	p0 =	sne.s32 s24, $0x28;
	[tilespmem:s26+$0xD030] =	vst v4;
	v2 =	vadd.f32 v2, v6  }
.Ltmp2:
0x7f: {  	s25 =	sadd.s32 s6, s25;
	[tilespmem:s26+$0xD040] =	vst v3;
	v1 =	vadd.f32 v1, v7;
	(pc) =	sbr.rel @p0 .LBB2_2-.Ltmp2, $4  }
0x80: {  	s25 =	sshll.u32 s25, $0xB;
	[tilespmem:s26+$0xD050] =	vst v2;
	v0 =	vadd.f32 v0, v63  }
0x81: {  	s25 =	sand.u32 $0x1FFFF800, s25;
	[tilespmem:s26+$0xD060] =	vst v1  }
0x82: {  	s25 =	sadd.s32 s5, s25;
	[tilespmem:s26+$0xD070] =	vst v0  }
0x83: {  	[hbm4b:s25+s2] =	stream.linear.scatter [tilespmem:s17], [sflag:$0x6], $0x4000, $0x38;
	[tilespmem:$0x15000] =	vst v63  }
0x84: {  	s23 =	sadd.s32 $0x1, s23  }
0x85: {  	_ =	swait.ge [sflag:s21], $0x4000;
	p0 =	sne.s32 s23, s9  }
.Ltmp3:
0x86: {  	[sflag:s21] =	ssyncset.done $0x0;
	(pc) =	sbr.rel @p0 .LBB2_1-.Ltmp3, $4  }
0x87: {  	[sflag:s21] =	ssyncadd.s32 $0xFFFFC000  }
0x88: {  	_ =	swait.ge [sflag:s22], $0x4000  }
0x89: {  	[sflag:s22] =	ssyncset.done $0x0  }
0x8a: {  	[sflag:s22] =	ssyncadd.s32 $0xFFFFC000  }
0x8b: {  	_ =	sfence.sel $0x180000  }
0x8c: {  	[bflag:$0x0] =	sbarrier.arrive $0xFFFF  }
0x8d: {  	p0 =	sne.s32 s1, $0x0;
	_ =	strace $0x90000053  }
0x8e: {  	s0 =	sadd.s32 @!p0 $0x100000, s0;
	[bflag:$0x2] =	sbarrier.arrive $0xFFFF  }
0x8f: {  	[sflag:s0] =	ssyncadd.tile.s32 @!p0 $0x1;
	_ =	shalt  }
.Lfunc_end2:
_tile_overlayer_lowered:
.L_overlay_start_2:
0x90: {  	(tag) =	ssettag $0x2  }
0x91: {  	s0 =	rddreg [dreg:$0x0];
	s2 =	stileid.u32  }
0x92: {  	s1 =	rddreg [dreg:$0x1];
	p0 =	sne.s32 s2, $0x0  }
0x93: {  	s3 =	rddreg [dreg:$0x2];
	[bflag:$0x3] =	sbarrier.arrive $0xFFFF;
	s2 =	simm.s32 @!p0 $0x1C07  }
0x94: {  	[timem:s3], [sflag:s2] =	dma.local @!p0 [hbm:s0], s1  }
0x95: {  	s0 =	simm.s32 @!p0 $0x7  }
0x96: {  	_ =	swait.ge @!p0 [sflag:s0], s1  }
0x97: {  	s1 =	ssub.s32 @!p0 $0x0, s1;
	[sflag:s0] =	ssyncset.done @!p0 $0x0  }
0x98: {  	[sflag:s0] =	ssyncadd.s32 @!p0 s1  }
0x99: {  	[bflag:$0x3] =	sbarrier.arrive $0xFFFF  }
0x9a: {  	_ =	shalt  }

// kernel: kernel.30.cloned.1.call-start
scs
__scs_entry_jumppad:
0x0: {  	(pc) =	sbr.rel $0x88, $3  }
0x1: {  	(tag) =	ssettag $0x0;
	lr =	simm.s32 $0x1  }
0x2: {  	[smem:$0x3F85] =	sst lr;
	_ =	strace $0xD0000000  }
0x3: {  	_ = 	snop  }
0x4: {  	_ = 	snop  }
0x5: {  	_ = 	snop  }
0x6: {  	_ = 	snop  }
0x7: {  	_ = 	snop  }
__scs_overlays_trampoline_lowered:
0x8: {  	[smem:$0x3F94] =	sst s0  }
0x9: {  	[smem:$0x3F95] =	sst s1  }
0xa: {  	[smem:$0x3F96] =	sst s2  }
0xb: {  	[smem:$0x3F97] =	sst s3  }
0xc: {  	[smem:$0x3F98] =	sst s4  }
0xd: {  	[smem:$0x3F99] =	sst s5  }
0xe: {  	[smem:$0x3F9A] =	sst s6  }
0xf: {  	[smem:$0x3F9B] =	sst s7  }
0x10: {  	[smem:$0x3F9C] =	sst s8  }
0x11: {  	[smem:$0x3F9D] =	sst s9;
	s0 =	simm.s32 @!p0 $0x0  }
0x12: {  	s1 =	sld [smem:$0x3F83];
	s0 =	simm.s32 @p0 $0x1  }
0x13: {  	[smem:$0x3F9E] =	sst s0;
	s0 =	simm.s32 @!p1 $0x0  }
0x14: {  	s2 =	sld [smem:$0x3F82];
	s0 =	simm.s32 @p1 $0x1  }
0x15: {  	[smem:$0x3F9F] =	sst s0;
	s0 =	simm.s32 @!p2 $0x0  }
0x16: {  	s3 =	sld [smem:$0x3FDB];
	s0 =	simm.s32 @p2 $0x1  }
0x17: {  	s4 =	simm.s32 $0x1BF5;
	[smem:$0x3FA1] =	sst s0  }
0x18: {  	s0 =	sld [smem:$0x3F84];
	_ =	swait.ge [sflag:s4], $0x0  }
0x19: {  	s7 =	sld [smem:$0x3F85]  }
0x1a: {  	s8 =	sadd.s32 $0xFFFFE003, lr  }
0x1b: {  	s9 =	sadd.s32 $0xFFFFFEF7, lr;
	s5 =	simm.s32 $0xFFFFFFFF;
	p2 =	slt.u32 s8, $0xFFFFF086  }
0x1c: {  	p1 =	slt.u32 s9, $0xF7A;
	s5 =	simm.s32 @!p2 $0x0  }
0x1d: {  	s5 =	simm.s32 @p1 $0x1;
	p0 =	seq.s32 s7, s2  }
0x1e: {  	s7 =	smul.u32 @!p0 $0xF7A, s2;
	p2 =	seq.s32 @!p0 s5, $0x0  }
0x1f: {  	s9 =	smul.u32 $0xF7A, s1;
	s8 =	simm.s32 @!p0 $0x1BF5;
	p2 =	por !p2, p0  }
0x20: {  	[sflag:s8] =	ssyncset.s32 @!p0 $0xFFFFF086;
	s6 =	sadd.s32 @!p0 s3, s7;
	s7 =	simm.s32 @!p0 $0x108  }
0x21: {  	s3 =	sadd.s32 s3, s9;
	s6 =	sadd.s32 @!p0 $0x88, s6;
	s7 =	simm.s32 @p2 $0x1082  }
0x22: {  	[simem:s7], [sflag:s8] =	dma.local @!p0 [hbm:s6], $0xF7A  }
0x23: {  	s9 =	sor.u32 $0xD0000000, s2;
	s6 =	simm.s32 $0x108;
	_ =	swait.ge @!p0 [sflag:s8], $0x0  }
0x24: {  	s3 =	sadd.s32 $0x88, s3;
	s6 =	simm.s32 @!p1 $0x1082;
	[sflag:s4] =	ssyncset.s32 $0xFFFFF086  }
0x25: {  	[simem:s6], [sflag:s4] =	dma.local [hbm:s3], $0xF7A  }
0x26: {  	[smem:$0x3F85] =	sst s1;
	(tag) =	ssettag s2;
	_ =	strace s9  }
0x27: {  	s1 =	sld [smem:$0x3F95]  }
0x28: {  	s2 =	sld [smem:$0x3F96]  }
0x29: {  	s4 =	sld [smem:$0x3F98]  }
0x2a: {  	p0 =	seq.s32 s5, $0x0;
	s5 =	sld [smem:$0x3F99]  }
0x2b: {  	s6 =	sld [smem:$0x3F9A]  }
0x2c: {  	s7 =	sld [smem:$0x3F9B]  }
0x2d: {  	s3 =	simm.s32 $0x108;
	s8 =	sld [smem:$0x3F9C]  }
0x2e: {  	s3 =	simm.s32 @!p0 $0x1082;
	s9 =	sld [smem:$0x3F9D]  }
0x2f: {  	lr =	sadd.s32 s0, s3;
	s0 =	sld [smem:$0x3F94]  }
0x30: {  	s3 =	sld [smem:$0x3F97]  }
0x31: {  	[smem:$0x3FA0] =	sst s10  }
0x32: {  	s10 =	sld [smem:$0x3F9E];
	_ =	sdelay $0x3  }
0x33: {  	p0 =	seq.s32 s10, $0x1;
	s10 =	sld [smem:$0x3FA0];
	_ =	sdelay $0x3  }
0x34: {  	[smem:$0x3FA0] =	sst s10  }
0x35: {  	s10 =	sld [smem:$0x3F9F];
	_ =	sdelay $0x3  }
0x36: {  	p1 =	seq.s32 s10, $0x1;
	s10 =	sld [smem:$0x3FA0];
	_ =	sdelay $0x3  }
0x37: {  	[smem:$0x3FA0] =	sst s10  }
0x38: {  	s10 =	sld [smem:$0x3FA1]  }
0x39: {  	_ = 	snop;
	(pc) =	sbr.ind lr, $3  }
0x3a: {  	_ = 	snop  }
0x3b: {  	_ = 	snop  }
0x3c: {  	p2 =	seq.s32 s10, $0x1;
	s10 =	sld [smem:$0x3FA0]  }
0x3d: {  	_ =	shalt  }
0x3e: {  	_ =	shalt  }
0x3f: {  	_ =	shalt  }
0x40: {  	_ =	shalt  }
0x41: {  	_ =	shalt  }
0x42: {  	_ =	shalt  }
0x43: {  	_ =	shalt  }
0x44: {  	_ =	shalt  }
0x45: {  	_ =	shalt  }
0x46: {  	_ =	shalt  }
0x47: {  	_ =	shalt  }
0x48: {  	_ =	shalt  }
0x49: {  	_ =	shalt  }
0x4a: {  	_ =	shalt  }
0x4b: {  	_ =	shalt  }
0x4c: {  	_ =	shalt  }
0x4d: {  	_ =	shalt  }
0x4e: {  	_ =	shalt  }
0x4f: {  	_ =	shalt  }
0x50: {  	_ =	shalt  }
0x51: {  	_ =	shalt  }
0x52: {  	_ =	shalt  }
0x53: {  	_ =	shalt  }
0x54: {  	_ =	shalt  }
0x55: {  	_ =	shalt  }
0x56: {  	_ =	shalt  }
0x57: {  	_ =	shalt  }
0x58: {  	_ =	shalt  }
0x59: {  	_ =	shalt  }
0x5a: {  	_ =	shalt  }
0x5b: {  	_ =	shalt  }
0x5c: {  	_ =	shalt  }
0x5d: {  	_ =	shalt  }
0x5e: {  	_ =	shalt  }
0x5f: {  	_ =	shalt  }
0x60: {  	_ =	shalt  }
0x61: {  	_ =	shalt  }
0x62: {  	_ =	shalt  }
0x63: {  	_ =	shalt  }
0x64: {  	_ =	shalt  }
0x65: {  	_ =	shalt  }
0x66: {  	_ =	shalt  }
0x67: {  	_ =	shalt  }
0x68: {  	_ =	shalt  }
0x69: {  	_ =	shalt  }
0x6a: {  	_ =	shalt  }
0x6b: {  	_ =	shalt  }
0x6c: {  	_ =	shalt  }
0x6d: {  	_ =	shalt  }
0x6e: {  	_ =	shalt  }
0x6f: {  	_ =	shalt  }
0x70: {  	_ =	shalt  }
0x71: {  	_ =	shalt  }
0x72: {  	_ =	shalt  }
0x73: {  	_ =	shalt  }
0x74: {  	_ =	shalt  }
0x75: {  	_ =	shalt  }
0x76: {  	_ =	shalt  }
0x77: {  	_ =	shalt  }
0x78: {  	_ =	shalt  }
0x79: {  	_ =	shalt  }
0x7a: {  	_ =	shalt  }
0x7b: {  	_ =	shalt  }
0x7c: {  	_ =	shalt  }
0x7d: {  	_ =	shalt  }
0x7e: {  	_ =	shalt  }
0x7f: {  	_ =	shalt  }
0x80: {  	_ =	shalt  }
0x81: {  	_ =	shalt  }
0x82: {  	_ =	shalt  }
0x83: {  	_ =	shalt  }
0x84: {  	_ =	shalt  }
0x85: {  	_ =	shalt  }
0x86: {  	_ =	shalt  }
0x87: {  	_ =	shalt  }
.Lfunc_end0:
.L_simem_size_0:
called_computation.5_lowered:
.L_overlay_start_0:
0x88: {  	s2 =	sld [smem:$0x3FD9]  }
0x89: {  	s3 =	sld [smem:$0x3FFE];
	_ =	sdelay $0x1  }
0x8a: {  	s1 =	srdreg.scid  }
0x8b: {  	s0 =	sand.u32 $0x1, s1  }
0x8c: {  	s16 =	sshll.u32 s0, $0xA;
	s2 =	sadd.s32 s3, s2  }
0x8d: {  	s2 =	sadd.s32 s2, s16  }
0x8e: {  	[smem:$0x3FAC] =	sst s2  }
0x8f: {  	_ = 	snop  }
0x90: {  	(tm) =	ssettm $0x1  }
0x91: {  	s17 =	sld [smem:$0x3FFB];
	_ =	sdelay $0x3  }
0x92: {  	_ =	strace s17  }
0x93: {  	s2 =	sld [smem:$0x3FFC];
	_ =	sdelay $0x3  }
0x94: {  	_ =	strace s2  }
0x95: {  	s2 =	sld [smem:$0x3FFD];
	_ =	sdelay $0x3  }
0x96: {  	_ =	strace s2  }
0x97: {  	_ =	strace $0x8FFFFFFF  }
0x98: {  	s18 =	sld [smem:$0x3FDB];
	_ =	sdelay $0x1  }
0x99: {  	s19 =	simm.s32 $_scs_section_size  }
0x9a: {  	s4 =	simm.s32 $_size__tile_overlayer_lowered;
	s5 =	simm.s32 $_tile_overlayer_lowered  }
0x9b: {  	s22 =	simm.s32 $0x1BFF;
	s21 =	sshll.u32 s5, $0x1;
	s2 =	sadd.s32 s19, s18  }
0x9c: {  	s6 =	simm.s32 $0x0;
	s20 =	sshll.u32 s4, $0x1;
	s4 =	sadd.s32 s21, s2  }
0x9d: {  	[timem:s6], [sflag:s22] =	dma.local [hbm:s4], s20  }
0x9e: {  	_ =	swait.ge [sflag:s22], s20  }
0x9f: {  	s3 =	ssub.s32 $0x0, s20;
	[sflag:s22] =	ssyncset.done $0x0  }
0xa0: {  	[sflag:s22] =	ssyncadd.s32 s3;
	_ =	sdelay $0x1  }
0xa1: {  	s23 =	simm.s32 $0x1B8B  }
0xa2: {  	_ =	swait.ge [sflag:s23], $0x1  }
0xa3: {  	[sflag:s23] =	ssyncset.done $0x0  }
0xa4: {  	s25 =	simm.s32 $0x1B8E;
	s24 =	sld [smem:$0x3FFE];
	[sflag:s23] =	ssyncadd.s32 $0xFFFFFFFF  }
0xa5: {  	s26 =	simm.s32 $execute0_lowered;
	[smem:$0x3FD2] =	sst s25  }
0xa6: {  	s4 =	sshll.u32 s26, $0x1;
	_ =	strace $0x80000055;
	[dreg:$0x1] =	wrdreg $0xFFFFFFFF  }
0xa7: {  	s28 =	simm.s32 $_size_execute0_lowered;
	s2 =	sadd.s32 s2, s4;
	[dreg:$0x0] =	wrdreg $0x0  }
0xa8: {  	s4 =	sshll.u32 s28, $0x1;
	[dreg:$0x2] =	wrdreg s2  }
0xa9: {  	[dreg:$0x3] =	wrdreg s4  }
0xaa: {  	[dreg:$0x4] =	wrdreg $0xC0  }
0xab: {  	_ =	task [dreg:s6], $0x5FFFF  }
0xac: {  	[dreg:$0x1] =	wrdreg $0xFFFFFFFF  }
0xad: {  	[dreg:$0x0] =	wrdreg $0x60  }
0xae: {  	[dreg:$0x2] =	wrdreg s24  }
0xaf: {  	[dreg:$0x3] =	wrdreg $0xA8000  }
0xb0: {  	[dreg:$0x4] =	wrdreg $0x9  }
0xb1: {  	_ =	task.clear_ibuf [dreg:s6], $0x5FFFF;
	_ =	strace $0x90000055  }
0xb2: {  	s29 =	simm.s32 $0x9;
	_ =	strace $0x80000057  }
0xb3: {  	_ =	swait.ge [sflag:s29], $0x1  }
0xb4: {  	[sflag:s29] =	ssyncadd.s32 $0xFFFFFFFF  }
0xb5: {  	_ =	strace $0x90000057  }
0xb6: {  	_ =	sfence  }
0xb7: {  	s30 =	sld [smem:$0x0];
	_ =	sdelay $0x2  }
0xb8: {  	s31 =	sshll.u32 s1, $0xD;
	s1 =	sshrl.u32 s1, $0x2  }
0xb9: {  	s3 =	sand.u32 $0x4000, s31;
	s1 =	sadd.s32 s1, s30  }
0xba: {  	s0 =	sor.u32 s3, s0;
	s1 =	sshll.u32 s1, $0x11  }
0xbb: {  	s0 =	sor.u32 s1, s0  }
0xbc: {  	s0 =	sadd.s32 $0x8F2B, s0  }
0xbd: {  	[sflag:s0] =	ssyncadd.remote.s32 $0x1  }
0xbe: {  	_ =	sfence.sel $0xFFFF  }
0xbf: {  	[dreg:$0x0] =	wrdreg $0xFFFFFFFF;
	(pc) =	sbr.abs _section_cstart, $3  }
0xc0: {  	[dreg:$0x1] =	wrdreg $0xFFFFFFFF  }
0xc1: {  	_ =	task.clear_ibuf [dreg:s6], $0x2FFFF;
	_ =	strace $0x9FFFFFFF  }
0xc2: {  	(tm) =	ssettm $0x7FFFFFFF  }
0xc3: {  	_ =	shalt  }
tec
execute0_lowered:
.L_overlay_start_1:
0x0: {  	(tag) =	ssettag $0x1  }
0x1: {  	s13 =	rddreg [dreg:$0x0]  }
0x2: {  	s0 =	srdreg.scid;
	s2 =	rddreg [dreg:$0x1]  }
0x3: {  	s3 =	simm.s32 $0x0;
	s18 =	simm.s32 $0x6B800;
	s19 =	simm.s32 $0x6800  }
0x4: {  	s20 =	simm.s32 $0x80;
	s21 =	simm.s32 $0x2;
	s22 =	simm.s32 $0x2700  }
0x5: {  	s23 =	simm.s32 $0x2780;
	s11 =	sand.u32 $0x1, s0;
	s0 =	stileid.u32  }
0x6: {  	s24 =	simm.s32 $0x0;
	[smem:$0x7FF] =	sst s3;
	s6 =	smul.u32 $0x4F000, s0  }
0x7: {  	s14 =	sadd.s32 $0x592400, s13;
	s1 =	sshll.u32 s11, $0x4;
	s15 =	smul.u32 $0x500, s11  }
0x8: {  	s7 =	ssub.s32 $0x2, s11;
	s16 =	smul.u32 $0x50, s0;
	p0 =	seq.s32 s11, $0x1  }
0x9: {  	s17 =	smul.u32 $0x2780, s0;
	s5 =	sor.u32 s0, s1;
	s1 =	rddreg [dreg:$0x2]  }
0xa: {  	_ =	strace $0x80000056;
	s31 =	sshrl.u32 s7, $0x1;
	s18 =	simm.s32 @!p0 $0x44000  }
0xb: {  	s4 =	smul.u32 $0x500, s5;
	s6 =	sshrl.u32 s6, $0x2;
	s12 =	ssub.s32 s7, s31  }
0xc: {  	s10 =	smul.u32 $0x28000, s5;
	s15 =	sadd.s32 s16, s15;
	s16 =	simm.s32 $0x2800  }
0xd: {  	s11 =	smax.u32 s12, $0x1;
	s15 =	sshll.u32 s15, $0xB;
	s9 =	sadd.s32 s4, s13  }
0xe: {  	s4 =	sadd.s32 s6, s2;
	s10 =	sadd.s32 s14, s10;
	s13 =	sadd.s32 s18, s13  }
0xf: {  	s15 =	sadd.s32 s15, s14;
	s18 =	simm.s32 $0x1;
	s5 =	sadd.s32 $0x4000, s4  }
0x10: {  	s6 =	sadd.s32 $0x8000, s4;
	s7 =	sadd.s32 $0xC000, s4;
	s8 =	sadd.s32 $0x10000, s4  }
0x11: {  	s9 =	sadd.s32 $0x3A000, s9;
	s12 =	sadd.s32 $0x27800, s10;
	s13 =	sadd.s32 s13, s17  }
0x12: {  	v0 =	vimm.f32 $0.0e+00;
	s14 =	sadd.s32 $0x1000, s15;
	s15 =	sadd.s32 $0x800, s15;
	s17 =	simm.s32 $0x3  }
.LBB2_1:
0x13: {  	s25 =	simm.s32 $0x0;
	s26 =	simm.s32 $0x200  }
.LBB2_2:
0x14: {  	p0 =	sne.s32 s26, $0xFE00;
	[tilespmem:s25+$0x2870] =	vst v0  }
0x15: {  	[tilespmem:s25+$0x2800] =	vst v0  }
0x16: {  	[tilespmem:s25+$0x2810] =	vst v0  }
.Ltmp0:
0x17: {  	[tilespmem:s25+$0x2820] =	vst v0;
	(pc) =	sbr.rel @p0 .LBB2_2-.Ltmp0, $4  }
0x18: {  	[tilespmem:s25+$0x2830] =	vst v0  }
0x19: {  	[tilespmem:s25+$0x2840] =	vst v0  }
0x1a: {  	[tilespmem:s25+$0x2850] =	vst v0  }
0x1b: {  	[tilespmem:s25+$0x2860] =	vst v0;
	s25 =	sshra.s32 s26, $0x2;
	s26 =	sadd.s32 $0x200, s26  }
0x1c: {  	[tilespmem:s25+$0x2870] =	vst v0  }
0x1d: {  	[tilespmem:s25+$0x2800] =	vst v0  }
0x1e: {  	[tilespmem:s25+$0x2810] =	vst v0  }
0x1f: {  	[tilespmem:s25+$0x2820] =	vst v0  }
0x20: {  	[tilespmem:s25+$0x2830] =	vst v0  }
0x21: {  	[tilespmem:s25+$0x2840] =	vst v0  }
0x22: {  	[tilespmem:s25+$0x2850] =	vst v0  }
0x23: {  	[tilespmem:s25+$0x2860] =	vst v0  }
0x24: {  	[spmem:s4] =	stream.linear.scatter [tilespmem:s16], [sflag:$0x3], $0x4000, $0x38;
	[tilespmem:$0x1E400] =	vst v63  }
0x25: {  	_ =	swait.ge [sflag:s17], $0x4000  }
0x26: {  	[sflag:s17] =	ssyncset.done $0x0  }
0x27: {  	[sflag:s17] =	ssyncadd.s32 $0xFFFFC000  }
0x28: {  	[spmem:s5] =	stream.linear.scatter [tilespmem:s16], [sflag:$0x3], $0x4000, $0x38;
	[tilespmem:$0x1E400] =	vst v63  }
0x29: {  	_ =	swait.ge [sflag:s17], $0x4000  }
0x2a: {  	[sflag:s17] =	ssyncset.done $0x0  }
0x2b: {  	[sflag:s17] =	ssyncadd.s32 $0xFFFFC000  }
0x2c: {  	[spmem:s6] =	stream.linear.scatter [tilespmem:s16], [sflag:$0x3], $0x4000, $0x38;
	[tilespmem:$0x1E400] =	vst v63  }
0x2d: {  	_ =	swait.ge [sflag:s17], $0x4000  }
0x2e: {  	[sflag:s17] =	ssyncset.done $0x0  }
0x2f: {  	[sflag:s17] =	ssyncadd.s32 $0xFFFFC000  }
0x30: {  	[spmem:s7] =	stream.linear.scatter [tilespmem:s16], [sflag:$0x3], $0x4000, $0x38;
	[tilespmem:$0x1E400] =	vst v63  }
0x31: {  	_ =	swait.ge [sflag:s17], $0x4000  }
0x32: {  	[sflag:s17] =	ssyncset.done $0x0  }
0x33: {  	[sflag:s17] =	ssyncadd.s32 $0xFFFFC000  }
0x34: {  	[spmem:s8] =	stream.linear.scatter [tilespmem:s16], [sflag:$0x3], $0x3C00, $0x38;
	[tilespmem:$0x1E400] =	vst v63  }
0x35: {  	_ =	swait.ge [sflag:s17], $0x3C00  }
0x36: {  	[sflag:s17] =	ssyncset.done $0x0  }
0x37: {  	s25 =	simm.s32 $0x0;
	[sflag:s17] =	ssyncadd.s32 $0xFFFFC400  }
0x38: {  	[tilespmem:s25], [sflag:$0x3] =	stream.linear.gather [hbm4b:s9+s25], $0x2800, $0x38;
	[tilespmem:$0x1E400] =	vst v63  }
0x39: {  	_ =	swait.ge [sflag:s17], $0x2800  }
0x3a: {  	[sflag:s17] =	ssyncset.done $0x0  }
0x3b: {  	[sflag:s17] =	ssyncadd.s32 $0xFFFFD800  }
0x3c: {  	[bflag:$0x0] =	sbarrier.arrive $0xFFFF  }
0x3d: {  	[tilespmem:s16], [sflag:$0x1] =	stream.linear.gather [hbm4b:s10+s25], $0x4000, $0x38;
	[tilespmem:$0x1E400] =	vst v63  }
0x3e: {  	_ =	swait.ge [sflag:s18], $0x4000  }
0x3f: {  	[sflag:s18] =	ssyncset.done $0x0  }
0x40: {  	s26 =	sadd.s32 $0x0, s15;
	[sflag:s18] =	ssyncadd.s32 $0xFFFFC000  }
0x41: {  	[tilespmem:s19], [sflag:$0x2] =	stream.linear.gather [hbm4b:s26+s3], $0x4000, $0x38;
	[tilespmem:$0x1E400] =	vst v63  }
0x42: {  	_ = 	snop  }
0x43: {  	[spmem:s2] =	stream.indirect.scatter.add.f32 [tilespmem:s16], [sflag:$0x3], $0x80, s25, s20, $0xb8;
	[tilespmem:$0x1E400] =	vst v63  }
0x44: {  	_ =	swait.ge [sflag:s17], $0x4000  }
0x45: {  	[sflag:s17] =	ssyncset.done $0x0  }
0x46: {  	[sflag:s17] =	ssyncadd.s32 $0xFFFFC000  }
0x47: {  	_ =	swait.ge [sflag:s21], $0x4000  }
0x48: {  	[sflag:s21] =	ssyncset.done $0x0  }
0x49: {  	s30 =	sadd.s32 $0x0, s14;
	[sflag:s21] =	ssyncadd.s32 $0xFFFFC000  }
0x4a: {  	[tilespmem:s16], [sflag:$0x1] =	stream.linear.gather [hbm4b:s30+s3], $0x4000, $0x38;
	[tilespmem:$0x1E400] =	vst v63  }
0x4b: {  	s31 =	simm.s32 $0x80  }
0x4c: {  	[spmem:s2] =	stream.indirect.scatter.add.f32 [tilespmem:s19], [sflag:$0x3], $0x80, s31, s20, $0xb8;
	[tilespmem:$0x1E400] =	vst v63  }
0x4d: {  	_ =	swait.ge [sflag:s17], $0x4000  }
0x4e: {  	s26 =	simm.s32 $0x1000;
	[sflag:s17] =	ssyncset.done $0x0  }
.LBB2_4:
0x4f: {  	p0 =	sne.s32 s26, $0x26000;
	[sflag:s17] =	ssyncadd.s32 $0xFFFFC000;
	s25 =	sadd.s32 $0x100, s25  }
0x50: {  	s28 =	smov.u32 s26;
	s26 =	sadd.s32 $0x1000, s26  }
0x51: {  	_ =	swait.ge [sflag:s18], $0x4000  }
0x52: {  	[sflag:s18] =	ssyncset.done $0x0  }
0x53: {  	s29 =	sadd.s32 s28, s15;
	[sflag:s18] =	ssyncadd.s32 $0xFFFFC000  }
0x54: {  	[tilespmem:s19], [sflag:$0x2] =	stream.linear.gather [hbm4b:s29+s3], $0x4000, $0x38;
	[tilespmem:$0x1E400] =	vst v63  }
0x55: {  	_ = 	snop  }
0x56: {  	[spmem:s2] =	stream.indirect.scatter.add.f32 [tilespmem:s16], [sflag:$0x3], $0x80, s25, s20, $0xb8;
	[tilespmem:$0x1E400] =	vst v63  }
0x57: {  	_ =	swait.ge [sflag:s17], $0x4000  }
0x58: {  	[sflag:s17] =	ssyncset.done $0x0  }
0x59: {  	[sflag:s17] =	ssyncadd.s32 $0xFFFFC000  }
0x5a: {  	_ =	swait.ge [sflag:s21], $0x4000  }
0x5b: {  	[sflag:s21] =	ssyncset.done $0x0  }
0x5c: {  	s28 =	sadd.s32 s28, s14;
	[sflag:s21] =	ssyncadd.s32 $0xFFFFC000  }
0x5d: {  	[tilespmem:s16], [sflag:$0x1] =	stream.linear.gather [hbm4b:s28+s3], $0x4000, $0x38;
	[tilespmem:$0x1E400] =	vst v63  }
.Ltmp1:
0x5e: {  	_ = 	snop;
	(pc) =	sbr.rel @p0 .LBB2_4-.Ltmp1, $4  }
0x5f: {  	s28 =	sadd.s32 $0x80, s25  }
0x60: {  	[spmem:s2] =	stream.indirect.scatter.add.f32 [tilespmem:s19], [sflag:$0x3], $0x80, s28, s20, $0xb8;
	[tilespmem:$0x1E400] =	vst v63  }
0x61: {  	_ =	swait.ge [sflag:s17], $0x4000  }
0x62: {  	[sflag:s17] =	ssyncset.done $0x0  }
0x63: {  	[sflag:s17] =	ssyncadd.s32 $0xFFFFC000  }
0x64: {  	_ =	swait.ge [sflag:s18], $0x4000  }
0x65: {  	[sflag:s18] =	ssyncset.done $0x0  }
0x66: {  	[sflag:s18] =	ssyncadd.s32 $0xFFFFC000  }
0x67: {  	[tilespmem:s19], [sflag:$0x2] =	stream.linear.gather [hbm4b:s12+s3], $0x4000, $0x38;
	[tilespmem:$0x1E400] =	vst v63  }
0x68: {  	_ = 	snop  }
0x69: {  	[spmem:s2] =	stream.indirect.scatter.add.f32 [tilespmem:s16], [sflag:$0x3], $0x80, s22, s20, $0xb8;
	[tilespmem:$0x1E400] =	vst v63  }
0x6a: {  	_ =	swait.ge [sflag:s17], $0x4000  }
0x6b: {  	[sflag:s17] =	ssyncset.done $0x0  }
0x6c: {  	[sflag:s17] =	ssyncadd.s32 $0xFFFFC000  }
0x6d: {  	_ =	swait.ge [sflag:s21], $0x4000  }
0x6e: {  	[sflag:s21] =	ssyncset.done $0x0  }
0x6f: {  	[sflag:s21] =	ssyncadd.s32 $0xFFFFC000  }
0x70: {  	[spmem:s2] =	stream.indirect.scatter.add.f32 [tilespmem:s19], [sflag:$0x3], $0x80, s23, s20, $0xb8;
	[tilespmem:$0x1E400] =	vst v63  }
0x71: {  	_ =	swait.ge [sflag:s17], $0x4000  }
0x72: {  	s25 =	sshll.u32 s0, $0x6;
	s24 =	sadd.s32 $0x1, s24;
	[sflag:s17] =	ssyncset.done $0x0  }
0x73: {  	s26 =	sshrl.u32 s4, $0x3;
	p0 =	sne.s32 s24, s11;
	[sflag:s17] =	ssyncadd.s32 $0xFFFFC000  }
.Ltmp2:
0x74: {  	s25 =	sor.u32 $0x1C03, s25;
	[bflag:$0x0] =	sbarrier.arrive $0xFFFF;
	(pc) =	sbr.rel @p0 .LBB2_1-.Ltmp2, $4  }
0x75: {  	[hbm:s13], [sflag:s25] =	dma.local [spmem:s26], $0x2780  }
0x76: {  	_ =	swait.ge [sflag:s17], $0x2780  }
0x77: {  	[sflag:s17] =	ssyncset.done $0x0  }
0x78: {  	[sflag:s17] =	ssyncadd.s32 $0xFFFFD880  }
0x79: {  	_ =	sfence.sel $0x180000  }
0x7a: {  	[bflag:$0x0] =	sbarrier.arrive $0xFFFF  }
0x7b: {  	p0 =	sne.s32 s0, $0x0;
	_ =	strace $0x90000056  }
0x7c: {  	s0 =	sadd.s32 @!p0 $0x100000, s1;
	[bflag:$0x2] =	sbarrier.arrive $0xFFFF  }
0x7d: {  	[sflag:s0] =	ssyncadd.tile.s32 @!p0 $0x1;
	_ =	shalt  }
.Lfunc_end2:
_tile_overlayer_lowered:
.L_overlay_start_2:
0x7e: {  	(tag) =	ssettag $0x2  }
0x7f: {  	s0 =	rddreg [dreg:$0x0];
	s2 =	stileid.u32  }
0x80: {  	s1 =	rddreg [dreg:$0x1];
	p0 =	sne.s32 s2, $0x0  }
0x81: {  	s3 =	rddreg [dreg:$0x2];
	[bflag:$0x3] =	sbarrier.arrive $0xFFFF;
	s2 =	simm.s32 @!p0 $0x1C03  }
0x82: {  	[timem:s3], [sflag:s2] =	dma.local @!p0 [hbm:s0], s1  }
0x83: {  	s0 =	simm.s32 @!p0 $0x3  }
0x84: {  	_ =	swait.ge @!p0 [sflag:s0], s1  }
0x85: {  	s1 =	ssub.s32 @!p0 $0x0, s1;
	[sflag:s0] =	ssyncset.done @!p0 $0x0  }
0x86: {  	[sflag:s0] =	ssyncadd.s32 @!p0 s1  }
0x87: {  	[bflag:$0x3] =	sbarrier.arrive $0xFFFF  }
0x88: {  	_ =	shalt  }

</sc_bundles>
